<compile_context>
chip_gen: v7x
topology: tpu7x:2x2x1
jax: 0.10.2.dev20260603
libtpu: 0.0.44.dev20260713+nightly
codegen_flags: <defaults>
</compile_context>

<pallas_src>
import functools

import jax
import jax.numpy as jnp
from jax import lax
from jax.experimental import pallas as pl

B, M, K_NN = 2, 4096, 16
IN_DIM = 3
N = B * M
KM1 = K_NN - 1
E_KNN = N * KM1
E0 = N * K_NN
TBL_W = 72

_KNN_R = 256
_RT = 512
_ET = 8192


def _lrelu(x, s):
    return jnp.where(x >= 0, x, s * x)



def _knn_body(hr_ref, hc_ref, out_ref):
    hr = hr_ref[0]
    hc = hc_ref[0]
    x2r = jnp.sum(hr * hr, axis=1, keepdims=True)
    x2c = jnp.sum(hc * hc, axis=1).reshape(1, M)
    d = x2r + x2c - 2.0 * lax.dot_general(
        hr, hc, dimension_numbers=(((1,), (1,)), ((), ())),
        preferred_element_type=jnp.float32)
    iota = lax.broadcasted_iota(jnp.int32, (_KNN_R, M), 1)
    cols = []
    for _ in range(K_NN):
        m = jnp.min(d, axis=1, keepdims=True)
        idx = jnp.min(jnp.where(d == m, iota, M), axis=1)
        cols.append(idx)
        d = jnp.where(iota == idx[:, None], jnp.inf, d)
    out_ref[0] = jnp.stack(cols, axis=1) + pl.program_id(0) * M


def _knn_pallas(h):
    D = h.shape[-1]
    return pl.pallas_call(
        _knn_body,
        grid=(B, M // _KNN_R),
        in_specs=[
            pl.BlockSpec((1, _KNN_R, D), lambda b, r: (b, r, 0)),
            pl.BlockSpec((1, M, D), lambda b, r: (b, 0, 0)),
        ],
        out_specs=pl.BlockSpec((1, _KNN_R, K_NN), lambda b, r: (b, r, 0)),
        out_shape=jax.ShapeDtypeStruct((B, M, K_NN), jnp.int32),
    )(h, h)



def _prep_body(h_ref, en_ref, wp_ref, bias_ref, wq_ref, p_ref, tab_ref):
    h = h_ref[...]
    p_ref[...] = jnp.dot(h, wp_ref[...], preferred_element_type=jnp.float32) + bias_ref[...]
    q = jnp.dot(h, wq_ref[...], preferred_element_type=jnp.float32)
    pad = jnp.zeros((h.shape[0], TBL_W - 65), jnp.float32)
    tab_ref[...] = jnp.concatenate([q, en_ref[...], pad], axis=1)


def _prep(hflat, enflat, wp, bias, wq):
    d = hflat.shape[1]
    return pl.pallas_call(
        _prep_body,
        grid=(N // _RT,),
        in_specs=[
            pl.BlockSpec((_RT, d), lambda i: (i, 0)),
            pl.BlockSpec((_RT, 1), lambda i: (i, 0)),
            pl.BlockSpec((d, 64), lambda i: (0, 0)),
            pl.BlockSpec((1, 64), lambda i: (0, 0)),
            pl.BlockSpec((d, 64), lambda i: (0, 0)),
        ],
        out_specs=[
            pl.BlockSpec((_RT, 64), lambda i: (i, 0)),
            pl.BlockSpec((_RT, TBL_W), lambda i: (i, 0)),
        ],
        out_shape=[
            jax.ShapeDtypeStruct((N, 64), jnp.float32),
            jax.ShapeDtypeStruct((N, TBL_W), jnp.float32),
        ],
    )(hflat, enflat, wp, bias, wq)



def _stats_body(p_ref, rows_ref, g_ref, mu_ref, s_ref, mx_ref, mn_ref):
    i = pl.program_id(0)
    p = p_ref[...]
    q = rows_ref[..., :64]
    s1 = jnp.sum(q, axis=1)
    s2 = jnp.sum(q * q, axis=1)
    mx_ref[...] = jnp.max(q, axis=1)
    mn_ref[...] = jnp.min(q, axis=1)

    @pl.when(i == 0)
    def _():
        mu_ref[...] = jnp.zeros_like(mu_ref)
        s_ref[...] = jnp.zeros_like(s_ref)

    mu_ref[...] += jnp.sum(KM1 * p + s1, axis=0, keepdims=True)
    s_ref[...] += jnp.sum(KM1 * p * p + 2.0 * p * s1 + s2, axis=0, keepdims=True)

    @pl.when(i == pl.num_programs(0) - 1)
    def _():
        esz = jnp.float32(E_KNN)
        mu = mu_ref[...] / esz
        var = s_ref[...] / esz - mu * mu
        mu_ref[...] = mu
        s_ref[...] = g_ref[...] * lax.rsqrt(var + 1e-5)


def _stats(p, rows3, g):
    return pl.pallas_call(
        _stats_body,
        grid=(N // _RT,),
        in_specs=[
            pl.BlockSpec((_RT, 64), lambda i: (i, 0)),
            pl.BlockSpec((_RT, KM1, TBL_W), lambda i: (i, 0, 0)),
            pl.BlockSpec((1, 64), lambda i: (0, 0)),
        ],
        out_specs=[
            pl.BlockSpec((1, 64), lambda i: (0, 0)),
            pl.BlockSpec((1, 64), lambda i: (0, 0)),
            pl.BlockSpec((_RT, 64), lambda i: (i, 0)),
            pl.BlockSpec((_RT, 64), lambda i: (i, 0)),
        ],
        out_shape=[
            jax.ShapeDtypeStruct((1, 64), jnp.float32),
            jax.ShapeDtypeStruct((1, 64), jnp.float32),
            jax.ShapeDtypeStruct((N, 64), jnp.float32),
            jax.ShapeDtypeStruct((N, 64), jnp.float32),
        ],
    )(p, rows3, g)



def _finish_body(p_ref, mx_ref, mn_ref, een_ref, mu_ref, s_ref, beta_ref,
                 h_ref, hen_ref):
    s = s_ref[...]
    mq = jnp.where(s >= 0, mx_ref[...], mn_ref[...])
    hm = (p_ref[...] + mq - mu_ref[...]) * s + beta_ref[...]
    h_ref[...] = _lrelu(hm, 0.2)
    hen_ref[...] = jnp.mean(een_ref[...], axis=1, keepdims=True)


def _finish(p, mx, mn, een_r, mu, s, beta):
    return pl.pallas_call(
        _finish_body,
        grid=(N // _RT,),
        in_specs=[
            pl.BlockSpec((_RT, 64), lambda i: (i, 0)),
            pl.BlockSpec((_RT, 64), lambda i: (i, 0)),
            pl.BlockSpec((_RT, 64), lambda i: (i, 0)),
            pl.BlockSpec((_RT, KM1), lambda i: (i, 0)),
            pl.BlockSpec((1, 64), lambda i: (0, 0)),
            pl.BlockSpec((1, 64), lambda i: (0, 0)),
            pl.BlockSpec((1, 64), lambda i: (0, 0)),
        ],
        out_specs=[
            pl.BlockSpec((_RT, 64), lambda i: (i, 0)),
            pl.BlockSpec((_RT, 1), lambda i: (i, 0)),
        ],
        out_shape=[
            jax.ShapeDtypeStruct((N, 64), jnp.float32),
            jax.ShapeDtypeStruct((N, 1), jnp.float32),
        ],
    )(p, mx, mn, een_r, mu, s, beta)



def _edge_mlp_body(xd_ref, xs_ref, *refs):
    wrefs, out_ref = refs[:-1], refs[-1]
    w = [r[...] for r in wrefs]

    def mlp(x, ws):
        w1, b1, w2, b2, w3, b3, w4, b4 = ws
        y = _lrelu(x * w1 + b1, -0.5)
        y = _lrelu(jnp.dot(y, w2, preferred_element_type=jnp.float32) + b2, -0.5)
        y = _lrelu(jnp.dot(y, w3, preferred_element_type=jnp.float32) + b3, -0.5)
        return jnp.dot(y, w4, preferred_element_type=jnp.float32) + b4

    out_ref[...] = mlp(xd_ref[...], w[:8]) + mlp(xs_ref[...], w[8:])


def _edge_mlp(xd, xs, ten_t, pen_t):
    e = xd.shape[0]
    wspecs, wargs = [], []
    for (w, b) in ten_t + pen_t:
        wspecs += [pl.BlockSpec(w.shape, lambda i: (0, 0)),
                   pl.BlockSpec(b.shape, lambda i: (0, 0))]
        wargs += [w, b]
    return pl.pallas_call(
        _edge_mlp_body,
        grid=(e // _ET,),
        in_specs=[pl.BlockSpec((_ET, 1), lambda i: (i, 0)),
                  pl.BlockSpec((_ET, 1), lambda i: (i, 0))] + wspecs,
        out_specs=pl.BlockSpec((_ET, 1), lambda i: (i, 0)),
        out_shape=jax.ShapeDtypeStruct((e, 1), jnp.float32),
    )(xd, xs, *wargs)



def _l0prep_body(h_ref, wp_ref, bias_ref, wq_ref, a_ref, b_ref):
    h = h_ref[...]
    a_ref[...] = jnp.dot(h, wp_ref[...], preferred_element_type=jnp.float32) + bias_ref[...]
    b_ref[...] = jnp.dot(h, wq_ref[...], preferred_element_type=jnp.float32)


def _l0prep(hflat, wp, bias, wq):
    d = hflat.shape[1]
    return pl.pallas_call(
        _l0prep_body,
        grid=(N // _RT,),
        in_specs=[
            pl.BlockSpec((_RT, d), lambda i: (i, 0)),
            pl.BlockSpec((d, 64), lambda i: (0, 0)),
            pl.BlockSpec((1, 64), lambda i: (0, 0)),
            pl.BlockSpec((d, 64), lambda i: (0, 0)),
        ],
        out_specs=[
            pl.BlockSpec((_RT, 64), lambda i: (i, 0)),
            pl.BlockSpec((_RT, 64), lambda i: (i, 0)),
        ],
        out_shape=[
            jax.ShapeDtypeStruct((N, 64), jnp.float32),
            jax.ShapeDtypeStruct((N, 64), jnp.float32),
        ],
    )(hflat, wp, bias, wq)


def _l0stats_body(a_ref, b_ref, t_ref, deg_ref, odeg_ref, g_ref, mu_ref, s_ref):
    i = pl.program_id(0)
    a = a_ref[...]
    b = b_ref[...]
    t = t_ref[...]
    deg = deg_ref[...]
    odeg = odeg_ref[...]

    @pl.when(i == 0)
    def _():
        mu_ref[...] = jnp.zeros_like(mu_ref)
        s_ref[...] = jnp.zeros_like(s_ref)

    mu_ref[...] += jnp.sum(deg * a + odeg * b, axis=0, keepdims=True)
    s_ref[...] += jnp.sum(deg * a * a + 2.0 * a * t + odeg * b * b,
                          axis=0, keepdims=True)

    @pl.when(i == pl.num_programs(0) - 1)
    def _():
        esz = jnp.float32(E0)
        mu = mu_ref[...] / esz
        var = s_ref[...] / esz - mu * mu
        mu_ref[...] = mu
        s_ref[...] = g_ref[...] * lax.rsqrt(var + 1e-5)


def _l0stats(a, b, t, deg, odeg, g):
    return pl.pallas_call(
        _l0stats_body,
        grid=(N // _RT,),
        in_specs=[
            pl.BlockSpec((_RT, 64), lambda i: (i, 0)),
            pl.BlockSpec((_RT, 64), lambda i: (i, 0)),
            pl.BlockSpec((_RT, 64), lambda i: (i, 0)),
            pl.BlockSpec((_RT, 1), lambda i: (i, 0)),
            pl.BlockSpec((_RT, 1), lambda i: (i, 0)),
            pl.BlockSpec((1, 64), lambda i: (0, 0)),
        ],
        out_specs=[
            pl.BlockSpec((1, 64), lambda i: (0, 0)),
            pl.BlockSpec((1, 64), lambda i: (0, 0)),
        ],
        out_shape=[
            jax.ShapeDtypeStruct((1, 64), jnp.float32),
            jax.ShapeDtypeStruct((1, 64), jnp.float32),
        ],
    )(a, b, t, deg, odeg, g)


def _l0finish_body(a_ref, sm_ref, deg_ref, f_ref, mu_ref, s_ref,
                   beta_ref, h_ref, hen_ref):
    s = s_ref[...]
    deg = deg_ref[...]
    mq = jnp.abs(s) * sm_ref[...]
    hm = (a_ref[...] - mu_ref[...]) * s + mq + beta_ref[...]
    h_ref[...] = _lrelu(jnp.where(deg > 0, hm, 0.0), 0.2)
    hen_ref[...] = f_ref[...] / jnp.maximum(deg, 1.0)


def _l0finish(a, sm, deg, f, mu, s, beta):
    return pl.pallas_call(
        _l0finish_body,
        grid=(N // _RT,),
        in_specs=[
            pl.BlockSpec((_RT, 64), lambda i: (i, 0)),
            pl.BlockSpec((_RT, 64), lambda i: (i, 0)),
            pl.BlockSpec((_RT, 1), lambda i: (i, 0)),
            pl.BlockSpec((_RT, 1), lambda i: (i, 0)),
            pl.BlockSpec((1, 64), lambda i: (0, 0)),
            pl.BlockSpec((1, 64), lambda i: (0, 0)),
            pl.BlockSpec((1, 64), lambda i: (0, 0)),
        ],
        out_specs=[
            pl.BlockSpec((_RT, 64), lambda i: (i, 0)),
            pl.BlockSpec((_RT, 1), lambda i: (i, 0)),
        ],
        out_shape=[
            jax.ShapeDtypeStruct((N, 64), jnp.float32),
            jax.ShapeDtypeStruct((N, 1), jnp.float32),
        ],
    )(a, sm, deg, f, mu, s, beta)



def _proj_body(hc_ref, *refs):
    wrefs, out_ref = refs[:-1], refs[-1]
    y = hc_ref[...]
    nlayers = len(wrefs) // 2
    for j in range(nlayers):
        y = jnp.dot(y, wrefs[2 * j][...], preferred_element_type=jnp.float32) \
            + wrefs[2 * j + 1][...]
        if j < nlayers - 1:
            y = _lrelu(y, -0.8)
    out_ref[...] = y


def _proj(hc, proj_t):
    wspecs, wargs = [], []
    for (w, b) in proj_t:
        wspecs += [pl.BlockSpec(w.shape, lambda i: (0, 0)),
                   pl.BlockSpec(b.shape, lambda i: (0, 0))]
        wargs += [w, b]
    return pl.pallas_call(
        _proj_body,
        grid=(N // _RT,),
        in_specs=[pl.BlockSpec((_RT, 3), lambda i: (i, 0))] + wspecs,
        out_specs=pl.BlockSpec((_RT, 1), lambda i: (i, 0)),
        out_shape=jax.ShapeDtypeStruct((N, 1), jnp.float32),
    )(hc, *wargs)



def _tpose(layers):
    return [(w.T, b.reshape(1, -1)) for (w, b) in layers]


def kernel(x, x_en, edge_index, x_idx, length, params):
    enflat = x_en.reshape(N, 1)
    hs = []

    p0 = params['layers'][0]
    tW, tb = p0['theta']
    pW, pb = p0['phi']
    a, b = _l0prep(x.reshape(N, IN_DIM), tW.T, (tb + pb).reshape(1, 64),
                   (pW - tW).T)
    src, dst = edge_index[0], edge_index[1]
    bsrows = jnp.take(jnp.concatenate([b, enflat], axis=1), src, axis=0)
    bs, en_s = bsrows[:, :64], bsrows[:, 64:65]
    en_d = jnp.take(enflat, dst, axis=0)
    e_en0 = _edge_mlp(en_d - en_s, en_s, _tpose(p0['ten']), _tpose(p0['pen']))
    ones_e = jnp.ones((E0, 1), jnp.float32)
    sadd = jnp.zeros((N, 66), jnp.float32).at[dst].add(
        jnp.concatenate([bs, e_en0, ones_e], axis=1))
    t_rows, f0, deg = sadd[:, :64], sadd[:, 64:65], sadd[:, 65:66]
    odeg = jnp.zeros((N,), jnp.float32).at[src].add(1.0).reshape(N, 1)
    mu0, s0 = _l0stats(a, b, t_rows, deg, odeg, p0['bn_g'].reshape(1, 64))
    sm0 = jax.ops.segment_max(jnp.where(s0 >= 0, bs, -bs), dst,
                              num_segments=N)
    h, h_en = _l0finish(a, sm0, deg, f0, mu0, s0,
                        p0['bn_b'].reshape(1, 64))
    hs.append(h_en)

    for i in (1, 2):
        pi = params['layers'][i]
        tW, tb = pi['theta']
        pW, pb = pi['phi']
        h3 = h.reshape(B, M, 64)
        p, table = _prep(h, h_en, tW.T, (tb + pb).reshape(1, 64), (pW - tW).T)
        nbr = _knn_pallas(h3)[:, :, 1:].reshape(-1)
        rows = jnp.take(table, nbr, axis=0)
        rows3 = rows.reshape(N, KM1, TBL_W)
        mu, s, mx, mn = _stats(p, rows3, pi['bn_g'].reshape(1, 64))
        en_nbr = rows3[:, :, 64]
        xd = (h_en - en_nbr).reshape(E_KNN, 1)
        xs = en_nbr.reshape(E_KNN, 1)
        e_en = _edge_mlp(xd, xs, _tpose(pi['ten']), _tpose(pi['pen']))
        h, h_en = _finish(p, mx, mn, e_en.reshape(N, KM1), mu, s,
                          pi['bn_b'].reshape(1, 64))
        hs.append(h_en)

    hc = jnp.concatenate(hs, axis=1)
    out_flat = _proj(hc, _tpose(params['proj'])).reshape((N,))
    imgs = []
    off = jnp.zeros((), jnp.int32)
    for bi in range(length.shape[0]):
        L = length[bi]
        e = lax.dynamic_slice_in_dim(out_flat, off, M)
        idx = lax.dynamic_slice(x_idx, (off, jnp.zeros((), jnp.int32)), (M, 3))
        valid = jnp.arange(M) < L
        i0 = jnp.where(valid, idx[:, 0], 7)
        img = jnp.zeros((7, 64, 64), out_flat.dtype).at[i0, idx[:, 1], idx[:, 2]].set(e)
        imgs.append(img[None])
        off = off + L
    oi = jnp.concatenate(imgs, 0)
    return oi[:, 1:, :, :]

# --- scband reference (transcript-rebuilt; emitter-appended) ---
"""Pipeline reference for scband-model-51384988729809 (READ-ONLY COPY).

The authoritative reference and input builder live on the scoring server;
editing this copy changes nothing except your own understanding.
"""

import jax, jax.numpy as jnp
import numpy as np

B, M, K_NN = 2, 4096, 16
IN_DIM = 3
FEAT_DIMS = [64, 64, 64]
N = B * M
E0 = N * K_NN


def _lrelu(x, s):
    return jnp.where(x >= 0, x, s * x)


def _mlp(x, layers, slope):
    for i, (W, b) in enumerate(layers):
        x = x @ W.T + b
        if i < len(layers) - 1:
            x = _lrelu(x, slope)
    return x


def _init_linear(key, out_d, in_d):
    k1, k2 = jax.random.split(key)
    s = 1.0 / np.sqrt(in_d)
    return (jax.random.uniform(k1, (out_d, in_d), jnp.float32, -s, s),
            jax.random.uniform(k2, (out_d,), jnp.float32, -s, s))


def _init_params(key):
    layers = []
    in_d = IN_DIM
    en_dims = [(64, 1), (128, 64), (32, 128), (1, 32)]
    for i, out_d in enumerate(FEAT_DIMS):
        kk = jax.random.fold_in(key, i)
        ks = jax.random.split(kk, 12)
        p = {
            'theta': _init_linear(ks[0], out_d, in_d),
            'phi': _init_linear(ks[1], out_d, in_d),
            'ten': [_init_linear(ks[2 + j], o, ii) for j, (o, ii) in enumerate(en_dims)],
            'pen': [_init_linear(ks[6 + j], o, ii) for j, (o, ii) in enumerate(en_dims)],
            'bn_g': jnp.ones((out_d,), jnp.float32),
            'bn_b': jnp.zeros((out_d,), jnp.float32),
        }
        layers.append(p)
        in_d = out_d
    proj_dims = [(20, 3), (40, 20), (30, 40), (10, 30), (5, 10), (1, 5)]
    kps = jax.random.split(jax.random.fold_in(key, 100), len(proj_dims))
    proj = [_init_linear(kps[j], o, ii) for j, (o, ii) in enumerate(proj_dims)]
    return {'layers': layers, 'proj': proj}


def _knn_edges(h, k):
    # h: [B, M, d]; per-sample kNN graph, unioned, self-loops removed
    x2 = jnp.sum(h * h, -1, keepdims=True)
    dist = x2 + jnp.swapaxes(x2, -1, -2) - 2.0 * (h @ jnp.swapaxes(h, -1, -2))
    _, idx = jax.lax.top_k(-dist, k)  # k smallest distances; idx[...,0] == self
    nbr = idx[:, :, 1:]  # remove_self_loop
    b, m, km1 = nbr.shape
    offs = (jnp.arange(b) * m)[:, None, None]
    src = (nbr + offs).reshape(-1)
    dst = (jnp.broadcast_to(jnp.arange(m)[None, :, None], (b, m, km1)) + offs).reshape(-1)
    return src, dst


def _edge_conv(hf, enf, src, dst, p, n):
    # message: theta(x_dst - x_src) + phi(x_src); BN(train) on e; max-agg e, mean-agg e_en
    tW, tb = p['theta']
    pW, pb = p['phi']
    e = (hf[dst] - hf[src]) @ tW.T + tb + hf[src] @ pW.T + pb
    e_en = _mlp(enf[dst] - enf[src], p['ten'], -0.5) + _mlp(enf[src], p['pen'], -0.5)
    mu = jnp.mean(e, 0)
    var = jnp.var(e, 0)
    e = (e - mu) / jnp.sqrt(var + 1e-5) * p['bn_g'] + p['bn_b']
    deg = jnp.zeros((n,), e.dtype).at[dst].add(1.0)
    hmax = jax.ops.segment_max(e, dst, num_segments=n)
    hmax = jnp.where(deg[:, None] > 0, hmax, 0.0)
    emean = jax.ops.segment_sum(e_en, dst, num_segments=n) / jnp.maximum(deg, 1.0)[:, None]
    return hmax, emean


def _forward(x, x_en, params, edge_index, x_idx, length):
    h, h_en = x, x_en
    hs = []
    for i in range(len(FEAT_DIMS)):
        if i == 0:
            src, dst = edge_index[0], edge_index[1]
        else:
            src, dst = _knn_edges(h, K_NN)
        hf = h.reshape(N, -1)
        enf = h_en.reshape(N, -1)
        hm, em = _edge_conv(hf, enf, src, dst, params['layers'][i], N)
        h = _lrelu(hm, 0.2).reshape(B, M, -1)
        h_en = em.reshape(B, M, -1)
        hs.append(h_en)
    hc = jnp.concatenate(hs, 2).reshape(N, -1)
    out = _mlp(hc, params['proj'], -0.8)
    out_flat = out.reshape((N,))
    imgs = []
    off = jnp.zeros((), jnp.int32)
    for b in range(length.shape[0]):
        L = length[b]
        e = jax.lax.dynamic_slice_in_dim(out_flat, off, M)
        idx = jax.lax.dynamic_slice(x_idx, (off, jnp.zeros((), jnp.int32)), (M, 3))
        valid = jnp.arange(M) < L
        i0 = jnp.where(valid, idx[:, 0], 7)
        img = jnp.zeros((7, 64, 64), out.dtype).at[i0, idx[:, 1], idx[:, 2]].set(e)
        imgs.append(img[None])
        off = off + L
    oi = jnp.concatenate(imgs, 0)
    return oi[:, 1:, :, :]


def setup_inputs(seed: int = 0):
    key = jax.random.key(seed)
    ks = jax.random.split(key, 6)
    x = jax.random.normal(ks[0], (B, M, IN_DIM), jnp.float32)
    x_en = jax.random.normal(ks[1], (B, M, 1), jnp.float32)
    edge_index = jax.random.randint(ks[2], (2, E0), 0, N, jnp.int32)
    x_idx = jax.random.randint(ks[3], (N, 3), 0, 7, jnp.int32)
    length = jax.random.randint(ks[4], (B,), 0, M, jnp.int32)
    params = _init_params(ks[5])
    return {'x': x, 'x_en': x_en, 'edge_index': edge_index, 'x_idx': x_idx,
            'length': length, 'params': params}


def reference(x, x_en, edge_index, x_idx, length, params):
    return _forward(x, x_en, params, edge_index, x_idx, length)

if __name__ == "__main__":
    import jax
    _d = setup_inputs()
    print(jax.jit(kernel)(*tuple(_d.values())))

</pallas_src>

<mosaic_0001>
module attributes {stable_mosaic.version = 14 : i64} {
  func.func @_l0prep_body(%arg0: i32, %arg1: memref<512x3xf32, #tpu.memory_space<vmem>>, %arg2: memref<3x64xf32, #tpu.memory_space<vmem>>, %arg3: memref<1x64xf32, #tpu.memory_space<vmem>>, %arg4: memref<3x64xf32, #tpu.memory_space<vmem>>, %arg5: memref<512x64xf32, #tpu.memory_space<vmem>>, %arg6: memref<512x64xf32, #tpu.memory_space<vmem>>) attributes {dimension_semantics = [#tpu.dimension_semantics<arbitrary>], iteration_bounds = array<i64: 16>, scalar_prefetch = 0 : i64, scratch_operands = 0 : i64, tpu.core_type = #tpu.core_type<tc>, window_params = [{transform_indices = @transform_0, window_bounds = array<i64: 512, 3>}, {pipeline_mode = #tpu.pipeline_mode<synchronous>, transform_indices = @transform_1, window_bounds = array<i64: 3, 64>}, {pipeline_mode = #tpu.pipeline_mode<synchronous>, transform_indices = @transform_2, window_bounds = array<i64: 1, 64>}, {pipeline_mode = #tpu.pipeline_mode<synchronous>, transform_indices = @transform_3, window_bounds = array<i64: 3, 64>}, {transform_indices = @transform_4, window_bounds = array<i64: 512, 64>}, {transform_indices = @transform_5, window_bounds = array<i64: 512, 64>}]} {
    %get3A = arith.constant 0 : index
    %get3A_0 = arith.constant 0 : index
    %get3A_1 = vector.load %arg1[%get3A, %get3A_0] : memref<512x3xf32, #tpu.memory_space<vmem>>, vector<512x3xf32>
    %get3A_2 = arith.constant 0 : index
    %get3A_3 = arith.constant 0 : index
    %get3A_4 = vector.load %arg2[%get3A_2, %get3A_3] : memref<3x64xf32, #tpu.memory_space<vmem>>, vector<3x64xf32>
    %dot_general3A = arith.constant dense<0.000000e+00> : vector<512x64xf32>
    %dot_general3A_5 = tpu.matmul %get3A_1, %get3A_4, %dot_general3A {dimension_numbers = #tpu.dot_dimension_numbers<[1], [0], [0], [1], [0, 0, 1, 1], [], []>, transpose_lhs_hint = false} : vector<512x3xf32>, vector<3x64xf32>, vector<512x64xf32> -> vector<512x64xf32>
    %get3A_6 = arith.constant 0 : index
    %get3A_7 = arith.constant 0 : index
    %get3A_8 = vector.load %arg3[%get3A_6, %get3A_7] : memref<1x64xf32, #tpu.memory_space<vmem>>, vector<1x64xf32>
    %add3A = vector.broadcast %get3A_8 : vector<1x64xf32> to vector<512x64xf32>
    %add3A_9 = arith.addf %dot_general3A_5, %add3A : vector<512x64xf32>
    %swap3A = arith.constant 0 : index
    %swap3A_10 = arith.constant 0 : index
    %swap3A_11 = vector.load %arg5[%swap3A, %swap3A_10] : memref<512x64xf32, #tpu.memory_space<vmem>>, vector<512x64xf32>
    tpu.vector_store %arg5[%swap3A, %swap3A_10], %add3A_9 {strides = array<i32>} : memref<512x64xf32, #tpu.memory_space<vmem>>, vector<512x64xf32>,
    %get3A_12 = arith.constant 0 : index
    %get3A_13 = arith.constant 0 : index
    %get3A_14 = vector.load %arg4[%get3A_12, %get3A_13] : memref<3x64xf32, #tpu.memory_space<vmem>>, vector<3x64xf32>
    %dot_general3A_15 = arith.constant dense<0.000000e+00> : vector<512x64xf32>
    %dot_general3A_16 = tpu.matmul %get3A_1, %get3A_14, %dot_general3A_15 {dimension_numbers = #tpu.dot_dimension_numbers<[1], [0], [0], [1], [0, 0, 1, 1], [], []>, transpose_lhs_hint = false} : vector<512x3xf32>, vector<3x64xf32>, vector<512x64xf32> -> vector<512x64xf32>
    %swap3A_17 = arith.constant 0 : index
    %swap3A_18 = arith.constant 0 : index
    %swap3A_19 = vector.load %arg6[%swap3A_17, %swap3A_18] : memref<512x64xf32, #tpu.memory_space<vmem>>, vector<512x64xf32>
    tpu.vector_store %arg6[%swap3A_17, %swap3A_18], %dot_general3A_16 {strides = array<i32>} : memref<512x64xf32, #tpu.memory_space<vmem>>, vector<512x64xf32>,
    return
  }
  func.func @transform_0(%arg0: i32) -> (i32, i32) {
    %c0_i32 = arith.constant 0 : i32
    %c0_i32_0 = arith.constant 0 : i32
    return %arg0, %c0_i32 : i32, i32
  }
  func.func @transform_1(%arg0: i32) -> (i32, i32) {
    %c0_i32 = arith.constant 0 : i32
    %c0_i32_0 = arith.constant 0 : i32
    %c0_i32_1 = arith.constant 0 : i32
    return %c0_i32, %c0_i32_0 : i32, i32
  }
  func.func @transform_2(%arg0: i32) -> (i32, i32) {
    %c0_i32 = arith.constant 0 : i32
    %c0_i32_0 = arith.constant 0 : i32
    %c0_i32_1 = arith.constant 0 : i32
    return %c0_i32, %c0_i32_0 : i32, i32
  }
  func.func @transform_3(%arg0: i32) -> (i32, i32) {
    %c0_i32 = arith.constant 0 : i32
    %c0_i32_0 = arith.constant 0 : i32
    %c0_i32_1 = arith.constant 0 : i32
    return %c0_i32, %c0_i32_0 : i32, i32
  }
  func.func @transform_4(%arg0: i32) -> (i32, i32) {
    %c0_i32 = arith.constant 0 : i32
    %c0_i32_0 = arith.constant 0 : i32
    return %arg0, %c0_i32 : i32, i32
  }
  func.func @transform_5(%arg0: i32) -> (i32, i32) {
    %c0_i32 = arith.constant 0 : i32
    %c0_i32_0 = arith.constant 0 : i32
    return %arg0, %c0_i32 : i32, i32
  }
}

module attributes {stable_mosaic.version = 14 : i64} {
  func.func @_edge_mlp_body(%arg0: i32, %arg1: memref<8192x1xf32, #tpu.memory_space<vmem>>, %arg2: memref<8192x1xf32, #tpu.memory_space<vmem>>, %arg3: memref<1x64xf32, #tpu.memory_space<vmem>>, %arg4: memref<1x64xf32, #tpu.memory_space<vmem>>, %arg5: memref<64x128xf32, #tpu.memory_space<vmem>>, %arg6: memref<1x128xf32, #tpu.memory_space<vmem>>, %arg7: memref<128x32xf32, #tpu.memory_space<vmem>>, %arg8: memref<1x32xf32, #tpu.memory_space<vmem>>, %arg9: memref<32x1xf32, #tpu.memory_space<vmem>>, %arg10: memref<1x1xf32, #tpu.memory_space<vmem>>, %arg11: memref<1x64xf32, #tpu.memory_space<vmem>>, %arg12: memref<1x64xf32, #tpu.memory_space<vmem>>, %arg13: memref<64x128xf32, #tpu.memory_space<vmem>>, %arg14: memref<1x128xf32, #tpu.memory_space<vmem>>, %arg15: memref<128x32xf32, #tpu.memory_space<vmem>>, %arg16: memref<1x32xf32, #tpu.memory_space<vmem>>, %arg17: memref<32x1xf32, #tpu.memory_space<vmem>>, %arg18: memref<1x1xf32, #tpu.memory_space<vmem>>, %arg19: memref<8192x1xf32, #tpu.memory_space<vmem>>) attributes {dimension_semantics = [#tpu.dimension_semantics<arbitrary>], iteration_bounds = array<i64: 16>, scalar_prefetch = 0 : i64, scratch_operands = 0 : i64, tpu.core_type = #tpu.core_type<tc>, window_params = [{transform_indices = @transform_0, window_bounds = array<i64: 8192, 1>}, {transform_indices = @transform_1, window_bounds = array<i64: 8192, 1>}, {pipeline_mode = #tpu.pipeline_mode<synchronous>, transform_indices = @transform_2, window_bounds = array<i64: 1, 64>}, {pipeline_mode = #tpu.pipeline_mode<synchronous>, transform_indices = @transform_3, window_bounds = array<i64: 1, 64>}, {pipeline_mode = #tpu.pipeline_mode<synchronous>, transform_indices = @transform_4, window_bounds = array<i64: 64, 128>}, {pipeline_mode = #tpu.pipeline_mode<synchronous>, transform_indices = @transform_5, window_bounds = array<i64: 1, 128>}, {pipeline_mode = #tpu.pipeline_mode<synchronous>, transform_indices = @transform_6, window_bounds = array<i64: 128, 32>}, {pipeline_mode = #tpu.pipeline_mode<synchronous>, transform_indices = @transform_7, window_bounds = array<i64: 1, 32>}, {pipeline_mode = #tpu.pipeline_mode<synchronous>, transform_indices = @transform_8, window_bounds = array<i64: 32, 1>}, {pipeline_mode = #tpu.pipeline_mode<synchronous>, transform_indices = @transform_9, window_bounds = array<i64: 1, 1>}, {pipeline_mode = #tpu.pipeline_mode<synchronous>, transform_indices = @transform_10, window_bounds = array<i64: 1, 64>}, {pipeline_mode = #tpu.pipeline_mode<synchronous>, transform_indices = @transform_11, window_bounds = array<i64: 1, 64>}, {pipeline_mode = #tpu.pipeline_mode<synchronous>, transform_indices = @transform_12, window_bounds = array<i64: 64, 128>}, {pipeline_mode = #tpu.pipeline_mode<synchronous>, transform_indices = @transform_13, window_bounds = array<i64: 1, 128>}, {pipeline_mode = #tpu.pipeline_mode<synchronous>, transform_indices = @transform_14, window_bounds = array<i64: 128, 32>}, {pipeline_mode = #tpu.pipeline_mode<synchronous>, transform_indices = @transform_15, window_bounds = array<i64: 1, 32>}, {pipeline_mode = #tpu.pipeline_mode<synchronous>, transform_indices = @transform_16, window_bounds = array<i64: 32, 1>}, {pipeline_mode = #tpu.pipeline_mode<synchronous>, transform_indices = @transform_17, window_bounds = array<i64: 1, 1>}, {transform_indices = @transform_18, window_bounds = array<i64: 8192, 1>}]} {
    %get3A = arith.constant 0 : index
    %get3A_0 = arith.constant 0 : index
    %get3A_1 = vector.load %arg3[%get3A, %get3A_0] : memref<1x64xf32, #tpu.memory_space<vmem>>, vector<1x64xf32>
    %get3A_2 = arith.constant 0 : index
    %get3A_3 = arith.constant 0 : index
    %get3A_4 = vector.load %arg4[%get3A_2, %get3A_3] : memref<1x64xf32, #tpu.memory_space<vmem>>, vector<1x64xf32>
    %get3A_5 = arith.constant 0 : index
    %get3A_6 = arith.constant 0 : index
    %get3A_7 = vector.load %arg5[%get3A_5, %get3A_6] : memref<64x128xf32, #tpu.memory_space<vmem>>, vector<64x128xf32>
    %get3A_8 = arith.constant 0 : index
    %get3A_9 = arith.constant 0 : index
    %get3A_10 = vector.load %arg6[%get3A_8, %get3A_9] : memref<1x128xf32, #tpu.memory_space<vmem>>, vector<1x128xf32>
    %get3A_11 = arith.constant 0 : index
    %get3A_12 = arith.constant 0 : index
    %get3A_13 = vector.load %arg7[%get3A_11, %get3A_12] : memref<128x32xf32, #tpu.memory_space<vmem>>, vector<128x32xf32>
    %get3A_14 = arith.constant 0 : index
    %get3A_15 = arith.constant 0 : index
    %get3A_16 = vector.load %arg8[%get3A_14, %get3A_15] : memref<1x32xf32, #tpu.memory_space<vmem>>, vector<1x32xf32>
    %get3A_17 = arith.constant 0 : index
    %get3A_18 = arith.constant 0 : index
    %get3A_19 = vector.load %arg9[%get3A_17, %get3A_18] : memref<32x1xf32, #tpu.memory_space<vmem>>, vector<32x1xf32>
    %get3A_20 = arith.constant 0 : index
    %get3A_21 = arith.constant 0 : index
    %get3A_22 = vector.load %arg10[%get3A_20, %get3A_21] : memref<1x1xf32, #tpu.memory_space<vmem>>, vector<1x1xf32>
    %get3A_23 = arith.constant 0 : index
    %get3A_24 = arith.constant 0 : index
    %get3A_25 = vector.load %arg11[%get3A_23, %get3A_24] : memref<1x64xf32, #tpu.memory_space<vmem>>, vector<1x64xf32>
    %get3A_26 = arith.constant 0 : index
    %get3A_27 = arith.constant 0 : index
    %get3A_28 = vector.load %arg12[%get3A_26, %get3A_27] : memref<1x64xf32, #tpu.memory_space<vmem>>, vector<1x64xf32>
    %get3A_29 = arith.constant 0 : index
    %get3A_30 = arith.constant 0 : index
    %get3A_31 = vector.load %arg13[%get3A_29, %get3A_30] : memref<64x128xf32, #tpu.memory_space<vmem>>, vector<64x128xf32>
    %get3A_32 = arith.constant 0 : index
    %get3A_33 = arith.constant 0 : index
    %get3A_34 = vector.load %arg14[%get3A_32, %get3A_33] : memref<1x128xf32, #tpu.memory_space<vmem>>, vector<1x128xf32>
    %get3A_35 = arith.constant 0 : index
    %get3A_36 = arith.constant 0 : index
    %get3A_37 = vector.load %arg15[%get3A_35, %get3A_36] : memref<128x32xf32, #tpu.memory_space<vmem>>, vector<128x32xf32>
    %get3A_38 = arith.constant 0 : index
    %get3A_39 = arith.constant 0 : index
    %get3A_40 = vector.load %arg16[%get3A_38, %get3A_39] : memref<1x32xf32, #tpu.memory_space<vmem>>, vector<1x32xf32>
    %get3A_41 = arith.constant 0 : index
    %get3A_42 = arith.constant 0 : index
    %get3A_43 = vector.load %arg17[%get3A_41, %get3A_42] : memref<32x1xf32, #tpu.memory_space<vmem>>, vector<32x1xf32>
    %get3A_44 = arith.constant 0 : index
    %get3A_45 = arith.constant 0 : index
    %get3A_46 = vector.load %arg18[%get3A_44, %get3A_45] : memref<1x1xf32, #tpu.memory_space<vmem>>, vector<1x1xf32>
    %get3A_47 = arith.constant 0 : index
    %get3A_48 = arith.constant 0 : index
    %get3A_49 = vector.load %arg1[%get3A_47, %get3A_48] : memref<8192x1xf32, #tpu.memory_space<vmem>>, vector<8192x1xf32>
    %mul3A = vector.broadcast %get3A_49 : vector<8192x1xf32> to vector<8192x64xf32>
    %mul3A_50 = vector.broadcast %get3A_1 : vector<1x64xf32> to vector<8192x64xf32>
    %mul3A_51 = arith.mulf %mul3A, %mul3A_50 : vector<8192x64xf32>
    %add3A = vector.broadcast %get3A_4 : vector<1x64xf32> to vector<8192x64xf32>
    %add3A_52 = arith.addf %mul3A_51, %add3A : vector<8192x64xf32>
    %ge3A = arith.constant 0.000000e+00 : f32
    %ge3A_53 = vector.broadcast %ge3A : f32 to vector<8192x64xf32>
    %ge3A_54 = arith.cmpf oge, %add3A_52, %ge3A_53 : vector<8192x64xf32>
    %mul3A_55 = arith.constant -5.000000e-01 : f32
    %mul3A_56 = vector.broadcast %mul3A_55 : f32 to vector<8192x64xf32>
    %mul3A_57 = arith.mulf %mul3A_56, %add3A_52 : vector<8192x64xf32>
    %select_n3A = arith.select %ge3A_54, %add3A_52, %mul3A_57 : vector<8192x64xi1>, vector<8192x64xf32>
    %dot_general3A = arith.constant dense<0.000000e+00> : vector<8192x128xf32>
    %dot_general3A_58 = tpu.matmul %select_n3A, %get3A_7, %dot_general3A {dimension_numbers = #tpu.dot_dimension_numbers<[1], [0], [0], [1], [0, 0, 1, 1], [], []>, transpose_lhs_hint = false} : vector<8192x64xf32>, vector<64x128xf32>, vector<8192x128xf32> -> vector<8192x128xf32>
    %add3A_59 = vector.broadcast %get3A_10 : vector<1x128xf32> to vector<8192x128xf32>
    %add3A_60 = arith.addf %dot_general3A_58, %add3A_59 : vector<8192x128xf32>
    %ge3A_61 = arith.constant 0.000000e+00 : f32
    %ge3A_62 = vector.broadcast %ge3A_61 : f32 to vector<8192x128xf32>
    %ge3A_63 = arith.cmpf oge, %add3A_60, %ge3A_62 : vector<8192x128xf32>
    %mul3A_64 = arith.constant -5.000000e-01 : f32
    %mul3A_65 = vector.broadcast %mul3A_64 : f32 to vector<8192x128xf32>
    %mul3A_66 = arith.mulf %mul3A_65, %add3A_60 : vector<8192x128xf32>
    %select_n3A_67 = arith.select %ge3A_63, %add3A_60, %mul3A_66 : vector<8192x128xi1>, vector<8192x128xf32>
    %dot_general3A_68 = arith.constant dense<0.000000e+00> : vector<8192x32xf32>
    %dot_general3A_69 = tpu.matmul %select_n3A_67, %get3A_13, %dot_general3A_68 {dimension_numbers = #tpu.dot_dimension_numbers<[1], [0], [0], [1], [0, 0, 1, 1], [], []>, transpose_lhs_hint = false} : vector<8192x128xf32>, vector<128x32xf32>, vector<8192x32xf32> -> vector<8192x32xf32>
    %add3A_70 = vector.broadcast %get3A_16 : vector<1x32xf32> to vector<8192x32xf32>
    %add3A_71 = arith.addf %dot_general3A_69, %add3A_70 : vector<8192x32xf32>
    %ge3A_72 = arith.constant 0.000000e+00 : f32
    %ge3A_73 = vector.broadcast %ge3A_72 : f32 to vector<8192x32xf32>
    %ge3A_74 = arith.cmpf oge, %add3A_71, %ge3A_73 : vector<8192x32xf32>
    %mul3A_75 = arith.constant -5.000000e-01 : f32
    %mul3A_76 = vector.broadcast %mul3A_75 : f32 to vector<8192x32xf32>
    %mul3A_77 = arith.mulf %mul3A_76, %add3A_71 : vector<8192x32xf32>
    %select_n3A_78 = arith.select %ge3A_74, %add3A_71, %mul3A_77 : vector<8192x32xi1>, vector<8192x32xf32>
    %dot_general3A_79 = arith.constant dense<0.000000e+00> : vector<8192x1xf32>
    %dot_general3A_80 = tpu.matmul %select_n3A_78, %get3A_19, %dot_general3A_79 {dimension_numbers = #tpu.dot_dimension_numbers<[1], [0], [0], [1], [0, 0, 1, 1], [], []>, transpose_lhs_hint = false} : vector<8192x32xf32>, vector<32x1xf32>, vector<8192x1xf32> -> vector<8192x1xf32>
    %add3A_81 = vector.broadcast %get3A_22 : vector<1x1xf32> to vector<8192x1xf32>
    %add3A_82 = arith.addf %dot_general3A_80, %add3A_81 : vector<8192x1xf32>
    %get3A_83 = arith.constant 0 : index
    %get3A_84 = arith.constant 0 : index
    %get3A_85 = vector.load %arg2[%get3A_83, %get3A_84] : memref<8192x1xf32, #tpu.memory_space<vmem>>, vector<8192x1xf32>
    %mul3A_86 = vector.broadcast %get3A_85 : vector<8192x1xf32> to vector<8192x64xf32>
    %mul3A_87 = vector.broadcast %get3A_25 : vector<1x64xf32> to vector<8192x64xf32>
    %mul3A_88 = arith.mulf %mul3A_86, %mul3A_87 : vector<8192x64xf32>
    %add3A_89 = vector.broadcast %get3A_28 : vector<1x64xf32> to vector<8192x64xf32>
    %add3A_90 = arith.addf %mul3A_88, %add3A_89 : vector<8192x64xf32>
    %ge3A_91 = arith.constant 0.000000e+00 : f32
    %ge3A_92 = vector.broadcast %ge3A_91 : f32 to vector<8192x64xf32>
    %ge3A_93 = arith.cmpf oge, %add3A_90, %ge3A_92 : vector<8192x64xf32>
    %mul3A_94 = arith.constant -5.000000e-01 : f32
    %mul3A_95 = vector.broadcast %mul3A_94 : f32 to vector<8192x64xf32>
    %mul3A_96 = arith.mulf %mul3A_95, %add3A_90 : vector<8192x64xf32>
    %select_n3A_97 = arith.select %ge3A_93, %add3A_90, %mul3A_96 : vector<8192x64xi1>, vector<8192x64xf32>
    %dot_general3A_98 = arith.constant dense<0.000000e+00> : vector<8192x128xf32>
    %dot_general3A_99 = tpu.matmul %select_n3A_97, %get3A_31, %dot_general3A_98 {dimension_numbers = #tpu.dot_dimension_numbers<[1], [0], [0], [1], [0, 0, 1, 1], [], []>, transpose_lhs_hint = false} : vector<8192x64xf32>, vector<64x128xf32>, vector<8192x128xf32> -> vector<8192x128xf32>
    %add3A_100 = vector.broadcast %get3A_34 : vector<1x128xf32> to vector<8192x128xf32>
    %add3A_101 = arith.addf %dot_general3A_99, %add3A_100 : vector<8192x128xf32>
    %ge3A_102 = arith.constant 0.000000e+00 : f32
    %ge3A_103 = vector.broadcast %ge3A_102 : f32 to vector<8192x128xf32>
    %ge3A_104 = arith.cmpf oge, %add3A_101, %ge3A_103 : vector<8192x128xf32>
    %mul3A_105 = arith.constant -5.000000e-01 : f32
    %mul3A_106 = vector.broadcast %mul3A_105 : f32 to vector<8192x128xf32>
    %mul3A_107 = arith.mulf %mul3A_106, %add3A_101 : vector<8192x128xf32>
    %select_n3A_108 = arith.select %ge3A_104, %add3A_101, %mul3A_107 : vector<8192x128xi1>, vector<8192x128xf32>
    %dot_general3A_109 = arith.constant dense<0.000000e+00> : vector<8192x32xf32>
    %dot_general3A_110 = tpu.matmul %select_n3A_108, %get3A_37, %dot_general3A_109 {dimension_numbers = #tpu.dot_dimension_numbers<[1], [0], [0], [1], [0, 0, 1, 1], [], []>, transpose_lhs_hint = false} : vector<8192x128xf32>, vector<128x32xf32>, vector<8192x32xf32> -> vector<8192x32xf32>
    %add3A_111 = vector.broadcast %get3A_40 : vector<1x32xf32> to vector<8192x32xf32>
    %add3A_112 = arith.addf %dot_general3A_110, %add3A_111 : vector<8192x32xf32>
    %ge3A_113 = arith.constant 0.000000e+00 : f32
    %ge3A_114 = vector.broadcast %ge3A_113 : f32 to vector<8192x32xf32>
    %ge3A_115 = arith.cmpf oge, %add3A_112, %ge3A_114 : vector<8192x32xf32>
    %mul3A_116 = arith.constant -5.000000e-01 : f32
    %mul3A_117 = vector.broadcast %mul3A_116 : f32 to vector<8192x32xf32>
    %mul3A_118 = arith.mulf %mul3A_117, %add3A_112 : vector<8192x32xf32>
    %select_n3A_119 = arith.select %ge3A_115, %add3A_112, %mul3A_118 : vector<8192x32xi1>, vector<8192x32xf32>
    %dot_general3A_120 = arith.constant dense<0.000000e+00> : vector<8192x1xf32>
    %dot_general3A_121 = tpu.matmul %select_n3A_119, %get3A_43, %dot_general3A_120 {dimension_numbers = #tpu.dot_dimension_numbers<[1], [0], [0], [1], [0, 0, 1, 1], [], []>, transpose_lhs_hint = false} : vector<8192x32xf32>, vector<32x1xf32>, vector<8192x1xf32> -> vector<8192x1xf32>
    %add3A_122 = vector.broadcast %get3A_46 : vector<1x1xf32> to vector<8192x1xf32>
    %add3A_123 = arith.addf %dot_general3A_121, %add3A_122 : vector<8192x1xf32>
    %add3A_124 = arith.addf %add3A_82, %add3A_123 : vector<8192x1xf32>
    %swap3A = arith.constant 0 : index
    %swap3A_125 = arith.constant 0 : index
    %swap3A_126 = vector.load %arg19[%swap3A, %swap3A_125] : memref<8192x1xf32, #tpu.memory_space<vmem>>, vector<8192x1xf32>
    tpu.vector_store %arg19[%swap3A, %swap3A_125], %add3A_124 {strides = array<i32>} : memref<8192x1xf32, #tpu.memory_space<vmem>>, vector<8192x1xf32>,
    return
  }
  func.func @transform_0(%arg0: i32) -> (i32, i32) {
    %c0_i32 = arith.constant 0 : i32
    %c0_i32_0 = arith.constant 0 : i32
    return %arg0, %c0_i32 : i32, i32
  }
  func.func @transform_1(%arg0: i32) -> (i32, i32) {
    %c0_i32 = arith.constant 0 : i32
    %c0_i32_0 = arith.constant 0 : i32
    return %arg0, %c0_i32 : i32, i32
  }
  func.func @transform_2(%arg0: i32) -> (i32, i32) {
    %c0_i32 = arith.constant 0 : i32
    %c0_i32_0 = arith.constant 0 : i32
    %c0_i32_1 = arith.constant 0 : i32
    return %c0_i32, %c0_i32_0 : i32, i32
  }
  func.func @transform_3(%arg0: i32) -> (i32, i32) {
    %c0_i32 = arith.constant 0 : i32
    %c0_i32_0 = arith.constant 0 : i32
    %c0_i32_1 = arith.constant 0 : i32
    return %c0_i32, %c0_i32_0 : i32, i32
  }
  func.func @transform_4(%arg0: i32) -> (i32, i32) {
    %c0_i32 = arith.constant 0 : i32
    %c0_i32_0 = arith.constant 0 : i32
    %c0_i32_1 = arith.constant 0 : i32
    return %c0_i32, %c0_i32_0 : i32, i32
  }
  func.func @transform_5(%arg0: i32) -> (i32, i32) {
    %c0_i32 = arith.constant 0 : i32
    %c0_i32_0 = arith.constant 0 : i32
    %c0_i32_1 = arith.constant 0 : i32
    return %c0_i32, %c0_i32_0 : i32, i32
  }
  func.func @transform_6(%arg0: i32) -> (i32, i32) {
    %c0_i32 = arith.constant 0 : i32
    %c0_i32_0 = arith.constant 0 : i32
    %c0_i32_1 = arith.constant 0 : i32
    return %c0_i32, %c0_i32_0 : i32, i32
  }
  func.func @transform_7(%arg0: i32) -> (i32, i32) {
    %c0_i32 = arith.constant 0 : i32
    %c0_i32_0 = arith.constant 0 : i32
    %c0_i32_1 = arith.constant 0 : i32
    return %c0_i32, %c0_i32_0 : i32, i32
  }
  func.func @transform_8(%arg0: i32) -> (i32, i32) {
    %c0_i32 = arith.constant 0 : i32
    %c0_i32_0 = arith.constant 0 : i32
    %c0_i32_1 = arith.constant 0 : i32
    return %c0_i32, %c0_i32_0 : i32, i32
  }
  func.func @transform_9(%arg0: i32) -> (i32, i32) {
    %c0_i32 = arith.constant 0 : i32
    %c0_i32_0 = arith.constant 0 : i32
    %c0_i32_1 = arith.constant 0 : i32
    return %c0_i32, %c0_i32_0 : i32, i32
  }
  func.func @transform_10(%arg0: i32) -> (i32, i32) {
    %c0_i32 = arith.constant 0 : i32
    %c0_i32_0 = arith.constant 0 : i32
    %c0_i32_1 = arith.constant 0 : i32
    return %c0_i32, %c0_i32_0 : i32, i32
  }
  func.func @transform_11(%arg0: i32) -> (i32, i32) {
    %c0_i32 = arith.constant 0 : i32
    %c0_i32_0 = arith.constant 0 : i32
    %c0_i32_1 = arith.constant 0 : i32
    return %c0_i32, %c0_i32_0 : i32, i32
  }
  func.func @transform_12(%arg0: i32) -> (i32, i32) {
    %c0_i32 = arith.constant 0 : i32
    %c0_i32_0 = arith.constant 0 : i32
    %c0_i32_1 = arith.constant 0 : i32
    return %c0_i32, %c0_i32_0 : i32, i32
  }
  func.func @transform_13(%arg0: i32) -> (i32, i32) {
    %c0_i32 = arith.constant 0 : i32
    %c0_i32_0 = arith.constant 0 : i32
    %c0_i32_1 = arith.constant 0 : i32
    return %c0_i32, %c0_i32_0 : i32, i32
  }
  func.func @transform_14(%arg0: i32) -> (i32, i32) {
    %c0_i32 = arith.constant 0 : i32
    %c0_i32_0 = arith.constant 0 : i32
    %c0_i32_1 = arith.constant 0 : i32
    return %c0_i32, %c0_i32_0 : i32, i32
  }
  func.func @transform_15(%arg0: i32) -> (i32, i32) {
    %c0_i32 = arith.constant 0 : i32
    %c0_i32_0 = arith.constant 0 : i32
    %c0_i32_1 = arith.constant 0 : i32
    return %c0_i32, %c0_i32_0 : i32, i32
  }
  func.func @transform_16(%arg0: i32) -> (i32, i32) {
    %c0_i32 = arith.constant 0 : i32
    %c0_i32_0 = arith.constant 0 : i32
    %c0_i32_1 = arith.constant 0 : i32
    return %c0_i32, %c0_i32_0 : i32, i32
  }
  func.func @transform_17(%arg0: i32) -> (i32, i32) {
    %c0_i32 = arith.constant 0 : i32
    %c0_i32_0 = arith.constant 0 : i32
    %c0_i32_1 = arith.constant 0 : i32
    return %c0_i32, %c0_i32_0 : i32, i32
  }
  func.func @transform_18(%arg0: i32) -> (i32, i32) {
    %c0_i32 = arith.constant 0 : i32
    %c0_i32_0 = arith.constant 0 : i32
    return %arg0, %c0_i32 : i32, i32
  }
}

module attributes {stable_mosaic.version = 14 : i64} {
  func.func @_l0stats_body(%arg0: i32, %arg1: memref<512x64xf32, #tpu.memory_space<vmem>>, %arg2: memref<512x64xf32, #tpu.memory_space<vmem>>, %arg3: memref<512x64xf32, #tpu.memory_space<vmem>>, %arg4: memref<512x1xf32, #tpu.memory_space<vmem>>, %arg5: memref<512x1xf32, #tpu.memory_space<vmem>>, %arg6: memref<1x64xf32, #tpu.memory_space<vmem>>, %arg7: memref<1x64xf32, #tpu.memory_space<vmem>>, %arg8: memref<1x64xf32, #tpu.memory_space<vmem>>) attributes {dimension_semantics = [#tpu.dimension_semantics<arbitrary>], iteration_bounds = array<i64: 16>, scalar_prefetch = 0 : i64, scratch_operands = 0 : i64, tpu.core_type = #tpu.core_type<tc>, window_params = [{transform_indices = @transform_0, window_bounds = array<i64: 512, 64>}, {transform_indices = @transform_1, window_bounds = array<i64: 512, 64>}, {transform_indices = @transform_2, window_bounds = array<i64: 512, 64>}, {transform_indices = @transform_3, window_bounds = array<i64: 512, 1>}, {transform_indices = @transform_4, window_bounds = array<i64: 512, 1>}, {pipeline_mode = #tpu.pipeline_mode<synchronous>, transform_indices = @transform_5, window_bounds = array<i64: 1, 64>}, {pipeline_mode = #tpu.pipeline_mode<synchronous>, transform_indices = @transform_6, window_bounds = array<i64: 1, 64>}, {pipeline_mode = #tpu.pipeline_mode<synchronous>, transform_indices = @transform_7, window_bounds = array<i64: 1, 64>}]} {
    %get3A = arith.constant 0 : index
    %get3A_0 = arith.constant 0 : index
    %get3A_1 = vector.load %arg1[%get3A, %get3A_0] : memref<512x64xf32, #tpu.memory_space<vmem>>, vector<512x64xf32>
    %get3A_2 = arith.constant 0 : index
    %get3A_3 = arith.constant 0 : index
    %get3A_4 = vector.load %arg2[%get3A_2, %get3A_3] : memref<512x64xf32, #tpu.memory_space<vmem>>, vector<512x64xf32>
    %get3A_5 = arith.constant 0 : index
    %get3A_6 = arith.constant 0 : index
    %get3A_7 = vector.load %arg3[%get3A_5, %get3A_6] : memref<512x64xf32, #tpu.memory_space<vmem>>, vector<512x64xf32>
    %get3A_8 = arith.constant 0 : index
    %get3A_9 = arith.constant 0 : index
    %get3A_10 = vector.load %arg4[%get3A_8, %get3A_9] : memref<512x1xf32, #tpu.memory_space<vmem>>, vector<512x1xf32>
    %get3A_11 = arith.constant 0 : index
    %get3A_12 = arith.constant 0 : index
    %get3A_13 = vector.load %arg5[%get3A_11, %get3A_12] : memref<512x1xf32, #tpu.memory_space<vmem>>, vector<512x1xf32>
    %eq3A = arith.constant 0 : i32
    %eq3A_14 = arith.cmpi eq, %arg0, %eq3A : i32
    %convert_element_type3A = arith.extui %eq3A_14 : i1 to i32
    %cond3A = arith.constant 0 : i32
    %cond3A_15 = arith.cmpi ne, %convert_element_type3A, %cond3A : i32
    scf.if %cond3A_15 {
      %broadcast_in_dim3A_53 = arith.constant 0.000000e+00 : f32
      %broadcast_in_dim3A_54 = vector.broadcast %broadcast_in_dim3A_53 : f32 to vector<1x64xf32>
      %swap3A_55 = arith.constant 0 : index
      %swap3A_56 = arith.constant 0 : index
      %swap3A_57 = vector.load %arg7[%swap3A_55, %swap3A_56] : memref<1x64xf32, #tpu.memory_space<vmem>>, vector<1x64xf32>
      tpu.vector_store %arg7[%swap3A_55, %swap3A_56], %broadcast_in_dim3A_54 {strides = array<i32>} : memref<1x64xf32, #tpu.memory_space<vmem>>, vector<1x64xf32>,
      %broadcast_in_dim3A_58 = arith.constant 0.000000e+00 : f32
      %broadcast_in_dim3A_59 = vector.broadcast %broadcast_in_dim3A_58 : f32 to vector<1x64xf32>
      %swap3A_60 = arith.constant 0 : index
      %swap3A_61 = arith.constant 0 : index
      %swap3A_62 = vector.load %arg8[%swap3A_60, %swap3A_61] : memref<1x64xf32, #tpu.memory_space<vmem>>, vector<1x64xf32>
      tpu.vector_store %arg8[%swap3A_60, %swap3A_61], %broadcast_in_dim3A_59 {strides = array<i32>} : memref<1x64xf32, #tpu.memory_space<vmem>>, vector<1x64xf32>,
    } else {
    }
    %get3A_16 = arith.constant 0 : index
    %get3A_17 = arith.constant 0 : index
    %get3A_18 = vector.load %arg7[%get3A_16, %get3A_17] : memref<1x64xf32, #tpu.memory_space<vmem>>, vector<1x64xf32>
    %mul3A = vector.broadcast %get3A_10 : vector<512x1xf32> to vector<512x64xf32>
    %mul3A_19 = arith.mulf %mul3A, %get3A_1 : vector<512x64xf32>
    %mul3A_20 = vector.broadcast %get3A_13 : vector<512x1xf32> to vector<512x64xf32>
    %mul3A_21 = arith.mulf %mul3A_20, %get3A_4 : vector<512x64xf32>
    %add3A = arith.addf %mul3A_19, %mul3A_21 : vector<512x64xf32>
    %reduce_sum3A = arith.constant dense<0.000000e+00> : vector<64xf32>
    %reduce_sum3A_22 = vector.multi_reduction <add>, %add3A, %reduce_sum3A [0] : vector<512x64xf32> to vector<64xf32>
    %broadcast_in_dim3A = vector.shape_cast %reduce_sum3A_22 : vector<64xf32> to vector<1x64xf32>
    %add3A_23 = arith.addf %get3A_18, %broadcast_in_dim3A : vector<1x64xf32>
    %swap3A = arith.constant 0 : index
    %swap3A_24 = arith.constant 0 : index
    %swap3A_25 = vector.load %arg7[%swap3A, %swap3A_24] : memref<1x64xf32, #tpu.memory_space<vmem>>, vector<1x64xf32>
    tpu.vector_store %arg7[%swap3A, %swap3A_24], %add3A_23 {strides = array<i32>} : memref<1x64xf32, #tpu.memory_space<vmem>>, vector<1x64xf32>,
    %get3A_26 = arith.constant 0 : index
    %get3A_27 = arith.constant 0 : index
    %get3A_28 = vector.load %arg8[%get3A_26, %get3A_27] : memref<1x64xf32, #tpu.memory_space<vmem>>, vector<1x64xf32>
    %mul3A_29 = vector.broadcast %get3A_10 : vector<512x1xf32> to vector<512x64xf32>
    %mul3A_30 = arith.mulf %mul3A_29, %get3A_1 : vector<512x64xf32>
    %mul3A_31 = arith.mulf %mul3A_30, %get3A_1 : vector<512x64xf32>
    %mul3A_32 = arith.constant 2.000000e+00 : f32
    %mul3A_33 = vector.broadcast %mul3A_32 : f32 to vector<512x64xf32>
    %mul3A_34 = arith.mulf %mul3A_33, %get3A_1 : vector<512x64xf32>
    %mul3A_35 = arith.mulf %mul3A_34, %get3A_7 : vector<512x64xf32>
    %add3A_36 = arith.addf %mul3A_31, %mul3A_35 : vector<512x64xf32>
    %mul3A_37 = vector.broadcast %get3A_13 : vector<512x1xf32> to vector<512x64xf32>
    %mul3A_38 = arith.mulf %mul3A_37, %get3A_4 : vector<512x64xf32>
    %mul3A_39 = arith.mulf %mul3A_38, %get3A_4 : vector<512x64xf32>
    %add3A_40 = arith.addf %add3A_36, %mul3A_39 : vector<512x64xf32>
    %reduce_sum3A_41 = arith.constant dense<0.000000e+00> : vector<64xf32>
    %reduce_sum3A_42 = vector.multi_reduction <add>, %add3A_40, %reduce_sum3A_41 [0] : vector<512x64xf32> to vector<64xf32>
    %broadcast_in_dim3A_43 = vector.shape_cast %reduce_sum3A_42 : vector<64xf32> to vector<1x64xf32>
    %add3A_44 = arith.addf %get3A_28, %broadcast_in_dim3A_43 : vector<1x64xf32>
    %swap3A_45 = arith.constant 0 : index
    %swap3A_46 = arith.constant 0 : index
    %swap3A_47 = vector.load %arg8[%swap3A_45, %swap3A_46] : memref<1x64xf32, #tpu.memory_space<vmem>>, vector<1x64xf32>
    tpu.vector_store %arg8[%swap3A_45, %swap3A_46], %add3A_44 {strides = array<i32>} : memref<1x64xf32, #tpu.memory_space<vmem>>, vector<1x64xf32>,
    %eq3A_48 = arith.constant 15 : i32
    %eq3A_49 = arith.cmpi eq, %arg0, %eq3A_48 : i32
    %convert_element_type3A_50 = arith.extui %eq3A_49 : i1 to i32
    %cond3A_51 = arith.constant 0 : i32
    %cond3A_52 = arith.cmpi ne, %convert_element_type3A_50, %cond3A_51 : i32
    scf.if %cond3A_52 {
      %get3A_53 = arith.constant 0 : index
      %get3A_54 = arith.constant 0 : index
      %get3A_55 = vector.load %arg7[%get3A_53, %get3A_54] : memref<1x64xf32, #tpu.memory_space<vmem>>, vector<1x64xf32>
      %div3A = arith.constant 1.310720e+05 : f32
      %div3A_56 = vector.broadcast %div3A : f32 to vector<1x64xf32>
      %div3A_57 = arith.divf %get3A_55, %div3A_56 : vector<1x64xf32>
      %get3A_58 = arith.constant 0 : index
      %get3A_59 = arith.constant 0 : index
      %get3A_60 = vector.load %arg8[%get3A_58, %get3A_59] : memref<1x64xf32, #tpu.memory_space<vmem>>, vector<1x64xf32>
      %div3A_61 = arith.constant 1.310720e+05 : f32
      %div3A_62 = vector.broadcast %div3A_61 : f32 to vector<1x64xf32>
      %div3A_63 = arith.divf %get3A_60, %div3A_62 : vector<1x64xf32>
      %mul3A_64 = arith.mulf %div3A_57, %div3A_57 : vector<1x64xf32>
      %sub3A = arith.subf %div3A_63, %mul3A_64 : vector<1x64xf32>
      %swap3A_65 = arith.constant 0 : index
      %swap3A_66 = arith.constant 0 : index
      %swap3A_67 = vector.load %arg7[%swap3A_65, %swap3A_66] : memref<1x64xf32, #tpu.memory_space<vmem>>, vector<1x64xf32>
      tpu.vector_store %arg7[%swap3A_65, %swap3A_66], %div3A_57 {strides = array<i32>} : memref<1x64xf32, #tpu.memory_space<vmem>>, vector<1x64xf32>,
      %get3A_68 = arith.constant 0 : index
      %get3A_69 = arith.constant 0 : index
      %get3A_70 = vector.load %arg6[%get3A_68, %get3A_69] : memref<1x64xf32, #tpu.memory_space<vmem>>, vector<1x64xf32>
      %add3A_71 = arith.constant 9.99999974E-6 : f32
      %add3A_72 = vector.broadcast %add3A_71 : f32 to vector<1x64xf32>
      %add3A_73 = arith.addf %sub3A, %add3A_72 : vector<1x64xf32>
      %rsqrt3A = math.rsqrt %add3A_73 : vector<1x64xf32>
      %mul3A_74 = arith.mulf %get3A_70, %rsqrt3A : vector<1x64xf32>
      %swap3A_75 = arith.constant 0 : index
      %swap3A_76 = arith.constant 0 : index
      %swap3A_77 = vector.load %arg8[%swap3A_75, %swap3A_76] : memref<1x64xf32, #tpu.memory_space<vmem>>, vector<1x64xf32>
      tpu.vector_store %arg8[%swap3A_75, %swap3A_76], %mul3A_74 {strides = array<i32>} : memref<1x64xf32, #tpu.memory_space<vmem>>, vector<1x64xf32>,
    } else {
    }
    return
  }
  func.func @transform_0(%arg0: i32) -> (i32, i32) {
    %c0_i32 = arith.constant 0 : i32
    %c0_i32_0 = arith.constant 0 : i32
    return %arg0, %c0_i32 : i32, i32
  }
  func.func @transform_1(%arg0: i32) -> (i32, i32) {
    %c0_i32 = arith.constant 0 : i32
    %c0_i32_0 = arith.constant 0 : i32
    return %arg0, %c0_i32 : i32, i32
  }
  func.func @transform_2(%arg0: i32) -> (i32, i32) {
    %c0_i32 = arith.constant 0 : i32
    %c0_i32_0 = arith.constant 0 : i32
    return %arg0, %c0_i32 : i32, i32
  }
  func.func @transform_3(%arg0: i32) -> (i32, i32) {
    %c0_i32 = arith.constant 0 : i32
    %c0_i32_0 = arith.constant 0 : i32
    return %arg0, %c0_i32 : i32, i32
  }
  func.func @transform_4(%arg0: i32) -> (i32, i32) {
    %c0_i32 = arith.constant 0 : i32
    %c0_i32_0 = arith.constant 0 : i32
    return %arg0, %c0_i32 : i32, i32
  }
  func.func @transform_5(%arg0: i32) -> (i32, i32) {
    %c0_i32 = arith.constant 0 : i32
    %c0_i32_0 = arith.constant 0 : i32
    %c0_i32_1 = arith.constant 0 : i32
    return %c0_i32, %c0_i32_0 : i32, i32
  }
  func.func @transform_6(%arg0: i32) -> (i32, i32) {
    %c0_i32 = arith.constant 0 : i32
    %c0_i32_0 = arith.constant 0 : i32
    %c0_i32_1 = arith.constant 0 : i32
    return %c0_i32, %c0_i32_0 : i32, i32
  }
  func.func @transform_7(%arg0: i32) -> (i32, i32) {
    %c0_i32 = arith.constant 0 : i32
    %c0_i32_0 = arith.constant 0 : i32
    %c0_i32_1 = arith.constant 0 : i32
    return %c0_i32, %c0_i32_0 : i32, i32
  }
}

module attributes {stable_mosaic.version = 14 : i64} {
  func.func @_l0finish_body(%arg0: i32, %arg1: memref<512x64xf32, #tpu.memory_space<vmem>>, %arg2: memref<512x64xf32, #tpu.memory_space<vmem>>, %arg3: memref<512x1xf32, #tpu.memory_space<vmem>>, %arg4: memref<512x1xf32, #tpu.memory_space<vmem>>, %arg5: memref<1x64xf32, #tpu.memory_space<vmem>>, %arg6: memref<1x64xf32, #tpu.memory_space<vmem>>, %arg7: memref<1x64xf32, #tpu.memory_space<vmem>>, %arg8: memref<512x64xf32, #tpu.memory_space<vmem>>, %arg9: memref<512x1xf32, #tpu.memory_space<vmem>>) attributes {dimension_semantics = [#tpu.dimension_semantics<arbitrary>], iteration_bounds = array<i64: 16>, scalar_prefetch = 0 : i64, scratch_operands = 0 : i64, tpu.core_type = #tpu.core_type<tc>, window_params = [{transform_indices = @transform_0, window_bounds = array<i64: 512, 64>}, {transform_indices = @transform_1, window_bounds = array<i64: 512, 64>}, {transform_indices = @transform_2, window_bounds = array<i64: 512, 1>}, {transform_indices = @transform_3, window_bounds = array<i64: 512, 1>}, {pipeline_mode = #tpu.pipeline_mode<synchronous>, transform_indices = @transform_4, window_bounds = array<i64: 1, 64>}, {pipeline_mode = #tpu.pipeline_mode<synchronous>, transform_indices = @transform_5, window_bounds = array<i64: 1, 64>}, {pipeline_mode = #tpu.pipeline_mode<synchronous>, transform_indices = @transform_6, window_bounds = array<i64: 1, 64>}, {transform_indices = @transform_7, window_bounds = array<i64: 512, 64>}, {transform_indices = @transform_8, window_bounds = array<i64: 512, 1>}]} {
    %get3A = arith.constant 0 : index
    %get3A_0 = arith.constant 0 : index
    %get3A_1 = vector.load %arg6[%get3A, %get3A_0] : memref<1x64xf32, #tpu.memory_space<vmem>>, vector<1x64xf32>
    %get3A_2 = arith.constant 0 : index
    %get3A_3 = arith.constant 0 : index
    %get3A_4 = vector.load %arg3[%get3A_2, %get3A_3] : memref<512x1xf32, #tpu.memory_space<vmem>>, vector<512x1xf32>
    %abs3A = math.absf %get3A_1 : vector<1x64xf32>
    %get3A_5 = arith.constant 0 : index
    %get3A_6 = arith.constant 0 : index
    %get3A_7 = vector.load %arg2[%get3A_5, %get3A_6] : memref<512x64xf32, #tpu.memory_space<vmem>>, vector<512x64xf32>
    %mul3A = vector.broadcast %abs3A : vector<1x64xf32> to vector<512x64xf32>
    %mul3A_8 = arith.mulf %mul3A, %get3A_7 : vector<512x64xf32>
    %get3A_9 = arith.constant 0 : index
    %get3A_10 = arith.constant 0 : index
    %get3A_11 = vector.load %arg1[%get3A_9, %get3A_10] : memref<512x64xf32, #tpu.memory_space<vmem>>, vector<512x64xf32>
    %get3A_12 = arith.constant 0 : index
    %get3A_13 = arith.constant 0 : index
    %get3A_14 = vector.load %arg5[%get3A_12, %get3A_13] : memref<1x64xf32, #tpu.memory_space<vmem>>, vector<1x64xf32>
    %sub3A = vector.broadcast %get3A_14 : vector<1x64xf32> to vector<512x64xf32>
    %sub3A_15 = arith.subf %get3A_11, %sub3A : vector<512x64xf32>
    %mul3A_16 = vector.broadcast %get3A_1 : vector<1x64xf32> to vector<512x64xf32>
    %mul3A_17 = arith.mulf %sub3A_15, %mul3A_16 : vector<512x64xf32>
    %add3A = arith.addf %mul3A_17, %mul3A_8 : vector<512x64xf32>
    %get3A_18 = arith.constant 0 : index
    %get3A_19 = arith.constant 0 : index
    %get3A_20 = vector.load %arg7[%get3A_18, %get3A_19] : memref<1x64xf32, #tpu.memory_space<vmem>>, vector<1x64xf32>
    %add3A_21 = vector.broadcast %get3A_20 : vector<1x64xf32> to vector<512x64xf32>
    %add3A_22 = arith.addf %add3A, %add3A_21 : vector<512x64xf32>
    %gt3A = arith.constant 0.000000e+00 : f32
    %gt3A_23 = vector.broadcast %gt3A : f32 to vector<512x1xf32>
    %gt3A_24 = arith.cmpf ogt, %get3A_4, %gt3A_23 : vector<512x1xf32>
    %jit3A = arith.constant 0.000000e+00 : f32
    %broadcast_in_dim3A = vector.shape_cast %gt3A_24 : vector<512x1xi1> to vector<512x1xi1>
    %broadcast_in_dim3A_25 = vector.broadcast %broadcast_in_dim3A : vector<512x1xi1> to vector<512x64xi1>
    %broadcast_in_dim3A_26 = vector.broadcast %jit3A : f32 to vector<512x64xf32>
    %select_n3A = arith.select %broadcast_in_dim3A_25, %add3A_22, %broadcast_in_dim3A_26 : vector<512x64xi1>, vector<512x64xf32>
    %ge3A = arith.constant 0.000000e+00 : f32
    %ge3A_27 = vector.broadcast %ge3A : f32 to vector<512x64xf32>
    %ge3A_28 = arith.cmpf oge, %select_n3A, %ge3A_27 : vector<512x64xf32>
    %mul3A_29 = arith.constant 2.000000e-01 : f32
    %mul3A_30 = vector.broadcast %mul3A_29 : f32 to vector<512x64xf32>
    %mul3A_31 = arith.mulf %mul3A_30, %select_n3A : vector<512x64xf32>
    %select_n3A_32 = arith.select %ge3A_28, %select_n3A, %mul3A_31 : vector<512x64xi1>, vector<512x64xf32>
    %swap3A = arith.constant 0 : index
    %swap3A_33 = arith.constant 0 : index
    %swap3A_34 = vector.load %arg8[%swap3A, %swap3A_33] : memref<512x64xf32, #tpu.memory_space<vmem>>, vector<512x64xf32>
    tpu.vector_store %arg8[%swap3A, %swap3A_33], %select_n3A_32 {strides = array<i32>} : memref<512x64xf32, #tpu.memory_space<vmem>>, vector<512x64xf32>,
    %get3A_35 = arith.constant 0 : index
    %get3A_36 = arith.constant 0 : index
    %get3A_37 = vector.load %arg4[%get3A_35, %get3A_36] : memref<512x1xf32, #tpu.memory_space<vmem>>, vector<512x1xf32>
    %max3A = arith.constant 1.000000e+00 : f32
    %max3A_38 = vector.broadcast %max3A : f32 to vector<512x1xf32>
    %max3A_39 = arith.maximumf %get3A_4, %max3A_38 : vector<512x1xf32>
    %div3A = arith.divf %get3A_37, %max3A_39 : vector<512x1xf32>
    %swap3A_40 = arith.constant 0 : index
    %swap3A_41 = arith.constant 0 : index
    %swap3A_42 = vector.load %arg9[%swap3A_40, %swap3A_41] : memref<512x1xf32, #tpu.memory_space<vmem>>, vector<512x1xf32>
    tpu.vector_store %arg9[%swap3A_40, %swap3A_41], %div3A {strides = array<i32>} : memref<512x1xf32, #tpu.memory_space<vmem>>, vector<512x1xf32>,
    return
  }
  func.func @transform_0(%arg0: i32) -> (i32, i32) {
    %c0_i32 = arith.constant 0 : i32
    %c0_i32_0 = arith.constant 0 : i32
    return %arg0, %c0_i32 : i32, i32
  }
  func.func @transform_1(%arg0: i32) -> (i32, i32) {
    %c0_i32 = arith.constant 0 : i32
    %c0_i32_0 = arith.constant 0 : i32
    return %arg0, %c0_i32 : i32, i32
  }
  func.func @transform_2(%arg0: i32) -> (i32, i32) {
    %c0_i32 = arith.constant 0 : i32
    %c0_i32_0 = arith.constant 0 : i32
    return %arg0, %c0_i32 : i32, i32
  }
  func.func @transform_3(%arg0: i32) -> (i32, i32) {
    %c0_i32 = arith.constant 0 : i32
    %c0_i32_0 = arith.constant 0 : i32
    return %arg0, %c0_i32 : i32, i32
  }
  func.func @transform_4(%arg0: i32) -> (i32, i32) {
    %c0_i32 = arith.constant 0 : i32
    %c0_i32_0 = arith.constant 0 : i32
    %c0_i32_1 = arith.constant 0 : i32
    return %c0_i32, %c0_i32_0 : i32, i32
  }
  func.func @transform_5(%arg0: i32) -> (i32, i32) {
    %c0_i32 = arith.constant 0 : i32
    %c0_i32_0 = arith.constant 0 : i32
    %c0_i32_1 = arith.constant 0 : i32
    return %c0_i32, %c0_i32_0 : i32, i32
  }
  func.func @transform_6(%arg0: i32) -> (i32, i32) {
    %c0_i32 = arith.constant 0 : i32
    %c0_i32_0 = arith.constant 0 : i32
    %c0_i32_1 = arith.constant 0 : i32
    return %c0_i32, %c0_i32_0 : i32, i32
  }
  func.func @transform_7(%arg0: i32) -> (i32, i32) {
    %c0_i32 = arith.constant 0 : i32
    %c0_i32_0 = arith.constant 0 : i32
    return %arg0, %c0_i32 : i32, i32
  }
  func.func @transform_8(%arg0: i32) -> (i32, i32) {
    %c0_i32 = arith.constant 0 : i32
    %c0_i32_0 = arith.constant 0 : i32
    return %arg0, %c0_i32 : i32, i32
  }
}

module attributes {stable_mosaic.version = 14 : i64} {
  func.func @_knn_body(%arg0: i32, %arg1: i32, %arg2: memref<1x256x64xf32, #tpu.memory_space<vmem>>, %arg3: memref<1x4096x64xf32, #tpu.memory_space<vmem>>, %arg4: memref<1x256x16xi32, #tpu.memory_space<vmem>>) attributes {dimension_semantics = [#tpu.dimension_semantics<arbitrary>, #tpu.dimension_semantics<arbitrary>], iteration_bounds = array<i64: 2, 16>, scalar_prefetch = 0 : i64, scratch_operands = 0 : i64, tpu.core_type = #tpu.core_type<tc>, window_params = [{transform_indices = @transform_0, window_bounds = array<i64: 1, 256, 64>}, {transform_indices = @transform_1, window_bounds = array<i64: 1, 4096, 64>}, {transform_indices = @transform_2, window_bounds = array<i64: 1, 256, 16>}]} {
    %get3A = arith.constant 0 : index
    %get3A_0 = arith.constant 0 : index
    %get3A_1 = arith.constant 0 : index
    %get3A_2 = vector.load %arg2[%get3A, %get3A_0, %get3A_1] : memref<1x256x64xf32, #tpu.memory_space<vmem>>, vector<1x256x64xf32>
    %get3A_3 = vector.shape_cast %get3A_2 : vector<1x256x64xf32> to vector<256x64xf32>
    %get3A_4 = arith.constant 0 : index
    %get3A_5 = arith.constant 0 : index
    %get3A_6 = arith.constant 0 : index
    %get3A_7 = vector.load %arg3[%get3A_4, %get3A_5, %get3A_6] : memref<1x4096x64xf32, #tpu.memory_space<vmem>>, vector<1x4096x64xf32>
    %get3A_8 = vector.shape_cast %get3A_7 : vector<1x4096x64xf32> to vector<4096x64xf32>
    %mul3A = arith.mulf %get3A_3, %get3A_3 : vector<256x64xf32>
    %reduce_sum3A = arith.constant dense<0.000000e+00> : vector<256xf32>
    %reduce_sum3A_9 = vector.multi_reduction <add>, %mul3A, %reduce_sum3A [1] : vector<256x64xf32> to vector<256xf32>
    %broadcast_in_dim3A = vector.shape_cast %reduce_sum3A_9 : vector<256xf32> to vector<256x1xf32>
    %mul3A_10 = arith.mulf %get3A_8, %get3A_8 : vector<4096x64xf32>
    %reduce_sum3A_11 = arith.constant dense<0.000000e+00> : vector<4096xf32>
    %reduce_sum3A_12 = vector.multi_reduction <add>, %mul3A_10, %reduce_sum3A_11 [1] : vector<4096x64xf32> to vector<4096xf32>
    %reshape3A = vector.shape_cast %reduce_sum3A_12 : vector<4096xf32> to vector<1x4096xf32>
    %add3A = vector.broadcast %broadcast_in_dim3A : vector<256x1xf32> to vector<256x4096xf32>
    %add3A_13 = vector.broadcast %reshape3A : vector<1x4096xf32> to vector<256x4096xf32>
    %add3A_14 = arith.addf %add3A, %add3A_13 : vector<256x4096xf32>
    %dot_general3A = arith.constant dense<0.000000e+00> : vector<256x4096xf32>
    %dot_general3A_15 = tpu.matmul %get3A_3, %get3A_8, %dot_general3A {dimension_numbers = #tpu.dot_dimension_numbers<[1], [1], [0], [0], [0, 0, 1, 0], [], []>, transpose_lhs_hint = false} : vector<256x64xf32>, vector<4096x64xf32>, vector<256x4096xf32> -> vector<256x4096xf32>
    %mul3A_16 = arith.constant 2.000000e+00 : f32
    %mul3A_17 = vector.broadcast %mul3A_16 : f32 to vector<256x4096xf32>
    %mul3A_18 = arith.mulf %mul3A_17, %dot_general3A_15 : vector<256x4096xf32>
    %sub3A = arith.subf %add3A_14, %mul3A_18 : vector<256x4096xf32>
    %iota3A = tpu.iota {dimensions = array<i32: 1>} : vector<256x4096xi32>
    %reduce_min3A = arith.constant dense<0x7F800000> : vector<256xf32>
    %reduce_min3A_19 = vector.multi_reduction <minimumf>, %sub3A, %reduce_min3A [1] : vector<256x4096xf32> to vector<256xf32>
    %broadcast_in_dim3A_20 = vector.shape_cast %reduce_min3A_19 : vector<256xf32> to vector<256x1xf32>
    %eq3A = vector.broadcast %broadcast_in_dim3A_20 : vector<256x1xf32> to vector<256x4096xf32>
    %eq3A_21 = arith.cmpf oeq, %sub3A, %eq3A : vector<256x4096xf32>
    %jit3A = arith.constant 4096 : i32
    %broadcast_in_dim3A_22 = vector.broadcast %jit3A : i32 to vector<256x4096xi32>
    %select_n3A = arith.select %eq3A_21, %iota3A, %broadcast_in_dim3A_22 : vector<256x4096xi1>, vector<256x4096xi32>
    %reduce_min3A_23 = arith.constant dense<2147483647> : vector<256xi32>
    %reduce_min3A_24 = vector.multi_reduction <minsi>, %select_n3A, %reduce_min3A_23 [1] : vector<256x4096xi32> to vector<256xi32>
    %broadcast_in_dim3A_25 = vector.shape_cast %reduce_min3A_24 : vector<256xi32> to vector<256x1xi32>
    %eq3A_26 = vector.broadcast %broadcast_in_dim3A_25 : vector<256x1xi32> to vector<256x4096xi32>
    %eq3A_27 = arith.cmpi eq, %iota3A, %eq3A_26 : vector<256x4096xi32>
    %jit3A_28 = arith.constant 0x7F800000 : f32
    %broadcast_in_dim3A_29 = vector.broadcast %jit3A_28 : f32 to vector<256x4096xf32>
    %select_n3A_30 = arith.select %eq3A_27, %broadcast_in_dim3A_29, %sub3A : vector<256x4096xi1>, vector<256x4096xf32>
    %reduce_min3A_31 = arith.constant dense<0x7F800000> : vector<256xf32>
    %reduce_min3A_32 = vector.multi_reduction <minimumf>, %select_n3A_30, %reduce_min3A_31 [1] : vector<256x4096xf32> to vector<256xf32>
    %broadcast_in_dim3A_33 = vector.shape_cast %reduce_min3A_32 : vector<256xf32> to vector<256x1xf32>
    %eq3A_34 = vector.broadcast %broadcast_in_dim3A_33 : vector<256x1xf32> to vector<256x4096xf32>
    %eq3A_35 = arith.cmpf oeq, %select_n3A_30, %eq3A_34 : vector<256x4096xf32>
    %jit3A_36 = arith.constant 4096 : i32
    %broadcast_in_dim3A_37 = vector.broadcast %jit3A_36 : i32 to vector<256x4096xi32>
    %select_n3A_38 = arith.select %eq3A_35, %iota3A, %broadcast_in_dim3A_37 : vector<256x4096xi1>, vector<256x4096xi32>
    %reduce_min3A_39 = arith.constant dense<2147483647> : vector<256xi32>
    %reduce_min3A_40 = vector.multi_reduction <minsi>, %select_n3A_38, %reduce_min3A_39 [1] : vector<256x4096xi32> to vector<256xi32>
    %broadcast_in_dim3A_41 = vector.shape_cast %reduce_min3A_40 : vector<256xi32> to vector<256x1xi32>
    %eq3A_42 = vector.broadcast %broadcast_in_dim3A_41 : vector<256x1xi32> to vector<256x4096xi32>
    %eq3A_43 = arith.cmpi eq, %iota3A, %eq3A_42 : vector<256x4096xi32>
    %jit3A_44 = arith.constant 0x7F800000 : f32
    %broadcast_in_dim3A_45 = vector.broadcast %jit3A_44 : f32 to vector<256x4096xf32>
    %select_n3A_46 = arith.select %eq3A_43, %broadcast_in_dim3A_45, %select_n3A_30 : vector<256x4096xi1>, vector<256x4096xf32>
    %reduce_min3A_47 = arith.constant dense<0x7F800000> : vector<256xf32>
    %reduce_min3A_48 = vector.multi_reduction <minimumf>, %select_n3A_46, %reduce_min3A_47 [1] : vector<256x4096xf32> to vector<256xf32>
    %broadcast_in_dim3A_49 = vector.shape_cast %reduce_min3A_48 : vector<256xf32> to vector<256x1xf32>
    %eq3A_50 = vector.broadcast %broadcast_in_dim3A_49 : vector<256x1xf32> to vector<256x4096xf32>
    %eq3A_51 = arith.cmpf oeq, %select_n3A_46, %eq3A_50 : vector<256x4096xf32>
    %jit3A_52 = arith.constant 4096 : i32
    %broadcast_in_dim3A_53 = vector.broadcast %jit3A_52 : i32 to vector<256x4096xi32>
    %select_n3A_54 = arith.select %eq3A_51, %iota3A, %broadcast_in_dim3A_53 : vector<256x4096xi1>, vector<256x4096xi32>
    %reduce_min3A_55 = arith.constant dense<2147483647> : vector<256xi32>
    %reduce_min3A_56 = vector.multi_reduction <minsi>, %select_n3A_54, %reduce_min3A_55 [1] : vector<256x4096xi32> to vector<256xi32>
    %broadcast_in_dim3A_57 = vector.shape_cast %reduce_min3A_56 : vector<256xi32> to vector<256x1xi32>
    %eq3A_58 = vector.broadcast %broadcast_in_dim3A_57 : vector<256x1xi32> to vector<256x4096xi32>
    %eq3A_59 = arith.cmpi eq, %iota3A, %eq3A_58 : vector<256x4096xi32>
    %jit3A_60 = arith.constant 0x7F800000 : f32
    %broadcast_in_dim3A_61 = vector.broadcast %jit3A_60 : f32 to vector<256x4096xf32>
    %select_n3A_62 = arith.select %eq3A_59, %broadcast_in_dim3A_61, %select_n3A_46 : vector<256x4096xi1>, vector<256x4096xf32>
    %reduce_min3A_63 = arith.constant dense<0x7F800000> : vector<256xf32>
    %reduce_min3A_64 = vector.multi_reduction <minimumf>, %select_n3A_62, %reduce_min3A_63 [1] : vector<256x4096xf32> to vector<256xf32>
    %broadcast_in_dim3A_65 = vector.shape_cast %reduce_min3A_64 : vector<256xf32> to vector<256x1xf32>
    %eq3A_66 = vector.broadcast %broadcast_in_dim3A_65 : vector<256x1xf32> to vector<256x4096xf32>
    %eq3A_67 = arith.cmpf oeq, %select_n3A_62, %eq3A_66 : vector<256x4096xf32>
    %jit3A_68 = arith.constant 4096 : i32
    %broadcast_in_dim3A_69 = vector.broadcast %jit3A_68 : i32 to vector<256x4096xi32>
    %select_n3A_70 = arith.select %eq3A_67, %iota3A, %broadcast_in_dim3A_69 : vector<256x4096xi1>, vector<256x4096xi32>
    %reduce_min3A_71 = arith.constant dense<2147483647> : vector<256xi32>
    %reduce_min3A_72 = vector.multi_reduction <minsi>, %select_n3A_70, %reduce_min3A_71 [1] : vector<256x4096xi32> to vector<256xi32>
    %broadcast_in_dim3A_73 = vector.shape_cast %reduce_min3A_72 : vector<256xi32> to vector<256x1xi32>
    %eq3A_74 = vector.broadcast %broadcast_in_dim3A_73 : vector<256x1xi32> to vector<256x4096xi32>
    %eq3A_75 = arith.cmpi eq, %iota3A, %eq3A_74 : vector<256x4096xi32>
    %jit3A_76 = arith.constant 0x7F800000 : f32
    %broadcast_in_dim3A_77 = vector.broadcast %jit3A_76 : f32 to vector<256x4096xf32>
    %select_n3A_78 = arith.select %eq3A_75, %broadcast_in_dim3A_77, %select_n3A_62 : vector<256x4096xi1>, vector<256x4096xf32>
    %reduce_min3A_79 = arith.constant dense<0x7F800000> : vector<256xf32>
    %reduce_min3A_80 = vector.multi_reduction <minimumf>, %select_n3A_78, %reduce_min3A_79 [1] : vector<256x4096xf32> to vector<256xf32>
    %broadcast_in_dim3A_81 = vector.shape_cast %reduce_min3A_80 : vector<256xf32> to vector<256x1xf32>
    %eq3A_82 = vector.broadcast %broadcast_in_dim3A_81 : vector<256x1xf32> to vector<256x4096xf32>
    %eq3A_83 = arith.cmpf oeq, %select_n3A_78, %eq3A_82 : vector<256x4096xf32>
    %jit3A_84 = arith.constant 4096 : i32
    %broadcast_in_dim3A_85 = vector.broadcast %jit3A_84 : i32 to vector<256x4096xi32>
    %select_n3A_86 = arith.select %eq3A_83, %iota3A, %broadcast_in_dim3A_85 : vector<256x4096xi1>, vector<256x4096xi32>
    %reduce_min3A_87 = arith.constant dense<2147483647> : vector<256xi32>
    %reduce_min3A_88 = vector.multi_reduction <minsi>, %select_n3A_86, %reduce_min3A_87 [1] : vector<256x4096xi32> to vector<256xi32>
    %broadcast_in_dim3A_89 = vector.shape_cast %reduce_min3A_88 : vector<256xi32> to vector<256x1xi32>
    %eq3A_90 = vector.broadcast %broadcast_in_dim3A_89 : vector<256x1xi32> to vector<256x4096xi32>
    %eq3A_91 = arith.cmpi eq, %iota3A, %eq3A_90 : vector<256x4096xi32>
    %jit3A_92 = arith.constant 0x7F800000 : f32
    %broadcast_in_dim3A_93 = vector.broadcast %jit3A_92 : f32 to vector<256x4096xf32>
    %select_n3A_94 = arith.select %eq3A_91, %broadcast_in_dim3A_93, %select_n3A_78 : vector<256x4096xi1>, vector<256x4096xf32>
    %reduce_min3A_95 = arith.constant dense<0x7F800000> : vector<256xf32>
    %reduce_min3A_96 = vector.multi_reduction <minimumf>, %select_n3A_94, %reduce_min3A_95 [1] : vector<256x4096xf32> to vector<256xf32>
    %broadcast_in_dim3A_97 = vector.shape_cast %reduce_min3A_96 : vector<256xf32> to vector<256x1xf32>
    %eq3A_98 = vector.broadcast %broadcast_in_dim3A_97 : vector<256x1xf32> to vector<256x4096xf32>
    %eq3A_99 = arith.cmpf oeq, %select_n3A_94, %eq3A_98 : vector<256x4096xf32>
    %jit3A_100 = arith.constant 4096 : i32
    %broadcast_in_dim3A_101 = vector.broadcast %jit3A_100 : i32 to vector<256x4096xi32>
    %select_n3A_102 = arith.select %eq3A_99, %iota3A, %broadcast_in_dim3A_101 : vector<256x4096xi1>, vector<256x4096xi32>
    %reduce_min3A_103 = arith.constant dense<2147483647> : vector<256xi32>
    %reduce_min3A_104 = vector.multi_reduction <minsi>, %select_n3A_102, %reduce_min3A_103 [1] : vector<256x4096xi32> to vector<256xi32>
    %broadcast_in_dim3A_105 = vector.shape_cast %reduce_min3A_104 : vector<256xi32> to vector<256x1xi32>
    %eq3A_106 = vector.broadcast %broadcast_in_dim3A_105 : vector<256x1xi32> to vector<256x4096xi32>
    %eq3A_107 = arith.cmpi eq, %iota3A, %eq3A_106 : vector<256x4096xi32>
    %jit3A_108 = arith.constant 0x7F800000 : f32
    %broadcast_in_dim3A_109 = vector.broadcast %jit3A_108 : f32 to vector<256x4096xf32>
    %select_n3A_110 = arith.select %eq3A_107, %broadcast_in_dim3A_109, %select_n3A_94 : vector<256x4096xi1>, vector<256x4096xf32>
    %reduce_min3A_111 = arith.constant dense<0x7F800000> : vector<256xf32>
    %reduce_min3A_112 = vector.multi_reduction <minimumf>, %select_n3A_110, %reduce_min3A_111 [1] : vector<256x4096xf32> to vector<256xf32>
    %broadcast_in_dim3A_113 = vector.shape_cast %reduce_min3A_112 : vector<256xf32> to vector<256x1xf32>
    %eq3A_114 = vector.broadcast %broadcast_in_dim3A_113 : vector<256x1xf32> to vector<256x4096xf32>
    %eq3A_115 = arith.cmpf oeq, %select_n3A_110, %eq3A_114 : vector<256x4096xf32>
    %jit3A_116 = arith.constant 4096 : i32
    %broadcast_in_dim3A_117 = vector.broadcast %jit3A_116 : i32 to vector<256x4096xi32>
    %select_n3A_118 = arith.select %eq3A_115, %iota3A, %broadcast_in_dim3A_117 : vector<256x4096xi1>, vector<256x4096xi32>
    %reduce_min3A_119 = arith.constant dense<2147483647> : vector<256xi32>
    %reduce_min3A_120 = vector.multi_reduction <minsi>, %select_n3A_118, %reduce_min3A_119 [1] : vector<256x4096xi32> to vector<256xi32>
    %broadcast_in_dim3A_121 = vector.shape_cast %reduce_min3A_120 : vector<256xi32> to vector<256x1xi32>
    %eq3A_122 = vector.broadcast %broadcast_in_dim3A_121 : vector<256x1xi32> to vector<256x4096xi32>
    %eq3A_123 = arith.cmpi eq, %iota3A, %eq3A_122 : vector<256x4096xi32>
    %jit3A_124 = arith.constant 0x7F800000 : f32
    %broadcast_in_dim3A_125 = vector.broadcast %jit3A_124 : f32 to vector<256x4096xf32>
    %select_n3A_126 = arith.select %eq3A_123, %broadcast_in_dim3A_125, %select_n3A_110 : vector<256x4096xi1>, vector<256x4096xf32>
    %reduce_min3A_127 = arith.constant dense<0x7F800000> : vector<256xf32>
    %reduce_min3A_128 = vector.multi_reduction <minimumf>, %select_n3A_126, %reduce_min3A_127 [1] : vector<256x4096xf32> to vector<256xf32>
    %broadcast_in_dim3A_129 = vector.shape_cast %reduce_min3A_128 : vector<256xf32> to vector<256x1xf32>
    %eq3A_130 = vector.broadcast %broadcast_in_dim3A_129 : vector<256x1xf32> to vector<256x4096xf32>
    %eq3A_131 = arith.cmpf oeq, %select_n3A_126, %eq3A_130 : vector<256x4096xf32>
    %jit3A_132 = arith.constant 4096 : i32
    %broadcast_in_dim3A_133 = vector.broadcast %jit3A_132 : i32 to vector<256x4096xi32>
    %select_n3A_134 = arith.select %eq3A_131, %iota3A, %broadcast_in_dim3A_133 : vector<256x4096xi1>, vector<256x4096xi32>
    %reduce_min3A_135 = arith.constant dense<2147483647> : vector<256xi32>
    %reduce_min3A_136 = vector.multi_reduction <minsi>, %select_n3A_134, %reduce_min3A_135 [1] : vector<256x4096xi32> to vector<256xi32>
    %broadcast_in_dim3A_137 = vector.shape_cast %reduce_min3A_136 : vector<256xi32> to vector<256x1xi32>
    %eq3A_138 = vector.broadcast %broadcast_in_dim3A_137 : vector<256x1xi32> to vector<256x4096xi32>
    %eq3A_139 = arith.cmpi eq, %iota3A, %eq3A_138 : vector<256x4096xi32>
    %jit3A_140 = arith.constant 0x7F800000 : f32
    %broadcast_in_dim3A_141 = vector.broadcast %jit3A_140 : f32 to vector<256x4096xf32>
    %select_n3A_142 = arith.select %eq3A_139, %broadcast_in_dim3A_141, %select_n3A_126 : vector<256x4096xi1>, vector<256x4096xf32>
    %reduce_min3A_143 = arith.constant dense<0x7F800000> : vector<256xf32>
    %reduce_min3A_144 = vector.multi_reduction <minimumf>, %select_n3A_142, %reduce_min3A_143 [1] : vector<256x4096xf32> to vector<256xf32>
    %broadcast_in_dim3A_145 = vector.shape_cast %reduce_min3A_144 : vector<256xf32> to vector<256x1xf32>
    %eq3A_146 = vector.broadcast %broadcast_in_dim3A_145 : vector<256x1xf32> to vector<256x4096xf32>
    %eq3A_147 = arith.cmpf oeq, %select_n3A_142, %eq3A_146 : vector<256x4096xf32>
    %jit3A_148 = arith.constant 4096 : i32
    %broadcast_in_dim3A_149 = vector.broadcast %jit3A_148 : i32 to vector<256x4096xi32>
    %select_n3A_150 = arith.select %eq3A_147, %iota3A, %broadcast_in_dim3A_149 : vector<256x4096xi1>, vector<256x4096xi32>
    %reduce_min3A_151 = arith.constant dense<2147483647> : vector<256xi32>
    %reduce_min3A_152 = vector.multi_reduction <minsi>, %select_n3A_150, %reduce_min3A_151 [1] : vector<256x4096xi32> to vector<256xi32>
    %broadcast_in_dim3A_153 = vector.shape_cast %reduce_min3A_152 : vector<256xi32> to vector<256x1xi32>
    %eq3A_154 = vector.broadcast %broadcast_in_dim3A_153 : vector<256x1xi32> to vector<256x4096xi32>
    %eq3A_155 = arith.cmpi eq, %iota3A, %eq3A_154 : vector<256x4096xi32>
    %jit3A_156 = arith.constant 0x7F800000 : f32
    %broadcast_in_dim3A_157 = vector.broadcast %jit3A_156 : f32 to vector<256x4096xf32>
    %select_n3A_158 = arith.select %eq3A_155, %broadcast_in_dim3A_157, %select_n3A_142 : vector<256x4096xi1>, vector<256x4096xf32>
    %reduce_min3A_159 = arith.constant dense<0x7F800000> : vector<256xf32>
    %reduce_min3A_160 = vector.multi_reduction <minimumf>, %select_n3A_158, %reduce_min3A_159 [1] : vector<256x4096xf32> to vector<256xf32>
    %broadcast_in_dim3A_161 = vector.shape_cast %reduce_min3A_160 : vector<256xf32> to vector<256x1xf32>
    %eq3A_162 = vector.broadcast %broadcast_in_dim3A_161 : vector<256x1xf32> to vector<256x4096xf32>
    %eq3A_163 = arith.cmpf oeq, %select_n3A_158, %eq3A_162 : vector<256x4096xf32>
    %jit3A_164 = arith.constant 4096 : i32
    %broadcast_in_dim3A_165 = vector.broadcast %jit3A_164 : i32 to vector<256x4096xi32>
    %select_n3A_166 = arith.select %eq3A_163, %iota3A, %broadcast_in_dim3A_165 : vector<256x4096xi1>, vector<256x4096xi32>
    %reduce_min3A_167 = arith.constant dense<2147483647> : vector<256xi32>
    %reduce_min3A_168 = vector.multi_reduction <minsi>, %select_n3A_166, %reduce_min3A_167 [1] : vector<256x4096xi32> to vector<256xi32>
    %broadcast_in_dim3A_169 = vector.shape_cast %reduce_min3A_168 : vector<256xi32> to vector<256x1xi32>
    %eq3A_170 = vector.broadcast %broadcast_in_dim3A_169 : vector<256x1xi32> to vector<256x4096xi32>
    %eq3A_171 = arith.cmpi eq, %iota3A, %eq3A_170 : vector<256x4096xi32>
    %jit3A_172 = arith.constant 0x7F800000 : f32
    %broadcast_in_dim3A_173 = vector.broadcast %jit3A_172 : f32 to vector<256x4096xf32>
    %select_n3A_174 = arith.select %eq3A_171, %broadcast_in_dim3A_173, %select_n3A_158 : vector<256x4096xi1>, vector<256x4096xf32>
    %reduce_min3A_175 = arith.constant dense<0x7F800000> : vector<256xf32>
    %reduce_min3A_176 = vector.multi_reduction <minimumf>, %select_n3A_174, %reduce_min3A_175 [1] : vector<256x4096xf32> to vector<256xf32>
    %broadcast_in_dim3A_177 = vector.shape_cast %reduce_min3A_176 : vector<256xf32> to vector<256x1xf32>
    %eq3A_178 = vector.broadcast %broadcast_in_dim3A_177 : vector<256x1xf32> to vector<256x4096xf32>
    %eq3A_179 = arith.cmpf oeq, %select_n3A_174, %eq3A_178 : vector<256x4096xf32>
    %jit3A_180 = arith.constant 4096 : i32
    %broadcast_in_dim3A_181 = vector.broadcast %jit3A_180 : i32 to vector<256x4096xi32>
    %select_n3A_182 = arith.select %eq3A_179, %iota3A, %broadcast_in_dim3A_181 : vector<256x4096xi1>, vector<256x4096xi32>
    %reduce_min3A_183 = arith.constant dense<2147483647> : vector<256xi32>
    %reduce_min3A_184 = vector.multi_reduction <minsi>, %select_n3A_182, %reduce_min3A_183 [1] : vector<256x4096xi32> to vector<256xi32>
    %broadcast_in_dim3A_185 = vector.shape_cast %reduce_min3A_184 : vector<256xi32> to vector<256x1xi32>
    %eq3A_186 = vector.broadcast %broadcast_in_dim3A_185 : vector<256x1xi32> to vector<256x4096xi32>
    %eq3A_187 = arith.cmpi eq, %iota3A, %eq3A_186 : vector<256x4096xi32>
    %jit3A_188 = arith.constant 0x7F800000 : f32
    %broadcast_in_dim3A_189 = vector.broadcast %jit3A_188 : f32 to vector<256x4096xf32>
    %select_n3A_190 = arith.select %eq3A_187, %broadcast_in_dim3A_189, %select_n3A_174 : vector<256x4096xi1>, vector<256x4096xf32>
    %reduce_min3A_191 = arith.constant dense<0x7F800000> : vector<256xf32>
    %reduce_min3A_192 = vector.multi_reduction <minimumf>, %select_n3A_190, %reduce_min3A_191 [1] : vector<256x4096xf32> to vector<256xf32>
    %broadcast_in_dim3A_193 = vector.shape_cast %reduce_min3A_192 : vector<256xf32> to vector<256x1xf32>
    %eq3A_194 = vector.broadcast %broadcast_in_dim3A_193 : vector<256x1xf32> to vector<256x4096xf32>
    %eq3A_195 = arith.cmpf oeq, %select_n3A_190, %eq3A_194 : vector<256x4096xf32>
    %jit3A_196 = arith.constant 4096 : i32
    %broadcast_in_dim3A_197 = vector.broadcast %jit3A_196 : i32 to vector<256x4096xi32>
    %select_n3A_198 = arith.select %eq3A_195, %iota3A, %broadcast_in_dim3A_197 : vector<256x4096xi1>, vector<256x4096xi32>
    %reduce_min3A_199 = arith.constant dense<2147483647> : vector<256xi32>
    %reduce_min3A_200 = vector.multi_reduction <minsi>, %select_n3A_198, %reduce_min3A_199 [1] : vector<256x4096xi32> to vector<256xi32>
    %broadcast_in_dim3A_201 = vector.shape_cast %reduce_min3A_200 : vector<256xi32> to vector<256x1xi32>
    %eq3A_202 = vector.broadcast %broadcast_in_dim3A_201 : vector<256x1xi32> to vector<256x4096xi32>
    %eq3A_203 = arith.cmpi eq, %iota3A, %eq3A_202 : vector<256x4096xi32>
    %jit3A_204 = arith.constant 0x7F800000 : f32
    %broadcast_in_dim3A_205 = vector.broadcast %jit3A_204 : f32 to vector<256x4096xf32>
    %select_n3A_206 = arith.select %eq3A_203, %broadcast_in_dim3A_205, %select_n3A_190 : vector<256x4096xi1>, vector<256x4096xf32>
    %reduce_min3A_207 = arith.constant dense<0x7F800000> : vector<256xf32>
    %reduce_min3A_208 = vector.multi_reduction <minimumf>, %select_n3A_206, %reduce_min3A_207 [1] : vector<256x4096xf32> to vector<256xf32>
    %broadcast_in_dim3A_209 = vector.shape_cast %reduce_min3A_208 : vector<256xf32> to vector<256x1xf32>
    %eq3A_210 = vector.broadcast %broadcast_in_dim3A_209 : vector<256x1xf32> to vector<256x4096xf32>
    %eq3A_211 = arith.cmpf oeq, %select_n3A_206, %eq3A_210 : vector<256x4096xf32>
    %jit3A_212 = arith.constant 4096 : i32
    %broadcast_in_dim3A_213 = vector.broadcast %jit3A_212 : i32 to vector<256x4096xi32>
    %select_n3A_214 = arith.select %eq3A_211, %iota3A, %broadcast_in_dim3A_213 : vector<256x4096xi1>, vector<256x4096xi32>
    %reduce_min3A_215 = arith.constant dense<2147483647> : vector<256xi32>
    %reduce_min3A_216 = vector.multi_reduction <minsi>, %select_n3A_214, %reduce_min3A_215 [1] : vector<256x4096xi32> to vector<256xi32>
    %broadcast_in_dim3A_217 = vector.shape_cast %reduce_min3A_216 : vector<256xi32> to vector<256x1xi32>
    %eq3A_218 = vector.broadcast %broadcast_in_dim3A_217 : vector<256x1xi32> to vector<256x4096xi32>
    %eq3A_219 = arith.cmpi eq, %iota3A, %eq3A_218 : vector<256x4096xi32>
    %jit3A_220 = arith.constant 0x7F800000 : f32
    %broadcast_in_dim3A_221 = vector.broadcast %jit3A_220 : f32 to vector<256x4096xf32>
    %select_n3A_222 = arith.select %eq3A_219, %broadcast_in_dim3A_221, %select_n3A_206 : vector<256x4096xi1>, vector<256x4096xf32>
    %reduce_min3A_223 = arith.constant dense<0x7F800000> : vector<256xf32>
    %reduce_min3A_224 = vector.multi_reduction <minimumf>, %select_n3A_222, %reduce_min3A_223 [1] : vector<256x4096xf32> to vector<256xf32>
    %broadcast_in_dim3A_225 = vector.shape_cast %reduce_min3A_224 : vector<256xf32> to vector<256x1xf32>
    %eq3A_226 = vector.broadcast %broadcast_in_dim3A_225 : vector<256x1xf32> to vector<256x4096xf32>
    %eq3A_227 = arith.cmpf oeq, %select_n3A_222, %eq3A_226 : vector<256x4096xf32>
    %jit3A_228 = arith.constant 4096 : i32
    %broadcast_in_dim3A_229 = vector.broadcast %jit3A_228 : i32 to vector<256x4096xi32>
    %select_n3A_230 = arith.select %eq3A_227, %iota3A, %broadcast_in_dim3A_229 : vector<256x4096xi1>, vector<256x4096xi32>
    %reduce_min3A_231 = arith.constant dense<2147483647> : vector<256xi32>
    %reduce_min3A_232 = vector.multi_reduction <minsi>, %select_n3A_230, %reduce_min3A_231 [1] : vector<256x4096xi32> to vector<256xi32>
    %broadcast_in_dim3A_233 = vector.shape_cast %reduce_min3A_232 : vector<256xi32> to vector<256x1xi32>
    %eq3A_234 = vector.broadcast %broadcast_in_dim3A_233 : vector<256x1xi32> to vector<256x4096xi32>
    %eq3A_235 = arith.cmpi eq, %iota3A, %eq3A_234 : vector<256x4096xi32>
    %jit3A_236 = arith.constant 0x7F800000 : f32
    %broadcast_in_dim3A_237 = vector.broadcast %jit3A_236 : f32 to vector<256x4096xf32>
    %select_n3A_238 = arith.select %eq3A_235, %broadcast_in_dim3A_237, %select_n3A_222 : vector<256x4096xi1>, vector<256x4096xf32>
    %reduce_min3A_239 = arith.constant dense<0x7F800000> : vector<256xf32>
    %reduce_min3A_240 = vector.multi_reduction <minimumf>, %select_n3A_238, %reduce_min3A_239 [1] : vector<256x4096xf32> to vector<256xf32>
    %broadcast_in_dim3A_241 = vector.shape_cast %reduce_min3A_240 : vector<256xf32> to vector<256x1xf32>
    %eq3A_242 = vector.broadcast %broadcast_in_dim3A_241 : vector<256x1xf32> to vector<256x4096xf32>
    %eq3A_243 = arith.cmpf oeq, %select_n3A_238, %eq3A_242 : vector<256x4096xf32>
    %jit3A_244 = arith.constant 4096 : i32
    %broadcast_in_dim3A_245 = vector.broadcast %jit3A_244 : i32 to vector<256x4096xi32>
    %select_n3A_246 = arith.select %eq3A_243, %iota3A, %broadcast_in_dim3A_245 : vector<256x4096xi1>, vector<256x4096xi32>
    %reduce_min3A_247 = arith.constant dense<2147483647> : vector<256xi32>
    %reduce_min3A_248 = vector.multi_reduction <minsi>, %select_n3A_246, %reduce_min3A_247 [1] : vector<256x4096xi32> to vector<256xi32>
    %broadcast_in_dim3A_249 = vector.shape_cast %reduce_min3A_248 : vector<256xi32> to vector<256x1xi32>
    %eq3A_250 = vector.broadcast %broadcast_in_dim3A_249 : vector<256x1xi32> to vector<256x4096xi32>
    %eq3A_251 = arith.cmpi eq, %iota3A, %eq3A_250 : vector<256x4096xi32>
    %jit3A_252 = arith.constant 0x7F800000 : f32
    %broadcast_in_dim3A_253 = vector.broadcast %jit3A_252 : f32 to vector<256x4096xf32>
    %select_n3A_254 = arith.select %eq3A_251, %broadcast_in_dim3A_253, %select_n3A_238 : vector<256x4096xi1>, vector<256x4096xf32>
    %reduce_min3A_255 = arith.constant dense<0x7F800000> : vector<256xf32>
    %reduce_min3A_256 = vector.multi_reduction <minimumf>, %select_n3A_254, %reduce_min3A_255 [1] : vector<256x4096xf32> to vector<256xf32>
    %broadcast_in_dim3A_257 = vector.shape_cast %reduce_min3A_256 : vector<256xf32> to vector<256x1xf32>
    %eq3A_258 = vector.broadcast %broadcast_in_dim3A_257 : vector<256x1xf32> to vector<256x4096xf32>
    %eq3A_259 = arith.cmpf oeq, %select_n3A_254, %eq3A_258 : vector<256x4096xf32>
    %jit3A_260 = arith.constant 4096 : i32
    %broadcast_in_dim3A_261 = vector.broadcast %jit3A_260 : i32 to vector<256x4096xi32>
    %select_n3A_262 = arith.select %eq3A_259, %iota3A, %broadcast_in_dim3A_261 : vector<256x4096xi1>, vector<256x4096xi32>
    %reduce_min3A_263 = arith.constant dense<2147483647> : vector<256xi32>
    %reduce_min3A_264 = vector.multi_reduction <minsi>, %select_n3A_262, %reduce_min3A_263 [1] : vector<256x4096xi32> to vector<256xi32>
    %stack3A = vector.shape_cast %reduce_min3A_24 : vector<256xi32> to vector<256x1xi32>
    %stack3A_265 = vector.shape_cast %reduce_min3A_40 : vector<256xi32> to vector<256x1xi32>
    %stack3A_266 = vector.shape_cast %reduce_min3A_56 : vector<256xi32> to vector<256x1xi32>
    %stack3A_267 = vector.shape_cast %reduce_min3A_72 : vector<256xi32> to vector<256x1xi32>
    %stack3A_268 = vector.shape_cast %reduce_min3A_88 : vector<256xi32> to vector<256x1xi32>
    %stack3A_269 = vector.shape_cast %reduce_min3A_104 : vector<256xi32> to vector<256x1xi32>
    %stack3A_270 = vector.shape_cast %reduce_min3A_120 : vector<256xi32> to vector<256x1xi32>
    %stack3A_271 = vector.shape_cast %reduce_min3A_136 : vector<256xi32> to vector<256x1xi32>
    %stack3A_272 = vector.shape_cast %reduce_min3A_152 : vector<256xi32> to vector<256x1xi32>
    %stack3A_273 = vector.shape_cast %reduce_min3A_168 : vector<256xi32> to vector<256x1xi32>
    %stack3A_274 = vector.shape_cast %reduce_min3A_184 : vector<256xi32> to vector<256x1xi32>
    %stack3A_275 = vector.shape_cast %reduce_min3A_200 : vector<256xi32> to vector<256x1xi32>
    %stack3A_276 = vector.shape_cast %reduce_min3A_216 : vector<256xi32> to vector<256x1xi32>
    %stack3A_277 = vector.shape_cast %reduce_min3A_232 : vector<256xi32> to vector<256x1xi32>
    %stack3A_278 = vector.shape_cast %reduce_min3A_248 : vector<256xi32> to vector<256x1xi32>
    %stack3A_279 = vector.shape_cast %reduce_min3A_264 : vector<256xi32> to vector<256x1xi32>
    %stack3A_280 = tpu.concatenate %stack3A, %stack3A_265, %stack3A_266, %stack3A_267, %stack3A_268, %stack3A_269, %stack3A_270, %stack3A_271, %stack3A_272, %stack3A_273, %stack3A_274, %stack3A_275, %stack3A_276, %stack3A_277, %stack3A_278, %stack3A_279 in 1 : vector<256x1xi32>, vector<256x1xi32>, vector<256x1xi32>, vector<256x1xi32>, vector<256x1xi32>, vector<256x1xi32>, vector<256x1xi32>, vector<256x1xi32>, vector<256x1xi32>, vector<256x1xi32>, vector<256x1xi32>, vector<256x1xi32>, vector<256x1xi32>, vector<256x1xi32>, vector<256x1xi32>, vector<256x1xi32> -> vector<256x16xi32>
    %mul3A_281 = arith.constant 4096 : i32
    %mul3A_282 = arith.muli %arg0, %mul3A_281 : i32
    %add3A_283 = vector.broadcast %mul3A_282 : i32 to vector<256x16xi32>
    %add3A_284 = arith.addi %stack3A_280, %add3A_283 : vector<256x16xi32>
    %swap3A = arith.constant 0 : index
    %swap3A_285 = arith.constant 0 : index
    %swap3A_286 = arith.constant 0 : index
    %swap3A_287 = vector.load %arg4[%swap3A, %swap3A_285, %swap3A_286] : memref<1x256x16xi32, #tpu.memory_space<vmem>>, vector<1x256x16xi32>
    %swap3A_288 = vector.shape_cast %swap3A_287 : vector<1x256x16xi32> to vector<256x16xi32>
    %swap3A_289 = vector.shape_cast %add3A_284 : vector<256x16xi32> to vector<1x256x16xi32>
    tpu.vector_store %arg4[%swap3A, %swap3A_285, %swap3A_286], %swap3A_289 {strides = array<i32>} : memref<1x256x16xi32, #tpu.memory_space<vmem>>, vector<1x256x16xi32>,
    return
  }
  func.func @transform_0(%arg0: i32, %arg1: i32) -> (i32, i32, i32) {
    %c0_i32 = arith.constant 0 : i32
    %c0_i32_0 = arith.constant 0 : i32
    return %arg0, %arg1, %c0_i32 : i32, i32, i32
  }
  func.func @transform_1(%arg0: i32, %arg1: i32) -> (i32, i32, i32) {
    %c0_i32 = arith.constant 0 : i32
    %c0_i32_0 = arith.constant 0 : i32
    %c0_i32_1 = arith.constant 0 : i32
    return %arg0, %c0_i32, %c0_i32_0 : i32, i32, i32
  }
  func.func @transform_2(%arg0: i32, %arg1: i32) -> (i32, i32, i32) {
    %c0_i32 = arith.constant 0 : i32
    %c0_i32_0 = arith.constant 0 : i32
    return %arg0, %arg1, %c0_i32 : i32, i32, i32
  }
}

module attributes {stable_mosaic.version = 14 : i64} {
  func.func @_prep_body(%arg0: i32, %arg1: memref<512x64xf32, #tpu.memory_space<vmem>>, %arg2: memref<512x1xf32, #tpu.memory_space<vmem>>, %arg3: memref<64x64xf32, #tpu.memory_space<vmem>>, %arg4: memref<1x64xf32, #tpu.memory_space<vmem>>, %arg5: memref<64x64xf32, #tpu.memory_space<vmem>>, %arg6: memref<512x64xf32, #tpu.memory_space<vmem>>, %arg7: memref<512x72xf32, #tpu.memory_space<vmem>>) attributes {dimension_semantics = [#tpu.dimension_semantics<arbitrary>], iteration_bounds = array<i64: 16>, scalar_prefetch = 0 : i64, scratch_operands = 0 : i64, tpu.core_type = #tpu.core_type<tc>, window_params = [{transform_indices = @transform_0, window_bounds = array<i64: 512, 64>}, {transform_indices = @transform_1, window_bounds = array<i64: 512, 1>}, {pipeline_mode = #tpu.pipeline_mode<synchronous>, transform_indices = @transform_2, window_bounds = array<i64: 64, 64>}, {pipeline_mode = #tpu.pipeline_mode<synchronous>, transform_indices = @transform_3, window_bounds = array<i64: 1, 64>}, {pipeline_mode = #tpu.pipeline_mode<synchronous>, transform_indices = @transform_4, window_bounds = array<i64: 64, 64>}, {transform_indices = @transform_5, window_bounds = array<i64: 512, 64>}, {transform_indices = @transform_6, window_bounds = array<i64: 512, 72>}]} {
    %get3A = arith.constant 0 : index
    %get3A_0 = arith.constant 0 : index
    %get3A_1 = vector.load %arg1[%get3A, %get3A_0] : memref<512x64xf32, #tpu.memory_space<vmem>>, vector<512x64xf32>
    %get3A_2 = arith.constant 0 : index
    %get3A_3 = arith.constant 0 : index
    %get3A_4 = vector.load %arg3[%get3A_2, %get3A_3] : memref<64x64xf32, #tpu.memory_space<vmem>>, vector<64x64xf32>
    %dot_general3A = arith.constant dense<0.000000e+00> : vector<512x64xf32>
    %dot_general3A_5 = tpu.matmul %get3A_1, %get3A_4, %dot_general3A {dimension_numbers = #tpu.dot_dimension_numbers<[1], [0], [0], [1], [0, 0, 1, 1], [], []>, transpose_lhs_hint = false} : vector<512x64xf32>, vector<64x64xf32>, vector<512x64xf32> -> vector<512x64xf32>
    %get3A_6 = arith.constant 0 : index
    %get3A_7 = arith.constant 0 : index
    %get3A_8 = vector.load %arg4[%get3A_6, %get3A_7] : memref<1x64xf32, #tpu.memory_space<vmem>>, vector<1x64xf32>
    %add3A = vector.broadcast %get3A_8 : vector<1x64xf32> to vector<512x64xf32>
    %add3A_9 = arith.addf %dot_general3A_5, %add3A : vector<512x64xf32>
    %swap3A = arith.constant 0 : index
    %swap3A_10 = arith.constant 0 : index
    %swap3A_11 = vector.load %arg6[%swap3A, %swap3A_10] : memref<512x64xf32, #tpu.memory_space<vmem>>, vector<512x64xf32>
    tpu.vector_store %arg6[%swap3A, %swap3A_10], %add3A_9 {strides = array<i32>} : memref<512x64xf32, #tpu.memory_space<vmem>>, vector<512x64xf32>,
    %get3A_12 = arith.constant 0 : index
    %get3A_13 = arith.constant 0 : index
    %get3A_14 = vector.load %arg5[%get3A_12, %get3A_13] : memref<64x64xf32, #tpu.memory_space<vmem>>, vector<64x64xf32>
    %dot_general3A_15 = arith.constant dense<0.000000e+00> : vector<512x64xf32>
    %dot_general3A_16 = tpu.matmul %get3A_1, %get3A_14, %dot_general3A_15 {dimension_numbers = #tpu.dot_dimension_numbers<[1], [0], [0], [1], [0, 0, 1, 1], [], []>, transpose_lhs_hint = false} : vector<512x64xf32>, vector<64x64xf32>, vector<512x64xf32> -> vector<512x64xf32>
    %broadcast_in_dim3A = arith.constant 0.000000e+00 : f32
    %broadcast_in_dim3A_17 = vector.broadcast %broadcast_in_dim3A : f32 to vector<512x7xf32>
    %get3A_18 = arith.constant 0 : index
    %get3A_19 = arith.constant 0 : index
    %get3A_20 = vector.load %arg2[%get3A_18, %get3A_19] : memref<512x1xf32, #tpu.memory_space<vmem>>, vector<512x1xf32>
    %concatenate3A = tpu.concatenate %dot_general3A_16, %get3A_20, %broadcast_in_dim3A_17 in 1 : vector<512x64xf32>, vector<512x1xf32>, vector<512x7xf32> -> vector<512x72xf32>
    %swap3A_21 = arith.constant 0 : index
    %swap3A_22 = arith.constant 0 : index
    %swap3A_23 = vector.load %arg7[%swap3A_21, %swap3A_22] : memref<512x72xf32, #tpu.memory_space<vmem>>, vector<512x72xf32>
    tpu.vector_store %arg7[%swap3A_21, %swap3A_22], %concatenate3A {strides = array<i32>} : memref<512x72xf32, #tpu.memory_space<vmem>>, vector<512x72xf32>,
    return
  }
  func.func @transform_0(%arg0: i32) -> (i32, i32) {
    %c0_i32 = arith.constant 0 : i32
    %c0_i32_0 = arith.constant 0 : i32
    return %arg0, %c0_i32 : i32, i32
  }
  func.func @transform_1(%arg0: i32) -> (i32, i32) {
    %c0_i32 = arith.constant 0 : i32
    %c0_i32_0 = arith.constant 0 : i32
    return %arg0, %c0_i32 : i32, i32
  }
  func.func @transform_2(%arg0: i32) -> (i32, i32) {
    %c0_i32 = arith.constant 0 : i32
    %c0_i32_0 = arith.constant 0 : i32
    %c0_i32_1 = arith.constant 0 : i32
    return %c0_i32, %c0_i32_0 : i32, i32
  }
  func.func @transform_3(%arg0: i32) -> (i32, i32) {
    %c0_i32 = arith.constant 0 : i32
    %c0_i32_0 = arith.constant 0 : i32
    %c0_i32_1 = arith.constant 0 : i32
    return %c0_i32, %c0_i32_0 : i32, i32
  }
  func.func @transform_4(%arg0: i32) -> (i32, i32) {
    %c0_i32 = arith.constant 0 : i32
    %c0_i32_0 = arith.constant 0 : i32
    %c0_i32_1 = arith.constant 0 : i32
    return %c0_i32, %c0_i32_0 : i32, i32
  }
  func.func @transform_5(%arg0: i32) -> (i32, i32) {
    %c0_i32 = arith.constant 0 : i32
    %c0_i32_0 = arith.constant 0 : i32
    return %arg0, %c0_i32 : i32, i32
  }
  func.func @transform_6(%arg0: i32) -> (i32, i32) {
    %c0_i32 = arith.constant 0 : i32
    %c0_i32_0 = arith.constant 0 : i32
    return %arg0, %c0_i32 : i32, i32
  }
}

module attributes {stable_mosaic.version = 14 : i64} {
  func.func @_edge_mlp_body(%arg0: i32, %arg1: memref<8192x1xf32, #tpu.memory_space<vmem>>, %arg2: memref<8192x1xf32, #tpu.memory_space<vmem>>, %arg3: memref<1x64xf32, #tpu.memory_space<vmem>>, %arg4: memref<1x64xf32, #tpu.memory_space<vmem>>, %arg5: memref<64x128xf32, #tpu.memory_space<vmem>>, %arg6: memref<1x128xf32, #tpu.memory_space<vmem>>, %arg7: memref<128x32xf32, #tpu.memory_space<vmem>>, %arg8: memref<1x32xf32, #tpu.memory_space<vmem>>, %arg9: memref<32x1xf32, #tpu.memory_space<vmem>>, %arg10: memref<1x1xf32, #tpu.memory_space<vmem>>, %arg11: memref<1x64xf32, #tpu.memory_space<vmem>>, %arg12: memref<1x64xf32, #tpu.memory_space<vmem>>, %arg13: memref<64x128xf32, #tpu.memory_space<vmem>>, %arg14: memref<1x128xf32, #tpu.memory_space<vmem>>, %arg15: memref<128x32xf32, #tpu.memory_space<vmem>>, %arg16: memref<1x32xf32, #tpu.memory_space<vmem>>, %arg17: memref<32x1xf32, #tpu.memory_space<vmem>>, %arg18: memref<1x1xf32, #tpu.memory_space<vmem>>, %arg19: memref<8192x1xf32, #tpu.memory_space<vmem>>) attributes {dimension_semantics = [#tpu.dimension_semantics<arbitrary>], iteration_bounds = array<i64: 15>, scalar_prefetch = 0 : i64, scratch_operands = 0 : i64, tpu.core_type = #tpu.core_type<tc>, window_params = [{transform_indices = @transform_0, window_bounds = array<i64: 8192, 1>}, {transform_indices = @transform_1, window_bounds = array<i64: 8192, 1>}, {pipeline_mode = #tpu.pipeline_mode<synchronous>, transform_indices = @transform_2, window_bounds = array<i64: 1, 64>}, {pipeline_mode = #tpu.pipeline_mode<synchronous>, transform_indices = @transform_3, window_bounds = array<i64: 1, 64>}, {pipeline_mode = #tpu.pipeline_mode<synchronous>, transform_indices = @transform_4, window_bounds = array<i64: 64, 128>}, {pipeline_mode = #tpu.pipeline_mode<synchronous>, transform_indices = @transform_5, window_bounds = array<i64: 1, 128>}, {pipeline_mode = #tpu.pipeline_mode<synchronous>, transform_indices = @transform_6, window_bounds = array<i64: 128, 32>}, {pipeline_mode = #tpu.pipeline_mode<synchronous>, transform_indices = @transform_7, window_bounds = array<i64: 1, 32>}, {pipeline_mode = #tpu.pipeline_mode<synchronous>, transform_indices = @transform_8, window_bounds = array<i64: 32, 1>}, {pipeline_mode = #tpu.pipeline_mode<synchronous>, transform_indices = @transform_9, window_bounds = array<i64: 1, 1>}, {pipeline_mode = #tpu.pipeline_mode<synchronous>, transform_indices = @transform_10, window_bounds = array<i64: 1, 64>}, {pipeline_mode = #tpu.pipeline_mode<synchronous>, transform_indices = @transform_11, window_bounds = array<i64: 1, 64>}, {pipeline_mode = #tpu.pipeline_mode<synchronous>, transform_indices = @transform_12, window_bounds = array<i64: 64, 128>}, {pipeline_mode = #tpu.pipeline_mode<synchronous>, transform_indices = @transform_13, window_bounds = array<i64: 1, 128>}, {pipeline_mode = #tpu.pipeline_mode<synchronous>, transform_indices = @transform_14, window_bounds = array<i64: 128, 32>}, {pipeline_mode = #tpu.pipeline_mode<synchronous>, transform_indices = @transform_15, window_bounds = array<i64: 1, 32>}, {pipeline_mode = #tpu.pipeline_mode<synchronous>, transform_indices = @transform_16, window_bounds = array<i64: 32, 1>}, {pipeline_mode = #tpu.pipeline_mode<synchronous>, transform_indices = @transform_17, window_bounds = array<i64: 1, 1>}, {transform_indices = @transform_18, window_bounds = array<i64: 8192, 1>}]} {
    %get3A = arith.constant 0 : index
    %get3A_0 = arith.constant 0 : index
    %get3A_1 = vector.load %arg3[%get3A, %get3A_0] : memref<1x64xf32, #tpu.memory_space<vmem>>, vector<1x64xf32>
    %get3A_2 = arith.constant 0 : index
    %get3A_3 = arith.constant 0 : index
    %get3A_4 = vector.load %arg4[%get3A_2, %get3A_3] : memref<1x64xf32, #tpu.memory_space<vmem>>, vector<1x64xf32>
    %get3A_5 = arith.constant 0 : index
    %get3A_6 = arith.constant 0 : index
    %get3A_7 = vector.load %arg5[%get3A_5, %get3A_6] : memref<64x128xf32, #tpu.memory_space<vmem>>, vector<64x128xf32>
    %get3A_8 = arith.constant 0 : index
    %get3A_9 = arith.constant 0 : index
    %get3A_10 = vector.load %arg6[%get3A_8, %get3A_9] : memref<1x128xf32, #tpu.memory_space<vmem>>, vector<1x128xf32>
    %get3A_11 = arith.constant 0 : index
    %get3A_12 = arith.constant 0 : index
    %get3A_13 = vector.load %arg7[%get3A_11, %get3A_12] : memref<128x32xf32, #tpu.memory_space<vmem>>, vector<128x32xf32>
    %get3A_14 = arith.constant 0 : index
    %get3A_15 = arith.constant 0 : index
    %get3A_16 = vector.load %arg8[%get3A_14, %get3A_15] : memref<1x32xf32, #tpu.memory_space<vmem>>, vector<1x32xf32>
    %get3A_17 = arith.constant 0 : index
    %get3A_18 = arith.constant 0 : index
    %get3A_19 = vector.load %arg9[%get3A_17, %get3A_18] : memref<32x1xf32, #tpu.memory_space<vmem>>, vector<32x1xf32>
    %get3A_20 = arith.constant 0 : index
    %get3A_21 = arith.constant 0 : index
    %get3A_22 = vector.load %arg10[%get3A_20, %get3A_21] : memref<1x1xf32, #tpu.memory_space<vmem>>, vector<1x1xf32>
    %get3A_23 = arith.constant 0 : index
    %get3A_24 = arith.constant 0 : index
    %get3A_25 = vector.load %arg11[%get3A_23, %get3A_24] : memref<1x64xf32, #tpu.memory_space<vmem>>, vector<1x64xf32>
    %get3A_26 = arith.constant 0 : index
    %get3A_27 = arith.constant 0 : index
    %get3A_28 = vector.load %arg12[%get3A_26, %get3A_27] : memref<1x64xf32, #tpu.memory_space<vmem>>, vector<1x64xf32>
    %get3A_29 = arith.constant 0 : index
    %get3A_30 = arith.constant 0 : index
    %get3A_31 = vector.load %arg13[%get3A_29, %get3A_30] : memref<64x128xf32, #tpu.memory_space<vmem>>, vector<64x128xf32>
    %get3A_32 = arith.constant 0 : index
    %get3A_33 = arith.constant 0 : index
    %get3A_34 = vector.load %arg14[%get3A_32, %get3A_33] : memref<1x128xf32, #tpu.memory_space<vmem>>, vector<1x128xf32>
    %get3A_35 = arith.constant 0 : index
    %get3A_36 = arith.constant 0 : index
    %get3A_37 = vector.load %arg15[%get3A_35, %get3A_36] : memref<128x32xf32, #tpu.memory_space<vmem>>, vector<128x32xf32>
    %get3A_38 = arith.constant 0 : index
    %get3A_39 = arith.constant 0 : index
    %get3A_40 = vector.load %arg16[%get3A_38, %get3A_39] : memref<1x32xf32, #tpu.memory_space<vmem>>, vector<1x32xf32>
    %get3A_41 = arith.constant 0 : index
    %get3A_42 = arith.constant 0 : index
    %get3A_43 = vector.load %arg17[%get3A_41, %get3A_42] : memref<32x1xf32, #tpu.memory_space<vmem>>, vector<32x1xf32>
    %get3A_44 = arith.constant 0 : index
    %get3A_45 = arith.constant 0 : index
    %get3A_46 = vector.load %arg18[%get3A_44, %get3A_45] : memref<1x1xf32, #tpu.memory_space<vmem>>, vector<1x1xf32>
    %get3A_47 = arith.constant 0 : index
    %get3A_48 = arith.constant 0 : index
    %get3A_49 = vector.load %arg1[%get3A_47, %get3A_48] : memref<8192x1xf32, #tpu.memory_space<vmem>>, vector<8192x1xf32>
    %mul3A = vector.broadcast %get3A_49 : vector<8192x1xf32> to vector<8192x64xf32>
    %mul3A_50 = vector.broadcast %get3A_1 : vector<1x64xf32> to vector<8192x64xf32>
    %mul3A_51 = arith.mulf %mul3A, %mul3A_50 : vector<8192x64xf32>
    %add3A = vector.broadcast %get3A_4 : vector<1x64xf32> to vector<8192x64xf32>
    %add3A_52 = arith.addf %mul3A_51, %add3A : vector<8192x64xf32>
    %ge3A = arith.constant 0.000000e+00 : f32
    %ge3A_53 = vector.broadcast %ge3A : f32 to vector<8192x64xf32>
    %ge3A_54 = arith.cmpf oge, %add3A_52, %ge3A_53 : vector<8192x64xf32>
    %mul3A_55 = arith.constant -5.000000e-01 : f32
    %mul3A_56 = vector.broadcast %mul3A_55 : f32 to vector<8192x64xf32>
    %mul3A_57 = arith.mulf %mul3A_56, %add3A_52 : vector<8192x64xf32>
    %select_n3A = arith.select %ge3A_54, %add3A_52, %mul3A_57 : vector<8192x64xi1>, vector<8192x64xf32>
    %dot_general3A = arith.constant dense<0.000000e+00> : vector<8192x128xf32>
    %dot_general3A_58 = tpu.matmul %select_n3A, %get3A_7, %dot_general3A {dimension_numbers = #tpu.dot_dimension_numbers<[1], [0], [0], [1], [0, 0, 1, 1], [], []>, transpose_lhs_hint = false} : vector<8192x64xf32>, vector<64x128xf32>, vector<8192x128xf32> -> vector<8192x128xf32>
    %add3A_59 = vector.broadcast %get3A_10 : vector<1x128xf32> to vector<8192x128xf32>
    %add3A_60 = arith.addf %dot_general3A_58, %add3A_59 : vector<8192x128xf32>
    %ge3A_61 = arith.constant 0.000000e+00 : f32
    %ge3A_62 = vector.broadcast %ge3A_61 : f32 to vector<8192x128xf32>
    %ge3A_63 = arith.cmpf oge, %add3A_60, %ge3A_62 : vector<8192x128xf32>
    %mul3A_64 = arith.constant -5.000000e-01 : f32
    %mul3A_65 = vector.broadcast %mul3A_64 : f32 to vector<8192x128xf32>
    %mul3A_66 = arith.mulf %mul3A_65, %add3A_60 : vector<8192x128xf32>
    %select_n3A_67 = arith.select %ge3A_63, %add3A_60, %mul3A_66 : vector<8192x128xi1>, vector<8192x128xf32>
    %dot_general3A_68 = arith.constant dense<0.000000e+00> : vector<8192x32xf32>
    %dot_general3A_69 = tpu.matmul %select_n3A_67, %get3A_13, %dot_general3A_68 {dimension_numbers = #tpu.dot_dimension_numbers<[1], [0], [0], [1], [0, 0, 1, 1], [], []>, transpose_lhs_hint = false} : vector<8192x128xf32>, vector<128x32xf32>, vector<8192x32xf32> -> vector<8192x32xf32>
    %add3A_70 = vector.broadcast %get3A_16 : vector<1x32xf32> to vector<8192x32xf32>
    %add3A_71 = arith.addf %dot_general3A_69, %add3A_70 : vector<8192x32xf32>
    %ge3A_72 = arith.constant 0.000000e+00 : f32
    %ge3A_73 = vector.broadcast %ge3A_72 : f32 to vector<8192x32xf32>
    %ge3A_74 = arith.cmpf oge, %add3A_71, %ge3A_73 : vector<8192x32xf32>
    %mul3A_75 = arith.constant -5.000000e-01 : f32
    %mul3A_76 = vector.broadcast %mul3A_75 : f32 to vector<8192x32xf32>
    %mul3A_77 = arith.mulf %mul3A_76, %add3A_71 : vector<8192x32xf32>
    %select_n3A_78 = arith.select %ge3A_74, %add3A_71, %mul3A_77 : vector<8192x32xi1>, vector<8192x32xf32>
    %dot_general3A_79 = arith.constant dense<0.000000e+00> : vector<8192x1xf32>
    %dot_general3A_80 = tpu.matmul %select_n3A_78, %get3A_19, %dot_general3A_79 {dimension_numbers = #tpu.dot_dimension_numbers<[1], [0], [0], [1], [0, 0, 1, 1], [], []>, transpose_lhs_hint = false} : vector<8192x32xf32>, vector<32x1xf32>, vector<8192x1xf32> -> vector<8192x1xf32>
    %add3A_81 = vector.broadcast %get3A_22 : vector<1x1xf32> to vector<8192x1xf32>
    %add3A_82 = arith.addf %dot_general3A_80, %add3A_81 : vector<8192x1xf32>
    %get3A_83 = arith.constant 0 : index
    %get3A_84 = arith.constant 0 : index
    %get3A_85 = vector.load %arg2[%get3A_83, %get3A_84] : memref<8192x1xf32, #tpu.memory_space<vmem>>, vector<8192x1xf32>
    %mul3A_86 = vector.broadcast %get3A_85 : vector<8192x1xf32> to vector<8192x64xf32>
    %mul3A_87 = vector.broadcast %get3A_25 : vector<1x64xf32> to vector<8192x64xf32>
    %mul3A_88 = arith.mulf %mul3A_86, %mul3A_87 : vector<8192x64xf32>
    %add3A_89 = vector.broadcast %get3A_28 : vector<1x64xf32> to vector<8192x64xf32>
    %add3A_90 = arith.addf %mul3A_88, %add3A_89 : vector<8192x64xf32>
    %ge3A_91 = arith.constant 0.000000e+00 : f32
    %ge3A_92 = vector.broadcast %ge3A_91 : f32 to vector<8192x64xf32>
    %ge3A_93 = arith.cmpf oge, %add3A_90, %ge3A_92 : vector<8192x64xf32>
    %mul3A_94 = arith.constant -5.000000e-01 : f32
    %mul3A_95 = vector.broadcast %mul3A_94 : f32 to vector<8192x64xf32>
    %mul3A_96 = arith.mulf %mul3A_95, %add3A_90 : vector<8192x64xf32>
    %select_n3A_97 = arith.select %ge3A_93, %add3A_90, %mul3A_96 : vector<8192x64xi1>, vector<8192x64xf32>
    %dot_general3A_98 = arith.constant dense<0.000000e+00> : vector<8192x128xf32>
    %dot_general3A_99 = tpu.matmul %select_n3A_97, %get3A_31, %dot_general3A_98 {dimension_numbers = #tpu.dot_dimension_numbers<[1], [0], [0], [1], [0, 0, 1, 1], [], []>, transpose_lhs_hint = false} : vector<8192x64xf32>, vector<64x128xf32>, vector<8192x128xf32> -> vector<8192x128xf32>
    %add3A_100 = vector.broadcast %get3A_34 : vector<1x128xf32> to vector<8192x128xf32>
    %add3A_101 = arith.addf %dot_general3A_99, %add3A_100 : vector<8192x128xf32>
    %ge3A_102 = arith.constant 0.000000e+00 : f32
    %ge3A_103 = vector.broadcast %ge3A_102 : f32 to vector<8192x128xf32>
    %ge3A_104 = arith.cmpf oge, %add3A_101, %ge3A_103 : vector<8192x128xf32>
    %mul3A_105 = arith.constant -5.000000e-01 : f32
    %mul3A_106 = vector.broadcast %mul3A_105 : f32 to vector<8192x128xf32>
    %mul3A_107 = arith.mulf %mul3A_106, %add3A_101 : vector<8192x128xf32>
    %select_n3A_108 = arith.select %ge3A_104, %add3A_101, %mul3A_107 : vector<8192x128xi1>, vector<8192x128xf32>
    %dot_general3A_109 = arith.constant dense<0.000000e+00> : vector<8192x32xf32>
    %dot_general3A_110 = tpu.matmul %select_n3A_108, %get3A_37, %dot_general3A_109 {dimension_numbers = #tpu.dot_dimension_numbers<[1], [0], [0], [1], [0, 0, 1, 1], [], []>, transpose_lhs_hint = false} : vector<8192x128xf32>, vector<128x32xf32>, vector<8192x32xf32> -> vector<8192x32xf32>
    %add3A_111 = vector.broadcast %get3A_40 : vector<1x32xf32> to vector<8192x32xf32>
    %add3A_112 = arith.addf %dot_general3A_110, %add3A_111 : vector<8192x32xf32>
    %ge3A_113 = arith.constant 0.000000e+00 : f32
    %ge3A_114 = vector.broadcast %ge3A_113 : f32 to vector<8192x32xf32>
    %ge3A_115 = arith.cmpf oge, %add3A_112, %ge3A_114 : vector<8192x32xf32>
    %mul3A_116 = arith.constant -5.000000e-01 : f32
    %mul3A_117 = vector.broadcast %mul3A_116 : f32 to vector<8192x32xf32>
    %mul3A_118 = arith.mulf %mul3A_117, %add3A_112 : vector<8192x32xf32>
    %select_n3A_119 = arith.select %ge3A_115, %add3A_112, %mul3A_118 : vector<8192x32xi1>, vector<8192x32xf32>
    %dot_general3A_120 = arith.constant dense<0.000000e+00> : vector<8192x1xf32>
    %dot_general3A_121 = tpu.matmul %select_n3A_119, %get3A_43, %dot_general3A_120 {dimension_numbers = #tpu.dot_dimension_numbers<[1], [0], [0], [1], [0, 0, 1, 1], [], []>, transpose_lhs_hint = false} : vector<8192x32xf32>, vector<32x1xf32>, vector<8192x1xf32> -> vector<8192x1xf32>
    %add3A_122 = vector.broadcast %get3A_46 : vector<1x1xf32> to vector<8192x1xf32>
    %add3A_123 = arith.addf %dot_general3A_121, %add3A_122 : vector<8192x1xf32>
    %add3A_124 = arith.addf %add3A_82, %add3A_123 : vector<8192x1xf32>
    %swap3A = arith.constant 0 : index
    %swap3A_125 = arith.constant 0 : index
    %swap3A_126 = vector.load %arg19[%swap3A, %swap3A_125] : memref<8192x1xf32, #tpu.memory_space<vmem>>, vector<8192x1xf32>
    tpu.vector_store %arg19[%swap3A, %swap3A_125], %add3A_124 {strides = array<i32>} : memref<8192x1xf32, #tpu.memory_space<vmem>>, vector<8192x1xf32>,
    return
  }
  func.func @transform_0(%arg0: i32) -> (i32, i32) {
    %c0_i32 = arith.constant 0 : i32
    %c0_i32_0 = arith.constant 0 : i32
    return %arg0, %c0_i32 : i32, i32
  }
  func.func @transform_1(%arg0: i32) -> (i32, i32) {
    %c0_i32 = arith.constant 0 : i32
    %c0_i32_0 = arith.constant 0 : i32
    return %arg0, %c0_i32 : i32, i32
  }
  func.func @transform_2(%arg0: i32) -> (i32, i32) {
    %c0_i32 = arith.constant 0 : i32
    %c0_i32_0 = arith.constant 0 : i32
    %c0_i32_1 = arith.constant 0 : i32
    return %c0_i32, %c0_i32_0 : i32, i32
  }
  func.func @transform_3(%arg0: i32) -> (i32, i32) {
    %c0_i32 = arith.constant 0 : i32
    %c0_i32_0 = arith.constant 0 : i32
    %c0_i32_1 = arith.constant 0 : i32
    return %c0_i32, %c0_i32_0 : i32, i32
  }
  func.func @transform_4(%arg0: i32) -> (i32, i32) {
    %c0_i32 = arith.constant 0 : i32
    %c0_i32_0 = arith.constant 0 : i32
    %c0_i32_1 = arith.constant 0 : i32
    return %c0_i32, %c0_i32_0 : i32, i32
  }
  func.func @transform_5(%arg0: i32) -> (i32, i32) {
    %c0_i32 = arith.constant 0 : i32
    %c0_i32_0 = arith.constant 0 : i32
    %c0_i32_1 = arith.constant 0 : i32
    return %c0_i32, %c0_i32_0 : i32, i32
  }
  func.func @transform_6(%arg0: i32) -> (i32, i32) {
    %c0_i32 = arith.constant 0 : i32
    %c0_i32_0 = arith.constant 0 : i32
    %c0_i32_1 = arith.constant 0 : i32
    return %c0_i32, %c0_i32_0 : i32, i32
  }
  func.func @transform_7(%arg0: i32) -> (i32, i32) {
    %c0_i32 = arith.constant 0 : i32
    %c0_i32_0 = arith.constant 0 : i32
    %c0_i32_1 = arith.constant 0 : i32
    return %c0_i32, %c0_i32_0 : i32, i32
  }
  func.func @transform_8(%arg0: i32) -> (i32, i32) {
    %c0_i32 = arith.constant 0 : i32
    %c0_i32_0 = arith.constant 0 : i32
    %c0_i32_1 = arith.constant 0 : i32
    return %c0_i32, %c0_i32_0 : i32, i32
  }
  func.func @transform_9(%arg0: i32) -> (i32, i32) {
    %c0_i32 = arith.constant 0 : i32
    %c0_i32_0 = arith.constant 0 : i32
    %c0_i32_1 = arith.constant 0 : i32
    return %c0_i32, %c0_i32_0 : i32, i32
  }
  func.func @transform_10(%arg0: i32) -> (i32, i32) {
    %c0_i32 = arith.constant 0 : i32
    %c0_i32_0 = arith.constant 0 : i32
    %c0_i32_1 = arith.constant 0 : i32
    return %c0_i32, %c0_i32_0 : i32, i32
  }
  func.func @transform_11(%arg0: i32) -> (i32, i32) {
    %c0_i32 = arith.constant 0 : i32
    %c0_i32_0 = arith.constant 0 : i32
    %c0_i32_1 = arith.constant 0 : i32
    return %c0_i32, %c0_i32_0 : i32, i32
  }
  func.func @transform_12(%arg0: i32) -> (i32, i32) {
    %c0_i32 = arith.constant 0 : i32
    %c0_i32_0 = arith.constant 0 : i32
    %c0_i32_1 = arith.constant 0 : i32
    return %c0_i32, %c0_i32_0 : i32, i32
  }
  func.func @transform_13(%arg0: i32) -> (i32, i32) {
    %c0_i32 = arith.constant 0 : i32
    %c0_i32_0 = arith.constant 0 : i32
    %c0_i32_1 = arith.constant 0 : i32
    return %c0_i32, %c0_i32_0 : i32, i32
  }
  func.func @transform_14(%arg0: i32) -> (i32, i32) {
    %c0_i32 = arith.constant 0 : i32
    %c0_i32_0 = arith.constant 0 : i32
    %c0_i32_1 = arith.constant 0 : i32
    return %c0_i32, %c0_i32_0 : i32, i32
  }
  func.func @transform_15(%arg0: i32) -> (i32, i32) {
    %c0_i32 = arith.constant 0 : i32
    %c0_i32_0 = arith.constant 0 : i32
    %c0_i32_1 = arith.constant 0 : i32
    return %c0_i32, %c0_i32_0 : i32, i32
  }
  func.func @transform_16(%arg0: i32) -> (i32, i32) {
    %c0_i32 = arith.constant 0 : i32
    %c0_i32_0 = arith.constant 0 : i32
    %c0_i32_1 = arith.constant 0 : i32
    return %c0_i32, %c0_i32_0 : i32, i32
  }
  func.func @transform_17(%arg0: i32) -> (i32, i32) {
    %c0_i32 = arith.constant 0 : i32
    %c0_i32_0 = arith.constant 0 : i32
    %c0_i32_1 = arith.constant 0 : i32
    return %c0_i32, %c0_i32_0 : i32, i32
  }
  func.func @transform_18(%arg0: i32) -> (i32, i32) {
    %c0_i32 = arith.constant 0 : i32
    %c0_i32_0 = arith.constant 0 : i32
    return %arg0, %c0_i32 : i32, i32
  }
}

module attributes {stable_mosaic.version = 14 : i64} {
  func.func @_stats_body(%arg0: i32, %arg1: memref<512x64xf32, #tpu.memory_space<vmem>>, %arg2: memref<512x15x72xf32, #tpu.memory_space<vmem>>, %arg3: memref<1x64xf32, #tpu.memory_space<vmem>>, %arg4: memref<1x64xf32, #tpu.memory_space<vmem>>, %arg5: memref<1x64xf32, #tpu.memory_space<vmem>>, %arg6: memref<512x64xf32, #tpu.memory_space<vmem>>, %arg7: memref<512x64xf32, #tpu.memory_space<vmem>>) attributes {dimension_semantics = [#tpu.dimension_semantics<arbitrary>], iteration_bounds = array<i64: 16>, scalar_prefetch = 0 : i64, scratch_operands = 0 : i64, tpu.core_type = #tpu.core_type<tc>, window_params = [{transform_indices = @transform_0, window_bounds = array<i64: 512, 64>}, {transform_indices = @transform_1, window_bounds = array<i64: 512, 15, 72>}, {pipeline_mode = #tpu.pipeline_mode<synchronous>, transform_indices = @transform_2, window_bounds = array<i64: 1, 64>}, {pipeline_mode = #tpu.pipeline_mode<synchronous>, transform_indices = @transform_3, window_bounds = array<i64: 1, 64>}, {pipeline_mode = #tpu.pipeline_mode<synchronous>, transform_indices = @transform_4, window_bounds = array<i64: 1, 64>}, {transform_indices = @transform_5, window_bounds = array<i64: 512, 64>}, {transform_indices = @transform_6, window_bounds = array<i64: 512, 64>}]} {
    %get3A = arith.constant 0 : index
    %get3A_0 = arith.constant 0 : index
    %get3A_1 = vector.load %arg1[%get3A, %get3A_0] : memref<512x64xf32, #tpu.memory_space<vmem>>, vector<512x64xf32>
    %get3A_2 = arith.constant 0 : index
    %get3A_3 = arith.constant 0 : index
    %get3A_4 = arith.constant 0 : index
    %get3A_5 = vector.load %arg2[%get3A_2, %get3A_3, %get3A_4] : memref<512x15x72xf32, #tpu.memory_space<vmem>>, vector<512x15x64xf32>
    %reduce_sum3A = arith.constant dense<0.000000e+00> : vector<512x64xf32>
    %reduce_sum3A_6 = vector.multi_reduction <add>, %get3A_5, %reduce_sum3A [1] : vector<512x15x64xf32> to vector<512x64xf32>
    %mul3A = arith.mulf %get3A_5, %get3A_5 : vector<512x15x64xf32>
    %reduce_sum3A_7 = arith.constant dense<0.000000e+00> : vector<512x64xf32>
    %reduce_sum3A_8 = vector.multi_reduction <add>, %mul3A, %reduce_sum3A_7 [1] : vector<512x15x64xf32> to vector<512x64xf32>
    %reduce_max3A = arith.constant dense<0xFF800000> : vector<512x64xf32>
    %reduce_max3A_9 = vector.multi_reduction <maximumf>, %get3A_5, %reduce_max3A [1] : vector<512x15x64xf32> to vector<512x64xf32>
    %swap3A = arith.constant 0 : index
    %swap3A_10 = arith.constant 0 : index
    %swap3A_11 = vector.load %arg6[%swap3A, %swap3A_10] : memref<512x64xf32, #tpu.memory_space<vmem>>, vector<512x64xf32>
    tpu.vector_store %arg6[%swap3A, %swap3A_10], %reduce_max3A_9 {strides = array<i32>} : memref<512x64xf32, #tpu.memory_space<vmem>>, vector<512x64xf32>,
    %reduce_min3A = arith.constant dense<0x7F800000> : vector<512x64xf32>
    %reduce_min3A_12 = vector.multi_reduction <minimumf>, %get3A_5, %reduce_min3A [1] : vector<512x15x64xf32> to vector<512x64xf32>
    %swap3A_13 = arith.constant 0 : index
    %swap3A_14 = arith.constant 0 : index
    %swap3A_15 = vector.load %arg7[%swap3A_13, %swap3A_14] : memref<512x64xf32, #tpu.memory_space<vmem>>, vector<512x64xf32>
    tpu.vector_store %arg7[%swap3A_13, %swap3A_14], %reduce_min3A_12 {strides = array<i32>} : memref<512x64xf32, #tpu.memory_space<vmem>>, vector<512x64xf32>,
    %eq3A = arith.constant 0 : i32
    %eq3A_16 = arith.cmpi eq, %arg0, %eq3A : i32
    %convert_element_type3A = arith.extui %eq3A_16 : i1 to i32
    %cond3A = arith.constant 0 : i32
    %cond3A_17 = arith.cmpi ne, %convert_element_type3A, %cond3A : i32
    scf.if %cond3A_17 {
      %broadcast_in_dim3A_55 = arith.constant 0.000000e+00 : f32
      %broadcast_in_dim3A_56 = vector.broadcast %broadcast_in_dim3A_55 : f32 to vector<1x64xf32>
      %swap3A_57 = arith.constant 0 : index
      %swap3A_58 = arith.constant 0 : index
      %swap3A_59 = vector.load %arg4[%swap3A_57, %swap3A_58] : memref<1x64xf32, #tpu.memory_space<vmem>>, vector<1x64xf32>
      tpu.vector_store %arg4[%swap3A_57, %swap3A_58], %broadcast_in_dim3A_56 {strides = array<i32>} : memref<1x64xf32, #tpu.memory_space<vmem>>, vector<1x64xf32>,
      %broadcast_in_dim3A_60 = arith.constant 0.000000e+00 : f32
      %broadcast_in_dim3A_61 = vector.broadcast %broadcast_in_dim3A_60 : f32 to vector<1x64xf32>
      %swap3A_62 = arith.constant 0 : index
      %swap3A_63 = arith.constant 0 : index
      %swap3A_64 = vector.load %arg5[%swap3A_62, %swap3A_63] : memref<1x64xf32, #tpu.memory_space<vmem>>, vector<1x64xf32>
      tpu.vector_store %arg5[%swap3A_62, %swap3A_63], %broadcast_in_dim3A_61 {strides = array<i32>} : memref<1x64xf32, #tpu.memory_space<vmem>>, vector<1x64xf32>,
    } else {
    }
    %get3A_18 = arith.constant 0 : index
    %get3A_19 = arith.constant 0 : index
    %get3A_20 = vector.load %arg4[%get3A_18, %get3A_19] : memref<1x64xf32, #tpu.memory_space<vmem>>, vector<1x64xf32>
    %mul3A_21 = arith.constant 1.500000e+01 : f32
    %mul3A_22 = vector.broadcast %mul3A_21 : f32 to vector<512x64xf32>
    %mul3A_23 = arith.mulf %mul3A_22, %get3A_1 : vector<512x64xf32>
    %add3A = arith.addf %mul3A_23, %reduce_sum3A_6 : vector<512x64xf32>
    %reduce_sum3A_24 = arith.constant dense<0.000000e+00> : vector<64xf32>
    %reduce_sum3A_25 = vector.multi_reduction <add>, %add3A, %reduce_sum3A_24 [0] : vector<512x64xf32> to vector<64xf32>
    %broadcast_in_dim3A = vector.shape_cast %reduce_sum3A_25 : vector<64xf32> to vector<1x64xf32>
    %add3A_26 = arith.addf %get3A_20, %broadcast_in_dim3A : vector<1x64xf32>
    %swap3A_27 = arith.constant 0 : index
    %swap3A_28 = arith.constant 0 : index
    %swap3A_29 = vector.load %arg4[%swap3A_27, %swap3A_28] : memref<1x64xf32, #tpu.memory_space<vmem>>, vector<1x64xf32>
    tpu.vector_store %arg4[%swap3A_27, %swap3A_28], %add3A_26 {strides = array<i32>} : memref<1x64xf32, #tpu.memory_space<vmem>>, vector<1x64xf32>,
    %get3A_30 = arith.constant 0 : index
    %get3A_31 = arith.constant 0 : index
    %get3A_32 = vector.load %arg5[%get3A_30, %get3A_31] : memref<1x64xf32, #tpu.memory_space<vmem>>, vector<1x64xf32>
    %mul3A_33 = arith.constant 1.500000e+01 : f32
    %mul3A_34 = vector.broadcast %mul3A_33 : f32 to vector<512x64xf32>
    %mul3A_35 = arith.mulf %mul3A_34, %get3A_1 : vector<512x64xf32>
    %mul3A_36 = arith.mulf %mul3A_35, %get3A_1 : vector<512x64xf32>
    %mul3A_37 = arith.constant 2.000000e+00 : f32
    %mul3A_38 = vector.broadcast %mul3A_37 : f32 to vector<512x64xf32>
    %mul3A_39 = arith.mulf %mul3A_38, %get3A_1 : vector<512x64xf32>
    %mul3A_40 = arith.mulf %mul3A_39, %reduce_sum3A_6 : vector<512x64xf32>
    %add3A_41 = arith.addf %mul3A_36, %mul3A_40 : vector<512x64xf32>
    %add3A_42 = arith.addf %add3A_41, %reduce_sum3A_8 : vector<512x64xf32>
    %reduce_sum3A_43 = arith.constant dense<0.000000e+00> : vector<64xf32>
    %reduce_sum3A_44 = vector.multi_reduction <add>, %add3A_42, %reduce_sum3A_43 [0] : vector<512x64xf32> to vector<64xf32>
    %broadcast_in_dim3A_45 = vector.shape_cast %reduce_sum3A_44 : vector<64xf32> to vector<1x64xf32>
    %add3A_46 = arith.addf %get3A_32, %broadcast_in_dim3A_45 : vector<1x64xf32>
    %swap3A_47 = arith.constant 0 : index
    %swap3A_48 = arith.constant 0 : index
    %swap3A_49 = vector.load %arg5[%swap3A_47, %swap3A_48] : memref<1x64xf32, #tpu.memory_space<vmem>>, vector<1x64xf32>
    tpu.vector_store %arg5[%swap3A_47, %swap3A_48], %add3A_46 {strides = array<i32>} : memref<1x64xf32, #tpu.memory_space<vmem>>, vector<1x64xf32>,
    %eq3A_50 = arith.constant 15 : i32
    %eq3A_51 = arith.cmpi eq, %arg0, %eq3A_50 : i32
    %convert_element_type3A_52 = arith.extui %eq3A_51 : i1 to i32
    %cond3A_53 = arith.constant 0 : i32
    %cond3A_54 = arith.cmpi ne, %convert_element_type3A_52, %cond3A_53 : i32
    scf.if %cond3A_54 {
      %get3A_55 = arith.constant 0 : index
      %get3A_56 = arith.constant 0 : index
      %get3A_57 = vector.load %arg4[%get3A_55, %get3A_56] : memref<1x64xf32, #tpu.memory_space<vmem>>, vector<1x64xf32>
      %div3A = arith.constant 1.228800e+05 : f32
      %div3A_58 = vector.broadcast %div3A : f32 to vector<1x64xf32>
      %div3A_59 = arith.divf %get3A_57, %div3A_58 : vector<1x64xf32>
      %get3A_60 = arith.constant 0 : index
      %get3A_61 = arith.constant 0 : index
      %get3A_62 = vector.load %arg5[%get3A_60, %get3A_61] : memref<1x64xf32, #tpu.memory_space<vmem>>, vector<1x64xf32>
      %div3A_63 = arith.constant 1.228800e+05 : f32
      %div3A_64 = vector.broadcast %div3A_63 : f32 to vector<1x64xf32>
      %div3A_65 = arith.divf %get3A_62, %div3A_64 : vector<1x64xf32>
      %mul3A_66 = arith.mulf %div3A_59, %div3A_59 : vector<1x64xf32>
      %sub3A = arith.subf %div3A_65, %mul3A_66 : vector<1x64xf32>
      %swap3A_67 = arith.constant 0 : index
      %swap3A_68 = arith.constant 0 : index
      %swap3A_69 = vector.load %arg4[%swap3A_67, %swap3A_68] : memref<1x64xf32, #tpu.memory_space<vmem>>, vector<1x64xf32>
      tpu.vector_store %arg4[%swap3A_67, %swap3A_68], %div3A_59 {strides = array<i32>} : memref<1x64xf32, #tpu.memory_space<vmem>>, vector<1x64xf32>,
      %get3A_70 = arith.constant 0 : index
      %get3A_71 = arith.constant 0 : index
      %get3A_72 = vector.load %arg3[%get3A_70, %get3A_71] : memref<1x64xf32, #tpu.memory_space<vmem>>, vector<1x64xf32>
      %add3A_73 = arith.constant 9.99999974E-6 : f32
      %add3A_74 = vector.broadcast %add3A_73 : f32 to vector<1x64xf32>
      %add3A_75 = arith.addf %sub3A, %add3A_74 : vector<1x64xf32>
      %rsqrt3A = math.rsqrt %add3A_75 : vector<1x64xf32>
      %mul3A_76 = arith.mulf %get3A_72, %rsqrt3A : vector<1x64xf32>
      %swap3A_77 = arith.constant 0 : index
      %swap3A_78 = arith.constant 0 : index
      %swap3A_79 = vector.load %arg5[%swap3A_77, %swap3A_78] : memref<1x64xf32, #tpu.memory_space<vmem>>, vector<1x64xf32>
      tpu.vector_store %arg5[%swap3A_77, %swap3A_78], %mul3A_76 {strides = array<i32>} : memref<1x64xf32, #tpu.memory_space<vmem>>, vector<1x64xf32>,
    } else {
    }
    return
  }
  func.func @transform_0(%arg0: i32) -> (i32, i32) {
    %c0_i32 = arith.constant 0 : i32
    %c0_i32_0 = arith.constant 0 : i32
    return %arg0, %c0_i32 : i32, i32
  }
  func.func @transform_1(%arg0: i32) -> (i32, i32, i32) {
    %c0_i32 = arith.constant 0 : i32
    %c0_i32_0 = arith.constant 0 : i32
    %c0_i32_1 = arith.constant 0 : i32
    return %arg0, %c0_i32, %c0_i32_0 : i32, i32, i32
  }
  func.func @transform_2(%arg0: i32) -> (i32, i32) {
    %c0_i32 = arith.constant 0 : i32
    %c0_i32_0 = arith.constant 0 : i32
    %c0_i32_1 = arith.constant 0 : i32
    return %c0_i32, %c0_i32_0 : i32, i32
  }
  func.func @transform_3(%arg0: i32) -> (i32, i32) {
    %c0_i32 = arith.constant 0 : i32
    %c0_i32_0 = arith.constant 0 : i32
    %c0_i32_1 = arith.constant 0 : i32
    return %c0_i32, %c0_i32_0 : i32, i32
  }
  func.func @transform_4(%arg0: i32) -> (i32, i32) {
    %c0_i32 = arith.constant 0 : i32
    %c0_i32_0 = arith.constant 0 : i32
    %c0_i32_1 = arith.constant 0 : i32
    return %c0_i32, %c0_i32_0 : i32, i32
  }
  func.func @transform_5(%arg0: i32) -> (i32, i32) {
    %c0_i32 = arith.constant 0 : i32
    %c0_i32_0 = arith.constant 0 : i32
    return %arg0, %c0_i32 : i32, i32
  }
  func.func @transform_6(%arg0: i32) -> (i32, i32) {
    %c0_i32 = arith.constant 0 : i32
    %c0_i32_0 = arith.constant 0 : i32
    return %arg0, %c0_i32 : i32, i32
  }
}

module attributes {stable_mosaic.version = 14 : i64} {
  func.func @_finish_body(%arg0: i32, %arg1: memref<512x64xf32, #tpu.memory_space<vmem>>, %arg2: memref<512x64xf32, #tpu.memory_space<vmem>>, %arg3: memref<512x64xf32, #tpu.memory_space<vmem>>, %arg4: memref<512x15xf32, #tpu.memory_space<vmem>>, %arg5: memref<1x64xf32, #tpu.memory_space<vmem>>, %arg6: memref<1x64xf32, #tpu.memory_space<vmem>>, %arg7: memref<1x64xf32, #tpu.memory_space<vmem>>, %arg8: memref<512x64xf32, #tpu.memory_space<vmem>>, %arg9: memref<512x1xf32, #tpu.memory_space<vmem>>) attributes {dimension_semantics = [#tpu.dimension_semantics<arbitrary>], iteration_bounds = array<i64: 16>, scalar_prefetch = 0 : i64, scratch_operands = 0 : i64, tpu.core_type = #tpu.core_type<tc>, window_params = [{transform_indices = @transform_0, window_bounds = array<i64: 512, 64>}, {transform_indices = @transform_1, window_bounds = array<i64: 512, 64>}, {transform_indices = @transform_2, window_bounds = array<i64: 512, 64>}, {transform_indices = @transform_3, window_bounds = array<i64: 512, 15>}, {pipeline_mode = #tpu.pipeline_mode<synchronous>, transform_indices = @transform_4, window_bounds = array<i64: 1, 64>}, {pipeline_mode = #tpu.pipeline_mode<synchronous>, transform_indices = @transform_5, window_bounds = array<i64: 1, 64>}, {pipeline_mode = #tpu.pipeline_mode<synchronous>, transform_indices = @transform_6, window_bounds = array<i64: 1, 64>}, {transform_indices = @transform_7, window_bounds = array<i64: 512, 64>}, {transform_indices = @transform_8, window_bounds = array<i64: 512, 1>}]} {
    %get3A = arith.constant 0 : index
    %get3A_0 = arith.constant 0 : index
    %get3A_1 = vector.load %arg6[%get3A, %get3A_0] : memref<1x64xf32, #tpu.memory_space<vmem>>, vector<1x64xf32>
    %ge3A = arith.constant 0.000000e+00 : f32
    %ge3A_2 = vector.broadcast %ge3A : f32 to vector<1x64xf32>
    %ge3A_3 = arith.cmpf oge, %get3A_1, %ge3A_2 : vector<1x64xf32>
    %get3A_4 = arith.constant 0 : index
    %get3A_5 = arith.constant 0 : index
    %get3A_6 = vector.load %arg2[%get3A_4, %get3A_5] : memref<512x64xf32, #tpu.memory_space<vmem>>, vector<512x64xf32>
    %get3A_7 = arith.constant 0 : index
    %get3A_8 = arith.constant 0 : index
    %get3A_9 = vector.load %arg3[%get3A_7, %get3A_8] : memref<512x64xf32, #tpu.memory_space<vmem>>, vector<512x64xf32>
    %broadcast_in_dim3A = vector.shape_cast %ge3A_3 : vector<1x64xi1> to vector<1x64xi1>
    %broadcast_in_dim3A_10 = vector.broadcast %broadcast_in_dim3A : vector<1x64xi1> to vector<512x64xi1>
    %select_n3A = arith.select %broadcast_in_dim3A_10, %get3A_6, %get3A_9 : vector<512x64xi1>, vector<512x64xf32>
    %get3A_11 = arith.constant 0 : index
    %get3A_12 = arith.constant 0 : index
    %get3A_13 = vector.load %arg1[%get3A_11, %get3A_12] : memref<512x64xf32, #tpu.memory_space<vmem>>, vector<512x64xf32>
    %add3A = arith.addf %get3A_13, %select_n3A : vector<512x64xf32>
    %get3A_14 = arith.constant 0 : index
    %get3A_15 = arith.constant 0 : index
    %get3A_16 = vector.load %arg5[%get3A_14, %get3A_15] : memref<1x64xf32, #tpu.memory_space<vmem>>, vector<1x64xf32>
    %sub3A = vector.broadcast %get3A_16 : vector<1x64xf32> to vector<512x64xf32>
    %sub3A_17 = arith.subf %add3A, %sub3A : vector<512x64xf32>
    %mul3A = vector.broadcast %get3A_1 : vector<1x64xf32> to vector<512x64xf32>
    %mul3A_18 = arith.mulf %sub3A_17, %mul3A : vector<512x64xf32>
    %get3A_19 = arith.constant 0 : index
    %get3A_20 = arith.constant 0 : index
    %get3A_21 = vector.load %arg7[%get3A_19, %get3A_20] : memref<1x64xf32, #tpu.memory_space<vmem>>, vector<1x64xf32>
    %add3A_22 = vector.broadcast %get3A_21 : vector<1x64xf32> to vector<512x64xf32>
    %add3A_23 = arith.addf %mul3A_18, %add3A_22 : vector<512x64xf32>
    %ge3A_24 = arith.constant 0.000000e+00 : f32
    %ge3A_25 = vector.broadcast %ge3A_24 : f32 to vector<512x64xf32>
    %ge3A_26 = arith.cmpf oge, %add3A_23, %ge3A_25 : vector<512x64xf32>
    %mul3A_27 = arith.constant 2.000000e-01 : f32
    %mul3A_28 = vector.broadcast %mul3A_27 : f32 to vector<512x64xf32>
    %mul3A_29 = arith.mulf %mul3A_28, %add3A_23 : vector<512x64xf32>
    %select_n3A_30 = arith.select %ge3A_26, %add3A_23, %mul3A_29 : vector<512x64xi1>, vector<512x64xf32>
    %swap3A = arith.constant 0 : index
    %swap3A_31 = arith.constant 0 : index
    %swap3A_32 = vector.load %arg8[%swap3A, %swap3A_31] : memref<512x64xf32, #tpu.memory_space<vmem>>, vector<512x64xf32>
    tpu.vector_store %arg8[%swap3A, %swap3A_31], %select_n3A_30 {strides = array<i32>} : memref<512x64xf32, #tpu.memory_space<vmem>>, vector<512x64xf32>,
    %get3A_33 = arith.constant 0 : index
    %get3A_34 = arith.constant 0 : index
    %get3A_35 = vector.load %arg4[%get3A_33, %get3A_34] : memref<512x15xf32, #tpu.memory_space<vmem>>, vector<512x15xf32>
    %reduce_sum3A = arith.constant dense<0.000000e+00> : vector<512xf32>
    %reduce_sum3A_36 = vector.multi_reduction <add>, %get3A_35, %reduce_sum3A [1] : vector<512x15xf32> to vector<512xf32>
    %broadcast_in_dim3A_37 = vector.shape_cast %reduce_sum3A_36 : vector<512xf32> to vector<512x1xf32>
    %div3A = arith.constant 1.500000e+01 : f32
    %div3A_38 = vector.broadcast %div3A : f32 to vector<512x1xf32>
    %div3A_39 = arith.divf %broadcast_in_dim3A_37, %div3A_38 : vector<512x1xf32>
    %swap3A_40 = arith.constant 0 : index
    %swap3A_41 = arith.constant 0 : index
    %swap3A_42 = vector.load %arg9[%swap3A_40, %swap3A_41] : memref<512x1xf32, #tpu.memory_space<vmem>>, vector<512x1xf32>
    tpu.vector_store %arg9[%swap3A_40, %swap3A_41], %div3A_39 {strides = array<i32>} : memref<512x1xf32, #tpu.memory_space<vmem>>, vector<512x1xf32>,
    return
  }
  func.func @transform_0(%arg0: i32) -> (i32, i32) {
    %c0_i32 = arith.constant 0 : i32
    %c0_i32_0 = arith.constant 0 : i32
    return %arg0, %c0_i32 : i32, i32
  }
  func.func @transform_1(%arg0: i32) -> (i32, i32) {
    %c0_i32 = arith.constant 0 : i32
    %c0_i32_0 = arith.constant 0 : i32
    return %arg0, %c0_i32 : i32, i32
  }
  func.func @transform_2(%arg0: i32) -> (i32, i32) {
    %c0_i32 = arith.constant 0 : i32
    %c0_i32_0 = arith.constant 0 : i32
    return %arg0, %c0_i32 : i32, i32
  }
  func.func @transform_3(%arg0: i32) -> (i32, i32) {
    %c0_i32 = arith.constant 0 : i32
    %c0_i32_0 = arith.constant 0 : i32
    return %arg0, %c0_i32 : i32, i32
  }
  func.func @transform_4(%arg0: i32) -> (i32, i32) {
    %c0_i32 = arith.constant 0 : i32
    %c0_i32_0 = arith.constant 0 : i32
    %c0_i32_1 = arith.constant 0 : i32
    return %c0_i32, %c0_i32_0 : i32, i32
  }
  func.func @transform_5(%arg0: i32) -> (i32, i32) {
    %c0_i32 = arith.constant 0 : i32
    %c0_i32_0 = arith.constant 0 : i32
    %c0_i32_1 = arith.constant 0 : i32
    return %c0_i32, %c0_i32_0 : i32, i32
  }
  func.func @transform_6(%arg0: i32) -> (i32, i32) {
    %c0_i32 = arith.constant 0 : i32
    %c0_i32_0 = arith.constant 0 : i32
    %c0_i32_1 = arith.constant 0 : i32
    return %c0_i32, %c0_i32_0 : i32, i32
  }
  func.func @transform_7(%arg0: i32) -> (i32, i32) {
    %c0_i32 = arith.constant 0 : i32
    %c0_i32_0 = arith.constant 0 : i32
    return %arg0, %c0_i32 : i32, i32
  }
  func.func @transform_8(%arg0: i32) -> (i32, i32) {
    %c0_i32 = arith.constant 0 : i32
    %c0_i32_0 = arith.constant 0 : i32
    return %arg0, %c0_i32 : i32, i32
  }
}

module attributes {stable_mosaic.version = 14 : i64} {
  func.func @_finish_body(%arg0: i32, %arg1: memref<512x64xf32, #tpu.memory_space<vmem>>, %arg2: memref<512x64xf32, #tpu.memory_space<vmem>>, %arg3: memref<512x64xf32, #tpu.memory_space<vmem>>, %arg4: memref<512x15xf32, #tpu.memory_space<vmem>>, %arg5: memref<1x64xf32, #tpu.memory_space<vmem>>, %arg6: memref<1x64xf32, #tpu.memory_space<vmem>>, %arg7: memref<1x64xf32, #tpu.memory_space<vmem>>, %arg8: memref<512x64xf32, #tpu.memory_space<vmem>>, %arg9: memref<512x1xf32, #tpu.memory_space<vmem>>) attributes {dimension_semantics = [#tpu.dimension_semantics<arbitrary>], iteration_bounds = array<i64: 16>, scalar_prefetch = 0 : i64, scratch_operands = 0 : i64, tpu.core_type = #tpu.core_type<tc>, window_params = [{transform_indices = @transform_0, window_bounds = array<i64: 512, 64>}, {transform_indices = @transform_1, window_bounds = array<i64: 512, 64>}, {transform_indices = @transform_2, window_bounds = array<i64: 512, 64>}, {transform_indices = @transform_3, window_bounds = array<i64: 512, 15>}, {pipeline_mode = #tpu.pipeline_mode<synchronous>, transform_indices = @transform_4, window_bounds = array<i64: 1, 64>}, {pipeline_mode = #tpu.pipeline_mode<synchronous>, transform_indices = @transform_5, window_bounds = array<i64: 1, 64>}, {pipeline_mode = #tpu.pipeline_mode<synchronous>, transform_indices = @transform_6, window_bounds = array<i64: 1, 64>}, {transform_indices = @transform_7, window_bounds = array<i64: 512, 64>}, {transform_indices = @transform_8, window_bounds = array<i64: 512, 1>}]} {
    %get3A = arith.constant 0 : index
    %get3A_0 = arith.constant 0 : index
    %get3A_1 = vector.load %arg6[%get3A, %get3A_0] : memref<1x64xf32, #tpu.memory_space<vmem>>, vector<1x64xf32>
    %ge3A = arith.constant 0.000000e+00 : f32
    %ge3A_2 = vector.broadcast %ge3A : f32 to vector<1x64xf32>
    %ge3A_3 = arith.cmpf oge, %get3A_1, %ge3A_2 : vector<1x64xf32>
    %get3A_4 = arith.constant 0 : index
    %get3A_5 = arith.constant 0 : index
    %get3A_6 = vector.load %arg2[%get3A_4, %get3A_5] : memref<512x64xf32, #tpu.memory_space<vmem>>, vector<512x64xf32>
    %get3A_7 = arith.constant 0 : index
    %get3A_8 = arith.constant 0 : index
    %get3A_9 = vector.load %arg3[%get3A_7, %get3A_8] : memref<512x64xf32, #tpu.memory_space<vmem>>, vector<512x64xf32>
    %broadcast_in_dim3A = vector.shape_cast %ge3A_3 : vector<1x64xi1> to vector<1x64xi1>
    %broadcast_in_dim3A_10 = vector.broadcast %broadcast_in_dim3A : vector<1x64xi1> to vector<512x64xi1>
    %select_n3A = arith.select %broadcast_in_dim3A_10, %get3A_6, %get3A_9 : vector<512x64xi1>, vector<512x64xf32>
    %get3A_11 = arith.constant 0 : index
    %get3A_12 = arith.constant 0 : index
    %get3A_13 = vector.load %arg1[%get3A_11, %get3A_12] : memref<512x64xf32, #tpu.memory_space<vmem>>, vector<512x64xf32>
    %add3A = arith.addf %get3A_13, %select_n3A : vector<512x64xf32>
    %get3A_14 = arith.constant 0 : index
    %get3A_15 = arith.constant 0 : index
    %get3A_16 = vector.load %arg5[%get3A_14, %get3A_15] : memref<1x64xf32, #tpu.memory_space<vmem>>, vector<1x64xf32>
    %sub3A = vector.broadcast %get3A_16 : vector<1x64xf32> to vector<512x64xf32>
    %sub3A_17 = arith.subf %add3A, %sub3A : vector<512x64xf32>
    %mul3A = vector.broadcast %get3A_1 : vector<1x64xf32> to vector<512x64xf32>
    %mul3A_18 = arith.mulf %sub3A_17, %mul3A : vector<512x64xf32>
    %get3A_19 = arith.constant 0 : index
    %get3A_20 = arith.constant 0 : index
    %get3A_21 = vector.load %arg7[%get3A_19, %get3A_20] : memref<1x64xf32, #tpu.memory_space<vmem>>, vector<1x64xf32>
    %add3A_22 = vector.broadcast %get3A_21 : vector<1x64xf32> to vector<512x64xf32>
    %add3A_23 = arith.addf %mul3A_18, %add3A_22 : vector<512x64xf32>
    %ge3A_24 = arith.constant 0.000000e+00 : f32
    %ge3A_25 = vector.broadcast %ge3A_24 : f32 to vector<512x64xf32>
    %ge3A_26 = arith.cmpf oge, %add3A_23, %ge3A_25 : vector<512x64xf32>
    %mul3A_27 = arith.constant 2.000000e-01 : f32
    %mul3A_28 = vector.broadcast %mul3A_27 : f32 to vector<512x64xf32>
    %mul3A_29 = arith.mulf %mul3A_28, %add3A_23 : vector<512x64xf32>
    %select_n3A_30 = arith.select %ge3A_26, %add3A_23, %mul3A_29 : vector<512x64xi1>, vector<512x64xf32>
    %swap3A = arith.constant 0 : index
    %swap3A_31 = arith.constant 0 : index
    %swap3A_32 = vector.load %arg8[%swap3A, %swap3A_31] : memref<512x64xf32, #tpu.memory_space<vmem>>, vector<512x64xf32>
    tpu.vector_store %arg8[%swap3A, %swap3A_31], %select_n3A_30 {strides = array<i32>} : memref<512x64xf32, #tpu.memory_space<vmem>>, vector<512x64xf32>,
    %get3A_33 = arith.constant 0 : index
    %get3A_34 = arith.constant 0 : index
    %get3A_35 = vector.load %arg4[%get3A_33, %get3A_34] : memref<512x15xf32, #tpu.memory_space<vmem>>, vector<512x15xf32>
    %reduce_sum3A = arith.constant dense<0.000000e+00> : vector<512xf32>
    %reduce_sum3A_36 = vector.multi_reduction <add>, %get3A_35, %reduce_sum3A [1] : vector<512x15xf32> to vector<512xf32>
    %broadcast_in_dim3A_37 = vector.shape_cast %reduce_sum3A_36 : vector<512xf32> to vector<512x1xf32>
    %div3A = arith.constant 1.500000e+01 : f32
    %div3A_38 = vector.broadcast %div3A : f32 to vector<512x1xf32>
    %div3A_39 = arith.divf %broadcast_in_dim3A_37, %div3A_38 : vector<512x1xf32>
    %swap3A_40 = arith.constant 0 : index
    %swap3A_41 = arith.constant 0 : index
    %swap3A_42 = vector.load %arg9[%swap3A_40, %swap3A_41] : memref<512x1xf32, #tpu.memory_space<vmem>>, vector<512x1xf32>
    tpu.vector_store %arg9[%swap3A_40, %swap3A_41], %div3A_39 {strides = array<i32>} : memref<512x1xf32, #tpu.memory_space<vmem>>, vector<512x1xf32>,
    return
  }
  func.func @transform_0(%arg0: i32) -> (i32, i32) {
    %c0_i32 = arith.constant 0 : i32
    %c0_i32_0 = arith.constant 0 : i32
    return %arg0, %c0_i32 : i32, i32
  }
  func.func @transform_1(%arg0: i32) -> (i32, i32) {
    %c0_i32 = arith.constant 0 : i32
    %c0_i32_0 = arith.constant 0 : i32
    return %arg0, %c0_i32 : i32, i32
  }
  func.func @transform_2(%arg0: i32) -> (i32, i32) {
    %c0_i32 = arith.constant 0 : i32
    %c0_i32_0 = arith.constant 0 : i32
    return %arg0, %c0_i32 : i32, i32
  }
  func.func @transform_3(%arg0: i32) -> (i32, i32) {
    %c0_i32 = arith.constant 0 : i32
    %c0_i32_0 = arith.constant 0 : i32
    return %arg0, %c0_i32 : i32, i32
  }
  func.func @transform_4(%arg0: i32) -> (i32, i32) {
    %c0_i32 = arith.constant 0 : i32
    %c0_i32_0 = arith.constant 0 : i32
    %c0_i32_1 = arith.constant 0 : i32
    return %c0_i32, %c0_i32_0 : i32, i32
  }
  func.func @transform_5(%arg0: i32) -> (i32, i32) {
    %c0_i32 = arith.constant 0 : i32
    %c0_i32_0 = arith.constant 0 : i32
    %c0_i32_1 = arith.constant 0 : i32
    return %c0_i32, %c0_i32_0 : i32, i32
  }
  func.func @transform_6(%arg0: i32) -> (i32, i32) {
    %c0_i32 = arith.constant 0 : i32
    %c0_i32_0 = arith.constant 0 : i32
    %c0_i32_1 = arith.constant 0 : i32
    return %c0_i32, %c0_i32_0 : i32, i32
  }
  func.func @transform_7(%arg0: i32) -> (i32, i32) {
    %c0_i32 = arith.constant 0 : i32
    %c0_i32_0 = arith.constant 0 : i32
    return %arg0, %c0_i32 : i32, i32
  }
  func.func @transform_8(%arg0: i32) -> (i32, i32) {
    %c0_i32 = arith.constant 0 : i32
    %c0_i32_0 = arith.constant 0 : i32
    return %arg0, %c0_i32 : i32, i32
  }
}

module attributes {stable_mosaic.version = 14 : i64} {
  func.func @_proj_body(%arg0: i32, %arg1: memref<512x3xf32, #tpu.memory_space<vmem>>, %arg2: memref<3x20xf32, #tpu.memory_space<vmem>>, %arg3: memref<1x20xf32, #tpu.memory_space<vmem>>, %arg4: memref<20x40xf32, #tpu.memory_space<vmem>>, %arg5: memref<1x40xf32, #tpu.memory_space<vmem>>, %arg6: memref<40x30xf32, #tpu.memory_space<vmem>>, %arg7: memref<1x30xf32, #tpu.memory_space<vmem>>, %arg8: memref<30x10xf32, #tpu.memory_space<vmem>>, %arg9: memref<1x10xf32, #tpu.memory_space<vmem>>, %arg10: memref<10x5xf32, #tpu.memory_space<vmem>>, %arg11: memref<1x5xf32, #tpu.memory_space<vmem>>, %arg12: memref<5x1xf32, #tpu.memory_space<vmem>>, %arg13: memref<1x1xf32, #tpu.memory_space<vmem>>, %arg14: memref<512x1xf32, #tpu.memory_space<vmem>>) attributes {dimension_semantics = [#tpu.dimension_semantics<arbitrary>], iteration_bounds = array<i64: 16>, scalar_prefetch = 0 : i64, scratch_operands = 0 : i64, tpu.core_type = #tpu.core_type<tc>, window_params = [{transform_indices = @transform_0, window_bounds = array<i64: 512, 3>}, {pipeline_mode = #tpu.pipeline_mode<synchronous>, transform_indices = @transform_1, window_bounds = array<i64: 3, 20>}, {pipeline_mode = #tpu.pipeline_mode<synchronous>, transform_indices = @transform_2, window_bounds = array<i64: 1, 20>}, {pipeline_mode = #tpu.pipeline_mode<synchronous>, transform_indices = @transform_3, window_bounds = array<i64: 20, 40>}, {pipeline_mode = #tpu.pipeline_mode<synchronous>, transform_indices = @transform_4, window_bounds = array<i64: 1, 40>}, {pipeline_mode = #tpu.pipeline_mode<synchronous>, transform_indices = @transform_5, window_bounds = array<i64: 40, 30>}, {pipeline_mode = #tpu.pipeline_mode<synchronous>, transform_indices = @transform_6, window_bounds = array<i64: 1, 30>}, {pipeline_mode = #tpu.pipeline_mode<synchronous>, transform_indices = @transform_7, window_bounds = array<i64: 30, 10>}, {pipeline_mode = #tpu.pipeline_mode<synchronous>, transform_indices = @transform_8, window_bounds = array<i64: 1, 10>}, {pipeline_mode = #tpu.pipeline_mode<synchronous>, transform_indices = @transform_9, window_bounds = array<i64: 10, 5>}, {pipeline_mode = #tpu.pipeline_mode<synchronous>, transform_indices = @transform_10, window_bounds = array<i64: 1, 5>}, {pipeline_mode = #tpu.pipeline_mode<synchronous>, transform_indices = @transform_11, window_bounds = array<i64: 5, 1>}, {pipeline_mode = #tpu.pipeline_mode<synchronous>, transform_indices = @transform_12, window_bounds = array<i64: 1, 1>}, {transform_indices = @transform_13, window_bounds = array<i64: 512, 1>}]} {
    %get3A = arith.constant 0 : index
    %get3A_0 = arith.constant 0 : index
    %get3A_1 = vector.load %arg1[%get3A, %get3A_0] : memref<512x3xf32, #tpu.memory_space<vmem>>, vector<512x3xf32>
    %get3A_2 = arith.constant 0 : index
    %get3A_3 = arith.constant 0 : index
    %get3A_4 = vector.load %arg2[%get3A_2, %get3A_3] : memref<3x20xf32, #tpu.memory_space<vmem>>, vector<3x20xf32>
    %dot_general3A = arith.constant dense<0.000000e+00> : vector<512x20xf32>
    %dot_general3A_5 = tpu.matmul %get3A_1, %get3A_4, %dot_general3A {dimension_numbers = #tpu.dot_dimension_numbers<[1], [0], [0], [1], [0, 0, 1, 1], [], []>, transpose_lhs_hint = false} : vector<512x3xf32>, vector<3x20xf32>, vector<512x20xf32> -> vector<512x20xf32>
    %get3A_6 = arith.constant 0 : index
    %get3A_7 = arith.constant 0 : index
    %get3A_8 = vector.load %arg3[%get3A_6, %get3A_7] : memref<1x20xf32, #tpu.memory_space<vmem>>, vector<1x20xf32>
    %add3A = vector.broadcast %get3A_8 : vector<1x20xf32> to vector<512x20xf32>
    %add3A_9 = arith.addf %dot_general3A_5, %add3A : vector<512x20xf32>
    %ge3A = arith.constant 0.000000e+00 : f32
    %ge3A_10 = vector.broadcast %ge3A : f32 to vector<512x20xf32>
    %ge3A_11 = arith.cmpf oge, %add3A_9, %ge3A_10 : vector<512x20xf32>
    %mul3A = arith.constant -8.000000e-01 : f32
    %mul3A_12 = vector.broadcast %mul3A : f32 to vector<512x20xf32>
    %mul3A_13 = arith.mulf %mul3A_12, %add3A_9 : vector<512x20xf32>
    %select_n3A = arith.select %ge3A_11, %add3A_9, %mul3A_13 : vector<512x20xi1>, vector<512x20xf32>
    %get3A_14 = arith.constant 0 : index
    %get3A_15 = arith.constant 0 : index
    %get3A_16 = vector.load %arg4[%get3A_14, %get3A_15] : memref<20x40xf32, #tpu.memory_space<vmem>>, vector<20x40xf32>
    %dot_general3A_17 = arith.constant dense<0.000000e+00> : vector<512x40xf32>
    %dot_general3A_18 = tpu.matmul %select_n3A, %get3A_16, %dot_general3A_17 {dimension_numbers = #tpu.dot_dimension_numbers<[1], [0], [0], [1], [0, 0, 1, 1], [], []>, transpose_lhs_hint = false} : vector<512x20xf32>, vector<20x40xf32>, vector<512x40xf32> -> vector<512x40xf32>
    %get3A_19 = arith.constant 0 : index
    %get3A_20 = arith.constant 0 : index
    %get3A_21 = vector.load %arg5[%get3A_19, %get3A_20] : memref<1x40xf32, #tpu.memory_space<vmem>>, vector<1x40xf32>
    %add3A_22 = vector.broadcast %get3A_21 : vector<1x40xf32> to vector<512x40xf32>
    %add3A_23 = arith.addf %dot_general3A_18, %add3A_22 : vector<512x40xf32>
    %ge3A_24 = arith.constant 0.000000e+00 : f32
    %ge3A_25 = vector.broadcast %ge3A_24 : f32 to vector<512x40xf32>
    %ge3A_26 = arith.cmpf oge, %add3A_23, %ge3A_25 : vector<512x40xf32>
    %mul3A_27 = arith.constant -8.000000e-01 : f32
    %mul3A_28 = vector.broadcast %mul3A_27 : f32 to vector<512x40xf32>
    %mul3A_29 = arith.mulf %mul3A_28, %add3A_23 : vector<512x40xf32>
    %select_n3A_30 = arith.select %ge3A_26, %add3A_23, %mul3A_29 : vector<512x40xi1>, vector<512x40xf32>
    %get3A_31 = arith.constant 0 : index
    %get3A_32 = arith.constant 0 : index
    %get3A_33 = vector.load %arg6[%get3A_31, %get3A_32] : memref<40x30xf32, #tpu.memory_space<vmem>>, vector<40x30xf32>
    %dot_general3A_34 = arith.constant dense<0.000000e+00> : vector<512x30xf32>
    %dot_general3A_35 = tpu.matmul %select_n3A_30, %get3A_33, %dot_general3A_34 {dimension_numbers = #tpu.dot_dimension_numbers<[1], [0], [0], [1], [0, 0, 1, 1], [], []>, transpose_lhs_hint = false} : vector<512x40xf32>, vector<40x30xf32>, vector<512x30xf32> -> vector<512x30xf32>
    %get3A_36 = arith.constant 0 : index
    %get3A_37 = arith.constant 0 : index
    %get3A_38 = vector.load %arg7[%get3A_36, %get3A_37] : memref<1x30xf32, #tpu.memory_space<vmem>>, vector<1x30xf32>
    %add3A_39 = vector.broadcast %get3A_38 : vector<1x30xf32> to vector<512x30xf32>
    %add3A_40 = arith.addf %dot_general3A_35, %add3A_39 : vector<512x30xf32>
    %ge3A_41 = arith.constant 0.000000e+00 : f32
    %ge3A_42 = vector.broadcast %ge3A_41 : f32 to vector<512x30xf32>
    %ge3A_43 = arith.cmpf oge, %add3A_40, %ge3A_42 : vector<512x30xf32>
    %mul3A_44 = arith.constant -8.000000e-01 : f32
    %mul3A_45 = vector.broadcast %mul3A_44 : f32 to vector<512x30xf32>
    %mul3A_46 = arith.mulf %mul3A_45, %add3A_40 : vector<512x30xf32>
    %select_n3A_47 = arith.select %ge3A_43, %add3A_40, %mul3A_46 : vector<512x30xi1>, vector<512x30xf32>
    %get3A_48 = arith.constant 0 : index
    %get3A_49 = arith.constant 0 : index
    %get3A_50 = vector.load %arg8[%get3A_48, %get3A_49] : memref<30x10xf32, #tpu.memory_space<vmem>>, vector<30x10xf32>
    %dot_general3A_51 = arith.constant dense<0.000000e+00> : vector<512x10xf32>
    %dot_general3A_52 = tpu.matmul %select_n3A_47, %get3A_50, %dot_general3A_51 {dimension_numbers = #tpu.dot_dimension_numbers<[1], [0], [0], [1], [0, 0, 1, 1], [], []>, transpose_lhs_hint = false} : vector<512x30xf32>, vector<30x10xf32>, vector<512x10xf32> -> vector<512x10xf32>
    %get3A_53 = arith.constant 0 : index
    %get3A_54 = arith.constant 0 : index
    %get3A_55 = vector.load %arg9[%get3A_53, %get3A_54] : memref<1x10xf32, #tpu.memory_space<vmem>>, vector<1x10xf32>
    %add3A_56 = vector.broadcast %get3A_55 : vector<1x10xf32> to vector<512x10xf32>
    %add3A_57 = arith.addf %dot_general3A_52, %add3A_56 : vector<512x10xf32>
    %ge3A_58 = arith.constant 0.000000e+00 : f32
    %ge3A_59 = vector.broadcast %ge3A_58 : f32 to vector<512x10xf32>
    %ge3A_60 = arith.cmpf oge, %add3A_57, %ge3A_59 : vector<512x10xf32>
    %mul3A_61 = arith.constant -8.000000e-01 : f32
    %mul3A_62 = vector.broadcast %mul3A_61 : f32 to vector<512x10xf32>
    %mul3A_63 = arith.mulf %mul3A_62, %add3A_57 : vector<512x10xf32>
    %select_n3A_64 = arith.select %ge3A_60, %add3A_57, %mul3A_63 : vector<512x10xi1>, vector<512x10xf32>
    %get3A_65 = arith.constant 0 : index
    %get3A_66 = arith.constant 0 : index
    %get3A_67 = vector.load %arg10[%get3A_65, %get3A_66] : memref<10x5xf32, #tpu.memory_space<vmem>>, vector<10x5xf32>
    %dot_general3A_68 = arith.constant dense<0.000000e+00> : vector<512x5xf32>
    %dot_general3A_69 = tpu.matmul %select_n3A_64, %get3A_67, %dot_general3A_68 {dimension_numbers = #tpu.dot_dimension_numbers<[1], [0], [0], [1], [0, 0, 1, 1], [], []>, transpose_lhs_hint = false} : vector<512x10xf32>, vector<10x5xf32>, vector<512x5xf32> -> vector<512x5xf32>
    %get3A_70 = arith.constant 0 : index
    %get3A_71 = arith.constant 0 : index
    %get3A_72 = vector.load %arg11[%get3A_70, %get3A_71] : memref<1x5xf32, #tpu.memory_space<vmem>>, vector<1x5xf32>
    %add3A_73 = vector.broadcast %get3A_72 : vector<1x5xf32> to vector<512x5xf32>
    %add3A_74 = arith.addf %dot_general3A_69, %add3A_73 : vector<512x5xf32>
    %ge3A_75 = arith.constant 0.000000e+00 : f32
    %ge3A_76 = vector.broadcast %ge3A_75 : f32 to vector<512x5xf32>
    %ge3A_77 = arith.cmpf oge, %add3A_74, %ge3A_76 : vector<512x5xf32>
    %mul3A_78 = arith.constant -8.000000e-01 : f32
    %mul3A_79 = vector.broadcast %mul3A_78 : f32 to vector<512x5xf32>
    %mul3A_80 = arith.mulf %mul3A_79, %add3A_74 : vector<512x5xf32>
    %select_n3A_81 = arith.select %ge3A_77, %add3A_74, %mul3A_80 : vector<512x5xi1>, vector<512x5xf32>
    %get3A_82 = arith.constant 0 : index
    %get3A_83 = arith.constant 0 : index
    %get3A_84 = vector.load %arg12[%get3A_82, %get3A_83] : memref<5x1xf32, #tpu.memory_space<vmem>>, vector<5x1xf32>
    %dot_general3A_85 = arith.constant dense<0.000000e+00> : vector<512x1xf32>
    %dot_general3A_86 = tpu.matmul %select_n3A_81, %get3A_84, %dot_general3A_85 {dimension_numbers = #tpu.dot_dimension_numbers<[1], [0], [0], [1], [0, 0, 1, 1], [], []>, transpose_lhs_hint = false} : vector<512x5xf32>, vector<5x1xf32>, vector<512x1xf32> -> vector<512x1xf32>
    %get3A_87 = arith.constant 0 : index
    %get3A_88 = arith.constant 0 : index
    %get3A_89 = vector.load %arg13[%get3A_87, %get3A_88] : memref<1x1xf32, #tpu.memory_space<vmem>>, vector<1x1xf32>
    %add3A_90 = vector.broadcast %get3A_89 : vector<1x1xf32> to vector<512x1xf32>
    %add3A_91 = arith.addf %dot_general3A_86, %add3A_90 : vector<512x1xf32>
    %swap3A = arith.constant 0 : index
    %swap3A_92 = arith.constant 0 : index
    %swap3A_93 = vector.load %arg14[%swap3A, %swap3A_92] : memref<512x1xf32, #tpu.memory_space<vmem>>, vector<512x1xf32>
    tpu.vector_store %arg14[%swap3A, %swap3A_92], %add3A_91 {strides = array<i32>} : memref<512x1xf32, #tpu.memory_space<vmem>>, vector<512x1xf32>,
    return
  }
  func.func @transform_0(%arg0: i32) -> (i32, i32) {
    %c0_i32 = arith.constant 0 : i32
    %c0_i32_0 = arith.constant 0 : i32
    return %arg0, %c0_i32 : i32, i32
  }
  func.func @transform_1(%arg0: i32) -> (i32, i32) {
    %c0_i32 = arith.constant 0 : i32
    %c0_i32_0 = arith.constant 0 : i32
    %c0_i32_1 = arith.constant 0 : i32
    return %c0_i32, %c0_i32_0 : i32, i32
  }
  func.func @transform_2(%arg0: i32) -> (i32, i32) {
    %c0_i32 = arith.constant 0 : i32
    %c0_i32_0 = arith.constant 0 : i32
    %c0_i32_1 = arith.constant 0 : i32
    return %c0_i32, %c0_i32_0 : i32, i32
  }
  func.func @transform_3(%arg0: i32) -> (i32, i32) {
    %c0_i32 = arith.constant 0 : i32
    %c0_i32_0 = arith.constant 0 : i32
    %c0_i32_1 = arith.constant 0 : i32
    return %c0_i32, %c0_i32_0 : i32, i32
  }
  func.func @transform_4(%arg0: i32) -> (i32, i32) {
    %c0_i32 = arith.constant 0 : i32
    %c0_i32_0 = arith.constant 0 : i32
    %c0_i32_1 = arith.constant 0 : i32
    return %c0_i32, %c0_i32_0 : i32, i32
  }
  func.func @transform_5(%arg0: i32) -> (i32, i32) {
    %c0_i32 = arith.constant 0 : i32
    %c0_i32_0 = arith.constant 0 : i32
    %c0_i32_1 = arith.constant 0 : i32
    return %c0_i32, %c0_i32_0 : i32, i32
  }
  func.func @transform_6(%arg0: i32) -> (i32, i32) {
    %c0_i32 = arith.constant 0 : i32
    %c0_i32_0 = arith.constant 0 : i32
    %c0_i32_1 = arith.constant 0 : i32
    return %c0_i32, %c0_i32_0 : i32, i32
  }
  func.func @transform_7(%arg0: i32) -> (i32, i32) {
    %c0_i32 = arith.constant 0 : i32
    %c0_i32_0 = arith.constant 0 : i32
    %c0_i32_1 = arith.constant 0 : i32
    return %c0_i32, %c0_i32_0 : i32, i32
  }
  func.func @transform_8(%arg0: i32) -> (i32, i32) {
    %c0_i32 = arith.constant 0 : i32
    %c0_i32_0 = arith.constant 0 : i32
    %c0_i32_1 = arith.constant 0 : i32
    return %c0_i32, %c0_i32_0 : i32, i32
  }
  func.func @transform_9(%arg0: i32) -> (i32, i32) {
    %c0_i32 = arith.constant 0 : i32
    %c0_i32_0 = arith.constant 0 : i32
    %c0_i32_1 = arith.constant 0 : i32
    return %c0_i32, %c0_i32_0 : i32, i32
  }
  func.func @transform_10(%arg0: i32) -> (i32, i32) {
    %c0_i32 = arith.constant 0 : i32
    %c0_i32_0 = arith.constant 0 : i32
    %c0_i32_1 = arith.constant 0 : i32
    return %c0_i32, %c0_i32_0 : i32, i32
  }
  func.func @transform_11(%arg0: i32) -> (i32, i32) {
    %c0_i32 = arith.constant 0 : i32
    %c0_i32_0 = arith.constant 0 : i32
    %c0_i32_1 = arith.constant 0 : i32
    return %c0_i32, %c0_i32_0 : i32, i32
  }
  func.func @transform_12(%arg0: i32) -> (i32, i32) {
    %c0_i32 = arith.constant 0 : i32
    %c0_i32_0 = arith.constant 0 : i32
    %c0_i32_1 = arith.constant 0 : i32
    return %c0_i32, %c0_i32_0 : i32, i32
  }
  func.func @transform_13(%arg0: i32) -> (i32, i32) {
    %c0_i32 = arith.constant 0 : i32
    %c0_i32_0 = arith.constant 0 : i32
    return %arg0, %c0_i32 : i32, i32
  }
}

</mosaic_0001>

<sc_bundles>
// kernel: scatter_offload_async_start.1
scs
__scs_entry_jumppad:
0x0: {  	(pc) =	sbr.rel $0x88, $3  }
0x1: {  	(tag) =	ssettag $0x0;
	lr =	simm.s32 $0x1  }
0x2: {  	[smem:$0x3F4E] =	sst lr;
	_ =	strace $0xD0000000  }
0x3: {  	_ = 	snop  }
0x4: {  	_ = 	snop  }
0x5: {  	_ = 	snop  }
0x6: {  	_ = 	snop  }
0x7: {  	_ = 	snop  }
__scs_overlays_trampoline_lowered:
0x8: {  	[smem:$0x3F5D] =	sst s0  }
0x9: {  	[smem:$0x3F5E] =	sst s1  }
0xa: {  	[smem:$0x3F5F] =	sst s2  }
0xb: {  	[smem:$0x3F60] =	sst s3  }
0xc: {  	[smem:$0x3F61] =	sst s4  }
0xd: {  	[smem:$0x3F62] =	sst s5  }
0xe: {  	[smem:$0x3F63] =	sst s6  }
0xf: {  	[smem:$0x3F64] =	sst s7  }
0x10: {  	[smem:$0x3F65] =	sst s8  }
0x11: {  	[smem:$0x3F66] =	sst s9;
	s0 =	simm.s32 @!p0 $0x0  }
0x12: {  	s1 =	sld [smem:$0x3F4C];
	s0 =	simm.s32 @p0 $0x1  }
0x13: {  	[smem:$0x3F67] =	sst s0;
	s0 =	simm.s32 @!p1 $0x0  }
0x14: {  	s2 =	sld [smem:$0x3F4B];
	s0 =	simm.s32 @p1 $0x1  }
0x15: {  	[smem:$0x3F68] =	sst s0;
	s0 =	simm.s32 @!p2 $0x0  }
0x16: {  	s3 =	sld [smem:$0x3FDB];
	s0 =	simm.s32 @p2 $0x1  }
0x17: {  	s4 =	simm.s32 $0x1BF5;
	[smem:$0x3F6A] =	sst s0  }
0x18: {  	s0 =	sld [smem:$0x3F4D];
	_ =	swait.ge [sflag:s4], $0x0  }
0x19: {  	s7 =	sld [smem:$0x3F4E]  }
0x1a: {  	s8 =	sadd.s32 $0xFFFFE003, lr  }
0x1b: {  	s9 =	sadd.s32 $0xFFFFFEF7, lr;
	s5 =	simm.s32 $0xFFFFFFFF;
	p2 =	slt.u32 s8, $0xFFFFF086  }
0x1c: {  	p1 =	slt.u32 s9, $0xF7A;
	s5 =	simm.s32 @!p2 $0x0  }
0x1d: {  	s5 =	simm.s32 @p1 $0x1;
	p0 =	seq.s32 s7, s2  }
0x1e: {  	s7 =	smul.u32 @!p0 $0xF7A, s2;
	p2 =	seq.s32 @!p0 s5, $0x0  }
0x1f: {  	s9 =	smul.u32 $0xF7A, s1;
	s8 =	simm.s32 @!p0 $0x1BF5;
	p2 =	por !p2, p0  }
0x20: {  	[sflag:s8] =	ssyncset.s32 @!p0 $0xFFFFF086;
	s6 =	sadd.s32 @!p0 s3, s7;
	s7 =	simm.s32 @!p0 $0x108  }
0x21: {  	s3 =	sadd.s32 s3, s9;
	s6 =	sadd.s32 @!p0 $0x88, s6;
	s7 =	simm.s32 @p2 $0x1082  }
0x22: {  	[simem:s7], [sflag:s8] =	dma.local @!p0 [hbm:s6], $0xF7A  }
0x23: {  	s9 =	sor.u32 $0xD0000000, s2;
	s6 =	simm.s32 $0x108;
	_ =	swait.ge @!p0 [sflag:s8], $0x0  }
0x24: {  	s3 =	sadd.s32 $0x88, s3;
	s6 =	simm.s32 @!p1 $0x1082;
	[sflag:s4] =	ssyncset.s32 $0xFFFFF086  }
0x25: {  	[simem:s6], [sflag:s4] =	dma.local [hbm:s3], $0xF7A  }
0x26: {  	[smem:$0x3F4E] =	sst s1;
	(tag) =	ssettag s2;
	_ =	strace s9  }
0x27: {  	s1 =	sld [smem:$0x3F5E]  }
0x28: {  	s2 =	sld [smem:$0x3F5F]  }
0x29: {  	s4 =	sld [smem:$0x3F61]  }
0x2a: {  	p0 =	seq.s32 s5, $0x0;
	s5 =	sld [smem:$0x3F62]  }
0x2b: {  	s6 =	sld [smem:$0x3F63]  }
0x2c: {  	s7 =	sld [smem:$0x3F64]  }
0x2d: {  	s3 =	simm.s32 $0x108;
	s8 =	sld [smem:$0x3F65]  }
0x2e: {  	s3 =	simm.s32 @!p0 $0x1082;
	s9 =	sld [smem:$0x3F66]  }
0x2f: {  	lr =	sadd.s32 s0, s3;
	s0 =	sld [smem:$0x3F5D]  }
0x30: {  	s3 =	sld [smem:$0x3F60]  }
0x31: {  	[smem:$0x3F69] =	sst s10  }
0x32: {  	s10 =	sld [smem:$0x3F67];
	_ =	sdelay $0x3  }
0x33: {  	p0 =	seq.s32 s10, $0x1;
	s10 =	sld [smem:$0x3F69];
	_ =	sdelay $0x3  }
0x34: {  	[smem:$0x3F69] =	sst s10  }
0x35: {  	s10 =	sld [smem:$0x3F68];
	_ =	sdelay $0x3  }
0x36: {  	p1 =	seq.s32 s10, $0x1;
	s10 =	sld [smem:$0x3F69];
	_ =	sdelay $0x3  }
0x37: {  	[smem:$0x3F69] =	sst s10  }
0x38: {  	s10 =	sld [smem:$0x3F6A]  }
0x39: {  	_ = 	snop;
	(pc) =	sbr.ind lr, $3  }
0x3a: {  	_ = 	snop  }
0x3b: {  	_ = 	snop  }
0x3c: {  	p2 =	seq.s32 s10, $0x1;
	s10 =	sld [smem:$0x3F69]  }
0x3d: {  	_ =	shalt  }
0x3e: {  	_ =	shalt  }
0x3f: {  	_ =	shalt  }
0x40: {  	_ =	shalt  }
0x41: {  	_ =	shalt  }
0x42: {  	_ =	shalt  }
0x43: {  	_ =	shalt  }
0x44: {  	_ =	shalt  }
0x45: {  	_ =	shalt  }
0x46: {  	_ =	shalt  }
0x47: {  	_ =	shalt  }
0x48: {  	_ =	shalt  }
0x49: {  	_ =	shalt  }
0x4a: {  	_ =	shalt  }
0x4b: {  	_ =	shalt  }
0x4c: {  	_ =	shalt  }
0x4d: {  	_ =	shalt  }
0x4e: {  	_ =	shalt  }
0x4f: {  	_ =	shalt  }
0x50: {  	_ =	shalt  }
0x51: {  	_ =	shalt  }
0x52: {  	_ =	shalt  }
0x53: {  	_ =	shalt  }
0x54: {  	_ =	shalt  }
0x55: {  	_ =	shalt  }
0x56: {  	_ =	shalt  }
0x57: {  	_ =	shalt  }
0x58: {  	_ =	shalt  }
0x59: {  	_ =	shalt  }
0x5a: {  	_ =	shalt  }
0x5b: {  	_ =	shalt  }
0x5c: {  	_ =	shalt  }
0x5d: {  	_ =	shalt  }
0x5e: {  	_ =	shalt  }
0x5f: {  	_ =	shalt  }
0x60: {  	_ =	shalt  }
0x61: {  	_ =	shalt  }
0x62: {  	_ =	shalt  }
0x63: {  	_ =	shalt  }
0x64: {  	_ =	shalt  }
0x65: {  	_ =	shalt  }
0x66: {  	_ =	shalt  }
0x67: {  	_ =	shalt  }
0x68: {  	_ =	shalt  }
0x69: {  	_ =	shalt  }
0x6a: {  	_ =	shalt  }
0x6b: {  	_ =	shalt  }
0x6c: {  	_ =	shalt  }
0x6d: {  	_ =	shalt  }
0x6e: {  	_ =	shalt  }
0x6f: {  	_ =	shalt  }
0x70: {  	_ =	shalt  }
0x71: {  	_ =	shalt  }
0x72: {  	_ =	shalt  }
0x73: {  	_ =	shalt  }
0x74: {  	_ =	shalt  }
0x75: {  	_ =	shalt  }
0x76: {  	_ =	shalt  }
0x77: {  	_ =	shalt  }
0x78: {  	_ =	shalt  }
0x79: {  	_ =	shalt  }
0x7a: {  	_ =	shalt  }
0x7b: {  	_ =	shalt  }
0x7c: {  	_ =	shalt  }
0x7d: {  	_ =	shalt  }
0x7e: {  	_ =	shalt  }
0x7f: {  	_ =	shalt  }
0x80: {  	_ =	shalt  }
0x81: {  	_ =	shalt  }
0x82: {  	_ =	shalt  }
0x83: {  	_ =	shalt  }
0x84: {  	_ =	shalt  }
0x85: {  	_ =	shalt  }
0x86: {  	_ =	shalt  }
0x87: {  	_ =	shalt  }
.Lfunc_end0:
.L_simem_size_0:
called_computation.1_lowered:
.L_overlay_start_0:
0x88: {  	s0 =	sld [smem:$0x3FD9]  }
0x89: {  	s1 =	sld [smem:$0x3FFE];
	_ =	sdelay $0x3  }
0x8a: {  	s0 =	sadd.s32 s1, s0  }
0x8b: {  	[smem:$0x3F75] =	sst s0  }
0x8c: {  	_ = 	snop  }
0x8d: {  	s0 =	sld [smem:$0x3FD0];
	(tm) =	ssettm $0x1  }
0x8e: {  	s16 =	sld [smem:$0x3FFB];
	_ =	sdelay $0x3  }
0x8f: {  	_ =	strace s16  }
0x90: {  	s1 =	sld [smem:$0x3FFC];
	_ =	sdelay $0x3  }
0x91: {  	_ =	strace s1  }
0x92: {  	s1 =	sld [smem:$0x3FFD];
	_ =	sdelay $0x3  }
0x93: {  	_ =	strace s1  }
0x94: {  	_ =	strace $0x8FFFFFFF  }
0x95: {  	s17 =	sld [smem:$0x3FDB];
	_ =	sdelay $0x1  }
0x96: {  	s2 =	simm.s32 $_scs_section_size  }
0x97: {  	s3 =	simm.s32 $_size__tile_overlayer_lowered;
	s4 =	simm.s32 $_tile_overlayer_lowered  }
0x98: {  	s20 =	simm.s32 $0x1BFF;
	s19 =	sshll.u32 s4, $0x1;
	s1 =	sadd.s32 s2, s17  }
0x99: {  	s5 =	simm.s32 $0x0;
	s18 =	sshll.u32 s3, $0x1;
	s3 =	sadd.s32 s19, s1  }
0x9a: {  	[timem:s5], [sflag:s20] =	dma.local [hbm:s3], s18  }
0x9b: {  	_ =	swait.ge [sflag:s20], s18  }
0x9c: {  	s2 =	ssub.s32 $0x0, s18;
	[sflag:s20] =	ssyncset.done $0x0  }
0x9d: {  	[sflag:s20] =	ssyncadd.s32 s2;
	_ =	sdelay $0x1  }
0x9e: {  	s21 =	simm.s32 $0x1B8B  }
0x9f: {  	_ =	swait.ge [sflag:s21], $0x1  }
0xa0: {  	[sflag:s21] =	ssyncset.done $0x0  }
0xa1: {  	s23 =	simm.s32 $0x1B8E;
	s22 =	sld [smem:$0x3FFE];
	[sflag:s21] =	ssyncadd.s32 $0xFFFFFFFF  }
0xa2: {  	s24 =	simm.s32 $execute0_lowered;
	[smem:$0x3FD2] =	sst s23  }
0xa3: {  	s3 =	sshll.u32 s24, $0x1;
	_ =	strace $0x80000046;
	[dreg:$0x1] =	wrdreg $0xFFFFFFFF  }
0xa4: {  	s25 =	simm.s32 $_size_execute0_lowered;
	s1 =	sadd.s32 s1, s3;
	[dreg:$0x0] =	wrdreg $0x0  }
0xa5: {  	s3 =	sshll.u32 s25, $0x1;
	[dreg:$0x2] =	wrdreg s1  }
0xa6: {  	[dreg:$0x3] =	wrdreg s3  }
0xa7: {  	[dreg:$0x4] =	wrdreg $0xC0  }
0xa8: {  	_ =	task [dreg:s5], $0x5FFFF  }
0xa9: {  	[dreg:$0x1] =	wrdreg $0xFFFFFFFF  }
0xaa: {  	[dreg:$0x0] =	wrdreg $0x60  }
0xab: {  	[dreg:$0x2] =	wrdreg s0  }
0xac: {  	[dreg:$0x3] =	wrdreg s22  }
0xad: {  	[dreg:$0x4] =	wrdreg $0xA  }
0xae: {  	_ =	task.clear_ibuf [dreg:s5], $0x5FFFF;
	_ =	strace $0x90000046  }
0xaf: {  	s26 =	simm.s32 $0xA;
	_ =	strace $0x80000048  }
0xb0: {  	_ =	swait.ge [sflag:s26], $0x1  }
0xb1: {  	[sflag:s26] =	ssyncadd.s32 $0xFFFFFFFF  }
0xb2: {  	_ =	strace $0x90000048  }
0xb3: {  	_ =	sfence  }
0xb4: {  	s28 =	sld [smem:$0x0];
	_ =	sdelay $0x1  }
0xb5: {  	s29 =	srdreg.scid  }
0xb6: {  	s30 =	sshll.u32 s29, $0xD;
	s31 =	sshrl.u32 s29, $0x2  }
0xb7: {  	s2 =	sand.u32 $0x4000, s30;
	s1 =	sand.u32 $0x1, s29;
	s0 =	sadd.s32 s31, s28  }
0xb8: {  	s1 =	sor.u32 s2, s1;
	s0 =	sshll.u32 s0, $0x11  }
0xb9: {  	s0 =	sor.u32 s0, s1  }
0xba: {  	s0 =	sadd.s32 $0x8F2B, s0  }
0xbb: {  	[sflag:s0] =	ssyncadd.remote.s32 $0x1  }
0xbc: {  	_ =	sfence.sel $0xFFFF  }
0xbd: {  	[dreg:$0x0] =	wrdreg $0xFFFFFFFF;
	(pc) =	sbr.abs _section_cstart, $3  }
0xbe: {  	[dreg:$0x1] =	wrdreg $0xFFFFFFFF  }
0xbf: {  	_ =	task.clear_ibuf [dreg:s5], $0x2FFFF;
	_ =	strace $0x9FFFFFFF  }
0xc0: {  	(tm) =	ssettm $0x7FFFFFFF  }
0xc1: {  	_ =	shalt  }
tec
execute0_lowered:
.L_overlay_start_1:
0x0: {  	(tag) =	ssettag $0x1  }
0x1: {  	s1 =	rddreg [dreg:$0x0]  }
0x2: {  	s0 =	rddreg [dreg:$0x1];
	_ =	strace $0x80000047;
	s3 =	simm.s32 $0x1  }
0x3: {  	v1 =	vimm.s32 $0xFFFFFFFF;
	[sflag:s3] =	ssyncpa.u1 $0x0  }
0x4: {  	[tilespmem:$0x10] =	vst v1  }
0x5: {  	v0 =	vimm.f32 $0.0e+00;
	[tilespmem:$0x20] =	vst v1  }
0x6: {  	[tilespmem:$0x30] =	vst v0  }
0x7: {  	s2 =	simm.s32 $0x2;
	s6 =	simm.s32 $0x7;
	[tilespmem:$0x40] =	vst v0  }
0x8: {  	s26 =	stileid.u32;
	s7 =	simm.s32 $0x8;
	s31 =	simm.s32 $0x9;
	[tilespmem:$0x50] =	vst v0  }
0x9: {  	s14 =	simm.s32 $0x0;
	s15 =	simm.s32 $0x100;
	s18 =	simm.s32 $0x10;
	[tilespmem:$0x60] =	vst v1  }
0xa: {  	s19 =	simm.s32 $0x12100;
	s20 =	simm.s32 $0xF;
	s21 =	simm.s32 $0x50;
	[tilespmem:$0x70] =	vst v1  }
0xb: {  	s22 =	simm.s32 $0x80FF;
	s23 =	simm.s32 $0x20;
	s24 =	simm.s32 $0x30;
	[tilespmem:$0x80] =	vst v1  }
0xc: {  	s25 =	simm.s32 $0x100FF;
	s30 =	simm.s32 $0x0;
	s29 =	simm.s32 $0x0;
	v1 =	vimm.s32 $0x0;
	[tilespmem:$0xB0] =	vst v0  }
.Ltmp0:
0xd: {  	s4 =	sadd.s32 $0xE800, s0;
	s5 =	sadd.s32 $0x460000, s0;
	[tilespmem:$0x90] =	vst v1;
	(pc) =	sbr.rel .LBB2_1-.Ltmp0, $4  }
0xe: {  	s8 =	sshll.u32 s26, $0xD;
	s10 =	sshll.u32 s26, $0x1;
	[tilespmem:$0xA0] =	vst v1;
	[sflag:s2] =	ssyncpa.u1 $0x0  }
0xf: {  	s12 =	sshllo.u32 s26, $0x1;
	s26 =	simm.s32 $0x80;
	[sflag:s6] =	ssyncpa.u1 $0x0  }
0x10: {  	vm0 =	vmmov $0xffff;
	v2 =	vlaneseq.u32;
	s9 =	sadd.s32 $0x2000, s8;
	s11 =	sor.u32 $0x81, s10;
	[sflag:s7] =	ssyncpa.u1 $0x0  }
0x11: {  	vm1 =	vmxor vm1, vm1;
	vm2 =	vmmov $0x1;
	vm3 =	vcmask $0x3F3C;
	s13 =	sor.u32 $0x80, s10;
	s28 =	smov.u32 s8;
	[sflag:s31] =	ssyncpa.u1 $0x0  }
.LBB2_3:
0x12: {  	s0 =	sshrl.u32 s28, $0x3  }
0x13: {  	s2 =	sand.u32 $0x7, s28;
	s0 =	sadd.s32 s4, s0  }
0x14: {  	[tilespmem:s15], [sflag:$0x7] =	stream.linear.gather [hbm4b:s0+s2], $0x2000, $0x38;
	[tilespmem:$0x12120] =	vst v63  }
.LBB2_4:
0x15: {  	s0 =	sadd.s32 $0x2000, s28  }
0x16: {  	s2 =	smov.u32 s8;
	s29 =	sadd.s32 $0x1, s29;
	p0 =	slt.s32 s0, s9  }
0x17: {  	s2 =	smov.u32 @p0 s0;
	p0 =	sne.s32 s29, $0x4  }
.Ltmp1:
0x18: {  	_ = 	snop;
	(pc) =	sbr.rel @!p0 .LBB2_13-.Ltmp1, $2  }
0x19: {  	_ =	sdelay $0x2  }
0x1a: {  	s30 =	smov.u32 s28;
	s28 =	smov.u32 s2  }
.LBB2_1:
0x1b: {  	p0 =	sgt.s32 s29, $0x1  }
.Ltmp2:
0x1c: {  	_ = 	snop;
	(pc) =	sbr.rel @p0 .LBB2_11-.Ltmp2, $1  }
0x1d: {  	_ =	sdelay $0x3  }
0x1e: {  	p0 =	seq.s32 s29, $0x0  }
.Ltmp3:
0x1f: {  	_ = 	snop;
	(pc) =	sbr.rel @p0 .LBB2_3-.Ltmp3, $1  }
0x20: {  	_ =	sdelay $0x3  }
0x21: {  	_ =	swait.ge [sflag:s6], $0x2000  }
0x22: {  	[sflag:s6] =	ssyncset.done $0x0  }
0x23: {  	[sflag:s6] =	ssyncadd.s32 $0xFFFFE000;
	(ifvalue) =	ssetifvalue $0xFFFFFFFF;
	v3 =	vld.msk [tilespmem:s15+$0x0 ss:$0x1], $0xffff;
	_ =	sdelay $0x4  }
0x24: {  	v4 =	vperm.xlane v3, v1  }
0x25: {  	vm4 =	vlt.u32 v3, $0x2000  }
0x26: {  	v3 =	vnsel vm4, $0xFFFFFFFE, v3;
	vm4 =	vlt.u32 v4, $0x2000  }
0x27: {  	[tilespmem:$0x70] =	vst v3;
	v3 =	vnsel vm4, $0xFFFFFFFE, v4  }
0x28: {  	s17 =	simm.s32 $0x20F0;
	[tilespmem:$0x80] =	vst v3  }
0x29: {  	v3 =	vld.msk [tilespmem:s17+$0x0 ss:$0x1], $0xffff;
	_ =	sdelay $0x4  }
0x2a: {  	(xrf1) =	vunique.msk.u32 $0xffff, v3;
	_ =	sdelay $0xd  }
0x2b: {  	v4 =	vimm.s32 $0xFFFFFFFF;
	v5, _, _ =	vpop (xrf1)  }
0x2c: {  	vm5 =	vne.s32 v3, v4;
	vm4 =	veq.s32 v5, v2  }
0x2d: {  	vm6 =	vlt.u32 v3, $0x2000;
	vm4 =	vmand vm5, vm4  }
0x2e: {  	vm4 =	vmand vm6, vm4  }
0x2f: {  	v4 =	vnsel vm4, $0xFFFFFFFF, v3;
	_ =	sdelay $0x3  }
0x30: {  	s0 =	simm.s32 $0x80F0;
	(ifvalue) =	ssetifvalue $0xFFFFFFFF  }
0x31: {  	v3 =	vperm.xlane v3, v1;
	[tilespmem:s0], [sflag:$0x8] =	stream.indirect_vreg.gather [hbm4b:s1+s14], $0x1, v4, vm0, $0x4038;
	v4 =	vnsel vm6, $0xFFFFFFFE, v4;
	[tilespmem:$0x12120] =	vst v63  }
0x32: {  	s2 =	simm.s32 $0x0;
	s16 =	simm.s32 $0x20E0;
	[tilespmem:s17+$0x0] =	vst v4  }
.LBB2_6:
0x33: {  	v4 =	vld.msk [tilespmem:s16+$0x0 ss:$0x1], $0xffff;
	s2 =	sadd.s32 $0x10, s2;
	v5 =	vmov v3;
	s17 =	smov.u32 s16  }
0x34: {  	p0 =	slt.u32 s2, $0x1FF0;
	_ =	sdelay $0x4  }
0x35: {  	v3 =	vperm.xlane v4, v1;
	(xrf1) =	vunique.msk.u32 $0xffff, v4;
	_ =	sdelay $0xd  }
0x36: {  	v6, _, _ =	vpop (xrf1)  }
0x37: {  	vm5 =	vne.s32 v4, v5;
	vm4 =	veq.s32 v6, v2  }
0x38: {  	vm6 =	vlt.u32 v4, $0x2000;
	vm4 =	vmand vm5, vm4  }
0x39: {  	vm4 =	vmand vm6, vm4  }
0x3a: {  	v4 =	vnsel vm4, $0xFFFFFFFF, v4  }
.Ltmp4:
0x3b: {  	v5 =	vnsel vm6, $0xFFFFFFFE, v4;
	(pc) =	sbr.rel @p0 .LBB2_6-.Ltmp4, $3  }
0x3c: {  	_ =	sdelay $0x1  }
0x3d: {  	s16 =	sadd.s32 $0xFFFFFFF0, s16;
	s0 =	sadd.s32 $0xFFFFFFF0, s0;
	(ifvalue) =	ssetifvalue $0xFFFFFFFF  }
0x3e: {  	[tilespmem:s0], [sflag:$0x8] =	stream.indirect_vreg.gather [hbm4b:s1+s14], $0x1, v4, vm0, $0x4038;
	[tilespmem:s17+$0x0] =	vst v5  }
.Ltmp5:
0x3f: {  	(pc) =	sbr.rel .LBB2_4-.Ltmp5, $4  }
0x40: {  	_ = 	snop  }
0x41: {  	s0 =	sshrl.u32 s30, $0x3  }
0x42: {  	s2 =	simm.s32 $0xA100;
	s0 =	sadd.s32 s5, s0  }
0x43: {  	[tilespmem:s2], [sflag:$0x8] =	stream.linear.gather [hbm:s0], $0x2000, $0x38;
	[tilespmem:$0x12120] =	vst v63  }
.LBB2_11:
0x44: {  	p0 =	seq.s32 s29, $0x2  }
.Ltmp6:
0x45: {  	_ = 	snop;
	(pc) =	sbr.rel @!p0 .LBB2_12-.Ltmp6, $1  }
0x46: {  	_ =	sdelay $0x3  }
0x47: {  	_ =	swait.ge [sflag:s7], $0x4000  }
0x48: {  	[sflag:s7] =	ssyncset.done $0x0  }
0x49: {  	s0 =	simm.s32 $0x20FF;
	[sflag:s7] =	ssyncadd.s32 $0xFFFFC000  }
0x4a: {  	[spmem:s11] =	stream.linear.scatter [tilespmem:s0], [sflag:$0x1], $0x1, $0x38;
	[tilespmem:$0x12120] =	vst v63  }
0x4b: {  	_ =	swait.ge [sflag:s3], $0x1  }
0x4c: {  	[sflag:s3] =	ssyncset.done $0x0  }
0x4d: {  	[sflag:s3] =	ssyncadd.s32 $0xFFFFFFFF  }
0x4e: {  	v4 =	vld [tilespmem:$0x10]  }
0x4f: {  	v5 =	vld [tilespmem:$0x70]  }
0x50: {  	v3 =	vld [tilespmem:$0x80];
	_ =	sdelay $0x2  }
0x51: {  	(v2sf) =	vpush v4, $0x0  }
0x52: {  	(v2sf) =	vpush v5, $0x0  }
0x53: {  	(v2sf) =	vpush v3, $0x0;
	_ =	sdelay $0xc  }
0x54: {  	s16 =	spop (v2sf)  }
0x55: {  	s2 =	spop (v2sf)  }
0x56: {  	s30 =	spop (v2sf)  }
0x57: {  	p0 =	seq.s32 s16, s2;
	p1 =	seq.s32 s30, s16  }
0x58: {  	p1 =	por p0, p1  }
0x59: {  	v4 =	vpsel p1, $0xFFFFFFFF, v4  }
0x5a: {  	[tilespmem:s18+$0x0] =	vst.msk $0x1, v4  }
0x5b: {  	v4 =	vld [tilespmem:$0x30]  }
0x5c: {  	v5 =	vld [tilespmem:$0xA100]  }
0x5d: {  	v6 =	vld [tilespmem:$0x40];
	_ =	sdelay $0x3  }
0x5e: {  	vm4 =	vmmov vm1;
	v5 =	vadd.f32 v5, v4  }
0x5f: {  	vm5 =	vmmov vm2;
	s31 =	simm.s32 $0xA100;
	vm4 =	vmmov @p0 vm2;
	v4 =	vadd.f32 v6, v4  }
0x60: {  	vm5 =	vmmov @p1 vm1;
	[tilespmem:s31+$0x0] =	vst.msk vm4, v5  }
0x61: {  	[tilespmem:s19+$0x0] =	vst.msk vm5, v4  }
0x62: {  	v4 =	vld [tilespmem:$0x80F0];
	_ =	sdelay $0x3  }
0x63: {  	v5 =	vimm.f32 $0.0e+00  }
0x64: {  	v4 =	vshift.insert v4, v5, s20;
	_ =	sdelay $0x1  }
0x65: {  	[tilespmem:s21+$0x0] =	vst.msk $0x1, v4  }
0x66: {  	[tilespmem:s22+$0x0] =	vst.msk $0x1, v5  }
0x67: {  	v4 =	vld [tilespmem:$0x20F0];
	_ =	sdelay $0x4  }
0x68: {  	v4 =	vshift.insert v4, v1, s20;
	_ =	sdelay $0x1  }
0x69: {  	[tilespmem:s23+$0x0] =	vst.msk $0x1, v4  }
0x6a: {  	s17 =	simm.s32 $0x100;
	v6 =	vld [tilespmem:s31+$0x0]  }
0x6b: {  	v7 =	vld [tilespmem:s17+$0x0];
	_ =	sdelay $0x3  }
0x6c: {  	v5 =	vadd.f32 v6, v5  }
0x6d: {  	vm4 =	vne.s32 v7, $0xFFFFFFFF  }
0x6e: {  	(xrf2) =	vadd.seg.scan.f32 vm4, v5;
	_ =	sdelay $0x3  }
0x6f: {  	s0 =	simm.s32 $0x6100;
	v5 =	vperm.xlane v4, v1  }
0x70: {  	v6 =	vld [tilespmem:s0+$0x0]  }
0x71: {  	vm5 =	veq.s32 v7, v3;
	vm6 =	veq.s32 v7, v5  }
0x72: {  	vm7 =	vgt.u32 v7, $0xFFFFFFFD;
	vm6 =	vmor vm6, vm5  }
0x73: {  	vm6 =	vmor vm6, vm7  }
0x74: {  	v9 =	vld [tilespmem:$0xA0];
	v7 =	vsel vm6, $0xFFFFFFFF, v7  }
0x75: {  	v10 =	vld [tilespmem:$0x90];
	v6 =	vsel vm5, $0x0, v6;
	v8, _, _ =	vpop (xrf2)  }
0x76: {  	v6 =	vadd.f32 v8, v6  }
0x77: {  	s2 =	simm.s32 $0xE100  }
0x78: {  	vm4 =	vmand vm4, vm3;
	[tilespmem:s2+$0x0] =	vst v6;
	(ifvalue) =	ssetifvalue $0xFFFFFFFF  }
0x79: {  	vm6 =	veq.s32 v9, $0x1;
	[hbm4b:s1+s14] =	stream.indirect_vreg.scatter [tilespmem:s2], [sflag:$0x2], $0x1, v7, vm0, $0x4038;
	v7 =	vsel vm4, $0x0, v8;
	[tilespmem:$0x12120] =	vst v63  }
0x7a: {  	s16 =	simm.s32 $0x0;
	s17 =	simm.s32 $0x110;
	vm4 =	vmor vm6, vm5;
	v6 =	vsel vm5, v8, v10;
	v7 =	vshift.insert v7, v0, s20  }
.LBB2_9:
0x7b: {  	v8 =	vld [tilespmem:s17+$0x0];
	s31 =	sadd.s32 $0x10, s31  }
0x7c: {  	s0 =	sadd.s32 $0x10, s0;
	v9 =	vld [tilespmem:s31+$0x0]  }
0x7d: {  	s16 =	sadd.s32 $0x10, s16;
	v10 =	vld [tilespmem:s0+$0x0]  }
0x7e: {  	p0 =	slt.u32 s16, $0x1FF0;
	_ =	sdelay $0x2  }
0x7f: {  	v7 =	vadd.f32 v9, v7  }
0x80: {  	vm5 =	vne.s32 v8, $0xFFFFFFFF  }
0x81: {  	vm6 =	vmand vm5, vm3;
	(xrf2) =	vadd.seg.scan.f32 vm5, v7;
	_ =	sdelay $0x5  }
0x82: {  	vm7 =	veq.s32 v8, v5;
	vm5 =	veq.s32 v8, v3  }
0x83: {  	vm8 =	vgt.u32 v8, $0xFFFFFFFD;
	vm4 =	vmor vm4, vm5;
	vm7 =	vmor vm7, vm5  }
0x84: {  	vm7 =	vmor vm7, vm8  }
0x85: {  	v8 =	vsel vm7, $0xFFFFFFFF, v8  }
.Ltmp7:
0x86: {  	v7 =	vsel vm5, $0x0, v10;
	v9, _, _ =	vpop (xrf2);
	(pc) =	sbr.rel @p0 .LBB2_9-.Ltmp7, $4  }
0x87: {  	v6 =	vsel vm5, v9, v6;
	v10 =	vadd.f32 v9, v7;
	v7 =	vsel vm6, $0x0, v9  }
0x88: {  	s2 =	sadd.s32 $0x10, s2;
	v7 =	vshift.insert v7, v0, s20  }
0x89: {  	s17 =	sadd.s32 $0x10, s17;
	[tilespmem:s2+$0x0] =	vst v10;
	(ifvalue) =	ssetifvalue $0xFFFFFFFF  }
0x8a: {  	[hbm4b:s1+s14] =	stream.indirect_vreg.scatter [tilespmem:s2], [sflag:$0x2], $0x1, v8, vm0, $0x4038;
	[tilespmem:$0x12120] =	vst v63  }
0x8b: {  	v3 =	vld [tilespmem:$0x100F0];
	_ =	sdelay $0x4  }
0x8c: {  	v3 =	vshift.insert v3, v0, s20;
	_ =	sdelay $0x1  }
0x8d: {  	[tilespmem:s24+$0x0] =	vst.msk $0x1, v3  }
0x8e: {  	v3 =	vsel vm4, $0x1, v1;
	[tilespmem:$0x90] =	vst v6  }
0x8f: {  	[tilespmem:$0xA0] =	vst v3  }
0x90: {  	[spmem:s12] =	stream.linear.scatter [tilespmem:s25], [sflag:$0x1], $0x1, $0x38;
	[tilespmem:$0x12120] =	vst v63  }
0x91: {  	v3 =	vmctz.xlane vm4;
	_ =	swait.ge [sflag:s3], $0x1  }
0x92: {  	(v2sf) =	vpush v4, $0x0  }
0x93: {  	(v2sf) =	vpush v3, $0x0;
	_ =	sdelay $0xd  }
0x94: {  	s0 =	spop (v2sf)  }
0x95: {  	s2 =	spop (v2sf)  }
0x96: {  	[sflag:s3] =	ssyncset.done $0x0;
	p0 =	sne.s32 s30, s0;
	p1 =	slt.s32 s2, $0xF  }
0x97: {  	[sflag:s3] =	ssyncadd.s32 $0xFFFFFFFF;
	v3 =	vimm.s32 @!p0 $0xFFFFFFFF;
	s2 =	simm.s32 @!p1 $0xF  }
0x98: {  	[tilespmem:$0x80] =	vst @!p0 v3;
	s31 =	sadd.s32 $0x90, s2  }
0x99: {  	[spmem:s10] =	stream.linear.scatter [tilespmem:s31], [sflag:$0x1], $0x1, $0x38;
	[tilespmem:$0x12120] =	vst v63  }
0x9a: {  	_ =	swait.ge [sflag:s3], $0x1  }
0x9b: {  	[sflag:s3] =	ssyncset.done $0x0  }
0x9c: {  	[sflag:s3] =	ssyncadd.s32 $0xFFFFFFFF  }
0x9d: {  	[spmem:s13] =	stream.linear.scatter [tilespmem:s26], [sflag:$0x1], $0x1, $0x38;
	[tilespmem:$0x12120] =	vst v63  }
0x9e: {  	_ =	swait.ge [sflag:s3], $0x1  }
0x9f: {  	[sflag:s3] =	ssyncset.done $0x0  }
0xa0: {  	[sflag:s3] =	ssyncadd.s32 $0xFFFFFFFF;
	(ifvalue) =	ssetifvalue $0xFFFFFFFF;
	v3 =	vld [tilespmem:$0x10];
	_ =	sdelay $0x3  }
.Ltmp8:
0xa1: {  	_ = 	snop;
	(pc) =	sbr.rel .LBB2_4-.Ltmp8, $3  }
0xa2: {  	_ =	sdelay $0x1  }
0xa3: {  	(ifvalue) =	ssetifvalue $0xFFFFFFFF  }
0xa4: {  	[hbm4b:s1+s14] =	stream.indirect_vreg.scatter [tilespmem:s19], [sflag:$0x9], $0x1, v3, vm0, $0x4038;
	[tilespmem:$0x12120] =	vst v63  }
.LBB2_12:
0xa5: {  	s0 =	simm.s32 $0x2  }
0xa6: {  	_ =	swait.ge [sflag:s0], $0x2000  }
0xa7: {  	[sflag:s0] =	ssyncset.done $0x0  }
0xa8: {  	s31 =	simm.s32 $0x9;
	[sflag:s0] =	ssyncadd.s32 $0xFFFFE000  }
0xa9: {  	_ =	swait.ge [sflag:s31], $0x10  }
0xaa: {  	[sflag:s31] =	ssyncset.done $0x0  }
0xab: {  	[sflag:s31] =	ssyncadd.s32 $0xFFFFFFF0  }
.LBB2_13:
0xac: {  	_ =	sfence.sel $0x180000  }
0xad: {  	s0 =	simm.s32 $0x7;
	[bflag:$0x0] =	sbarrier.arrive $0xFFFF  }
0xae: {  	s26 =	simm.s32 $0x8;
	[sflag:s0] =	ssyncpa.u1 $0x1  }
0xaf: {  	s28 =	simm.s32 $0x9;
	[sflag:s26] =	ssyncpa.u1 $0x1  }
0xb0: {  	[sflag:s28] =	ssyncpa.u1 $0x1  }
0xb1: {  	_ =	sfence.stream.spmem  }
0xb2: {  	s29 =	simm.s32 $0x3;
	[bflag:$0x0] =	sbarrier.arrive $0xFFFF  }
0xb3: {  	s30 =	simm.s32 $0x4;
	[sflag:s29] =	ssyncpa.u1 $0x1  }
0xb4: {  	s31 =	simm.s32 $0x3C;
	s2 =	stileid.u32;
	[sflag:s30] =	ssyncpa.u1 $0x1  }
0xb5: {  	p0 =	sne.s32 s2, $0x0;
	[sflag:s31] =	ssyncpa.u1 $0x1  }
0xb6: {  	s0 =	simm.s32 @p0 $0x1;
	_ =	sfence @p0  }
0xb7: {  	[sflag:s0] =	ssyncpa.u1 @p0 $0x1;
	s0 =	simm.s32 @p0 $0x2  }
0xb8: {  	[sflag:s0] =	ssyncpa.u1 @p0 $0x1  }
0xb9: {  	_ =	strace @p0 $0x90000047  }
0xba: {  	[bflag:$0x2] =	sbarrier.arrive @p0 $0xFFFF  }
0xbb: {  	_ =	shalt @p0  }
.LBB2_14:
0xbc: {  	_ =	sfence.stream.spmem;
	s0 =	simm.s32 $0x5  }
0xbd: {  	s2 =	simm.s32 $0x80;
	s3 =	simm.s32 $0xC0;
	[sflag:s0] =	ssyncpa.u1 $0x0  }
0xbe: {  	[tilespmem:s3], [sflag:$0x5] =	stream.linear.gather [spmem:s2], $0x20, $0x38;
	[tilespmem:$0x12120] =	vst v63  }
0xbf: {  	s2 =	simm.s32 $0x0;
	s3 =	simm.s32 $0xE0  }
0xc0: {  	[tilespmem:s3], [sflag:$0x5] =	stream.linear.gather [spmem:s2], $0x20, $0x38;
	[tilespmem:$0x12120] =	vst v63  }
.Ltmp9:
0xc1: {  	_ = 	snop;
	(pc) =	sbr.rel .LBB2_15-.Ltmp9, $4  }
0xc2: {  	_ =	swait.ge [sflag:s0], $0x40  }
0xc3: {  	[sflag:s0] =	ssyncset.done $0x0  }
0xc4: {  	s31 =	simm.s32 $0x6;
	[sflag:s0] =	ssyncadd.s32 $0xFFFFFFC0  }
0xc5: {  	s4 =	simm.s32 $0x0;
	[sflag:s31] =	ssyncpa.u1 $0x0  }
.LBB2_20:
0xc6: {  	p0 =	sgt.u32 s0, $0x1FFF  }
0xc7: {  	s5 =	sshrl.u32 @!p0 s0, $0x3  }
0xc8: {  	s0 =	sand.u32 @!p0 $0x7, s0;
	s6 =	simm.s32 @!p0 $0xB0;
	s5 =	sadd.s32 @!p0 s1, s5  }
0xc9: {  	[tilespmem:s6], [sflag:$0x6] =	stream.linear.gather @!p0 [hbm4b:s5+s0], $0x1, $0x38;
	[tilespmem:$0x12120] =	vst v63  }
0xca: {  	s0 =	simm.s32 @!p0 $0x6  }
0xcb: {  	_ =	swait.ge @!p0 [sflag:s0], $0x1  }
0xcc: {  	[sflag:s0] =	ssyncset.done @!p0 $0x0  }
0xcd: {  	[sflag:s0] =	ssyncadd.s32 @!p0 $0xFFFFFFFF  }
0xce: {  	v2 =	vmov @!p0 s4;
	v1 =	vld.msk @!p0 [tilespmem:$0xB0], $0x1;
	_ =	sdelay $0x3  }
0xcf: {  	s0 =	simm.s32 @!p0 $0xE0  }
0xd0: {  	[tilespmem:v2+s0+$0x0], v1 =	vst.idx.ret.add.f32.msk @!p0 $0x1, v1  }
0xd1: {  	[tilespmem:s2+$0xC0] =	vst.msk $0x1, v0  }
0xd2: {  	v0 =	vld.msk [tilespmem:s4+$0xE0], $0x1;
	_ =	sdelay $0x4  }
0xd3: {  	[tilespmem:s2+$0xE0] =	vst.msk $0x1, v0;
	s2 =	sadd.s32 $0x1, s2  }
.LBB2_22:
0xd4: {  	s4 =	sadd.s32 $0x1, s4  }
0xd5: {  	p0 =	sne.s32 s4, $0x20  }
.Ltmp10:
0xd6: {  	_ = 	snop;
	(pc) =	sbr.rel @!p0 .LBB2_23-.Ltmp10, $1  }
0xd7: {  	_ =	sdelay $0x3  }
.LBB2_15:
0xd8: {  	v0 =	vld.msk [tilespmem:s4+$0xC0], $0x1;
	_ =	sdelay $0x4  }
0xd9: {  	(v2sf) =	vpush v0, $0x0;
	_ =	sdelay $0xe  }
0xda: {  	s0 =	spop (v2sf)  }
0xdb: {  	p0 =	seq.s32 s0, $0xFFFFFFFF  }
.Ltmp11:
0xdc: {  	_ = 	snop;
	(pc) =	sbr.rel @p0 .LBB2_22-.Ltmp11, $1  }
0xdd: {  	_ =	sdelay $0x3  }
0xde: {  	p0 =	slt.s32 s2, $0x1  }
.Ltmp12:
0xdf: {  	_ = 	snop;
	(pc) =	sbr.rel @p0 .LBB2_20-.Ltmp12, $1  }
0xe0: {  	_ =	sdelay $0x3  }
0xe1: {  	s5 =	simm.s32 $0xC0;
	p0 =	por $0x0, $0x0  }
0xe2: {  	v1 =	vld.msk @!p0 [tilespmem:s5+$0x0], $0x1;
	_ =	sdelay $0x4  }
0xe3: {  	(v2sf) =	vpush @!p0 v1, $0x0;
	_ =	sdelay $0xd  }
0xe4: {  	p2 =	sne.s32 s2, $0x1  }
.Ltmp13:
0xe5: {  	s6 =	spop @!p0 (v2sf);
	(pc) =	sbr.rel @!p2 .LBB2_19-.Ltmp13, $4  }
0xe6: {  	p1 =	seq.s32 @!p0 s0, s6  }
0xe7: {  	s6 =	simm.s32 $0x0;
	p1 =	por !p1, p0  }
0xe8: {  	s8 =	simm.s32 $0xFFFFFFFF;
	s6 =	simm.s32 @p1 $0xFFFFFFFF  }
0xe9: {  	s7 =	simm.s32 $0x1;
	s6 =	smov.u32 @p0 s8  }
.LBB2_18:
0xea: {  	s8 =	smov.u32 s6;
	p0 =	sne.s32 s6, $0xFFFFFFFF  }
0xeb: {  	s5 =	sadd.s32 $0x1, s5;
	s6 =	smov.u32 s7;
	s7 =	sadd.s32 $0x1, s7  }
0xec: {  	p1 =	sne.s32 s2, s7;
	v1 =	vld.msk @!p0 [tilespmem:s5+$0x0], $0x1;
	_ =	sdelay $0x4  }
0xed: {  	(v2sf) =	vpush @!p0 v1, $0x0;
	_ =	sdelay $0xe  }
.Ltmp14:
0xee: {  	s9 =	spop @!p0 (v2sf);
	(pc) =	sbr.rel @p1 .LBB2_18-.Ltmp14, $4  }
0xef: {  	p2 =	seq.s32 @!p0 s0, s9  }
0xf0: {  	p2 =	por !p2, p0  }
0xf1: {  	s6 =	simm.s32 @p2 $0xFFFFFFFF  }
0xf2: {  	s6 =	smov.u32 @p0 s8  }
.LBB2_19:
0xf3: {  	p0 =	sne.s32 s6, $0xFFFFFFFF  }
.Ltmp15:
0xf4: {  	_ = 	snop;
	(pc) =	sbr.rel @!p0 .LBB2_20-.Ltmp15, $1  }
0xf5: {  	_ =	sdelay $0x3  }
0xf6: {  	v0 =	vld.msk [tilespmem:s4+$0xE0], $0x1;
	v1 =	vmov s6  }
.Ltmp16:
0xf7: {  	_ = 	snop;
	(pc) =	sbr.rel .LBB2_22-.Ltmp16, $2  }
0xf8: {  	_ =	sdelay $0x2  }
0xf9: {  	[tilespmem:v1+s3+$0x0], v0 =	vst.idx.ret.add.f32.msk $0x1, v0  }
.LBB2_23:
0xfa: {  	p0 =	slt.s32 s2, $0x1  }
.Ltmp17:
0xfb: {  	_ = 	snop;
	(pc) =	sbr.rel @p0 .LBB2_27-.Ltmp17, $3  }
0xfc: {  	_ =	sdelay $0x1  }
0xfd: {  	s0 =	simm.s32 $0x6  }
0xfe: {  	[sflag:s0] =	ssyncpa.u1 $0x1;
	s0 =	simm.s32 $0x0  }
0xff: {  	s3 =	simm.s32 $0xC0  }
0x100: {  	v0 =	vld.msk [tilespmem:s3+$0x0], $0x1;
	_ =	sdelay $0x4  }
0x101: {  	(v2sf) =	vpush v0, $0x0;
	_ =	sdelay $0xe  }
0x102: {  	s2 =	sadd.s32 $0xFFFFFFFF, s2;
	s4 =	spop (v2sf)  }
0x103: {  	p1 =	sne.s32 s2, $0x0;
	p0 =	sgt.u32 s4, $0x1FFF  }
.Ltmp18:
0x104: {  	s5 =	sshrl.u32 @!p0 s4, $0x3;
	(pc) =	sbr.rel @!p1 .LBB2_26-.Ltmp18, $4  }
0x105: {  	s3 =	simm.s32 $0xE0;
	s4 =	sand.u32 @!p0 $0x7, s4;
	s5 =	sadd.s32 @!p0 s1, s5  }
0x106: {  	[hbm4b:s5+s4] =	stream.linear.scatter @!p0 [tilespmem:s3], [sflag:$0x5], $0x1, $0x38;
	[tilespmem:$0x12120] =	vst v63  }
0x107: {  	s5 =	simm.s32 $0x0  }
0x108: {  	s4 =	simm.s32 $0xC1;
	s5 =	simm.s32 @!p0 $0x4  }
.LBB2_25:
0x109: {  	v0 =	vld.msk [tilespmem:s4+$0x0], $0x1;
	s2 =	sadd.s32 $0xFFFFFFFF, s2;
	s0 =	sadd.s32 s0, s5  }
0x10a: {  	p0 =	sne.s32 s2, $0x0;
	_ =	sdelay $0x3  }
0x10b: {  	(v2sf) =	vpush v0, $0x0;
	_ =	sdelay $0xe  }
.Ltmp19:
0x10c: {  	s6 =	spop (v2sf);
	(pc) =	sbr.rel @p0 .LBB2_25-.Ltmp19, $4  }
0x10d: {  	s5 =	simm.s32 $0x0;
	p1 =	sgt.u32 s6, $0x1FFF  }
0x10e: {  	s3 =	sadd.s32 $0x1, s3;
	s5 =	simm.s32 @!p1 $0x4;
	s7 =	sshrl.u32 @!p1 s6, $0x3  }
0x10f: {  	s4 =	sadd.s32 $0x1, s4;
	s6 =	sand.u32 @!p1 $0x7, s6;
	s7 =	sadd.s32 @!p1 s1, s7  }
0x110: {  	[hbm4b:s7+s6] =	stream.linear.scatter @!p1 [tilespmem:s3], [sflag:$0x5], $0x1, $0x38;
	[tilespmem:$0x12120] =	vst v63  }
.LBB2_26:
0x111: {  	s0 =	sadd.s32 s0, s5  }
0x112: {  	s0 =	sshrl.u32 s0, $0x2  }
.LBB2_27:
0x113: {  	s1 =	simm.s32 $0x5  }
0x114: {  	_ =	swait.ge [sflag:s1], s0  }
0x115: {  	s28 =	ssub.s32 $0x0, s0;
	[sflag:s1] =	ssyncset.done $0x0  }
0x116: {  	[sflag:s1] =	ssyncadd.s32 s28  }
0x117: {  	[sflag:s1] =	ssyncpa.u1 $0x1  }
0x118: {  	s29 =	simm.s32 $0x1;
	_ =	sfence  }
0x119: {  	s30 =	simm.s32 $0x2;
	[sflag:s29] =	ssyncpa.u1 $0x1  }
0x11a: {  	[sflag:s30] =	ssyncpa.u1 $0x1  }
0x11b: {  	_ =	strace $0x90000047  }
0x11c: {  	[bflag:$0x2] =	sbarrier.arrive $0xFFFF  }
0x11d: {  	s31 =	rddreg [dreg:$0x2]  }
0x11e: {  	s0 =	sadd.s32 $0x100000, s31  }
0x11f: {  	[sflag:s0] =	ssyncadd.tile.s32 $0x1;
	_ =	shalt  }
.Lfunc_end2:
_tile_overlayer_lowered:
.L_overlay_start_2:
0x120: {  	(tag) =	ssettag $0x2  }
0x121: {  	s0 =	rddreg [dreg:$0x0];
	s2 =	stileid.u32  }
0x122: {  	s1 =	rddreg [dreg:$0x1];
	p0 =	sne.s32 s2, $0x0  }
0x123: {  	s3 =	rddreg [dreg:$0x2];
	[bflag:$0x3] =	sbarrier.arrive $0xFFFF;
	s2 =	simm.s32 @!p0 $0x1C01  }
0x124: {  	[timem:s3], [sflag:s2] =	dma.local @!p0 [hbm:s0], s1  }
0x125: {  	s0 =	simm.s32 @!p0 $0x1  }
0x126: {  	_ =	swait.ge @!p0 [sflag:s0], s1  }
0x127: {  	s1 =	ssub.s32 @!p0 $0x0, s1;
	[sflag:s0] =	ssyncset.done @!p0 $0x0  }
0x128: {  	[sflag:s0] =	ssyncadd.s32 @!p0 s1  }
0x129: {  	[bflag:$0x3] =	sbarrier.arrive $0xFFFF  }
0x12a: {  	_ =	shalt  }

// kernel: scatter_offload_async_start.2
scs
__scs_entry_jumppad:
0x0: {  	(pc) =	sbr.rel $0x88, $3  }
0x1: {  	(tag) =	ssettag $0x0;
	lr =	simm.s32 $0x1  }
0x2: {  	[smem:$0x3F4E] =	sst lr;
	_ =	strace $0xD0000000  }
0x3: {  	_ = 	snop  }
0x4: {  	_ = 	snop  }
0x5: {  	_ = 	snop  }
0x6: {  	_ = 	snop  }
0x7: {  	_ = 	snop  }
__scs_overlays_trampoline_lowered:
0x8: {  	[smem:$0x3F5D] =	sst s0  }
0x9: {  	[smem:$0x3F5E] =	sst s1  }
0xa: {  	[smem:$0x3F5F] =	sst s2  }
0xb: {  	[smem:$0x3F60] =	sst s3  }
0xc: {  	[smem:$0x3F61] =	sst s4  }
0xd: {  	[smem:$0x3F62] =	sst s5  }
0xe: {  	[smem:$0x3F63] =	sst s6  }
0xf: {  	[smem:$0x3F64] =	sst s7  }
0x10: {  	[smem:$0x3F65] =	sst s8  }
0x11: {  	[smem:$0x3F66] =	sst s9;
	s0 =	simm.s32 @!p0 $0x0  }
0x12: {  	s1 =	sld [smem:$0x3F4C];
	s0 =	simm.s32 @p0 $0x1  }
0x13: {  	[smem:$0x3F67] =	sst s0;
	s0 =	simm.s32 @!p1 $0x0  }
0x14: {  	s2 =	sld [smem:$0x3F4B];
	s0 =	simm.s32 @p1 $0x1  }
0x15: {  	[smem:$0x3F68] =	sst s0;
	s0 =	simm.s32 @!p2 $0x0  }
0x16: {  	s3 =	sld [smem:$0x3FDB];
	s0 =	simm.s32 @p2 $0x1  }
0x17: {  	s4 =	simm.s32 $0x1BF5;
	[smem:$0x3F6A] =	sst s0  }
0x18: {  	s0 =	sld [smem:$0x3F4D];
	_ =	swait.ge [sflag:s4], $0x0  }
0x19: {  	s7 =	sld [smem:$0x3F4E]  }
0x1a: {  	s8 =	sadd.s32 $0xFFFFE003, lr  }
0x1b: {  	s9 =	sadd.s32 $0xFFFFFEF7, lr;
	s5 =	simm.s32 $0xFFFFFFFF;
	p2 =	slt.u32 s8, $0xFFFFF086  }
0x1c: {  	p1 =	slt.u32 s9, $0xF7A;
	s5 =	simm.s32 @!p2 $0x0  }
0x1d: {  	s5 =	simm.s32 @p1 $0x1;
	p0 =	seq.s32 s7, s2  }
0x1e: {  	s7 =	smul.u32 @!p0 $0xF7A, s2;
	p2 =	seq.s32 @!p0 s5, $0x0  }
0x1f: {  	s9 =	smul.u32 $0xF7A, s1;
	s8 =	simm.s32 @!p0 $0x1BF5;
	p2 =	por !p2, p0  }
0x20: {  	[sflag:s8] =	ssyncset.s32 @!p0 $0xFFFFF086;
	s6 =	sadd.s32 @!p0 s3, s7;
	s7 =	simm.s32 @!p0 $0x108  }
0x21: {  	s3 =	sadd.s32 s3, s9;
	s6 =	sadd.s32 @!p0 $0x88, s6;
	s7 =	simm.s32 @p2 $0x1082  }
0x22: {  	[simem:s7], [sflag:s8] =	dma.local @!p0 [hbm:s6], $0xF7A  }
0x23: {  	s9 =	sor.u32 $0xD0000000, s2;
	s6 =	simm.s32 $0x108;
	_ =	swait.ge @!p0 [sflag:s8], $0x0  }
0x24: {  	s3 =	sadd.s32 $0x88, s3;
	s6 =	simm.s32 @!p1 $0x1082;
	[sflag:s4] =	ssyncset.s32 $0xFFFFF086  }
0x25: {  	[simem:s6], [sflag:s4] =	dma.local [hbm:s3], $0xF7A  }
0x26: {  	[smem:$0x3F4E] =	sst s1;
	(tag) =	ssettag s2;
	_ =	strace s9  }
0x27: {  	s1 =	sld [smem:$0x3F5E]  }
0x28: {  	s2 =	sld [smem:$0x3F5F]  }
0x29: {  	s4 =	sld [smem:$0x3F61]  }
0x2a: {  	p0 =	seq.s32 s5, $0x0;
	s5 =	sld [smem:$0x3F62]  }
0x2b: {  	s6 =	sld [smem:$0x3F63]  }
0x2c: {  	s7 =	sld [smem:$0x3F64]  }
0x2d: {  	s3 =	simm.s32 $0x108;
	s8 =	sld [smem:$0x3F65]  }
0x2e: {  	s3 =	simm.s32 @!p0 $0x1082;
	s9 =	sld [smem:$0x3F66]  }
0x2f: {  	lr =	sadd.s32 s0, s3;
	s0 =	sld [smem:$0x3F5D]  }
0x30: {  	s3 =	sld [smem:$0x3F60]  }
0x31: {  	[smem:$0x3F69] =	sst s10  }
0x32: {  	s10 =	sld [smem:$0x3F67];
	_ =	sdelay $0x3  }
0x33: {  	p0 =	seq.s32 s10, $0x1;
	s10 =	sld [smem:$0x3F69];
	_ =	sdelay $0x3  }
0x34: {  	[smem:$0x3F69] =	sst s10  }
0x35: {  	s10 =	sld [smem:$0x3F68];
	_ =	sdelay $0x3  }
0x36: {  	p1 =	seq.s32 s10, $0x1;
	s10 =	sld [smem:$0x3F69];
	_ =	sdelay $0x3  }
0x37: {  	[smem:$0x3F69] =	sst s10  }
0x38: {  	s10 =	sld [smem:$0x3F6A]  }
0x39: {  	_ = 	snop;
	(pc) =	sbr.ind lr, $3  }
0x3a: {  	_ = 	snop  }
0x3b: {  	_ = 	snop  }
0x3c: {  	p2 =	seq.s32 s10, $0x1;
	s10 =	sld [smem:$0x3F69]  }
0x3d: {  	_ =	shalt  }
0x3e: {  	_ =	shalt  }
0x3f: {  	_ =	shalt  }
0x40: {  	_ =	shalt  }
0x41: {  	_ =	shalt  }
0x42: {  	_ =	shalt  }
0x43: {  	_ =	shalt  }
0x44: {  	_ =	shalt  }
0x45: {  	_ =	shalt  }
0x46: {  	_ =	shalt  }
0x47: {  	_ =	shalt  }
0x48: {  	_ =	shalt  }
0x49: {  	_ =	shalt  }
0x4a: {  	_ =	shalt  }
0x4b: {  	_ =	shalt  }
0x4c: {  	_ =	shalt  }
0x4d: {  	_ =	shalt  }
0x4e: {  	_ =	shalt  }
0x4f: {  	_ =	shalt  }
0x50: {  	_ =	shalt  }
0x51: {  	_ =	shalt  }
0x52: {  	_ =	shalt  }
0x53: {  	_ =	shalt  }
0x54: {  	_ =	shalt  }
0x55: {  	_ =	shalt  }
0x56: {  	_ =	shalt  }
0x57: {  	_ =	shalt  }
0x58: {  	_ =	shalt  }
0x59: {  	_ =	shalt  }
0x5a: {  	_ =	shalt  }
0x5b: {  	_ =	shalt  }
0x5c: {  	_ =	shalt  }
0x5d: {  	_ =	shalt  }
0x5e: {  	_ =	shalt  }
0x5f: {  	_ =	shalt  }
0x60: {  	_ =	shalt  }
0x61: {  	_ =	shalt  }
0x62: {  	_ =	shalt  }
0x63: {  	_ =	shalt  }
0x64: {  	_ =	shalt  }
0x65: {  	_ =	shalt  }
0x66: {  	_ =	shalt  }
0x67: {  	_ =	shalt  }
0x68: {  	_ =	shalt  }
0x69: {  	_ =	shalt  }
0x6a: {  	_ =	shalt  }
0x6b: {  	_ =	shalt  }
0x6c: {  	_ =	shalt  }
0x6d: {  	_ =	shalt  }
0x6e: {  	_ =	shalt  }
0x6f: {  	_ =	shalt  }
0x70: {  	_ =	shalt  }
0x71: {  	_ =	shalt  }
0x72: {  	_ =	shalt  }
0x73: {  	_ =	shalt  }
0x74: {  	_ =	shalt  }
0x75: {  	_ =	shalt  }
0x76: {  	_ =	shalt  }
0x77: {  	_ =	shalt  }
0x78: {  	_ =	shalt  }
0x79: {  	_ =	shalt  }
0x7a: {  	_ =	shalt  }
0x7b: {  	_ =	shalt  }
0x7c: {  	_ =	shalt  }
0x7d: {  	_ =	shalt  }
0x7e: {  	_ =	shalt  }
0x7f: {  	_ =	shalt  }
0x80: {  	_ =	shalt  }
0x81: {  	_ =	shalt  }
0x82: {  	_ =	shalt  }
0x83: {  	_ =	shalt  }
0x84: {  	_ =	shalt  }
0x85: {  	_ =	shalt  }
0x86: {  	_ =	shalt  }
0x87: {  	_ =	shalt  }
.Lfunc_end0:
.L_simem_size_0:
called_computation.2_lowered:
.L_overlay_start_0:
0x88: {  	s2 =	sld [smem:$0x3FD9]  }
0x89: {  	s3 =	sld [smem:$0x3FFE];
	_ =	sdelay $0x1  }
0x8a: {  	s1 =	srdreg.scid  }
0x8b: {  	s0 =	sand.u32 $0x1, s1  }
0x8c: {  	s15 =	sshll.u32 s0, $0xA;
	s2 =	sadd.s32 s3, s2  }
0x8d: {  	s2 =	sadd.s32 s2, s15  }
0x8e: {  	[smem:$0x3F75] =	sst s2  }
0x8f: {  	_ = 	snop  }
0x90: {  	(tm) =	ssettm $0x1  }
0x91: {  	s16 =	sld [smem:$0x3FFB];
	_ =	sdelay $0x3  }
0x92: {  	_ =	strace s16  }
0x93: {  	s2 =	sld [smem:$0x3FFC];
	_ =	sdelay $0x3  }
0x94: {  	_ =	strace s2  }
0x95: {  	s2 =	sld [smem:$0x3FFD];
	_ =	sdelay $0x3  }
0x96: {  	_ =	strace s2  }
0x97: {  	_ =	strace $0x8FFFFFFF  }
0x98: {  	s17 =	sld [smem:$0x3FDB];
	_ =	sdelay $0x1  }
0x99: {  	s18 =	simm.s32 $_scs_section_size  }
0x9a: {  	s4 =	simm.s32 $_size__tile_overlayer_lowered;
	s5 =	simm.s32 $_tile_overlayer_lowered  }
0x9b: {  	s21 =	simm.s32 $0x1BFF;
	s20 =	sshll.u32 s5, $0x1;
	s2 =	sadd.s32 s18, s17  }
0x9c: {  	s6 =	simm.s32 $0x0;
	s19 =	sshll.u32 s4, $0x1;
	s4 =	sadd.s32 s20, s2  }
0x9d: {  	[timem:s6], [sflag:s21] =	dma.local [hbm:s4], s19  }
0x9e: {  	_ =	swait.ge [sflag:s21], s19  }
0x9f: {  	s3 =	ssub.s32 $0x0, s19;
	[sflag:s21] =	ssyncset.done $0x0  }
0xa0: {  	[sflag:s21] =	ssyncadd.s32 s3;
	_ =	sdelay $0x1  }
0xa1: {  	s22 =	simm.s32 $0x1B8B  }
0xa2: {  	_ =	swait.ge [sflag:s22], $0x1  }
0xa3: {  	[sflag:s22] =	ssyncset.done $0x0  }
0xa4: {  	s23 =	sld [smem:$0x3FFE];
	[sflag:s22] =	ssyncadd.s32 $0xFFFFFFFF  }
0xa5: {  	s25 =	simm.s32 $0x1B8E;
	s24 =	sld [smem:$0x0]  }
0xa6: {  	s26 =	simm.s32 $execute0_lowered;
	[smem:$0x3FD2] =	sst s25  }
0xa7: {  	s5 =	sshll.u32 s26, $0x1;
	_ =	strace $0x8000004C;
	[dreg:$0x1] =	wrdreg $0xFFFFFFFF  }
0xa8: {  	s28 =	simm.s32 $_size_execute0_lowered;
	s2 =	sadd.s32 s2, s5;
	[dreg:$0x0] =	wrdreg $0x0  }
0xa9: {  	s5 =	sshll.u32 s28, $0x1;
	[dreg:$0x2] =	wrdreg s2  }
0xaa: {  	[dreg:$0x3] =	wrdreg s5  }
0xab: {  	[dreg:$0x4] =	wrdreg $0xC0  }
0xac: {  	_ =	task [dreg:s6], $0x5FFFF  }
0xad: {  	[dreg:$0x1] =	wrdreg $0xFFFFFFFF  }
0xae: {  	[dreg:$0x0] =	wrdreg $0x60  }
0xaf: {  	[dreg:$0x2] =	wrdreg s23  }
0xb0: {  	[dreg:$0x3] =	wrdreg s1  }
0xb1: {  	[dreg:$0x4] =	wrdreg s24  }
0xb2: {  	[dreg:$0x5] =	wrdreg $0x9  }
0xb3: {  	_ =	task.clear_ibuf [dreg:s6], $0x6FFFF;
	_ =	strace $0x9000004C  }
0xb4: {  	s29 =	simm.s32 $0x9;
	_ =	strace $0x8000004E  }
0xb5: {  	_ =	swait.ge [sflag:s29], $0x1  }
0xb6: {  	[sflag:s29] =	ssyncadd.s32 $0xFFFFFFFF  }
0xb7: {  	_ =	strace $0x9000004E  }
0xb8: {  	_ =	sfence  }
0xb9: {  	s30 =	sld [smem:$0x0];
	_ =	sdelay $0x2  }
0xba: {  	s31 =	sshll.u32 s1, $0xD;
	s1 =	sshrl.u32 s1, $0x2  }
0xbb: {  	s3 =	sand.u32 $0x4000, s31;
	s1 =	sadd.s32 s1, s30  }
0xbc: {  	s0 =	sor.u32 s3, s0;
	s1 =	sshll.u32 s1, $0x11  }
0xbd: {  	s0 =	sor.u32 s1, s0  }
0xbe: {  	s0 =	sadd.s32 $0x8F2B, s0  }
0xbf: {  	[sflag:s0] =	ssyncadd.remote.s32 $0x1  }
0xc0: {  	_ =	sfence.sel $0xFFFF  }
0xc1: {  	[dreg:$0x0] =	wrdreg $0xFFFFFFFF;
	(pc) =	sbr.abs _section_cstart, $3  }
0xc2: {  	[dreg:$0x1] =	wrdreg $0xFFFFFFFF  }
0xc3: {  	_ =	task.clear_ibuf [dreg:s6], $0x2FFFF;
	_ =	strace $0x9FFFFFFF  }
0xc4: {  	(tm) =	ssettm $0x7FFFFFFF  }
0xc5: {  	_ =	shalt  }
tec
execute0_lowered:
.L_overlay_start_1:
0x0: {  	(tag) =	ssettag $0x1  }
0x1: {  	s2 =	rddreg [dreg:$0x0]  }
0x2: {  	s3 =	rddreg [dreg:$0x1];
	_ =	strace $0x8000004D;
	s0 =	simm.s32 $0x1  }
0x3: {  	s4 =	simm.s32 $0x88;
	v0 =	vimm.s32 $0x0;
	[sflag:s0] =	ssyncpa.u1 $0x0  }
0x4: {  	s1 =	sadd.s32 $0x36800, s2;
	s0 =	sadd.s32 $0xA800, s2;
	[tilespmem:s4+$0x30] =	vst v0  }
0x5: {  	s6 =	sadd.s32 $0x96800, s2;
	s3 =	sand.u32 $0x1, s3;
	s14 =	sadd.s32 $0x12800, s2;
	[tilespmem:s4+$0x20] =	vst v0  }
0x6: {  	s2 =	simm.s32 $0x40;
	[dreg:$0x4] =	wrdreg s3;
	s15 =	sshll.u32 s3, $0xD;
	[tilespmem:s4+$0x10] =	vst v0  }
.LBB2_1:
0x7: {  	s2 =	sadd.s32 $0x40, s2  }
0x8: {  	[tilespmem:s4+$0x0] =	vst v0;
	s4 =	sadd.s32 $0x40, s4;
	p0 =	slt.u32 s2, $0x5040  }
.Ltmp0:
0x9: {  	(pc) =	sbr.rel @p0 .LBB2_1-.Ltmp0, $4  }
0xa: {  	_ = 	snop  }
0xb: {  	[tilespmem:s4+$0x30] =	vst v0  }
0xc: {  	[tilespmem:s4+$0x20] =	vst v0  }
0xd: {  	[tilespmem:s4+$0x10] =	vst v0  }
0xe: {  	s9 =	stileid.u32  }
0xf: {  	s2 =	smul.u32 $0xC, s9  }
0x10: {  	s3 =	smin.u32 s9, $0xD  }
0x11: {  	s2 =	sadd.s32 s3, s2  }
0x12: {  	p0 =	slt.u32 s9, $0xD;
	s7 =	smul.u32 $0x140, s2;
	s2 =	simm.s32 $0x1040  }
0x13: {  	s2 =	simm.s32 @!p0 $0xF00  }
0x14: {  	s2 =	sadd.s32 s2, s7  }
0x15: {  	s8 =	smin.u32 s2, $0x10000  }
0x16: {  	s2 =	ssub.s32 s8, s7  }
0x17: {  	p0 =	sgt.s32 s2, $0x0  }
0x18: {  	s28 =	simm.s32 $0x2;
	s30 =	simm.s32 $0x9;
	s2 =	simm.s32 @!p0 $0x0  }
0x19: {  	s31 =	simm.s32 $0xA;
	s11 =	simm.s32 $0xB;
	s29 =	smulhi.u32 $0x66666667, s2  }
0x1a: {  	s12 =	simm.s32 $0x1;
	s14 =	sadd.s32 s15, s14;
	s15 =	sadd.s32 s15, s0  }
0x1b: {  	s18 =	simm.s32 $0x0;
	p1 =	por $0x0, $0x0;
	s3 =	sshrl.u32 s29, $0x7  }
0x1c: {  	s19 =	simm.s32 $0xC;
	s23 =	simm.s32 $0x0;
	s5 =	smul.u32 $0x140, s3  }
.Ltmp1:
0x1d: {  	[tilespmem:s4+$0x0] =	vst v0;
	v0 =	vimm.s32 $0xFFFFFFFF;
	s20 =	simm.s32 $0x0;
	[sflag:s28] =	ssyncpa.u1 $0x0;
	(pc) =	sbr.rel .LBB2_3-.Ltmp1, $4  }
0x1e: {  	[tilespmem:$0xA108] =	vst v0;
	[sflag:s30] =	ssyncpa.u1 $0x0;
	p0 =	sne.s32 s2, s5;
	s2 =	simm.s32 $0x1  }
0x1f: {  	s22 =	simm.s32 $0x0;
	[sflag:s31] =	ssyncpa.u1 $0x0;
	s2 =	simm.s32 @!p0 $0x0  }
0x20: {  	s16 =	sshll.u32 s9, $0x7;
	[sflag:s11] =	ssyncpa.u1 $0x0;
	s13 =	sadd.s32 s2, s3  }
0x21: {  	v0 =	vlaneseq.u32;
	s21 =	smov.u32 s7;
	p0 =	por $0x1, $0x1;
	s17 =	sadd.s32 $0x1, s13  }
.LBB2_24:
0x22: {  	s0 =	sshrl.u32 s0, $0x2  }
.LBB2_26:
0x23: {  	_ =	swait.ge [sflag:s19], s0  }
0x24: {  	s30 =	ssub.s32 $0x0, s0;
	v1 =	vmov s25;
	vm0 =	veq.s32 v0, $0x0;
	[sflag:s19] =	ssyncset.done $0x0  }
0x25: {  	vm15 =	veq.s32 v0, $0x2;
	v1 =	vsel vm0, s31, v1;
	[sflag:s19] =	ssyncadd.s32 s30  }
0x26: {  	v1 =	vsel vm15, s23, v1;
	[sflag:s19] =	ssyncpa.u1 $0x1  }
0x27: {  	[tilespmem:$0xA108] =	vst v1  }
.LBB2_27:
0x28: {  	s0 =	sadd.s32 $0x140, s21  }
0x29: {  	s2 =	smov.u32 s7;
	p2 =	slt.s32 s0, s8  }
0x2a: {  	s2 =	smov.u32 @p2 s0;
	p2 =	sne.s32 s22, s17  }
.Ltmp2:
0x2b: {  	_ = 	snop;
	(pc) =	sbr.rel @!p2 .LBB2_28-.Ltmp2, $4  }
0x2c: {  	_ = 	snop  }
0x2d: {  	s23 =	smov.u32 s20  }
0x2e: {  	s31 =	sadd.s32 $0x1, s22;
	s20 =	smov.u32 s21;
	p0 =	por !p0, !p0  }
0x2f: {  	p1 =	por !p1, !p1;
	s22 =	smov.u32 s31;
	s21 =	smov.u32 s2  }
.LBB2_3:
0x30: {  	p2 =	sge.u32 s22, s13  }
0x31: {  	s0 =	smulhi.u32 @!p2 $0xAAAAAAAB, s22  }
0x32: {  	s2 =	smov.u32 s21;
	p3 =	sgt.s32 @!p2 s21, $0xFEC0  }
0x33: {  	s3 =	sshra.s32 @!p2 s21, $0x1F;
	p3 =	por !p3, p2;
	s0 =	sshrl.u32 @!p2 s0, $0x1  }
0x34: {  	s3 =	sand.u32 @!p2 s3, s21;
	s2 =	simm.s32 @p3 $0xFEC0;
	s0 =	smul.u32 @!p2 $0x3, s0  }
0x35: {  	s2 =	ssub.s32 @!p2 s2, s3  }
0x36: {  	s2 =	sadd.s32 @!p2 $0xFFFF0140, s2;
	s0 =	ssub.s32 @!p2 s22, s0  }
0x37: {  	s3 =	sshll.u32 @!p2 s2, $0x2;
	p3 =	sgt.s32 @!p2 s2, $0x13F;
	s0 =	smul.u32 @!p2 $0x500, s0  }
0x38: {  	s4 =	sand.u32 @!p2 $0x7, s21;
	s2 =	ssub.s32 @!p2 $0x500, s3;
	p3 =	por !p3, p2  }
0x39: {  	s3 =	sshrl.u32 @!p2 s21, $0x3;
	s2 =	sshrl.u32 @!p2 s2, $0x2;
	s0 =	sshrl.u32 @!p2 s0, $0x2  }
0x3a: {  	s3 =	sadd.s32 @!p2 s3, s14;
	s2 =	simm.s32 @!p3 $0x0;
	s0 =	sadd.s32 @!p2 $0xA948, s0  }
0x3b: {  	[tilespmem:s0], [sflag:$0xA] =	stream.linear.gather @!p2 [hbm4b:s3+s4], s2, $0x38;
	[tilespmem:$0x1EF88] =	vst v63  }
0x3c: {  	s4 =	sadd.s32 $0xFFFFFFFF, s22  }
0x3d: {  	p2 =	sge.u32 s4, s13  }
0x3e: {  	p3 =	sgt.s32 @!p2 s20, $0xFEC0  }
0x3f: {  	s0 =	smov.u32 s20;
	s2 =	sshra.s32 @!p2 s20, $0x1F;
	p3 =	por !p3, p2  }
0x40: {  	s2 =	sand.u32 @!p2 s2, s20;
	s0 =	simm.s32 @p3 $0xFEC0  }
0x41: {  	s0 =	ssub.s32 @!p2 s0, s2  }
0x42: {  	s0 =	sadd.s32 @!p2 $0xFFFF0140, s0  }
0x43: {  	s2 =	sshll.u32 @!p2 s0, $0x2  }
0x44: {  	p3 =	sgt.s32 @!p2 s0, $0x13F;
	s0 =	ssub.s32 @!p2 $0x500, s2  }
0x45: {  	p3 =	por !p3, p2;
	s0 =	sshrl.u32 @!p2 s0, $0x2  }
0x46: {  	s3 =	simm.s32 @!p2 $0xA;
	s2 =	sand.u32 @!p2 $0x1, s4;
	s0 =	simm.s32 @!p3 $0x0  }
0x47: {  	s2 =	smul.u32 @!p2 $0x500, s2;
	_ =	swait.ge @!p2 [sflag:s3], s0  }
0x48: {  	s5 =	ssub.s32 @!p2 $0x0, s0;
	[sflag:s3] =	ssyncset.done @!p2 $0x0  }
0x49: {  	s2 =	sshrl.u32 @!p2 s2, $0x2;
	[sflag:s3] =	ssyncadd.s32 @!p2 s5;
	s3 =	sshrl.u32 @!p2 s20, $0x3  }
0x4a: {  	s2 =	sadd.s32 @!p2 $0xAD08, s2;
	s5 =	sand.u32 @!p2 $0x7, s20;
	s3 =	sadd.s32 @!p2 s3, s15  }
0x4b: {  	[tilespmem:s2], [sflag:$0xB] =	stream.linear.gather @!p2 [hbm4b:s3+s5], s0, $0x38;
	[tilespmem:$0x1EF88] =	vst v63  }
0x4c: {  	s0 =	ssub.s32 @!p2 $0x10000, s20  }
0x4d: {  	p3 =	slt.s32 @!p2 s0, $0x1  }
0x4e: {  	p3 =	por p2, p3  }
.Ltmp3:
0x4f: {  	_ = 	snop;
	(pc) =	sbr.rel @p3 .LBB2_9-.Ltmp3, $1  }
0x50: {  	_ =	sdelay $0x3  }
0x51: {  	s2 =	smulhi.u32 $0xAAAAAAAB, s4;
	_ =	sdelay $0x1  }
0x52: {  	s2 =	sshrl.u32 s2, $0x1  }
0x53: {  	s2 =	smul.u32 $0x3, s2;
	_ =	sdelay $0x1  }
0x54: {  	s2 =	ssub.s32 s4, s2  }
0x55: {  	s3 =	simm.s32 $0x1;
	s2 =	smul.u32 $0x500, s2  }
.Ltmp4:
0x56: {  	s3 =	simm.s32 @!p0 $0x0;
	(pc) =	sbr.rel .LBB2_6-.Ltmp4, $4  }
0x57: {  	s3 =	smul.u32 $0x28000, s3  }
0x58: {  	p3 =	slt.s32 @!p2 s0, $0x140;
	s2 =	sshrl.u32 s2, $0x2  }
0x59: {  	p2 =	por !p3, p2;
	s3 =	sshrl.u32 s3, $0x2;
	s2 =	sadd.s32 $0xA948, s2  }
0x5a: {  	s24 =	simm.s32 $0x0;
	s0 =	simm.s32 @p2 $0x140;
	s4 =	sadd.s32 $0xAF88, s3;
	v1 =	vmov s2  }
.LBB2_5:
0x5b: {  	p2 =	sge.s32 s24, s0  }
.Ltmp5:
0x5c: {  	_ = 	snop;
	(pc) =	sbr.rel @p2 .LBB2_9-.Ltmp5, $2  }
0x5d: {  	_ =	sdelay $0x2  }
0x5e: {  	s4 =	sadd.s32 $0x800, s4  }
.LBB2_6:
0x5f: {  	p2 =	sle.s32 s0, s24  }
.Ltmp6:
0x60: {  	_ = 	snop;
	(pc) =	sbr.rel @p2 .LBB2_5-.Ltmp6, $2  }
0x61: {  	_ =	sdelay $0x2  }
0x62: {  	s5 =	smov.u32 s24;
	s24 =	sadd.s32 $0x10, s24  }
0x63: {  	s2 =	ssub.s32 s0, s5  }
0x64: {  	p2 =	slt.s32 s2, $0x10  }
0x65: {  	s2 =	simm.s32 @!p2 $0x10  }
0x66: {  	v2 =	vmov s2  }
0x67: {  	vm0 =	vgt.s32 v2, v0;
	_ =	sdelay $0x5  }
0x68: {  	v2 =	vld.idx.msk [tilespmem:v1+s5+$0x0 ss:$0x1], vm0;
	_ =	sdelay $0x2  }
0x69: {  	p2 =	slt.s32 s24, s0;
	s2 =	smov.u32 s0  }
0x6a: {  	s3 =	smov.u32 s4;
	s25 =	simm.s32 $0x0;
	s2 =	smov.u32 @p2 s24  }
.LBB2_8:
0x6b: {  	(v2sf) =	vpush v2, s25;
	_ =	sdelay $0xc  }
0x6c: {  	s25 =	sadd.s32 $0x1, s25  }
0x6d: {  	s31 =	sadd.s32 s25, s5  }
0x6e: {  	p2 =	slt.s32 s31, s2;
	s9 =	spop (v2sf)  }
.Ltmp7:
0x6f: {  	s9 =	sshll.u32 s9, $0x4;
	(pc) =	sbr.rel @p2 .LBB2_8-.Ltmp7, $4  }
0x70: {  	s9 =	sand.u32 $0x1FFFFFF0, s9  }
0x71: {  	s9 =	sadd.s32 s6, s9  }
0x72: {  	[tilespmem:s3], [sflag:$0x9] =	stream.linear.gather [hbm4b:s9+s18], $0x40, $0x38;
	[tilespmem:$0x1EF88] =	vst v63  }
0x73: {  	s3 =	sadd.s32 $0x80, s3  }
.Ltmp8:
0x74: {  	_ = 	snop;
	(pc) =	sbr.rel .LBB2_5-.Ltmp8, $1  }
0x75: {  	_ =	sdelay $0x3  }
.LBB2_9:
0x76: {  	p2 =	slt.u32 s22, $0x2  }
.Ltmp9:
0x77: {  	_ = 	snop;
	(pc) =	sbr.rel @p2 .LBB2_27-.Ltmp9, $1  }
0x78: {  	_ =	sdelay $0x3  }
0x79: {  	p2 =	sgt.s32 s23, $0xFEC0  }
0x7a: {  	s0 =	smov.u32 s23;
	s2 =	sshra.s32 s23, $0x1F;
	s3 =	ssub.s32 $0x10000, s23  }
0x7b: {  	s0 =	simm.s32 @!p2 $0xFEC0;
	s2 =	sand.u32 s2, s23;
	p2 =	slt.s32 s3, $0x140  }
0x7c: {  	s0 =	ssub.s32 s0, s2;
	s3 =	simm.s32 @!p2 $0x140  }
0x7d: {  	s0 =	sadd.s32 $0xFFFF0140, s0;
	s10 =	sshll.u32 s3, $0x6  }
0x7e: {  	s26 =	simm.s32 $0x9;
	s24 =	sshll.u32 s0, $0x2;
	s2 =	sand.u32 $0x3FFFFFC0, s10  }
0x7f: {  	p2 =	sgt.s32 s0, $0x13F;
	s25 =	ssub.s32 $0x500, s24;
	_ =	swait.ge [sflag:s26], s2  }
0x80: {  	s2 =	ssub.s32 $0x0, s2;
	[sflag:s26] =	ssyncset.done $0x0;
	s0 =	sshrl.u32 s25, $0x2  }
0x81: {  	[sflag:s26] =	ssyncadd.s32 s2;
	s0 =	simm.s32 @p2 $0x0  }
0x82: {  	_ =	swait.ge [sflag:s11], s0  }
0x83: {  	s0 =	ssub.s32 $0x0, s0;
	[sflag:s11] =	ssyncset.done $0x0  }
0x84: {  	[sflag:s11] =	ssyncadd.s32 s0  }
0x85: {  	v1 =	vld [tilespmem:$0xA108];
	_ =	sdelay $0x4  }
0x86: {  	(v2sf) =	vpush v1, $0x0  }
0x87: {  	(v2sf) =	vpush v1, $0x1  }
0x88: {  	(v2sf) =	vpush v1, $0x2;
	_ =	sdelay $0x3  }
0x89: {  	s0 =	sadd.s32 $0x140, s23  }
0x8a: {  	s2 =	ssub.s32 $0x20000, s23;
	p2 =	slt.s32 s8, s0  }
0x8b: {  	s0 =	smov.u32 @p2 s8;
	p2 =	sgt.s32 s2, $0x0  }
0x8c: {  	s0 =	ssub.s32 s0, s23;
	s2 =	simm.s32 @!p2 $0x0  }
0x8d: {  	p2 =	slt.s32 s2, s0  }
0x8e: {  	s0 =	smov.u32 @p2 s2  }
0x8f: {  	s26 =	simm.s32 $0x1;
	p2 =	slt.s32 s0, $0x1  }
.Ltmp10:
0x90: {  	s26 =	simm.s32 @!p1 $0x0;
	(pc) =	sbr.rel @p2 .LBB2_14-.Ltmp10, $4  }
0x91: {  	s30 =	smul.u32 $0x500, s26  }
0x92: {  	s28 =	spop (v2sf)  }
0x93: {  	s31 =	sshrl.u32 s30, $0x2;
	s29 =	spop (v2sf)  }
0x94: {  	s24 =	sadd.s32 $0xAD08, s31;
	s23 =	spop (v2sf)  }
0x95: {  	s2 =	smin.u32 s0, $0x10  }
0x96: {  	v1 =	vmov s2  }
0x97: {  	p3 =	sgt.s32 s0, $0x10;
	vm1 =	vgt.u32 v1, v0  }
.Ltmp11:
0x98: {  	_ = 	snop;
	(pc) =	sbr.rel @!p3 .LBB2_13-.Ltmp11, $2  }
0x99: {  	_ =	sdelay $0x2  }
0x9a: {  	s5 =	simm.s32 $0x10;
	s25 =	sadd.s32 $0xFFFFFFF0, s0;
	s4 =	smov.u32 s24;
	vm0 =	vmmov vm1  }
.LBB2_12:
0x9b: {  	s2 =	smin.u32 s25, $0x10;
	s5 =	sadd.s32 $0x10, s5;
	v1 =	vld.msk [tilespmem:s4+$0x0 ss:$0x1], vm1  }
0x9c: {  	v2 =	vmov s2;
	p3 =	slt.s32 s5, s0  }
0x9d: {  	vm1 =	vgt.u32 v2, v0  }
.Ltmp12:
0x9e: {  	(pc) =	sbr.rel @p3 .LBB2_12-.Ltmp12, $3  }
0x9f: {  	_ =	sdelay $0x1  }
0xa0: {  	v1 =	vshll.u32 v1, $0x4  }
0xa1: {  	s25 =	sadd.s32 $0xFFFFFFF0, s25;
	[tilespmem:s4+$0x0] =	vst.msk vm0, v1;
	s4 =	sadd.s32 $0x10, s4;
	vm0 =	vmmov vm1  }
.LBB2_13:
0xa2: {  	_ =	sdelay $0x4  }
0xa3: {  	v1 =	vld.msk [tilespmem:s4+$0x0 ss:$0x1], vm1;
	_ =	sdelay $0x4  }
0xa4: {  	v1 =	vshll.u32 v1, $0x4  }
0xa5: {  	[tilespmem:s4+$0x0] =	vst.msk vm0, v1  }
.LBB2_14:
0xa6: {  	s2 =	sand.u32 $0x1, s22  }
0xa7: {  	s3 =	smul.u32 $0xA000, s2  }
0xa8: {  	p3 =	sne.s32 s29, $0xFFFFFFFF;
	s2 =	smul.u32 $0x140, s2  }
0xa9: {  	v1 =	vld @!p3 [tilespmem:s3+$0xAF88]  }
0xaa: {  	v2 =	vld.msk @!p3 [tilespmem:s2+$0xAD08], $0x1;
	_ =	sdelay $0x3  }
0xab: {  	[tilespmem:$0x88] =	vst @!p3 v1  }
0xac: {  	(v2sf) =	vpush @!p3 v2, $0x0;
	v1 =	vld @!p3 [tilespmem:s3+$0xAF98];
	_ =	sdelay $0x4  }
0xad: {  	[tilespmem:$0x98] =	vst @!p3 v1  }
0xae: {  	v1 =	vld @!p3 [tilespmem:s3+$0xAFA8];
	_ =	sdelay $0x4  }
0xaf: {  	[tilespmem:$0xA8] =	vst @!p3 v1  }
0xb0: {  	v1 =	vld @!p3 [tilespmem:s3+$0xAFB8]  }
.Ltmp13:
0xb1: {  	_ = 	snop;
	(pc) =	sbr.rel @p2 .LBB2_25-.Ltmp13, $4  }
0xb2: {  	_ = 	snop  }
0xb3: {  	s30 =	spop @!p3 (v2sf)  }
0xb4: {  	s23 =	simm.s32 @!p3 $0x0;
	s25 =	smov.u32 s30  }
0xb5: {  	s30 =	smov.u32 @p3 s28;
	s25 =	smov.u32 @p3 s29;
	[tilespmem:$0xB8] =	vst @!p3 v1;
	[sflag:s19] =	ssyncpa.u1 $0x0  }
0xb6: {  	v1 =	vld.msk [tilespmem:s24+$0x0], $0x1;
	_ =	sdelay $0x4  }
0xb7: {  	(v2sf) =	vpush v1, $0x0;
	_ =	sdelay $0xe  }
0xb8: {  	s2 =	smul.u32 $0x28000, s26;
	s4 =	spop (v2sf)  }
0xb9: {  	s28 =	ssub.s32 $0x0, s0;
	p2 =	seq.s32 s30, s4  }
0xba: {  	s0 =	sadd.s32 $0x1, s28;
	s2 =	sshrl.u32 s2, $0x2;
	p3 =	sgt.s32 @!p2 s30, $0x0  }
0xbb: {  	s26 =	sadd.s32 $0xAFA8, s2;
	s2 =	smov.u32 s30;
	p3 =	por !p3, p2  }
0xbc: {  	s2 =	simm.s32 @p3 $0x0;
	p3 =	seq.s32 s0, $0x0  }
.Ltmp14:
0xbd: {  	_ = 	snop;
	(pc) =	sbr.rel @p3 .LBB2_17-.Ltmp14, $4  }
0xbe: {  	_ = 	snop  }
0xbf: {  	s29 =	simm.s32 $0x0;
	s5 =	simm.s32 @!p2 $0x1;
	s3 =	smin.u32 @!p2 s2, $0x1FFF8  }
0xc0: {  	s31 =	sadd.s32 $0x1, s24;
	s5 =	smov.u32 @p2 s29;
	s9 =	sand.u32 @!p2 $0x1FFF8, s3  }
0xc1: {  	s2 =	simm.s32 @!p2 $0x50C8;
	s3 =	sand.u32 @!p2 $0x7, s3;
	s9 =	sadd.s32 @!p2 s1, s9  }
.LBB2_16:
0xc2: {  	s10 =	smov.u32 s5  }
0xc3: {  	[tilespmem:s2], [sflag:$0x2] =	stream.linear.gather @!p2 [hbm4b:s9+s3], $0x40, $0x38;
	[tilespmem:$0x1EF88] =	vst v63  }
0xc4: {  	s0 =	sadd.s32 $0x1, s0;
	s3 =	smov.u32 s4;
	v1 =	vld.msk [tilespmem:s31+$0x0], $0x1  }
0xc5: {  	p3 =	seq.s32 s0, $0x0;
	_ =	sdelay $0x3  }
0xc6: {  	(v2sf) =	vpush v1, $0x0;
	_ =	sdelay $0xe  }
0xc7: {  	s4 =	spop (v2sf)  }
0xc8: {  	p2 =	seq.s32 s3, s4  }
0xc9: {  	p4 =	sgt.s32 @!p2 s3, $0x0;
	s2 =	sshll.u32 @!p2 s5, $0x8;
	s5 =	sadd.s32 @!p2 $0x1, s5  }
.Ltmp15:
0xca: {  	p4 =	por !p4, p2;
	s2 =	sshra.s32 @!p2 s2, $0x2;
	(pc) =	sbr.rel @!p3 .LBB2_16-.Ltmp15, $4  }
0xcb: {  	s5 =	smov.u32 @p2 s10;
	s3 =	simm.s32 @p4 $0x0;
	s2 =	sadd.s32 @!p2 $0x50C8, s2  }
0xcc: {  	s3 =	smin.u32 @!p2 s3, $0x1FFF8  }
0xcd: {  	s9 =	sand.u32 @!p2 $0x1FFF8, s3;
	s3 =	sand.u32 @!p2 $0x7, s3  }
0xce: {  	s31 =	sadd.s32 $0x1, s31;
	s9 =	sadd.s32 @!p2 s1, s9  }
.LBB2_17:
0xcf: {  	[tilespmem:s2], [sflag:$0x2] =	stream.linear.gather @!p2 [hbm4b:s9+s3], $0x40, $0x38;
	[tilespmem:$0x1EF88] =	vst v63  }
.Ltmp16:
0xd0: {  	s0 =	sshll.u32 s5, $0x6;
	(pc) =	sbr.rel .LBB2_18-.Ltmp16, $4  }
0xd1: {  	s31 =	simm.s32 $0x2;
	s0 =	sand.u32 $0x3FFFFFC0, s0  }
0xd2: {  	_ =	swait.ge [sflag:s31], s0  }
0xd3: {  	s0 =	ssub.s32 $0x0, s0;
	[sflag:s31] =	ssyncset.done $0x0  }
0xd4: {  	[sflag:s31] =	ssyncadd.s32 s0;
	s0 =	simm.s32 $0x0  }
.LBB2_19:
0xd5: {  	v1 =	vld [tilespmem:s26+$0xFFFFFFE0]  }
0xd6: {  	v2 =	vld [tilespmem:s4+$0x88];
	_ =	sdelay $0x4  }
0xd7: {  	v1 =	vmax.f32 v1, v2  }
0xd8: {  	v2 =	vld [tilespmem:s4+$0x98];
	[tilespmem:s4+$0x88] =	vst v1  }
0xd9: {  	v1 =	vld [tilespmem:s26+$0xFFFFFFF0];
	_ =	sdelay $0x4  }
0xda: {  	v1 =	vmax.f32 v1, v2  }
0xdb: {  	v2 =	vld [tilespmem:s4+$0xA8];
	[tilespmem:s4+$0x98] =	vst v1  }
0xdc: {  	v1 =	vld [tilespmem:s26+$0x0];
	_ =	sdelay $0x4  }
0xdd: {  	v1 =	vmax.f32 v1, v2  }
0xde: {  	v2 =	vld [tilespmem:s4+$0xB8];
	[tilespmem:s4+$0xA8] =	vst v1  }
0xdf: {  	v1 =	vld [tilespmem:s26+$0x10];
	_ =	sdelay $0x4  }
0xe0: {  	v1 =	vmax.f32 v1, v2  }
0xe1: {  	[tilespmem:s4+$0xB8] =	vst v1  }
.LBB2_23:
0xe2: {  	s28 =	sadd.s32 $0x1, s28  }
0xe3: {  	p2 =	seq.s32 s28, $0x0  }
.Ltmp17:
0xe4: {  	_ = 	snop;
	(pc) =	sbr.rel @p2 .LBB2_24-.Ltmp17, $2  }
0xe5: {  	_ =	sdelay $0x2  }
0xe6: {  	s26 =	sadd.s32 $0x80, s26;
	s24 =	sadd.s32 $0x1, s24;
	s30 =	smov.u32 s31  }
.LBB2_18:
0xe7: {  	v1 =	vld.msk [tilespmem:s24+$0x0], $0x1;
	_ =	sdelay $0x4  }
0xe8: {  	(v2sf) =	vpush v1, $0x0;
	_ =	sdelay $0xe  }
0xe9: {  	s31 =	spop (v2sf)  }
0xea: {  	p2 =	sne.s32 s30, s31  }
.Ltmp18:
0xeb: {  	_ = 	snop;
	(pc) =	sbr.rel @!p2 .LBB2_19-.Ltmp18, $3  }
0xec: {  	_ =	sdelay $0x1  }
0xed: {  	s2 =	sshll.u32 s23, $0x8  }
0xee: {  	s4 =	sshra.s32 s2, $0x2  }
0xef: {  	p2 =	seq.s32 s30, s25  }
.Ltmp19:
0xf0: {  	_ = 	snop;
	(pc) =	sbr.rel @!p2 .LBB2_21-.Ltmp19, $1  }
0xf1: {  	_ =	sdelay $0x3  }
.Ltmp20:
0xf2: {  	s2 =	sadd.s32 $0x88, s4;
	(pc) =	sbr.rel .LBB2_22-.Ltmp20, $4  }
0xf3: {  	[spmem:s16] =	stream.linear.scatter [tilespmem:s2], [sflag:$0x1], $0x40, $0x38;
	[tilespmem:$0x1EF88] =	vst v63  }
0xf4: {  	_ =	swait.ge [sflag:s12], $0x40  }
0xf5: {  	[sflag:s12] =	ssyncset.done $0x0  }
0xf6: {  	[sflag:s12] =	ssyncadd.s32 $0xFFFFFFC0  }
.LBB2_21:
0xf7: {  	s2 =	sshll.u32 s29, $0x8  }
0xf8: {  	v2 =	vld [tilespmem:s4+$0x88];
	s2 =	sshra.s32 s2, $0x2  }
0xf9: {  	v1 =	vld [tilespmem:s2+$0x50C8];
	_ =	sdelay $0x4  }
0xfa: {  	v1 =	vmax.f32 v1, v2  }
0xfb: {  	v2 =	vld [tilespmem:s4+$0x98];
	[tilespmem:s4+$0x88] =	vst v1  }
0xfc: {  	v1 =	vld [tilespmem:s2+$0x50D8];
	_ =	sdelay $0x4  }
0xfd: {  	v1 =	vmax.f32 v1, v2  }
0xfe: {  	v2 =	vld [tilespmem:s4+$0xA8];
	[tilespmem:s4+$0x98] =	vst v1  }
0xff: {  	v1 =	vld [tilespmem:s2+$0x50E8];
	_ =	sdelay $0x4  }
0x100: {  	v1 =	vmax.f32 v1, v2  }
0x101: {  	v2 =	vld [tilespmem:s4+$0xB8];
	[tilespmem:s4+$0xA8] =	vst v1  }
0x102: {  	v1 =	vld [tilespmem:s2+$0x50F8];
	_ =	sdelay $0x3  }
0x103: {  	p2 =	sgt.u32 s30, $0x1FFF8  }
0x104: {  	s2 =	sand.u32 @!p2 $0x1FFF8, s30;
	v1 =	vmax.f32 v1, v2  }
0x105: {  	s3 =	sadd.s32 $0x88, s4;
	s2 =	sadd.s32 @!p2 s1, s2;
	[tilespmem:s4+$0xB8] =	vst v1;
	s4 =	sand.u32 @!p2 $0x7, s30  }
0x106: {  	[hbm4b:s2+s4] =	stream.linear.scatter @!p2 [tilespmem:s3], [sflag:$0xC], $0x40, $0x38;
	[tilespmem:$0x1EF88] =	vst v63  }
0x107: {  	s2 =	simm.s32 $0x0  }
0x108: {  	s2 =	simm.s32 @!p2 $0x100  }
0x109: {  	s0 =	sadd.s32 s2, s0  }
.LBB2_22:
0x10a: {  	s2 =	sadd.s32 $0x1, s23  }
0x10b: {  	s3 =	smulhi.u32 $0xCCCCCCCD, s2;
	_ =	sdelay $0x1  }
0x10c: {  	v1 =	vld [tilespmem:s26+$0xFFFFFFE0];
	s3 =	sshrl.u32 s3, $0x8  }
0x10d: {  	s3 =	smul.u32 $0x140, s3;
	_ =	sdelay $0x1  }
0x10e: {  	s23 =	ssub.s32 s2, s3  }
0x10f: {  	s2 =	sshll.u32 s23, $0x6  }
0x110: {  	[tilespmem:s2+$0x88] =	vst v1  }
0x111: {  	v1 =	vld [tilespmem:s26+$0xFFFFFFF0];
	_ =	sdelay $0x4  }
0x112: {  	[tilespmem:s2+$0x98] =	vst v1  }
0x113: {  	v1 =	vld [tilespmem:s26+$0x0];
	_ =	sdelay $0x4  }
0x114: {  	[tilespmem:s2+$0xA8] =	vst v1  }
0x115: {  	v1 =	vld [tilespmem:s26+$0x10]  }
.Ltmp21:
0x116: {  	_ = 	snop;
	(pc) =	sbr.rel .LBB2_23-.Ltmp21, $2  }
0x117: {  	_ =	sdelay $0x2  }
0x118: {  	s29 =	sadd.s32 $0x1, s29;
	[tilespmem:s2+$0xB8] =	vst v1  }
.LBB2_25:
.Ltmp22:
0x119: {  	(pc) =	sbr.rel .LBB2_26-.Ltmp22, $4  }
0x11a: {  	_ = 	snop  }
0x11b: {  	s0 =	simm.s32 $0x2  }
0x11c: {  	_ =	swait.ge [sflag:s0], $0x0  }
0x11d: {  	s31 =	smov.u32 s30;
	[sflag:s0] =	ssyncset.done $0x0;
	s0 =	simm.s32 $0x0  }
.LBB2_28:
0x11e: {  	_ =	sfence.sel $0x180000  }
0x11f: {  	s0 =	simm.s32 $0x9;
	[bflag:$0x0] =	sbarrier.arrive $0xFFFF  }
0x120: {  	s24 =	simm.s32 $0xA;
	[sflag:s0] =	ssyncpa.u1 $0x1  }
0x121: {  	s25 =	simm.s32 $0xB;
	[sflag:s24] =	ssyncpa.u1 $0x1  }
0x122: {  	s26 =	simm.s32 $0x2;
	[sflag:s25] =	ssyncpa.u1 $0x1  }
0x123: {  	[sflag:s26] =	ssyncpa.u1 $0x1  }
0x124: {  	v0 =	vld [tilespmem:$0xA108];
	_ =	sdelay $0x4  }
0x125: {  	(v2sf) =	vpush v0, $0x0  }
0x126: {  	(v2sf) =	vpush v0, $0x1;
	_ =	sdelay $0x1  }
0x127: {  	(v2sf) =	vpush v0, $0x2;
	_ =	sdelay $0xb  }
0x128: {  	s0 =	spop (v2sf)  }
0x129: {  	s2 =	spop (v2sf)  }
0x12a: {  	s3 =	smov.u32 s0;
	p0 =	sne.s32 s0, s2  }
0x12b: {  	s4 =	spop (v2sf);
	s3 =	simm.s32 @!p0 $0xFFFFFFFF  }
0x12c: {  	v2 =	vimm.s32 $0x1;
	v3 =	vlaneseq.u32;
	p0 =	seq.s32 s4, $0xFFFFFFFF;
	v1 =	vmov s3  }
0x12d: {  	s15 =	stileid.u32;
	v0 =	vperm.xlane v0, v2;
	p1 =	sne.s32 @!p0 s0, s2;
	v1 =	vperm.xlane v1, v3  }
0x12e: {  	vm0 =	vcmask $0x3F04;
	s6 =	simm.s32 $0xA108;
	s0 =	simm.s32 @!p0 $0x1;
	p1 =	por !p1, p0  }
0x12f: {  	s3 =	sshll.u32 s15, $0x1;
	s2 =	sshll.u32 @!p0 s4, $0x8;
	s0 =	simm.s32 @p1 $0x0;
	v0 =	vsel vm0, v1, v0  }
0x130: {  	s5 =	sor.u32 $0x800, s3;
	s2 =	sshra.s32 @!p0 s2, $0x2;
	s0 =	sor.u32 @!p0 s0, s3;
	[tilespmem:$0xA108] =	vst v0  }
0x131: {  	[spmem:s5] =	stream.linear.scatter [tilespmem:s6], [sflag:$0x1], $0x2, $0x38;
	[tilespmem:$0x1EF88] =	vst v63  }
0x132: {  	s2 =	sadd.s32 @!p0 $0x88, s2;
	s0 =	sshll.u32 @!p0 s0, $0x6  }
0x133: {  	[spmem:s0] =	stream.linear.scatter @!p0 [tilespmem:s2], [sflag:$0x1], $0x40, $0x38;
	[tilespmem:$0x1EF88] =	vst v63  }
0x134: {  	s0 =	simm.s32 @!p0 $0x42  }
0x135: {  	s28 =	simm.s32 $0x1;
	s0 =	simm.s32 @p0 $0x2  }
0x136: {  	_ =	swait.ge [sflag:s28], s0  }
0x137: {  	s0 =	ssub.s32 $0x0, s0;
	[sflag:s28] =	ssyncset.done $0x0  }
0x138: {  	p0 =	sne.s32 s15, $0x0;
	[sflag:s28] =	ssyncadd.s32 s0  }
.Ltmp23:
0x139: {  	_ =	sfence.stream.spmem;
	(pc) =	sbr.rel @p0 .LBB2_45-.Ltmp23, $4  }
0x13a: {  	s29 =	simm.s32 $0x3;
	[bflag:$0x0] =	sbarrier.arrive $0xFFFF  }
0x13b: {  	s30 =	simm.s32 $0x4;
	[sflag:s29] =	ssyncpa.u1 $0x1  }
0x13c: {  	s31 =	simm.s32 $0x3C;
	[sflag:s30] =	ssyncpa.u1 $0x1  }
0x13d: {  	s14 =	rddreg [dreg:$0x4];
	[sflag:s31] =	ssyncpa.u1 $0x1  }
0x13e: {  	_ =	sfence.stream.spmem;
	s0 =	simm.s32 $0x5  }
0x13f: {  	s2 =	simm.s32 $0x800;
	s3 =	simm.s32 $0xA118;
	[sflag:s0] =	ssyncpa.u1 $0x0  }
0x140: {  	[tilespmem:s3], [sflag:$0x5] =	stream.linear.gather [spmem:s2], $0x20, $0x38;
	[tilespmem:$0x1EF88] =	vst v63  }
0x141: {  	s26 =	simm.s32 $0x0;
	s28 =	simm.s32 $0xA138  }
0x142: {  	[tilespmem:s28], [sflag:$0x5] =	stream.linear.gather [spmem:s26], $0x800, $0x38;
	[tilespmem:$0x1EF88] =	vst v63  }
0x143: {  	_ =	swait.ge [sflag:s0], $0x820  }
0x144: {  	[sflag:s0] =	ssyncset.done $0x0  }
0x145: {  	s29 =	simm.s32 $0x0;
	[sflag:s0] =	ssyncadd.s32 $0xFFFFF7E0  }
0x146: {  	v0 =	vld.msk [tilespmem:s29+$0xA118], $0x1;
	_ =	sdelay $0x1  }
0x147: {  	s30 =	simm.s32 $0x1  }
0x148: {  	v1 =	vld.msk [tilespmem:s30+$0xA118], $0x1;
	_ =	sdelay $0x1  }
0x149: {  	(v2sf) =	vpush v0, $0x0;
	_ =	sdelay $0x2  }
0x14a: {  	(v2sf) =	vpush v1, $0x0;
	_ =	sdelay $0x2  }
0x14b: {  	s31 =	simm.s32 $0x2  }
0x14c: {  	v0 =	vld.msk [tilespmem:s31+$0xA118], $0x1;
	_ =	sdelay $0x2  }
0x14d: {  	s4 =	simm.s32 $0xFFFFFFFF;
	s2 =	simm.s32 $0xFFFFFFFF;
	s0 =	simm.s32 $0xC  }
.LBB2_30:
0x14e: {  	s3 =	smov.u32 s4;
	s5 =	smov.u32 s2  }
0x14f: {  	s2 =	sshra.s32 s0, $0x2;
	p1 =	sne.s32 s0, $0x7C;
	s0 =	sadd.s32 $0x4, s0;
	(v2sf) =	vpush v0, $0x0  }
0x150: {  	v0 =	vld.msk [tilespmem:s2+$0xA118], $0x1  }
.Ltmp24:
0x151: {  	(pc) =	sbr.rel @p1 .LBB2_30-.Ltmp24, $4  }
0x152: {  	s4 =	spop (v2sf)  }
0x153: {  	p2 =	sne.s32 s5, $0xFFFFFFFF;
	s2 =	smov.u32 s4  }
0x154: {  	p3 =	seq.s32 s4, $0xFFFFFFFF;
	s2 =	smov.u32 @p2 s5  }
0x155: {  	s4 =	smov.u32 @p3 s3;
	s2 =	smov.u32 @p3 s5  }
0x156: {  	(v2sf) =	vpush v0, $0x0;
	_ =	sdelay $0x8  }
0x157: {  	s0 =	spop (v2sf)  }
0x158: {  	p1 =	sne.s32 s2, $0xFFFFFFFF;
	s3 =	smov.u32 s0  }
0x159: {  	s9 =	simm.s32 $0x6;
	p2 =	seq.s32 s0, $0xFFFFFFFF;
	s3 =	smov.u32 @p1 s2  }
0x15a: {  	s6 =	simm.s32 $0x0;
	s3 =	smov.u32 @p2 s2;
	s2 =	spop (v2sf)  }
0x15b: {  	s0 =	smov.u32 @p2 s4;
	p1 =	sne.s32 s3, $0xFFFFFFFF;
	s5 =	smov.u32 s2  }
.Ltmp25:
0x15c: {  	p2 =	seq.s32 s2, $0xFFFFFFFF;
	s5 =	smov.u32 @p1 s3;
	(pc) =	sbr.rel .LBB2_32-.Ltmp25, $4  }
0x15d: {  	s10 =	simm.s32 $0xA0C8;
	s5 =	smov.u32 @p2 s3;
	s7 =	spop (v2sf)  }
0x15e: {  	s11 =	simm.s32 $0x0;
	p1 =	sne.s32 s5, $0xFFFFFFFF;
	s8 =	smov.u32 s7  }
0x15f: {  	s2 =	smov.u32 @p2 s0;
	p2 =	seq.s32 s7, $0xFFFFFFFF;
	s8 =	smov.u32 @p1 s5  }
0x160: {  	[sflag:s9] =	ssyncpa.u1 $0x0;
	s7 =	smov.u32 @p2 s2;
	s8 =	smov.u32 @p2 s5  }
.LBB2_38:
0x161: {  	p1 =	sgt.u32 s0, $0x1FFF8  }
0x162: {  	p2 =	seq.s32 @!p1 s0, s8  }
0x163: {  	p1 =	por p1, p2  }
0x164: {  	p2 =	sne.s32 @!p1 s0, s7  }
0x165: {  	p1 =	por p1, !p2  }
0x166: {  	s0 =	sshll.u32 @p1 s11, $0x8  }
0x167: {  	s2 =	sand.u32 @!p1 $0x1FFF8, s0  }
0x168: {  	s0 =	sand.u32 @!p1 $0x7, s0;
	s2 =	sadd.s32 @!p1 s1, s2  }
0x169: {  	[tilespmem:s10], [sflag:$0x6] =	stream.linear.gather @!p1 [hbm4b:s2+s0], $0x40, $0x38;
	[tilespmem:$0x1EF88] =	vst v63  }
0x16a: {  	_ =	swait.ge @!p1 [sflag:s9], $0x40  }
0x16b: {  	[sflag:s9] =	ssyncset.done @!p1 $0x0  }
0x16c: {  	s0 =	sshll.u32 @!p1 s11, $0x8;
	[sflag:s9] =	ssyncadd.s32 @!p1 $0xFFFFFFC0  }
0x16d: {  	s2 =	sshrl.u32 @!p1 s0, $0x2;
	v1 =	vld @!p1 [tilespmem:$0xA0C8]  }
0x16e: {  	v2 =	vld @!p1 [tilespmem:s2+$0xA138];
	_ =	sdelay $0x4  }
0x16f: {  	v1 =	vmax.f32 @!p1 v1, v2  }
0x170: {  	v2 =	vld @!p1 [tilespmem:s2+$0xA148];
	[tilespmem:s2+$0xA138] =	vst @!p1 v1  }
0x171: {  	v1 =	vld @!p1 [tilespmem:$0xA0D8];
	_ =	sdelay $0x4  }
0x172: {  	v1 =	vmax.f32 @!p1 v1, v2  }
0x173: {  	v2 =	vld @!p1 [tilespmem:s2+$0xA158];
	[tilespmem:s2+$0xA148] =	vst @!p1 v1  }
0x174: {  	v1 =	vld @!p1 [tilespmem:$0xA0E8];
	_ =	sdelay $0x4  }
0x175: {  	v1 =	vmax.f32 @!p1 v1, v2  }
0x176: {  	v2 =	vld @!p1 [tilespmem:s2+$0xA168];
	[tilespmem:s2+$0xA158] =	vst @!p1 v1  }
0x177: {  	v1 =	vld @!p1 [tilespmem:$0xA0F8];
	_ =	sdelay $0x4  }
0x178: {  	v1 =	vmax.f32 @!p1 v1, v2  }
0x179: {  	[tilespmem:s2+$0xA168] =	vst @!p1 v1  }
0x17a: {  	s0 =	sshrl.u32 s0, $0x2;
	[tilespmem:s6+$0xA118] =	vst.msk $0x1, v0  }
0x17b: {  	v0 =	vld [tilespmem:s0+$0xA138];
	_ =	sdelay $0x2  }
0x17c: {  	s31 =	sshll.u32 s6, $0x8  }
0x17d: {  	s2 =	sshra.s32 s31, $0x2  }
0x17e: {  	[tilespmem:s2+$0xA138] =	vst v0  }
0x17f: {  	v0 =	vld [tilespmem:s0+$0xA148];
	_ =	sdelay $0x4  }
0x180: {  	[tilespmem:s2+$0xA148] =	vst v0  }
0x181: {  	v0 =	vld [tilespmem:s0+$0xA158];
	_ =	sdelay $0x4  }
0x182: {  	[tilespmem:s2+$0xA158] =	vst v0  }
0x183: {  	v0 =	vld [tilespmem:s0+$0xA168];
	_ =	sdelay $0x4  }
0x184: {  	s6 =	sadd.s32 $0x1, s6;
	[tilespmem:s2+$0xA168] =	vst v0  }
.LBB2_39:
0x185: {  	s11 =	sadd.s32 $0x1, s11  }
0x186: {  	p1 =	sne.s32 s11, $0x20  }
.Ltmp26:
0x187: {  	_ = 	snop;
	(pc) =	sbr.rel @!p1 .LBB2_40-.Ltmp26, $1  }
0x188: {  	_ =	sdelay $0x3  }
.LBB2_32:
0x189: {  	v0 =	vld.msk [tilespmem:s11+$0xA118], $0x1;
	_ =	sdelay $0x4  }
0x18a: {  	(v2sf) =	vpush v0, $0x0;
	_ =	sdelay $0xe  }
0x18b: {  	s0 =	spop (v2sf)  }
0x18c: {  	p1 =	seq.s32 s0, $0xFFFFFFFF  }
.Ltmp27:
0x18d: {  	_ = 	snop;
	(pc) =	sbr.rel @p1 .LBB2_39-.Ltmp27, $1  }
0x18e: {  	_ =	sdelay $0x3  }
0x18f: {  	p1 =	slt.s32 s6, $0x1  }
.Ltmp28:
0x190: {  	_ = 	snop;
	(pc) =	sbr.rel @p1 .LBB2_38-.Ltmp28, $1  }
0x191: {  	_ =	sdelay $0x3  }
0x192: {  	s12 =	simm.s32 $0xA118;
	p1 =	por $0x0, $0x0  }
0x193: {  	v1 =	vld.msk @!p1 [tilespmem:s12+$0x0], $0x1;
	_ =	sdelay $0x4  }
0x194: {  	(v2sf) =	vpush @!p1 v1, $0x0;
	_ =	sdelay $0xd  }
0x195: {  	p3 =	sne.s32 s6, $0x1  }
.Ltmp29:
0x196: {  	s2 =	spop @!p1 (v2sf);
	(pc) =	sbr.rel @!p3 .LBB2_36-.Ltmp29, $4  }
0x197: {  	p2 =	seq.s32 @!p1 s0, s2  }
0x198: {  	s13 =	simm.s32 $0x0;
	p2 =	por !p2, p1  }
0x199: {  	s2 =	simm.s32 $0xFFFFFFFF;
	s13 =	simm.s32 @p2 $0xFFFFFFFF  }
0x19a: {  	s4 =	simm.s32 $0x1;
	s13 =	smov.u32 @p1 s2  }
.LBB2_35:
0x19b: {  	s2 =	smov.u32 s13;
	p1 =	sne.s32 s13, $0xFFFFFFFF  }
0x19c: {  	s12 =	sadd.s32 $0x1, s12;
	s13 =	smov.u32 s4;
	s4 =	sadd.s32 $0x1, s4  }
0x19d: {  	p2 =	sne.s32 s6, s4;
	v1 =	vld.msk @!p1 [tilespmem:s12+$0x0], $0x1;
	_ =	sdelay $0x4  }
0x19e: {  	(v2sf) =	vpush @!p1 v1, $0x0;
	_ =	sdelay $0xe  }
.Ltmp30:
0x19f: {  	s3 =	spop @!p1 (v2sf);
	(pc) =	sbr.rel @p2 .LBB2_35-.Ltmp30, $4  }
0x1a0: {  	p3 =	seq.s32 @!p1 s0, s3  }
0x1a1: {  	p3 =	por !p3, p1  }
0x1a2: {  	s13 =	simm.s32 @p3 $0xFFFFFFFF  }
0x1a3: {  	s13 =	smov.u32 @p1 s2  }
.LBB2_36:
0x1a4: {  	p1 =	seq.s32 s13, $0xFFFFFFFF  }
.Ltmp31:
0x1a5: {  	_ = 	snop;
	(pc) =	sbr.rel @p1 .LBB2_38-.Ltmp31, $1  }
0x1a6: {  	_ =	sdelay $0x3  }
0x1a7: {  	s0 =	sshll.u32 s11, $0x6  }
0x1a8: {  	s2 =	sshll.u32 s13, $0x8;
	s0 =	sand.u32 $0x3FFFFFC0, s0  }
0x1a9: {  	s2 =	sshra.s32 s2, $0x2;
	v0 =	vld [tilespmem:s0+$0xA138]  }
0x1aa: {  	v1 =	vld [tilespmem:s2+$0xA138];
	_ =	sdelay $0x4  }
0x1ab: {  	v0 =	vmax.f32 v0, v1  }
0x1ac: {  	v61 =	vld [tilespmem:s2+$0xA148];
	[tilespmem:s2+$0xA138] =	vst v0  }
0x1ad: {  	v0 =	vld [tilespmem:s0+$0xA148];
	_ =	sdelay $0x4  }
0x1ae: {  	v0 =	vmax.f32 v0, v61  }
0x1af: {  	v62 =	vld [tilespmem:s2+$0xA158];
	[tilespmem:s2+$0xA148] =	vst v0  }
0x1b0: {  	v0 =	vld [tilespmem:s0+$0xA158];
	_ =	sdelay $0x4  }
0x1b1: {  	v0 =	vmax.f32 v0, v62  }
0x1b2: {  	v63 =	vld [tilespmem:s2+$0xA168];
	[tilespmem:s2+$0xA158] =	vst v0  }
0x1b3: {  	v0 =	vld [tilespmem:s0+$0xA168];
	_ =	sdelay $0x1  }
.Ltmp32:
0x1b4: {  	_ = 	snop;
	(pc) =	sbr.rel .LBB2_39-.Ltmp32, $3  }
0x1b5: {  	_ =	sdelay $0x1  }
0x1b6: {  	v0 =	vmax.f32 v0, v63  }
0x1b7: {  	[tilespmem:s2+$0xA168] =	vst v0  }
.LBB2_40:
0x1b8: {  	s0 =	simm.s32 $0x6;
	p1 =	seq.s32 s6, $0x0  }
0x1b9: {  	[sflag:s0] =	ssyncpa.u1 $0x1;
	v0 =	vimm.s32 @p1 $0xFFFFFFFF  }
0x1ba: {  	s0 =	sadd.s32 $0xFFFFFFFF, s6;
	[tilespmem:$0xA938] =	vst @p1 v0  }
0x1bb: {  	v0 =	vld.msk @!p1 [tilespmem:s0+$0xA118], $0x1;
	_ =	sdelay $0x1  }
0x1bc: {  	v1 =	vld.msk @!p1 [tilespmem:$0xA118], $0x1;
	_ =	sdelay $0x2  }
0x1bd: {  	p2 =	seq.s32 @!p1 s0, $0x0;
	v0 =	vbroadcast @!p1 v0, $0x0  }
0x1be: {  	vm0 =	vmmov @!p1 $0x1;
	p2 =	por !p2, p1  }
0x1bf: {  	v1 =	vnsel @!p1 vm0, $0xFFFFFFFF, v1;
	vm0 =	vcmask @!p1 $0x308;
	v0 =	vpsel !p2, $0xFFFFFFFF, v0  }
0x1c0: {  	p2 =	sne.s32 @!p1 s8, s7;
	v0 =	vsel @!p1 vm0, v1, v0  }
0x1c1: {  	s2 =	simm.s32 @!p1 $0xA138;
	s3 =	simm.s32 @!p1 $0x0;
	p3 =	por !p2, p1;
	[tilespmem:$0xA938] =	vst @!p1 v0  }
0x1c2: {  	[spmem:s3] =	stream.linear.scatter @!p1 [tilespmem:s2], [sflag:$0x1], $0x40, $0x38;
	[tilespmem:$0x1EF88] =	vst v63  }
0x1c3: {  	s2 =	sshll.u32 @!p3 s0, $0x8  }
0x1c4: {  	s2 =	sshra.s32 @!p3 s2, $0x2  }
0x1c5: {  	s3 =	simm.s32 @!p3 $0x40;
	s2 =	sadd.s32 @!p3 $0xA138, s2  }
0x1c6: {  	[spmem:s3] =	stream.linear.scatter @!p3 [tilespmem:s2], [sflag:$0x1], $0x40, $0x38;
	[tilespmem:$0x1EF88] =	vst v63  }
0x1c7: {  	s2 =	simm.s32 @!p3 $0x1  }
0x1c8: {  	_ =	swait.ge @!p3 [sflag:s2], $0x80  }
0x1c9: {  	p1 =	por p2, p1;
	[sflag:s2] =	ssyncset.done @!p3 $0x0  }
0x1ca: {  	[sflag:s2] =	ssyncadd.s32 @!p3 $0xFFFFFF80;
	s2 =	simm.s32 @!p1 $0x1  }
0x1cb: {  	_ =	swait.ge @!p1 [sflag:s2], $0x40  }
0x1cc: {  	s29 =	simm.s32 $0xA938;
	[sflag:s2] =	ssyncset.done @!p1 $0x0  }
0x1cd: {  	s30 =	simm.s32 $0x800;
	s31 =	simm.s32 $0x1;
	[sflag:s2] =	ssyncadd.s32 @!p1 $0xFFFFFFC0  }
0x1ce: {  	[spmem:s30] =	stream.linear.scatter [tilespmem:s29], [sflag:$0x1], $0x10, $0x38;
	[tilespmem:$0x1EF88] =	vst v63  }
0x1cf: {  	_ =	swait.ge [sflag:s31], $0x10  }
0x1d0: {  	[sflag:s31] =	ssyncset.done $0x0  }
0x1d1: {  	p1 =	seq.s32 s14, $0x0;
	s9 =	rddreg [dreg:$0x1];
	[sflag:s31] =	ssyncadd.s32 $0xFFFFFFF0  }
0x1d2: {  	s3 =	sshll.u32 @p1 s9, $0xE;
	s8 =	rddreg [dreg:$0x2]  }
0x1d3: {  	s2 =	sadd.s32 @p1 $0x15C3C, s3;
	s3 =	sshll.u32 @p1 s8, $0x11  }
0x1d4: {  	_ =	sfence.stream.spmem;
	s2 =	sor.u32 @p1 s3, s2  }
0x1d5: {  	[sflag:s2] =	ssyncadd.remote.s32 @p1 $0x1;
	s2 =	simm.s32 @p1 $0x4  }
0x1d6: {  	s4 =	simm.s32 @!p1 $0x3C;
	s3 =	sand.u32 $0xFFFFFFFE, s9;
	_ =	swait.ge @p1 [sflag:s2], $0x12  }
0x1d7: {  	s5 =	simm.s32 @!p1 $0x0;
	s3 =	sadd.s32 @!p1 $0x4, s3;
	[sflag:s2] =	ssyncset.done @p1 $0x0  }
0x1d8: {  	s7 =	simm.s32 @!p1 $0x80;
	[sflag:s2] =	ssyncadd.s32 @p1 $0xFFFFFFEE;
	s2 =	sshll.u32 @!p1 s3, $0x1A  }
0x1d9: {  	s3 =	sshll.u32 @!p1 s3, $0xD;
	s2 =	sor.u32 @!p1 s2, s8;
	_ =	swait.eq @!p1 [sflag:s4], $0x1  }
0x1da: {  	s3 =	sor.u32 @!p1 $0x1C04, s3;
	s4 =	simm.s32 @!p1 $0x1C03;
	s2 =	sor.u32 @!p1 $0x80004000, s2  }
0x1db: {  	[spmem:s7], [sflag:s3] =	dma.general @!p1 [spmem:s5], [sflag:s4], length:$0x10, [dreg:$0x0], stride_count:$0x0, ici_dest:s2, dma_misc:DstOpCode:WRITE  }
0x1dc: {  	p2 =	slt.s32 s0, $0x2;
	s5 =	simm.s32 @!p1 $0x100;
	s7 =	simm.s32 @!p1 $0x102  }
0x1dd: {  	[spmem:s7], [sflag:s3] =	dma.general @!p1 [spmem:s5], [sflag:s4], length:$0x2, [dreg:$0x0], stride_count:$0x0, ici_dest:s2, dma_misc:DstOpCode:WRITE  }
.Ltmp33:
0x1de: {  	s2 =	simm.s32 @!p1 $0x3;
	(pc) =	sbr.rel @p2 .LBB2_44-.Ltmp33, $4  }
0x1df: {  	s3 =	sshll.u32 @!p1 s9, $0xE;
	_ =	swait.ge @!p1 [sflag:s2], $0x12  }
0x1e0: {  	s4 =	sshll.u32 @!p1 s8, $0x11;
	s3 =	sadd.s32 @!p1 $0x11C3C, s3;
	[sflag:s2] =	ssyncset.done @!p1 $0x0  }
0x1e1: {  	[sflag:s2] =	ssyncadd.s32 @!p1 $0xFFFFFFEE;
	s2 =	sor.u32 @!p1 s4, s3  }
0x1e2: {  	s0 =	simm.s32 $0x0;
	[sflag:s2] =	ssyncadd.remote.s32 @!p1 $0xFFFFFFFF  }
0x1e3: {  	s0 =	simm.s32 $0xA119  }
0x1e4: {  	v0 =	vld.msk [tilespmem:s0+$0x0], $0x1;
	_ =	sdelay $0x4  }
0x1e5: {  	(v2sf) =	vpush v0, $0x0;
	_ =	sdelay $0xd  }
0x1e6: {  	s3 =	sadd.s32 $0xFFFFFFFE, s6  }
0x1e7: {  	s4 =	sadd.s32 $0xFFFFFFFF, s3;
	s2 =	spop (v2sf)  }
0x1e8: {  	p2 =	sne.s32 s4, $0x0;
	p1 =	sgt.u32 s2, $0x1FFF8  }
.Ltmp34:
0x1e9: {  	s5 =	sand.u32 @!p1 $0x1FFF8, s2;
	(pc) =	sbr.rel @!p2 .LBB2_43-.Ltmp34, $4  }
0x1ea: {  	s0 =	simm.s32 $0xA178;
	s2 =	sand.u32 @!p1 $0x7, s2;
	s3 =	sadd.s32 @!p1 s1, s5  }
0x1eb: {  	[hbm4b:s3+s2] =	stream.linear.scatter @!p1 [tilespmem:s0], [sflag:$0x5], $0x40, $0x38;
	[tilespmem:$0x1EF88] =	vst v63  }
0x1ec: {  	s2 =	simm.s32 $0x0  }
0x1ed: {  	s6 =	simm.s32 $0xA11A;
	s5 =	simm.s32 $0x0;
	s2 =	simm.s32 @!p1 $0x100  }
.LBB2_42:
0x1ee: {  	v0 =	vld.msk [tilespmem:s6+$0x0], $0x1;
	s4 =	sadd.s32 $0xFFFFFFFF, s4;
	s5 =	sadd.s32 s5, s2  }
0x1ef: {  	p1 =	sne.s32 s4, $0x0;
	_ =	sdelay $0x3  }
0x1f0: {  	(v2sf) =	vpush v0, $0x0;
	_ =	sdelay $0xe  }
.Ltmp35:
0x1f1: {  	s3 =	spop (v2sf);
	(pc) =	sbr.rel @p1 .LBB2_42-.Ltmp35, $4  }
0x1f2: {  	s2 =	simm.s32 $0x0;
	p2 =	sgt.u32 s3, $0x1FFF8  }
0x1f3: {  	s0 =	sadd.s32 $0x40, s0;
	s2 =	simm.s32 @!p2 $0x100;
	s7 =	sand.u32 @!p2 $0x1FFF8, s3  }
0x1f4: {  	s6 =	sadd.s32 $0x1, s6;
	s3 =	sand.u32 @!p2 $0x7, s3;
	s7 =	sadd.s32 @!p2 s1, s7  }
0x1f5: {  	[hbm4b:s7+s3] =	stream.linear.scatter @!p2 [tilespmem:s0], [sflag:$0x5], $0x40, $0x38;
	[tilespmem:$0x1EF88] =	vst v63  }
.LBB2_43:
0x1f6: {  	s0 =	sadd.s32 s5, s2  }
0x1f7: {  	s0 =	sshrl.u32 s0, $0x2  }
.LBB2_44:
0x1f8: {  	s2 =	simm.s32 $0x5  }
0x1f9: {  	_ =	swait.ge [sflag:s2], s0  }
0x1fa: {  	s31 =	ssub.s32 $0x0, s0;
	[sflag:s2] =	ssyncset.done $0x0  }
0x1fb: {  	[sflag:s2] =	ssyncadd.s32 s31  }
0x1fc: {  	[sflag:s2] =	ssyncpa.u1 $0x1  }
.LBB2_45:
0x1fd: {  	s0 =	sor.u32 s14, s15  }
0x1fe: {  	p1 =	sne.s32 s0, $0x0  }
.Ltmp36:
0x1ff: {  	_ = 	snop;
	(pc) =	sbr.rel @p1 .LBB2_60-.Ltmp36, $3  }
0x200: {  	_ =	sdelay $0x1  }
0x201: {  	[bflag:$0x0] =	sbarrier.arrive $0xFFFF  }
0x202: {  	_ =	sfence  }
0x203: {  	s0 =	simm.s32 $0x7  }
0x204: {  	s2 =	simm.s32 $0x800;
	s3 =	simm.s32 $0xA118;
	[sflag:s0] =	ssyncpa.u1 $0x0  }
0x205: {  	[tilespmem:s3], [sflag:$0x7] =	stream.linear.gather [spmem:s2], $0x20, $0x38;
	[tilespmem:$0x1EF88] =	vst v63  }
0x206: {  	s30 =	simm.s32 $0xA138;
	s2 =	simm.s32 $0x0  }
0x207: {  	[tilespmem:s30], [sflag:$0x7] =	stream.linear.gather [spmem:s2], $0x800, $0x38;
	[tilespmem:$0x1EF88] =	vst v63  }
.Ltmp37:
0x208: {  	_ = 	snop;
	(pc) =	sbr.rel .LBB2_47-.Ltmp37, $4  }
0x209: {  	_ =	swait.ge [sflag:s0], $0x820  }
0x20a: {  	[sflag:s0] =	ssyncset.done $0x0  }
0x20b: {  	s31 =	simm.s32 $0x8;
	[sflag:s0] =	ssyncadd.s32 $0xFFFFF7E0  }
0x20c: {  	s3 =	simm.s32 $0x0;
	[sflag:s31] =	ssyncpa.u1 $0x0  }
.LBB2_53:
0x20d: {  	p1 =	slt.u32 s0, $0x1FFF9  }
0x20e: {  	s4 =	sand.u32 @p1 $0x1FFF8, s0  }
0x20f: {  	s0 =	sand.u32 @p1 $0x7, s0;
	s5 =	simm.s32 @p1 $0xA0C8;
	s4 =	sadd.s32 @p1 s1, s4  }
0x210: {  	[tilespmem:s5], [sflag:$0x8] =	stream.linear.gather @p1 [hbm4b:s4+s0], $0x40, $0x38;
	[tilespmem:$0x1EF88] =	vst v63  }
0x211: {  	s0 =	simm.s32 @p1 $0x8  }
0x212: {  	_ =	swait.ge @p1 [sflag:s0], $0x40  }
0x213: {  	[sflag:s0] =	ssyncset.done @p1 $0x0  }
0x214: {  	[sflag:s0] =	ssyncadd.s32 @p1 $0xFFFFFFC0;
	s0 =	sshll.u32 @p1 s3, $0x8  }
0x215: {  	s4 =	sshrl.u32 @p1 s0, $0x2;
	v1 =	vld @p1 [tilespmem:$0xA0C8]  }
0x216: {  	v2 =	vld @p1 [tilespmem:s4+$0xA138];
	_ =	sdelay $0x4  }
0x217: {  	v1 =	vmax.f32 @p1 v1, v2  }
0x218: {  	v2 =	vld @p1 [tilespmem:s4+$0xA148];
	[tilespmem:s4+$0xA138] =	vst @p1 v1  }
0x219: {  	v1 =	vld @p1 [tilespmem:$0xA0D8];
	_ =	sdelay $0x4  }
0x21a: {  	v1 =	vmax.f32 @p1 v1, v2  }
0x21b: {  	v2 =	vld @p1 [tilespmem:s4+$0xA158];
	[tilespmem:s4+$0xA148] =	vst @p1 v1  }
0x21c: {  	v1 =	vld @p1 [tilespmem:$0xA0E8];
	_ =	sdelay $0x4  }
0x21d: {  	v1 =	vmax.f32 @p1 v1, v2  }
0x21e: {  	v2 =	vld @p1 [tilespmem:s4+$0xA168];
	[tilespmem:s4+$0xA158] =	vst @p1 v1  }
0x21f: {  	v1 =	vld @p1 [tilespmem:$0xA0F8];
	_ =	sdelay $0x4  }
0x220: {  	s5 =	sshll.u32 @!p1 s3, $0x8;
	v1 =	vmax.f32 @p1 v1, v2  }
0x221: {  	s5 =	smov.u32 @p1 s0;
	[tilespmem:s4+$0xA168] =	vst @p1 v1  }
0x222: {  	s0 =	sshrl.u32 s5, $0x2;
	[tilespmem:s2+$0xA118] =	vst.msk $0x1, v0  }
0x223: {  	v0 =	vld [tilespmem:s0+$0xA138];
	_ =	sdelay $0x2  }
0x224: {  	s31 =	sshll.u32 s2, $0x8  }
0x225: {  	s4 =	sshra.s32 s31, $0x2  }
0x226: {  	[tilespmem:s4+$0xA138] =	vst v0  }
0x227: {  	v0 =	vld [tilespmem:s0+$0xA148];
	_ =	sdelay $0x4  }
0x228: {  	[tilespmem:s4+$0xA148] =	vst v0  }
0x229: {  	v0 =	vld [tilespmem:s0+$0xA158];
	_ =	sdelay $0x4  }
0x22a: {  	[tilespmem:s4+$0xA158] =	vst v0  }
0x22b: {  	v0 =	vld [tilespmem:s0+$0xA168];
	_ =	sdelay $0x4  }
0x22c: {  	s2 =	sadd.s32 $0x1, s2;
	[tilespmem:s4+$0xA168] =	vst v0  }
.LBB2_54:
0x22d: {  	s3 =	sadd.s32 $0x1, s3  }
0x22e: {  	p1 =	sne.s32 s3, $0x20  }
.Ltmp38:
0x22f: {  	_ = 	snop;
	(pc) =	sbr.rel @!p1 .LBB2_55-.Ltmp38, $1  }
0x230: {  	_ =	sdelay $0x3  }
.LBB2_47:
0x231: {  	v0 =	vld.msk [tilespmem:s3+$0xA118], $0x1;
	_ =	sdelay $0x4  }
0x232: {  	(v2sf) =	vpush v0, $0x0;
	_ =	sdelay $0xe  }
0x233: {  	s0 =	spop (v2sf)  }
0x234: {  	p1 =	seq.s32 s0, $0xFFFFFFFF  }
.Ltmp39:
0x235: {  	_ = 	snop;
	(pc) =	sbr.rel @p1 .LBB2_54-.Ltmp39, $1  }
0x236: {  	_ =	sdelay $0x3  }
0x237: {  	p1 =	slt.s32 s2, $0x1  }
.Ltmp40:
0x238: {  	_ = 	snop;
	(pc) =	sbr.rel @p1 .LBB2_53-.Ltmp40, $1  }
0x239: {  	_ =	sdelay $0x3  }
0x23a: {  	s4 =	simm.s32 $0xA118;
	p1 =	por $0x0, $0x0  }
0x23b: {  	v1 =	vld.msk @!p1 [tilespmem:s4+$0x0], $0x1;
	_ =	sdelay $0x4  }
0x23c: {  	(v2sf) =	vpush @!p1 v1, $0x0;
	_ =	sdelay $0xd  }
0x23d: {  	p3 =	sne.s32 s2, $0x1  }
.Ltmp41:
0x23e: {  	s5 =	spop @!p1 (v2sf);
	(pc) =	sbr.rel @!p3 .LBB2_51-.Ltmp41, $4  }
0x23f: {  	p2 =	seq.s32 @!p1 s0, s5  }
0x240: {  	s5 =	simm.s32 $0x0;
	p2 =	por !p2, p1  }
0x241: {  	s7 =	simm.s32 $0xFFFFFFFF;
	s5 =	simm.s32 @p2 $0xFFFFFFFF  }
0x242: {  	s6 =	simm.s32 $0x1;
	s5 =	smov.u32 @p1 s7  }
.LBB2_50:
0x243: {  	s7 =	smov.u32 s5;
	p1 =	sne.s32 s5, $0xFFFFFFFF  }
0x244: {  	s4 =	sadd.s32 $0x1, s4;
	s5 =	smov.u32 s6;
	s6 =	sadd.s32 $0x1, s6  }
0x245: {  	p2 =	sne.s32 s2, s6;
	v1 =	vld.msk @!p1 [tilespmem:s4+$0x0], $0x1;
	_ =	sdelay $0x4  }
0x246: {  	(v2sf) =	vpush @!p1 v1, $0x0;
	_ =	sdelay $0xe  }
.Ltmp42:
0x247: {  	s8 =	spop @!p1 (v2sf);
	(pc) =	sbr.rel @p2 .LBB2_50-.Ltmp42, $4  }
0x248: {  	p3 =	seq.s32 @!p1 s0, s8  }
0x249: {  	p3 =	por !p3, p1  }
0x24a: {  	s5 =	simm.s32 @p3 $0xFFFFFFFF  }
0x24b: {  	s5 =	smov.u32 @p1 s7  }
.LBB2_51:
0x24c: {  	p1 =	seq.s32 s5, $0xFFFFFFFF  }
.Ltmp43:
0x24d: {  	_ = 	snop;
	(pc) =	sbr.rel @p1 .LBB2_53-.Ltmp43, $1  }
0x24e: {  	_ =	sdelay $0x3  }
0x24f: {  	s0 =	sshll.u32 s3, $0x6  }
0x250: {  	s4 =	sshll.u32 s5, $0x8;
	s0 =	sand.u32 $0x3FFFFFC0, s0  }
0x251: {  	s4 =	sshra.s32 s4, $0x2;
	v0 =	vld [tilespmem:s0+$0xA138]  }
0x252: {  	v1 =	vld [tilespmem:s4+$0xA138];
	_ =	sdelay $0x4  }
0x253: {  	v0 =	vmax.f32 v0, v1  }
0x254: {  	v61 =	vld [tilespmem:s4+$0xA148];
	[tilespmem:s4+$0xA138] =	vst v0  }
0x255: {  	v0 =	vld [tilespmem:s0+$0xA148];
	_ =	sdelay $0x4  }
0x256: {  	v0 =	vmax.f32 v0, v61  }
0x257: {  	v62 =	vld [tilespmem:s4+$0xA158];
	[tilespmem:s4+$0xA148] =	vst v0  }
0x258: {  	v0 =	vld [tilespmem:s0+$0xA158];
	_ =	sdelay $0x4  }
0x259: {  	v0 =	vmax.f32 v0, v62  }
0x25a: {  	v63 =	vld [tilespmem:s4+$0xA168];
	[tilespmem:s4+$0xA158] =	vst v0  }
0x25b: {  	v0 =	vld [tilespmem:s0+$0xA168];
	_ =	sdelay $0x1  }
.Ltmp44:
0x25c: {  	_ = 	snop;
	(pc) =	sbr.rel .LBB2_54-.Ltmp44, $3  }
0x25d: {  	_ =	sdelay $0x1  }
0x25e: {  	v0 =	vmax.f32 v0, v63  }
0x25f: {  	[tilespmem:s4+$0xA168] =	vst v0  }
.LBB2_55:
0x260: {  	p1 =	slt.s32 s2, $0x1  }
.Ltmp45:
0x261: {  	_ = 	snop;
	(pc) =	sbr.rel @p1 .LBB2_59-.Ltmp45, $3  }
0x262: {  	_ =	sdelay $0x1  }
0x263: {  	s0 =	simm.s32 $0x8  }
0x264: {  	[sflag:s0] =	ssyncpa.u1 $0x1;
	s0 =	simm.s32 $0x0  }
0x265: {  	s3 =	simm.s32 $0xA118  }
0x266: {  	v0 =	vld.msk [tilespmem:s3+$0x0], $0x1;
	_ =	sdelay $0x4  }
0x267: {  	(v2sf) =	vpush v0, $0x0;
	_ =	sdelay $0xe  }
0x268: {  	s2 =	sadd.s32 $0xFFFFFFFF, s2;
	s4 =	spop (v2sf)  }
0x269: {  	p2 =	sne.s32 s2, $0x0;
	p1 =	sgt.u32 s4, $0x1FFF8  }
.Ltmp46:
0x26a: {  	s5 =	sand.u32 @!p1 $0x1FFF8, s4;
	(pc) =	sbr.rel @!p2 .LBB2_58-.Ltmp46, $4  }
0x26b: {  	s3 =	simm.s32 $0xA138;
	s4 =	sand.u32 @!p1 $0x7, s4;
	s5 =	sadd.s32 @!p1 s1, s5  }
0x26c: {  	[hbm4b:s5+s4] =	stream.linear.scatter @!p1 [tilespmem:s3], [sflag:$0x7], $0x40, $0x38;
	[tilespmem:$0x1EF88] =	vst v63  }
0x26d: {  	s5 =	simm.s32 $0x0  }
0x26e: {  	s4 =	simm.s32 $0xA119;
	s5 =	simm.s32 @!p1 $0x100  }
.LBB2_57:
0x26f: {  	v0 =	vld.msk [tilespmem:s4+$0x0], $0x1;
	s2 =	sadd.s32 $0xFFFFFFFF, s2;
	s0 =	sadd.s32 s0, s5  }
0x270: {  	p1 =	sne.s32 s2, $0x0;
	_ =	sdelay $0x3  }
0x271: {  	(v2sf) =	vpush v0, $0x0;
	_ =	sdelay $0xe  }
.Ltmp47:
0x272: {  	s6 =	spop (v2sf);
	(pc) =	sbr.rel @p1 .LBB2_57-.Ltmp47, $4  }
0x273: {  	s5 =	simm.s32 $0x0;
	p2 =	sgt.u32 s6, $0x1FFF8  }
0x274: {  	s3 =	sadd.s32 $0x40, s3;
	s5 =	simm.s32 @!p2 $0x100;
	s7 =	sand.u32 @!p2 $0x1FFF8, s6  }
0x275: {  	s4 =	sadd.s32 $0x1, s4;
	s6 =	sand.u32 @!p2 $0x7, s6;
	s7 =	sadd.s32 @!p2 s1, s7  }
0x276: {  	[hbm4b:s7+s6] =	stream.linear.scatter @!p2 [tilespmem:s3], [sflag:$0x7], $0x40, $0x38;
	[tilespmem:$0x1EF88] =	vst v63  }
.LBB2_58:
0x277: {  	s0 =	sadd.s32 s0, s5  }
0x278: {  	s0 =	sshrl.u32 s0, $0x2  }
.LBB2_59:
0x279: {  	s1 =	simm.s32 $0x7  }
0x27a: {  	_ =	swait.ge [sflag:s1], s0  }
0x27b: {  	s31 =	ssub.s32 $0x0, s0;
	[sflag:s1] =	ssyncset.done $0x0  }
0x27c: {  	[sflag:s1] =	ssyncadd.s32 s31  }
0x27d: {  	[sflag:s1] =	ssyncpa.u1 $0x1  }
.LBB2_60:
0x27e: {  	_ =	sfence;
	s0 =	simm.s32 $0x1  }
0x27f: {  	[sflag:s0] =	ssyncpa.u1 $0x1  }
0x280: {  	_ =	strace $0x9000004D  }
0x281: {  	[bflag:$0x2] =	sbarrier.arrive $0xFFFF  }
0x282: {  	s0 =	rddreg [dreg:$0x3]  }
0x283: {  	s0 =	sadd.s32 @!p0 $0x100000, s0  }
0x284: {  	[sflag:s0] =	ssyncadd.tile.s32 @!p0 $0x1;
	_ =	shalt  }
.Lfunc_end2:
_tile_overlayer_lowered:
.L_overlay_start_2:
0x285: {  	(tag) =	ssettag $0x2  }
0x286: {  	s0 =	rddreg [dreg:$0x0];
	s2 =	stileid.u32  }
0x287: {  	s1 =	rddreg [dreg:$0x1];
	p0 =	sne.s32 s2, $0x0  }
0x288: {  	s3 =	rddreg [dreg:$0x2];
	[bflag:$0x3] =	sbarrier.arrive $0xFFFF;
	s2 =	simm.s32 @!p0 $0x1C01  }
0x289: {  	[timem:s3], [sflag:s2] =	dma.local @!p0 [hbm:s0], s1  }
0x28a: {  	s0 =	simm.s32 @!p0 $0x1  }
0x28b: {  	_ =	swait.ge @!p0 [sflag:s0], s1  }
0x28c: {  	s1 =	ssub.s32 @!p0 $0x0, s1;
	[sflag:s0] =	ssyncset.done @!p0 $0x0  }
0x28d: {  	[sflag:s0] =	ssyncadd.s32 @!p0 s1  }
0x28e: {  	[bflag:$0x3] =	sbarrier.arrive $0xFFFF  }
0x28f: {  	_ =	shalt  }

// kernel: scatter_offload_async_start
scs
__scs_entry_jumppad:
0x0: {  	(pc) =	sbr.rel $0x88, $3  }
0x1: {  	(tag) =	ssettag $0x0;
	lr =	simm.s32 $0x1  }
0x2: {  	[smem:$0x3F4E] =	sst lr;
	_ =	strace $0xD0000000  }
0x3: {  	_ = 	snop  }
0x4: {  	_ = 	snop  }
0x5: {  	_ = 	snop  }
0x6: {  	_ = 	snop  }
0x7: {  	_ = 	snop  }
__scs_overlays_trampoline_lowered:
0x8: {  	[smem:$0x3F5D] =	sst s0  }
0x9: {  	[smem:$0x3F5E] =	sst s1  }
0xa: {  	[smem:$0x3F5F] =	sst s2  }
0xb: {  	[smem:$0x3F60] =	sst s3  }
0xc: {  	[smem:$0x3F61] =	sst s4  }
0xd: {  	[smem:$0x3F62] =	sst s5  }
0xe: {  	[smem:$0x3F63] =	sst s6  }
0xf: {  	[smem:$0x3F64] =	sst s7  }
0x10: {  	[smem:$0x3F65] =	sst s8  }
0x11: {  	[smem:$0x3F66] =	sst s9;
	s0 =	simm.s32 @!p0 $0x0  }
0x12: {  	s1 =	sld [smem:$0x3F4C];
	s0 =	simm.s32 @p0 $0x1  }
0x13: {  	[smem:$0x3F67] =	sst s0;
	s0 =	simm.s32 @!p1 $0x0  }
0x14: {  	s2 =	sld [smem:$0x3F4B];
	s0 =	simm.s32 @p1 $0x1  }
0x15: {  	[smem:$0x3F68] =	sst s0;
	s0 =	simm.s32 @!p2 $0x0  }
0x16: {  	s3 =	sld [smem:$0x3FDB];
	s0 =	simm.s32 @p2 $0x1  }
0x17: {  	s4 =	simm.s32 $0x1BF5;
	[smem:$0x3F6A] =	sst s0  }
0x18: {  	s0 =	sld [smem:$0x3F4D];
	_ =	swait.ge [sflag:s4], $0x0  }
0x19: {  	s7 =	sld [smem:$0x3F4E]  }
0x1a: {  	s8 =	sadd.s32 $0xFFFFE003, lr  }
0x1b: {  	s9 =	sadd.s32 $0xFFFFFEF7, lr;
	s5 =	simm.s32 $0xFFFFFFFF;
	p2 =	slt.u32 s8, $0xFFFFF086  }
0x1c: {  	p1 =	slt.u32 s9, $0xF7A;
	s5 =	simm.s32 @!p2 $0x0  }
0x1d: {  	s5 =	simm.s32 @p1 $0x1;
	p0 =	seq.s32 s7, s2  }
0x1e: {  	s7 =	smul.u32 @!p0 $0xF7A, s2;
	p2 =	seq.s32 @!p0 s5, $0x0  }
0x1f: {  	s9 =	smul.u32 $0xF7A, s1;
	s8 =	simm.s32 @!p0 $0x1BF5;
	p2 =	por !p2, p0  }
0x20: {  	[sflag:s8] =	ssyncset.s32 @!p0 $0xFFFFF086;
	s6 =	sadd.s32 @!p0 s3, s7;
	s7 =	simm.s32 @!p0 $0x108  }
0x21: {  	s3 =	sadd.s32 s3, s9;
	s6 =	sadd.s32 @!p0 $0x88, s6;
	s7 =	simm.s32 @p2 $0x1082  }
0x22: {  	[simem:s7], [sflag:s8] =	dma.local @!p0 [hbm:s6], $0xF7A  }
0x23: {  	s9 =	sor.u32 $0xD0000000, s2;
	s6 =	simm.s32 $0x108;
	_ =	swait.ge @!p0 [sflag:s8], $0x0  }
0x24: {  	s3 =	sadd.s32 $0x88, s3;
	s6 =	simm.s32 @!p1 $0x1082;
	[sflag:s4] =	ssyncset.s32 $0xFFFFF086  }
0x25: {  	[simem:s6], [sflag:s4] =	dma.local [hbm:s3], $0xF7A  }
0x26: {  	[smem:$0x3F4E] =	sst s1;
	(tag) =	ssettag s2;
	_ =	strace s9  }
0x27: {  	s1 =	sld [smem:$0x3F5E]  }
0x28: {  	s2 =	sld [smem:$0x3F5F]  }
0x29: {  	s4 =	sld [smem:$0x3F61]  }
0x2a: {  	p0 =	seq.s32 s5, $0x0;
	s5 =	sld [smem:$0x3F62]  }
0x2b: {  	s6 =	sld [smem:$0x3F63]  }
0x2c: {  	s7 =	sld [smem:$0x3F64]  }
0x2d: {  	s3 =	simm.s32 $0x108;
	s8 =	sld [smem:$0x3F65]  }
0x2e: {  	s3 =	simm.s32 @!p0 $0x1082;
	s9 =	sld [smem:$0x3F66]  }
0x2f: {  	lr =	sadd.s32 s0, s3;
	s0 =	sld [smem:$0x3F5D]  }
0x30: {  	s3 =	sld [smem:$0x3F60]  }
0x31: {  	[smem:$0x3F69] =	sst s10  }
0x32: {  	s10 =	sld [smem:$0x3F67];
	_ =	sdelay $0x3  }
0x33: {  	p0 =	seq.s32 s10, $0x1;
	s10 =	sld [smem:$0x3F69];
	_ =	sdelay $0x3  }
0x34: {  	[smem:$0x3F69] =	sst s10  }
0x35: {  	s10 =	sld [smem:$0x3F68];
	_ =	sdelay $0x3  }
0x36: {  	p1 =	seq.s32 s10, $0x1;
	s10 =	sld [smem:$0x3F69];
	_ =	sdelay $0x3  }
0x37: {  	[smem:$0x3F69] =	sst s10  }
0x38: {  	s10 =	sld [smem:$0x3F6A]  }
0x39: {  	_ = 	snop;
	(pc) =	sbr.ind lr, $3  }
0x3a: {  	_ = 	snop  }
0x3b: {  	_ = 	snop  }
0x3c: {  	p2 =	seq.s32 s10, $0x1;
	s10 =	sld [smem:$0x3F69]  }
0x3d: {  	_ =	shalt  }
0x3e: {  	_ =	shalt  }
0x3f: {  	_ =	shalt  }
0x40: {  	_ =	shalt  }
0x41: {  	_ =	shalt  }
0x42: {  	_ =	shalt  }
0x43: {  	_ =	shalt  }
0x44: {  	_ =	shalt  }
0x45: {  	_ =	shalt  }
0x46: {  	_ =	shalt  }
0x47: {  	_ =	shalt  }
0x48: {  	_ =	shalt  }
0x49: {  	_ =	shalt  }
0x4a: {  	_ =	shalt  }
0x4b: {  	_ =	shalt  }
0x4c: {  	_ =	shalt  }
0x4d: {  	_ =	shalt  }
0x4e: {  	_ =	shalt  }
0x4f: {  	_ =	shalt  }
0x50: {  	_ =	shalt  }
0x51: {  	_ =	shalt  }
0x52: {  	_ =	shalt  }
0x53: {  	_ =	shalt  }
0x54: {  	_ =	shalt  }
0x55: {  	_ =	shalt  }
0x56: {  	_ =	shalt  }
0x57: {  	_ =	shalt  }
0x58: {  	_ =	shalt  }
0x59: {  	_ =	shalt  }
0x5a: {  	_ =	shalt  }
0x5b: {  	_ =	shalt  }
0x5c: {  	_ =	shalt  }
0x5d: {  	_ =	shalt  }
0x5e: {  	_ =	shalt  }
0x5f: {  	_ =	shalt  }
0x60: {  	_ =	shalt  }
0x61: {  	_ =	shalt  }
0x62: {  	_ =	shalt  }
0x63: {  	_ =	shalt  }
0x64: {  	_ =	shalt  }
0x65: {  	_ =	shalt  }
0x66: {  	_ =	shalt  }
0x67: {  	_ =	shalt  }
0x68: {  	_ =	shalt  }
0x69: {  	_ =	shalt  }
0x6a: {  	_ =	shalt  }
0x6b: {  	_ =	shalt  }
0x6c: {  	_ =	shalt  }
0x6d: {  	_ =	shalt  }
0x6e: {  	_ =	shalt  }
0x6f: {  	_ =	shalt  }
0x70: {  	_ =	shalt  }
0x71: {  	_ =	shalt  }
0x72: {  	_ =	shalt  }
0x73: {  	_ =	shalt  }
0x74: {  	_ =	shalt  }
0x75: {  	_ =	shalt  }
0x76: {  	_ =	shalt  }
0x77: {  	_ =	shalt  }
0x78: {  	_ =	shalt  }
0x79: {  	_ =	shalt  }
0x7a: {  	_ =	shalt  }
0x7b: {  	_ =	shalt  }
0x7c: {  	_ =	shalt  }
0x7d: {  	_ =	shalt  }
0x7e: {  	_ =	shalt  }
0x7f: {  	_ =	shalt  }
0x80: {  	_ =	shalt  }
0x81: {  	_ =	shalt  }
0x82: {  	_ =	shalt  }
0x83: {  	_ =	shalt  }
0x84: {  	_ =	shalt  }
0x85: {  	_ =	shalt  }
0x86: {  	_ =	shalt  }
0x87: {  	_ =	shalt  }
.Lfunc_end0:
.L_simem_size_0:
called_computation_lowered:
.L_overlay_start_0:
0x88: {  	s2 =	sld [smem:$0x3FD9]  }
0x89: {  	s3 =	sld [smem:$0x3FFE];
	_ =	sdelay $0x1  }
0x8a: {  	s1 =	srdreg.scid  }
0x8b: {  	s0 =	sand.u32 $0x1, s1  }
0x8c: {  	s17 =	sshll.u32 s0, $0xA;
	s2 =	sadd.s32 s3, s2  }
0x8d: {  	s2 =	sadd.s32 s2, s17  }
0x8e: {  	[smem:$0x3F75] =	sst s2  }
0x8f: {  	_ = 	snop  }
0x90: {  	(tm) =	ssettm $0x1  }
0x91: {  	s18 =	sld [smem:$0x3FFB];
	_ =	sdelay $0x3  }
0x92: {  	_ =	strace s18  }
0x93: {  	s2 =	sld [smem:$0x3FFC];
	_ =	sdelay $0x3  }
0x94: {  	_ =	strace s2  }
0x95: {  	s2 =	sld [smem:$0x3FFD];
	_ =	sdelay $0x3  }
0x96: {  	_ =	strace s2  }
0x97: {  	_ =	strace $0x8FFFFFFF  }
0x98: {  	s19 =	sld [smem:$0x3FDB];
	_ =	sdelay $0x1  }
0x99: {  	s20 =	simm.s32 $_scs_section_size  }
0x9a: {  	s4 =	simm.s32 $_size__tile_overlayer_lowered;
	s5 =	simm.s32 $_tile_overlayer_lowered  }
0x9b: {  	s6 =	simm.s32 $0x1BFF;
	s21 =	sshll.u32 s5, $0x1;
	s3 =	sadd.s32 s20, s19  }
0x9c: {  	s22 =	simm.s32 $0x0;
	s4 =	sshll.u32 s4, $0x1;
	s5 =	sadd.s32 s21, s3  }
0x9d: {  	[timem:s22], [sflag:s6] =	dma.local [hbm:s5], s4  }
0x9e: {  	_ =	swait.ge [sflag:s6], s4  }
0x9f: {  	s4 =	ssub.s32 $0x0, s4;
	[sflag:s6] =	ssyncset.done $0x0  }
0xa0: {  	[sflag:s6] =	ssyncadd.s32 s4;
	_ =	sdelay $0x1  }
0xa1: {  	s23 =	simm.s32 $0x1B8B  }
0xa2: {  	_ =	swait.ge [sflag:s23], $0x1  }
0xa3: {  	[sflag:s23] =	ssyncset.done $0x0  }
0xa4: {  	[sflag:s23] =	ssyncadd.s32 $0xFFFFFFFF  }
0xa5: {  	s4 =	sld [smem:$0x0]  }
0xa6: {  	s5 =	sand.u32 $0xFFFFFFFE, s1  }
0xa7: {  	p0 =	sne.s32 s1, s5  }
0xa8: {  	s5 =	sshll.u32 @p0 s5, $0xE  }
0xa9: {  	s5 =	sadd.s32 @p0 $0x11B8D, s5;
	s6 =	sshll.u32 @p0 s4, $0x11  }
0xaa: {  	s5 =	sor.u32 @p0 s6, s5  }
0xab: {  	[sflag:s5] =	ssyncadd.remote.s32 @p0 $0x1;
	_ =	sdelay $0x1  }
0xac: {  	s5 =	simm.s32 @p0 $0x1B8D  }
0xad: {  	_ =	swait.eq @p0 [sflag:s5], $0x1  }
0xae: {  	[sflag:s5] =	ssyncadd.s32 @p0 $0xFFFFFFFF  }
0xaf: {  	s6 =	sshll.u32 @!p0 s1, $0xE  }
0xb0: {  	s6 =	sor.u32 @!p0 $0x4000, s6;
	s5 =	simm.s32 @!p0 $0x1B8D  }
0xb1: {  	s7 =	sshll.u32 @!p0 s4, $0x11;
	s6 =	sadd.s32 @!p0 $0x11B8D, s6;
	_ =	swait.eq @!p0 [sflag:s5], $0x1  }
0xb2: {  	[sflag:s5] =	ssyncadd.s32 @!p0 $0xFFFFFFFF;
	s5 =	sor.u32 @!p0 s7, s6  }
0xb3: {  	s25 =	simm.s32 $0x1B8E;
	s24 =	sld [smem:$0x3FFE];
	[sflag:s5] =	ssyncadd.remote.s32 @!p0 $0x1  }
0xb4: {  	s26 =	simm.s32 $execute0_lowered;
	[smem:$0x3FD2] =	sst s25  }
0xb5: {  	s6 =	sshll.u32 s26, $0x1;
	_ =	strace $0x80000049;
	[dreg:$0x1] =	wrdreg $0xFFFFFFFF  }
0xb6: {  	s28 =	simm.s32 $_size_execute0_lowered;
	s3 =	sadd.s32 s3, s6;
	[dreg:$0x0] =	wrdreg $0x0  }
0xb7: {  	s6 =	sshll.u32 s28, $0x1;
	[dreg:$0x2] =	wrdreg s3  }
0xb8: {  	[dreg:$0x3] =	wrdreg s6  }
0xb9: {  	[dreg:$0x4] =	wrdreg $0xC0  }
0xba: {  	_ =	task [dreg:s22], $0x5FFFF  }
0xbb: {  	[dreg:$0x1] =	wrdreg $0xFFFFFFFF  }
0xbc: {  	[dreg:$0x0] =	wrdreg $0x60  }
0xbd: {  	[dreg:$0x2] =	wrdreg s24  }
0xbe: {  	[dreg:$0x3] =	wrdreg s1  }
0xbf: {  	[dreg:$0x4] =	wrdreg s4  }
0xc0: {  	[dreg:$0x5] =	wrdreg $0x9  }
0xc1: {  	_ =	task.clear_ibuf [dreg:s22], $0x6FFFF;
	_ =	strace $0x90000049  }
0xc2: {  	s29 =	simm.s32 $0x9;
	_ =	strace $0x8000004B  }
0xc3: {  	_ =	swait.ge [sflag:s29], $0x1  }
0xc4: {  	[sflag:s29] =	ssyncadd.s32 $0xFFFFFFFF  }
0xc5: {  	_ =	strace $0x9000004B  }
0xc6: {  	_ =	sfence  }
0xc7: {  	s30 =	sld [smem:$0x0];
	_ =	sdelay $0x2  }
0xc8: {  	s31 =	sshll.u32 s1, $0xD;
	s1 =	sshrl.u32 s1, $0x2  }
0xc9: {  	s4 =	sand.u32 $0x4000, s31;
	s1 =	sadd.s32 s1, s30  }
0xca: {  	s0 =	sor.u32 s4, s0;
	s1 =	sshll.u32 s1, $0x11  }
0xcb: {  	s0 =	sor.u32 s1, s0  }
0xcc: {  	s0 =	sadd.s32 $0x8F2B, s0  }
0xcd: {  	[sflag:s0] =	ssyncadd.remote.s32 $0x1  }
0xce: {  	_ =	sfence.sel $0xFFFF  }
0xcf: {  	[dreg:$0x0] =	wrdreg $0xFFFFFFFF;
	(pc) =	sbr.abs _section_cstart, $3  }
0xd0: {  	[dreg:$0x1] =	wrdreg $0xFFFFFFFF  }
0xd1: {  	_ =	task.clear_ibuf [dreg:s22], $0x2FFFF;
	_ =	strace $0x9FFFFFFF  }
0xd2: {  	(tm) =	ssettm $0x7FFFFFFF  }
0xd3: {  	_ =	shalt  }
tec
execute0_lowered:
.L_overlay_start_1:
0x0: {  	(tag) =	ssettag $0x1  }
0x1: {  	s4 =	rddreg [dreg:$0x0]  }
0x2: {  	s2 =	rddreg [dreg:$0x1];
	_ =	strace $0x8000004A;
	s3 =	simm.s32 $0x1  }
0x3: {  	v0 =	vimm.s32 $0x0;
	[sflag:s3] =	ssyncpa.u1 $0x0  }
0x4: {  	[tilespmem:$0xA8] =	vst v0  }
0x5: {  	[tilespmem:$0xB8] =	vst v0  }
0x6: {  	[tilespmem:$0xC8] =	vst v0  }
0x7: {  	[tilespmem:$0xD8] =	vst v0  }
0x8: {  	[tilespmem:$0xE8] =	vst v0  }
0x9: {  	[tilespmem:$0xF8] =	vst v0  }
0xa: {  	[tilespmem:$0x108] =	vst v0  }
0xb: {  	[tilespmem:$0x118] =	vst v0  }
0xc: {  	[tilespmem:$0x128] =	vst v0  }
0xd: {  	[tilespmem:$0x138] =	vst v0  }
0xe: {  	[tilespmem:$0x148] =	vst v0  }
0xf: {  	[tilespmem:$0x158] =	vst v0  }
0x10: {  	[tilespmem:$0x168] =	vst v0  }
0x11: {  	[tilespmem:$0x178] =	vst v0  }
0x12: {  	[tilespmem:$0x188] =	vst v0  }
0x13: {  	[tilespmem:$0x198] =	vst v0  }
0x14: {  	[tilespmem:$0x1A8] =	vst v0  }
0x15: {  	[tilespmem:$0x1B8] =	vst v0  }
0x16: {  	[tilespmem:$0x1C8] =	vst v0  }
0x17: {  	[tilespmem:$0x1D8] =	vst v0  }
0x18: {  	[tilespmem:$0x1E8] =	vst v0  }
0x19: {  	[tilespmem:$0x1F8] =	vst v0  }
0x1a: {  	[tilespmem:$0x208] =	vst v0  }
0x1b: {  	[tilespmem:$0x218] =	vst v0  }
0x1c: {  	[tilespmem:$0x228] =	vst v0  }
0x1d: {  	[tilespmem:$0x238] =	vst v0  }
0x1e: {  	[tilespmem:$0x248] =	vst v0  }
0x1f: {  	[tilespmem:$0x258] =	vst v0  }
0x20: {  	[tilespmem:$0x268] =	vst v0  }
0x21: {  	[tilespmem:$0x278] =	vst v0  }
0x22: {  	[tilespmem:$0x288] =	vst v0  }
0x23: {  	[tilespmem:$0x298] =	vst v0  }
0x24: {  	[tilespmem:$0x2A8] =	vst v0  }
0x25: {  	[tilespmem:$0x2B8] =	vst v0  }
0x26: {  	[tilespmem:$0x2C8] =	vst v0  }
0x27: {  	[tilespmem:$0x2D8] =	vst v0  }
0x28: {  	[tilespmem:$0x2E8] =	vst v0  }
0x29: {  	[tilespmem:$0x2F8] =	vst v0  }
0x2a: {  	[tilespmem:$0x308] =	vst v0  }
0x2b: {  	[tilespmem:$0x318] =	vst v0  }
0x2c: {  	[tilespmem:$0x328] =	vst v0  }
0x2d: {  	[tilespmem:$0x338] =	vst v0  }
0x2e: {  	[tilespmem:$0x348] =	vst v0  }
0x2f: {  	[tilespmem:$0x358] =	vst v0  }
0x30: {  	[tilespmem:$0x368] =	vst v0  }
0x31: {  	[tilespmem:$0x378] =	vst v0  }
0x32: {  	[tilespmem:$0x388] =	vst v0  }
0x33: {  	[tilespmem:$0x398] =	vst v0  }
0x34: {  	[tilespmem:$0x3A8] =	vst v0  }
0x35: {  	[tilespmem:$0x3B8] =	vst v0  }
0x36: {  	[tilespmem:$0x3C8] =	vst v0  }
0x37: {  	[tilespmem:$0x3D8] =	vst v0  }
0x38: {  	[tilespmem:$0x3E8] =	vst v0  }
0x39: {  	[tilespmem:$0x3F8] =	vst v0  }
0x3a: {  	[tilespmem:$0x408] =	vst v0  }
0x3b: {  	[tilespmem:$0x418] =	vst v0  }
0x3c: {  	[tilespmem:$0x428] =	vst v0  }
0x3d: {  	[tilespmem:$0x438] =	vst v0  }
0x3e: {  	[tilespmem:$0x448] =	vst v0  }
0x3f: {  	[tilespmem:$0x458] =	vst v0  }
0x40: {  	[tilespmem:$0x468] =	vst v0  }
0x41: {  	[tilespmem:$0x478] =	vst v0  }
0x42: {  	[tilespmem:$0x488] =	vst v0  }
0x43: {  	[tilespmem:$0x498] =	vst v0  }
0x44: {  	[tilespmem:$0x4A8] =	vst v0  }
0x45: {  	[tilespmem:$0x4B8] =	vst v0  }
0x46: {  	[tilespmem:$0x4C8] =	vst v0  }
0x47: {  	[tilespmem:$0x4D8] =	vst v0  }
0x48: {  	[tilespmem:$0x4E8] =	vst v0  }
0x49: {  	[tilespmem:$0x4F8] =	vst v0  }
0x4a: {  	[tilespmem:$0x508] =	vst v0  }
0x4b: {  	[tilespmem:$0x518] =	vst v0  }
0x4c: {  	[tilespmem:$0x528] =	vst v0  }
0x4d: {  	[tilespmem:$0x538] =	vst v0  }
0x4e: {  	[tilespmem:$0x548] =	vst v0  }
0x4f: {  	[tilespmem:$0x558] =	vst v0  }
0x50: {  	[tilespmem:$0x568] =	vst v0  }
0x51: {  	[tilespmem:$0x578] =	vst v0  }
0x52: {  	[tilespmem:$0x588] =	vst v0  }
0x53: {  	[tilespmem:$0x598] =	vst v0  }
0x54: {  	[tilespmem:$0x5A8] =	vst v0  }
0x55: {  	[tilespmem:$0x5B8] =	vst v0  }
0x56: {  	[tilespmem:$0x5C8] =	vst v0  }
0x57: {  	[tilespmem:$0x5D8] =	vst v0  }
0x58: {  	[tilespmem:$0x5E8] =	vst v0  }
0x59: {  	[tilespmem:$0x5F8] =	vst v0  }
0x5a: {  	[tilespmem:$0x608] =	vst v0  }
0x5b: {  	[tilespmem:$0x618] =	vst v0  }
0x5c: {  	[tilespmem:$0x628] =	vst v0  }
0x5d: {  	[tilespmem:$0x638] =	vst v0  }
0x5e: {  	[tilespmem:$0x648] =	vst v0  }
0x5f: {  	[tilespmem:$0x658] =	vst v0  }
0x60: {  	[tilespmem:$0x668] =	vst v0  }
0x61: {  	[tilespmem:$0x678] =	vst v0  }
0x62: {  	[tilespmem:$0x688] =	vst v0  }
0x63: {  	[tilespmem:$0x698] =	vst v0  }
0x64: {  	[tilespmem:$0x6A8] =	vst v0  }
0x65: {  	[tilespmem:$0x6B8] =	vst v0  }
0x66: {  	[tilespmem:$0x6C8] =	vst v0  }
0x67: {  	[tilespmem:$0x6D8] =	vst v0  }
0x68: {  	[tilespmem:$0x6E8] =	vst v0  }
0x69: {  	[tilespmem:$0x6F8] =	vst v0  }
0x6a: {  	[tilespmem:$0x708] =	vst v0  }
0x6b: {  	[tilespmem:$0x718] =	vst v0  }
0x6c: {  	[tilespmem:$0x728] =	vst v0  }
0x6d: {  	[tilespmem:$0x738] =	vst v0  }
0x6e: {  	[tilespmem:$0x748] =	vst v0  }
0x6f: {  	[tilespmem:$0x758] =	vst v0  }
0x70: {  	[tilespmem:$0x768] =	vst v0  }
0x71: {  	[tilespmem:$0x778] =	vst v0  }
0x72: {  	[tilespmem:$0x788] =	vst v0  }
0x73: {  	[tilespmem:$0x798] =	vst v0  }
0x74: {  	[tilespmem:$0x7A8] =	vst v0  }
0x75: {  	[tilespmem:$0x7B8] =	vst v0  }
0x76: {  	[tilespmem:$0x7C8] =	vst v0  }
0x77: {  	[tilespmem:$0x7D8] =	vst v0  }
0x78: {  	[tilespmem:$0x7E8] =	vst v0  }
0x79: {  	[tilespmem:$0x7F8] =	vst v0  }
0x7a: {  	[tilespmem:$0x808] =	vst v0  }
0x7b: {  	[tilespmem:$0x818] =	vst v0  }
0x7c: {  	[tilespmem:$0x828] =	vst v0  }
0x7d: {  	[tilespmem:$0x838] =	vst v0  }
0x7e: {  	[tilespmem:$0x848] =	vst v0  }
0x7f: {  	[tilespmem:$0x858] =	vst v0  }
0x80: {  	[tilespmem:$0x868] =	vst v0  }
0x81: {  	[tilespmem:$0x878] =	vst v0  }
0x82: {  	[tilespmem:$0x888] =	vst v0  }
0x83: {  	[tilespmem:$0x898] =	vst v0  }
0x84: {  	[tilespmem:$0x8A8] =	vst v0  }
0x85: {  	[tilespmem:$0x8B8] =	vst v0  }
0x86: {  	[tilespmem:$0x8C8] =	vst v0  }
0x87: {  	[tilespmem:$0x8D8] =	vst v0  }
0x88: {  	[tilespmem:$0x8E8] =	vst v0  }
0x89: {  	[tilespmem:$0x8F8] =	vst v0  }
0x8a: {  	[tilespmem:$0x908] =	vst v0  }
0x8b: {  	[tilespmem:$0x918] =	vst v0  }
0x8c: {  	[tilespmem:$0x928] =	vst v0  }
0x8d: {  	[tilespmem:$0x938] =	vst v0  }
0x8e: {  	[tilespmem:$0x948] =	vst v0  }
0x8f: {  	[tilespmem:$0x958] =	vst v0  }
0x90: {  	[tilespmem:$0x968] =	vst v0  }
0x91: {  	[tilespmem:$0x978] =	vst v0  }
0x92: {  	[tilespmem:$0x988] =	vst v0  }
0x93: {  	[tilespmem:$0x998] =	vst v0  }
0x94: {  	[tilespmem:$0x9A8] =	vst v0  }
0x95: {  	[tilespmem:$0x9B8] =	vst v0  }
0x96: {  	[tilespmem:$0x9C8] =	vst v0  }
0x97: {  	[tilespmem:$0x9D8] =	vst v0  }
0x98: {  	[tilespmem:$0x9E8] =	vst v0  }
0x99: {  	[tilespmem:$0x9F8] =	vst v0  }
0x9a: {  	[tilespmem:$0xA08] =	vst v0  }
0x9b: {  	[tilespmem:$0xA18] =	vst v0  }
0x9c: {  	[tilespmem:$0xA28] =	vst v0  }
0x9d: {  	[tilespmem:$0xA38] =	vst v0  }
0x9e: {  	[tilespmem:$0xA48] =	vst v0  }
0x9f: {  	[tilespmem:$0xA58] =	vst v0  }
0xa0: {  	[tilespmem:$0xA68] =	vst v0  }
0xa1: {  	[tilespmem:$0xA78] =	vst v0  }
0xa2: {  	[tilespmem:$0xA88] =	vst v0  }
0xa3: {  	[tilespmem:$0xA98] =	vst v0  }
0xa4: {  	[tilespmem:$0xAA8] =	vst v0  }
0xa5: {  	[tilespmem:$0xAB8] =	vst v0  }
0xa6: {  	[tilespmem:$0xAC8] =	vst v0  }
0xa7: {  	[tilespmem:$0xAD8] =	vst v0  }
0xa8: {  	[tilespmem:$0xAE8] =	vst v0  }
0xa9: {  	[tilespmem:$0xAF8] =	vst v0  }
0xaa: {  	[tilespmem:$0xB08] =	vst v0  }
0xab: {  	[tilespmem:$0xB18] =	vst v0  }
0xac: {  	[tilespmem:$0xB28] =	vst v0  }
0xad: {  	[tilespmem:$0xB38] =	vst v0  }
0xae: {  	[tilespmem:$0xB48] =	vst v0  }
0xaf: {  	[tilespmem:$0xB58] =	vst v0  }
0xb0: {  	[tilespmem:$0xB68] =	vst v0  }
0xb1: {  	[tilespmem:$0xB78] =	vst v0  }
0xb2: {  	[tilespmem:$0xB88] =	vst v0  }
0xb3: {  	[tilespmem:$0xB98] =	vst v0  }
0xb4: {  	[tilespmem:$0xBA8] =	vst v0  }
0xb5: {  	[tilespmem:$0xBB8] =	vst v0  }
0xb6: {  	[tilespmem:$0xBC8] =	vst v0  }
0xb7: {  	[tilespmem:$0xBD8] =	vst v0  }
0xb8: {  	[tilespmem:$0xBE8] =	vst v0  }
0xb9: {  	[tilespmem:$0xBF8] =	vst v0  }
0xba: {  	[tilespmem:$0xC08] =	vst v0  }
0xbb: {  	[tilespmem:$0xC18] =	vst v0  }
0xbc: {  	[tilespmem:$0xC28] =	vst v0  }
0xbd: {  	[tilespmem:$0xC38] =	vst v0  }
0xbe: {  	[tilespmem:$0xC48] =	vst v0  }
0xbf: {  	[tilespmem:$0xC58] =	vst v0  }
0xc0: {  	[tilespmem:$0xC68] =	vst v0  }
0xc1: {  	[tilespmem:$0xC78] =	vst v0  }
0xc2: {  	[tilespmem:$0xC88] =	vst v0  }
0xc3: {  	[tilespmem:$0xC98] =	vst v0  }
0xc4: {  	[tilespmem:$0xCA8] =	vst v0  }
0xc5: {  	[tilespmem:$0xCB8] =	vst v0  }
0xc6: {  	[tilespmem:$0xCC8] =	vst v0  }
0xc7: {  	[tilespmem:$0xCD8] =	vst v0  }
0xc8: {  	[tilespmem:$0xCE8] =	vst v0  }
0xc9: {  	[tilespmem:$0xCF8] =	vst v0  }
0xca: {  	[tilespmem:$0xD08] =	vst v0  }
0xcb: {  	[tilespmem:$0xD18] =	vst v0  }
0xcc: {  	[tilespmem:$0xD28] =	vst v0  }
0xcd: {  	[tilespmem:$0xD38] =	vst v0  }
0xce: {  	[tilespmem:$0xD48] =	vst v0  }
0xcf: {  	[tilespmem:$0xD58] =	vst v0  }
0xd0: {  	[tilespmem:$0xD68] =	vst v0  }
0xd1: {  	[tilespmem:$0xD78] =	vst v0  }
0xd2: {  	[tilespmem:$0xD88] =	vst v0  }
0xd3: {  	[tilespmem:$0xD98] =	vst v0  }
0xd4: {  	[tilespmem:$0xDA8] =	vst v0  }
0xd5: {  	[tilespmem:$0xDB8] =	vst v0  }
0xd6: {  	[tilespmem:$0xDC8] =	vst v0  }
0xd7: {  	[tilespmem:$0xDD8] =	vst v0  }
0xd8: {  	[tilespmem:$0xDE8] =	vst v0  }
0xd9: {  	[tilespmem:$0xDF8] =	vst v0  }
0xda: {  	[tilespmem:$0xE08] =	vst v0  }
0xdb: {  	[tilespmem:$0xE18] =	vst v0  }
0xdc: {  	[tilespmem:$0xE28] =	vst v0  }
0xdd: {  	[tilespmem:$0xE38] =	vst v0  }
0xde: {  	[tilespmem:$0xE48] =	vst v0  }
0xdf: {  	[tilespmem:$0xE58] =	vst v0  }
0xe0: {  	[tilespmem:$0xE68] =	vst v0  }
0xe1: {  	[tilespmem:$0xE78] =	vst v0  }
0xe2: {  	[tilespmem:$0xE88] =	vst v0  }
0xe3: {  	[tilespmem:$0xE98] =	vst v0  }
0xe4: {  	[tilespmem:$0xEA8] =	vst v0  }
0xe5: {  	[tilespmem:$0xEB8] =	vst v0  }
0xe6: {  	[tilespmem:$0xEC8] =	vst v0  }
0xe7: {  	[tilespmem:$0xED8] =	vst v0  }
0xe8: {  	[tilespmem:$0xEE8] =	vst v0  }
0xe9: {  	[tilespmem:$0xEF8] =	vst v0  }
0xea: {  	[tilespmem:$0xF08] =	vst v0  }
0xeb: {  	[tilespmem:$0xF18] =	vst v0  }
0xec: {  	[tilespmem:$0xF28] =	vst v0  }
0xed: {  	[tilespmem:$0xF38] =	vst v0  }
0xee: {  	[tilespmem:$0xF48] =	vst v0  }
0xef: {  	[tilespmem:$0xF58] =	vst v0  }
0xf0: {  	[tilespmem:$0xF68] =	vst v0  }
0xf1: {  	[tilespmem:$0xF78] =	vst v0  }
0xf2: {  	[tilespmem:$0xF88] =	vst v0  }
0xf3: {  	[tilespmem:$0xF98] =	vst v0  }
0xf4: {  	[tilespmem:$0xFA8] =	vst v0  }
0xf5: {  	[tilespmem:$0xFB8] =	vst v0  }
0xf6: {  	[tilespmem:$0xFC8] =	vst v0  }
0xf7: {  	[tilespmem:$0xFD8] =	vst v0  }
0xf8: {  	[tilespmem:$0xFE8] =	vst v0  }
0xf9: {  	[tilespmem:$0xFF8] =	vst v0  }
0xfa: {  	[tilespmem:$0x1008] =	vst v0  }
0xfb: {  	[tilespmem:$0x1018] =	vst v0  }
0xfc: {  	[tilespmem:$0x1028] =	vst v0  }
0xfd: {  	[tilespmem:$0x1038] =	vst v0  }
0xfe: {  	[tilespmem:$0x1048] =	vst v0  }
0xff: {  	[tilespmem:$0x1058] =	vst v0  }
0x100: {  	[tilespmem:$0x1068] =	vst v0  }
0x101: {  	[tilespmem:$0x1078] =	vst v0  }
0x102: {  	[tilespmem:$0x1088] =	vst v0  }
0x103: {  	[tilespmem:$0x1098] =	vst v0  }
0x104: {  	[tilespmem:$0x10A8] =	vst v0  }
0x105: {  	[tilespmem:$0x10B8] =	vst v0  }
0x106: {  	[tilespmem:$0x10C8] =	vst v0  }
0x107: {  	[tilespmem:$0x10D8] =	vst v0  }
0x108: {  	[tilespmem:$0x10E8] =	vst v0  }
0x109: {  	[tilespmem:$0x10F8] =	vst v0  }
0x10a: {  	[tilespmem:$0x1108] =	vst v0  }
0x10b: {  	[tilespmem:$0x1118] =	vst v0  }
0x10c: {  	[tilespmem:$0x1128] =	vst v0  }
0x10d: {  	[tilespmem:$0x1138] =	vst v0  }
0x10e: {  	[tilespmem:$0x1148] =	vst v0  }
0x10f: {  	[tilespmem:$0x1158] =	vst v0  }
0x110: {  	[tilespmem:$0x1168] =	vst v0  }
0x111: {  	[tilespmem:$0x1178] =	vst v0  }
0x112: {  	[tilespmem:$0x1188] =	vst v0  }
0x113: {  	[tilespmem:$0x1198] =	vst v0  }
0x114: {  	[tilespmem:$0x11A8] =	vst v0  }
0x115: {  	[tilespmem:$0x11B8] =	vst v0  }
0x116: {  	[tilespmem:$0x11C8] =	vst v0  }
0x117: {  	[tilespmem:$0x11D8] =	vst v0  }
0x118: {  	[tilespmem:$0x11E8] =	vst v0  }
0x119: {  	[tilespmem:$0x11F8] =	vst v0  }
0x11a: {  	[tilespmem:$0x1208] =	vst v0  }
0x11b: {  	[tilespmem:$0x1218] =	vst v0  }
0x11c: {  	[tilespmem:$0x1228] =	vst v0  }
0x11d: {  	[tilespmem:$0x1238] =	vst v0  }
0x11e: {  	[tilespmem:$0x1248] =	vst v0  }
0x11f: {  	[tilespmem:$0x1258] =	vst v0  }
0x120: {  	[tilespmem:$0x1268] =	vst v0  }
0x121: {  	[tilespmem:$0x1278] =	vst v0  }
0x122: {  	[tilespmem:$0x21A8] =	vst v0  }
0x123: {  	[tilespmem:$0x21B8] =	vst v0  }
0x124: {  	[tilespmem:$0x1288] =	vst v0  }
0x125: {  	[tilespmem:$0x1298] =	vst v0  }
0x126: {  	[tilespmem:$0x12A8] =	vst v0  }
0x127: {  	[tilespmem:$0x12B8] =	vst v0  }
0x128: {  	[tilespmem:$0x12C8] =	vst v0  }
0x129: {  	[tilespmem:$0x12D8] =	vst v0  }
0x12a: {  	[tilespmem:$0x12E8] =	vst v0  }
0x12b: {  	[tilespmem:$0x12F8] =	vst v0  }
0x12c: {  	[tilespmem:$0x1308] =	vst v0  }
0x12d: {  	[tilespmem:$0x1318] =	vst v0  }
0x12e: {  	[tilespmem:$0x1328] =	vst v0  }
0x12f: {  	[tilespmem:$0x1338] =	vst v0  }
0x130: {  	[tilespmem:$0x1348] =	vst v0  }
0x131: {  	[tilespmem:$0x1358] =	vst v0  }
0x132: {  	[tilespmem:$0x1368] =	vst v0  }
0x133: {  	[tilespmem:$0x1378] =	vst v0  }
0x134: {  	[tilespmem:$0x1388] =	vst v0  }
0x135: {  	[tilespmem:$0x1398] =	vst v0  }
0x136: {  	[tilespmem:$0x13A8] =	vst v0  }
0x137: {  	[tilespmem:$0x13B8] =	vst v0  }
0x138: {  	[tilespmem:$0x13C8] =	vst v0  }
0x139: {  	[tilespmem:$0x13D8] =	vst v0  }
0x13a: {  	[tilespmem:$0x13E8] =	vst v0  }
0x13b: {  	[tilespmem:$0x13F8] =	vst v0  }
0x13c: {  	[tilespmem:$0x1408] =	vst v0  }
0x13d: {  	[tilespmem:$0x1418] =	vst v0  }
0x13e: {  	[tilespmem:$0x1428] =	vst v0  }
0x13f: {  	[tilespmem:$0x1438] =	vst v0  }
0x140: {  	[tilespmem:$0x1448] =	vst v0  }
0x141: {  	[tilespmem:$0x1458] =	vst v0  }
0x142: {  	[tilespmem:$0x1468] =	vst v0  }
0x143: {  	[tilespmem:$0x1478] =	vst v0  }
0x144: {  	[tilespmem:$0x1488] =	vst v0  }
0x145: {  	[tilespmem:$0x1498] =	vst v0  }
0x146: {  	[tilespmem:$0x14A8] =	vst v0  }
0x147: {  	[tilespmem:$0x14B8] =	vst v0  }
0x148: {  	[tilespmem:$0x14C8] =	vst v0  }
0x149: {  	[tilespmem:$0x14D8] =	vst v0  }
0x14a: {  	[tilespmem:$0x14E8] =	vst v0  }
0x14b: {  	[tilespmem:$0x14F8] =	vst v0  }
0x14c: {  	[tilespmem:$0x1508] =	vst v0  }
0x14d: {  	[tilespmem:$0x1518] =	vst v0  }
0x14e: {  	[tilespmem:$0x1528] =	vst v0  }
0x14f: {  	[tilespmem:$0x1538] =	vst v0  }
0x150: {  	[tilespmem:$0x1548] =	vst v0  }
0x151: {  	[tilespmem:$0x1558] =	vst v0  }
0x152: {  	[tilespmem:$0x1568] =	vst v0  }
0x153: {  	[tilespmem:$0x1578] =	vst v0  }
0x154: {  	[tilespmem:$0x1588] =	vst v0  }
0x155: {  	[tilespmem:$0x1598] =	vst v0  }
0x156: {  	[tilespmem:$0x15A8] =	vst v0  }
0x157: {  	[tilespmem:$0x15B8] =	vst v0  }
0x158: {  	[tilespmem:$0x15C8] =	vst v0  }
0x159: {  	[tilespmem:$0x15D8] =	vst v0  }
0x15a: {  	[tilespmem:$0x15E8] =	vst v0  }
0x15b: {  	[tilespmem:$0x15F8] =	vst v0  }
0x15c: {  	[tilespmem:$0x1608] =	vst v0  }
0x15d: {  	[tilespmem:$0x1618] =	vst v0  }
0x15e: {  	[tilespmem:$0x1628] =	vst v0  }
0x15f: {  	[tilespmem:$0x1638] =	vst v0  }
0x160: {  	[tilespmem:$0x1648] =	vst v0  }
0x161: {  	[tilespmem:$0x1658] =	vst v0  }
0x162: {  	[tilespmem:$0x1668] =	vst v0  }
0x163: {  	[tilespmem:$0x1678] =	vst v0  }
0x164: {  	[tilespmem:$0x1688] =	vst v0  }
0x165: {  	[tilespmem:$0x1698] =	vst v0  }
0x166: {  	[tilespmem:$0x16A8] =	vst v0  }
0x167: {  	[tilespmem:$0x16B8] =	vst v0  }
0x168: {  	[tilespmem:$0x16C8] =	vst v0  }
0x169: {  	[tilespmem:$0x16D8] =	vst v0  }
0x16a: {  	[tilespmem:$0x16E8] =	vst v0  }
0x16b: {  	[tilespmem:$0x16F8] =	vst v0  }
0x16c: {  	[tilespmem:$0x1708] =	vst v0  }
0x16d: {  	[tilespmem:$0x1718] =	vst v0  }
0x16e: {  	[tilespmem:$0x1728] =	vst v0  }
0x16f: {  	[tilespmem:$0x1738] =	vst v0  }
0x170: {  	[tilespmem:$0x1748] =	vst v0  }
0x171: {  	[tilespmem:$0x1758] =	vst v0  }
0x172: {  	[tilespmem:$0x1768] =	vst v0  }
0x173: {  	[tilespmem:$0x1778] =	vst v0  }
0x174: {  	[tilespmem:$0x1788] =	vst v0  }
0x175: {  	[tilespmem:$0x1798] =	vst v0  }
0x176: {  	[tilespmem:$0x17A8] =	vst v0  }
0x177: {  	[tilespmem:$0x17B8] =	vst v0  }
0x178: {  	[tilespmem:$0x17C8] =	vst v0  }
0x179: {  	[tilespmem:$0x17D8] =	vst v0  }
0x17a: {  	[tilespmem:$0x17E8] =	vst v0  }
0x17b: {  	[tilespmem:$0x17F8] =	vst v0  }
0x17c: {  	[tilespmem:$0x1808] =	vst v0  }
0x17d: {  	[tilespmem:$0x1818] =	vst v0  }
0x17e: {  	[tilespmem:$0x1828] =	vst v0  }
0x17f: {  	[tilespmem:$0x1838] =	vst v0  }
0x180: {  	[tilespmem:$0x1848] =	vst v0  }
0x181: {  	[tilespmem:$0x1858] =	vst v0  }
0x182: {  	[tilespmem:$0x1868] =	vst v0  }
0x183: {  	[tilespmem:$0x1878] =	vst v0  }
0x184: {  	[tilespmem:$0x1888] =	vst v0  }
0x185: {  	[tilespmem:$0x1898] =	vst v0  }
0x186: {  	[tilespmem:$0x18A8] =	vst v0  }
0x187: {  	[tilespmem:$0x18B8] =	vst v0  }
0x188: {  	[tilespmem:$0x18C8] =	vst v0  }
0x189: {  	[tilespmem:$0x18D8] =	vst v0  }
0x18a: {  	[tilespmem:$0x18E8] =	vst v0  }
0x18b: {  	[tilespmem:$0x18F8] =	vst v0  }
0x18c: {  	[tilespmem:$0x1908] =	vst v0  }
0x18d: {  	[tilespmem:$0x1918] =	vst v0  }
0x18e: {  	[tilespmem:$0x1928] =	vst v0  }
0x18f: {  	[tilespmem:$0x1938] =	vst v0  }
0x190: {  	[tilespmem:$0x1948] =	vst v0  }
0x191: {  	[tilespmem:$0x1958] =	vst v0  }
0x192: {  	[tilespmem:$0x1968] =	vst v0  }
0x193: {  	[tilespmem:$0x1978] =	vst v0  }
0x194: {  	[tilespmem:$0x1988] =	vst v0  }
0x195: {  	[tilespmem:$0x1998] =	vst v0  }
0x196: {  	[tilespmem:$0x19A8] =	vst v0  }
0x197: {  	[tilespmem:$0x19B8] =	vst v0  }
0x198: {  	[tilespmem:$0x19C8] =	vst v0  }
0x199: {  	[tilespmem:$0x19D8] =	vst v0  }
0x19a: {  	[tilespmem:$0x19E8] =	vst v0  }
0x19b: {  	[tilespmem:$0x19F8] =	vst v0  }
0x19c: {  	[tilespmem:$0x1A08] =	vst v0  }
0x19d: {  	[tilespmem:$0x1A18] =	vst v0  }
0x19e: {  	[tilespmem:$0x1A28] =	vst v0  }
0x19f: {  	[tilespmem:$0x1A38] =	vst v0  }
0x1a0: {  	[tilespmem:$0x1A48] =	vst v0  }
0x1a1: {  	[tilespmem:$0x1A58] =	vst v0  }
0x1a2: {  	[tilespmem:$0x1A68] =	vst v0  }
0x1a3: {  	[tilespmem:$0x1A78] =	vst v0  }
0x1a4: {  	[tilespmem:$0x1A88] =	vst v0  }
0x1a5: {  	[tilespmem:$0x1A98] =	vst v0  }
0x1a6: {  	[tilespmem:$0x1AA8] =	vst v0  }
0x1a7: {  	[tilespmem:$0x1AB8] =	vst v0  }
0x1a8: {  	[tilespmem:$0x1AC8] =	vst v0  }
0x1a9: {  	[tilespmem:$0x1AD8] =	vst v0  }
0x1aa: {  	[tilespmem:$0x1AE8] =	vst v0  }
0x1ab: {  	[tilespmem:$0x1AF8] =	vst v0  }
0x1ac: {  	[tilespmem:$0x1B08] =	vst v0  }
0x1ad: {  	[tilespmem:$0x1B18] =	vst v0  }
0x1ae: {  	[tilespmem:$0x1B28] =	vst v0  }
0x1af: {  	[tilespmem:$0x1B38] =	vst v0  }
0x1b0: {  	[tilespmem:$0x1B48] =	vst v0  }
0x1b1: {  	[tilespmem:$0x1B58] =	vst v0  }
0x1b2: {  	[tilespmem:$0x1B68] =	vst v0  }
0x1b3: {  	[tilespmem:$0x1B78] =	vst v0  }
0x1b4: {  	[tilespmem:$0x1B88] =	vst v0  }
0x1b5: {  	[tilespmem:$0x1B98] =	vst v0  }
0x1b6: {  	[tilespmem:$0x1BA8] =	vst v0  }
0x1b7: {  	[tilespmem:$0x1BB8] =	vst v0  }
0x1b8: {  	[tilespmem:$0x1BC8] =	vst v0  }
0x1b9: {  	[tilespmem:$0x1BD8] =	vst v0  }
0x1ba: {  	[tilespmem:$0x1BE8] =	vst v0  }
0x1bb: {  	[tilespmem:$0x1BF8] =	vst v0  }
0x1bc: {  	[tilespmem:$0x1C08] =	vst v0  }
0x1bd: {  	[tilespmem:$0x1C18] =	vst v0  }
0x1be: {  	[tilespmem:$0x1C28] =	vst v0  }
0x1bf: {  	[tilespmem:$0x1C38] =	vst v0  }
0x1c0: {  	[tilespmem:$0x1C48] =	vst v0  }
0x1c1: {  	[tilespmem:$0x1C58] =	vst v0  }
0x1c2: {  	[tilespmem:$0x1C68] =	vst v0  }
0x1c3: {  	[tilespmem:$0x1C78] =	vst v0  }
0x1c4: {  	[tilespmem:$0x1C88] =	vst v0  }
0x1c5: {  	[tilespmem:$0x1C98] =	vst v0  }
0x1c6: {  	[tilespmem:$0x1CA8] =	vst v0  }
0x1c7: {  	[tilespmem:$0x1CB8] =	vst v0  }
0x1c8: {  	[tilespmem:$0x1CC8] =	vst v0  }
0x1c9: {  	[tilespmem:$0x1CD8] =	vst v0  }
0x1ca: {  	[tilespmem:$0x1CE8] =	vst v0  }
0x1cb: {  	[tilespmem:$0x1CF8] =	vst v0  }
0x1cc: {  	[tilespmem:$0x1D08] =	vst v0  }
0x1cd: {  	[tilespmem:$0x1D18] =	vst v0  }
0x1ce: {  	[tilespmem:$0x1D28] =	vst v0  }
0x1cf: {  	[tilespmem:$0x1D38] =	vst v0  }
0x1d0: {  	[tilespmem:$0x1D48] =	vst v0  }
0x1d1: {  	[tilespmem:$0x1D58] =	vst v0  }
0x1d2: {  	[tilespmem:$0x1D68] =	vst v0  }
0x1d3: {  	[tilespmem:$0x1D78] =	vst v0  }
0x1d4: {  	[tilespmem:$0x1D88] =	vst v0  }
0x1d5: {  	[tilespmem:$0x1D98] =	vst v0  }
0x1d6: {  	[tilespmem:$0x1DA8] =	vst v0  }
0x1d7: {  	[tilespmem:$0x1DB8] =	vst v0  }
0x1d8: {  	[tilespmem:$0x1DC8] =	vst v0  }
0x1d9: {  	[tilespmem:$0x1DD8] =	vst v0  }
0x1da: {  	[tilespmem:$0x1DE8] =	vst v0  }
0x1db: {  	[tilespmem:$0x1DF8] =	vst v0  }
0x1dc: {  	[tilespmem:$0x1E08] =	vst v0  }
0x1dd: {  	[tilespmem:$0x1E18] =	vst v0  }
0x1de: {  	[tilespmem:$0x1E28] =	vst v0  }
0x1df: {  	[tilespmem:$0x1E38] =	vst v0  }
0x1e0: {  	[tilespmem:$0x1E48] =	vst v0  }
0x1e1: {  	[tilespmem:$0x1E58] =	vst v0  }
0x1e2: {  	[tilespmem:$0x1E68] =	vst v0  }
0x1e3: {  	[tilespmem:$0x1E78] =	vst v0  }
0x1e4: {  	[tilespmem:$0x1E88] =	vst v0  }
0x1e5: {  	[tilespmem:$0x1E98] =	vst v0  }
0x1e6: {  	[tilespmem:$0x1EA8] =	vst v0  }
0x1e7: {  	[tilespmem:$0x1EB8] =	vst v0  }
0x1e8: {  	[tilespmem:$0x1EC8] =	vst v0  }
0x1e9: {  	[tilespmem:$0x1ED8] =	vst v0  }
0x1ea: {  	[tilespmem:$0x1EE8] =	vst v0  }
0x1eb: {  	[tilespmem:$0x1EF8] =	vst v0  }
0x1ec: {  	[tilespmem:$0x1F08] =	vst v0  }
0x1ed: {  	[tilespmem:$0x1F18] =	vst v0  }
0x1ee: {  	[tilespmem:$0x1F28] =	vst v0  }
0x1ef: {  	[tilespmem:$0x1F38] =	vst v0  }
0x1f0: {  	[tilespmem:$0x1F48] =	vst v0  }
0x1f1: {  	[tilespmem:$0x1F58] =	vst v0  }
0x1f2: {  	[tilespmem:$0x1F68] =	vst v0  }
0x1f3: {  	[tilespmem:$0x1F78] =	vst v0  }
0x1f4: {  	[tilespmem:$0x1F88] =	vst v0  }
0x1f5: {  	[tilespmem:$0x1F98] =	vst v0  }
0x1f6: {  	[tilespmem:$0x1FA8] =	vst v0  }
0x1f7: {  	[tilespmem:$0x1FB8] =	vst v0  }
0x1f8: {  	[tilespmem:$0x1FC8] =	vst v0  }
0x1f9: {  	[tilespmem:$0x1FD8] =	vst v0  }
0x1fa: {  	[tilespmem:$0x1FE8] =	vst v0  }
0x1fb: {  	[tilespmem:$0x1FF8] =	vst v0  }
0x1fc: {  	[tilespmem:$0x2008] =	vst v0  }
0x1fd: {  	[tilespmem:$0x2018] =	vst v0  }
0x1fe: {  	[tilespmem:$0x2028] =	vst v0  }
0x1ff: {  	[tilespmem:$0x2038] =	vst v0  }
0x200: {  	[tilespmem:$0x2048] =	vst v0  }
0x201: {  	[tilespmem:$0x2058] =	vst v0  }
0x202: {  	[tilespmem:$0x2068] =	vst v0  }
0x203: {  	[tilespmem:$0x2078] =	vst v0  }
0x204: {  	[tilespmem:$0x2088] =	vst v0  }
0x205: {  	[tilespmem:$0x2098] =	vst v0  }
0x206: {  	[tilespmem:$0x20A8] =	vst v0  }
0x207: {  	[tilespmem:$0x20B8] =	vst v0  }
0x208: {  	[tilespmem:$0x20C8] =	vst v0  }
0x209: {  	[tilespmem:$0x20D8] =	vst v0  }
0x20a: {  	[tilespmem:$0x20E8] =	vst v0  }
0x20b: {  	[tilespmem:$0x20F8] =	vst v0  }
0x20c: {  	[tilespmem:$0x2108] =	vst v0  }
0x20d: {  	[tilespmem:$0x2118] =	vst v0  }
0x20e: {  	[tilespmem:$0x2128] =	vst v0  }
0x20f: {  	[tilespmem:$0x2138] =	vst v0  }
0x210: {  	[tilespmem:$0x2148] =	vst v0  }
0x211: {  	[tilespmem:$0x2158] =	vst v0  }
0x212: {  	[tilespmem:$0x2168] =	vst v0  }
0x213: {  	[tilespmem:$0x2178] =	vst v0  }
0x214: {  	[tilespmem:$0x2188] =	vst v0  }
0x215: {  	[tilespmem:$0x2198] =	vst v0  }
0x216: {  	[tilespmem:$0x21C8] =	vst v0  }
0x217: {  	[tilespmem:$0x21D8] =	vst v0  }
0x218: {  	[tilespmem:$0x21E8] =	vst v0  }
0x219: {  	[tilespmem:$0x21F8] =	vst v0  }
0x21a: {  	[tilespmem:$0x2208] =	vst v0  }
0x21b: {  	[tilespmem:$0x2218] =	vst v0  }
0x21c: {  	[tilespmem:$0x2228] =	vst v0  }
0x21d: {  	[tilespmem:$0x2238] =	vst v0  }
0x21e: {  	[tilespmem:$0x2248] =	vst v0  }
0x21f: {  	[tilespmem:$0x2258] =	vst v0  }
0x220: {  	[tilespmem:$0x2268] =	vst v0  }
0x221: {  	[tilespmem:$0x2278] =	vst v0  }
0x222: {  	[tilespmem:$0x2288] =	vst v0  }
0x223: {  	[tilespmem:$0x2298] =	vst v0  }
0x224: {  	[tilespmem:$0x22A8] =	vst v0  }
0x225: {  	[tilespmem:$0x22B8] =	vst v0  }
0x226: {  	[tilespmem:$0x22C8] =	vst v0  }
0x227: {  	[tilespmem:$0x22D8] =	vst v0  }
0x228: {  	[tilespmem:$0x22E8] =	vst v0  }
0x229: {  	[tilespmem:$0x22F8] =	vst v0  }
0x22a: {  	[tilespmem:$0x2308] =	vst v0  }
0x22b: {  	[tilespmem:$0x2318] =	vst v0  }
0x22c: {  	[tilespmem:$0x2328] =	vst v0  }
0x22d: {  	[tilespmem:$0x2338] =	vst v0  }
0x22e: {  	[tilespmem:$0x2348] =	vst v0  }
0x22f: {  	[tilespmem:$0x2358] =	vst v0  }
0x230: {  	[tilespmem:$0x2368] =	vst v0  }
0x231: {  	[tilespmem:$0x2378] =	vst v0  }
0x232: {  	[tilespmem:$0x2388] =	vst v0  }
0x233: {  	[tilespmem:$0x2398] =	vst v0  }
0x234: {  	[tilespmem:$0x23A8] =	vst v0  }
0x235: {  	[tilespmem:$0x23B8] =	vst v0  }
0x236: {  	[tilespmem:$0x23C8] =	vst v0  }
0x237: {  	[tilespmem:$0x23D8] =	vst v0  }
0x238: {  	[tilespmem:$0x23E8] =	vst v0  }
0x239: {  	[tilespmem:$0x23F8] =	vst v0  }
0x23a: {  	[tilespmem:$0x2408] =	vst v0  }
0x23b: {  	[tilespmem:$0x2418] =	vst v0  }
0x23c: {  	[tilespmem:$0x2428] =	vst v0  }
0x23d: {  	[tilespmem:$0x2438] =	vst v0  }
0x23e: {  	[tilespmem:$0x2448] =	vst v0  }
0x23f: {  	[tilespmem:$0x2458] =	vst v0  }
0x240: {  	[tilespmem:$0x2468] =	vst v0  }
0x241: {  	[tilespmem:$0x2478] =	vst v0  }
0x242: {  	[tilespmem:$0x2488] =	vst v0  }
0x243: {  	[tilespmem:$0x2498] =	vst v0  }
0x244: {  	[tilespmem:$0x24A8] =	vst v0  }
0x245: {  	[tilespmem:$0x24B8] =	vst v0  }
0x246: {  	[tilespmem:$0x24C8] =	vst v0  }
0x247: {  	[tilespmem:$0x24D8] =	vst v0  }
0x248: {  	[tilespmem:$0x24E8] =	vst v0  }
0x249: {  	[tilespmem:$0x24F8] =	vst v0  }
0x24a: {  	[tilespmem:$0x2508] =	vst v0  }
0x24b: {  	[tilespmem:$0x2518] =	vst v0  }
0x24c: {  	[tilespmem:$0x2528] =	vst v0  }
0x24d: {  	[tilespmem:$0x2538] =	vst v0  }
0x24e: {  	[tilespmem:$0x2548] =	vst v0  }
0x24f: {  	[tilespmem:$0x2558] =	vst v0  }
0x250: {  	[tilespmem:$0x2568] =	vst v0  }
0x251: {  	[tilespmem:$0x2578] =	vst v0  }
0x252: {  	[tilespmem:$0x2588] =	vst v0  }
0x253: {  	[tilespmem:$0x2598] =	vst v0  }
0x254: {  	[tilespmem:$0x25A8] =	vst v0  }
0x255: {  	[tilespmem:$0x25B8] =	vst v0  }
0x256: {  	[tilespmem:$0x25C8] =	vst v0  }
0x257: {  	[tilespmem:$0x25D8] =	vst v0  }
0x258: {  	[tilespmem:$0x25E8] =	vst v0  }
0x259: {  	[tilespmem:$0x25F8] =	vst v0  }
0x25a: {  	[tilespmem:$0x2608] =	vst v0  }
0x25b: {  	[tilespmem:$0x2618] =	vst v0  }
0x25c: {  	[tilespmem:$0x2628] =	vst v0  }
0x25d: {  	[tilespmem:$0x2638] =	vst v0  }
0x25e: {  	[tilespmem:$0x2648] =	vst v0  }
0x25f: {  	[tilespmem:$0x2658] =	vst v0  }
0x260: {  	[tilespmem:$0x2668] =	vst v0  }
0x261: {  	[tilespmem:$0x2678] =	vst v0  }
0x262: {  	[tilespmem:$0x2688] =	vst v0  }
0x263: {  	[tilespmem:$0x2698] =	vst v0  }
0x264: {  	[tilespmem:$0x26A8] =	vst v0  }
0x265: {  	[tilespmem:$0x26B8] =	vst v0  }
0x266: {  	[tilespmem:$0x26C8] =	vst v0  }
0x267: {  	[tilespmem:$0x26D8] =	vst v0  }
0x268: {  	[tilespmem:$0x26E8] =	vst v0  }
0x269: {  	[tilespmem:$0x26F8] =	vst v0  }
0x26a: {  	[tilespmem:$0x2708] =	vst v0  }
0x26b: {  	[tilespmem:$0x2718] =	vst v0  }
0x26c: {  	[tilespmem:$0x2728] =	vst v0  }
0x26d: {  	[tilespmem:$0x2738] =	vst v0  }
0x26e: {  	[tilespmem:$0x2748] =	vst v0  }
0x26f: {  	[tilespmem:$0x2758] =	vst v0  }
0x270: {  	[tilespmem:$0x2768] =	vst v0  }
0x271: {  	[tilespmem:$0x2778] =	vst v0  }
0x272: {  	[tilespmem:$0x2788] =	vst v0  }
0x273: {  	[tilespmem:$0x2798] =	vst v0  }
0x274: {  	[tilespmem:$0x27A8] =	vst v0  }
0x275: {  	[tilespmem:$0x27B8] =	vst v0  }
0x276: {  	[tilespmem:$0x27C8] =	vst v0  }
0x277: {  	[tilespmem:$0x27D8] =	vst v0  }
0x278: {  	[tilespmem:$0x27E8] =	vst v0  }
0x279: {  	[tilespmem:$0x27F8] =	vst v0  }
0x27a: {  	[tilespmem:$0x2808] =	vst v0  }
0x27b: {  	[tilespmem:$0x2818] =	vst v0  }
0x27c: {  	[tilespmem:$0x2828] =	vst v0  }
0x27d: {  	[tilespmem:$0x2838] =	vst v0  }
0x27e: {  	[tilespmem:$0x2848] =	vst v0  }
0x27f: {  	[tilespmem:$0x2858] =	vst v0  }
0x280: {  	[tilespmem:$0x2868] =	vst v0  }
0x281: {  	[tilespmem:$0x2878] =	vst v0  }
0x282: {  	[tilespmem:$0x2888] =	vst v0  }
0x283: {  	[tilespmem:$0x2898] =	vst v0  }
0x284: {  	[tilespmem:$0x28A8] =	vst v0  }
0x285: {  	[tilespmem:$0x28B8] =	vst v0  }
0x286: {  	[tilespmem:$0x28C8] =	vst v0  }
0x287: {  	[tilespmem:$0x28D8] =	vst v0  }
0x288: {  	[tilespmem:$0x28E8] =	vst v0  }
0x289: {  	[tilespmem:$0x28F8] =	vst v0  }
0x28a: {  	[tilespmem:$0x2908] =	vst v0  }
0x28b: {  	[tilespmem:$0x2918] =	vst v0  }
0x28c: {  	[tilespmem:$0x2928] =	vst v0  }
0x28d: {  	[tilespmem:$0x2938] =	vst v0  }
0x28e: {  	[tilespmem:$0x2948] =	vst v0  }
0x28f: {  	[tilespmem:$0x2958] =	vst v0  }
0x290: {  	[tilespmem:$0x2968] =	vst v0  }
0x291: {  	[tilespmem:$0x2978] =	vst v0  }
0x292: {  	[tilespmem:$0x2988] =	vst v0  }
0x293: {  	[tilespmem:$0x2998] =	vst v0  }
0x294: {  	[tilespmem:$0x29A8] =	vst v0  }
0x295: {  	[tilespmem:$0x29B8] =	vst v0  }
0x296: {  	[tilespmem:$0x29C8] =	vst v0  }
0x297: {  	[tilespmem:$0x29D8] =	vst v0  }
0x298: {  	[tilespmem:$0x29E8] =	vst v0  }
0x299: {  	[tilespmem:$0x29F8] =	vst v0  }
0x29a: {  	[tilespmem:$0x2A08] =	vst v0  }
0x29b: {  	[tilespmem:$0x2A18] =	vst v0  }
0x29c: {  	[tilespmem:$0x2A28] =	vst v0  }
0x29d: {  	[tilespmem:$0x2A38] =	vst v0  }
0x29e: {  	[tilespmem:$0x2A48] =	vst v0  }
0x29f: {  	[tilespmem:$0x2A58] =	vst v0  }
0x2a0: {  	[tilespmem:$0x2A68] =	vst v0  }
0x2a1: {  	[tilespmem:$0x2A78] =	vst v0  }
0x2a2: {  	[tilespmem:$0x2A88] =	vst v0  }
0x2a3: {  	[tilespmem:$0x2A98] =	vst v0  }
0x2a4: {  	[tilespmem:$0x2AA8] =	vst v0  }
0x2a5: {  	[tilespmem:$0x2AB8] =	vst v0  }
0x2a6: {  	[tilespmem:$0x2AC8] =	vst v0  }
0x2a7: {  	[tilespmem:$0x2AD8] =	vst v0  }
0x2a8: {  	[tilespmem:$0x2AE8] =	vst v0  }
0x2a9: {  	[tilespmem:$0x2AF8] =	vst v0  }
0x2aa: {  	[tilespmem:$0x2B08] =	vst v0  }
0x2ab: {  	[tilespmem:$0x2B18] =	vst v0  }
0x2ac: {  	[tilespmem:$0x2B28] =	vst v0  }
0x2ad: {  	[tilespmem:$0x2B38] =	vst v0  }
0x2ae: {  	[tilespmem:$0x2B48] =	vst v0  }
0x2af: {  	[tilespmem:$0x2B58] =	vst v0  }
0x2b0: {  	[tilespmem:$0x2B68] =	vst v0  }
0x2b1: {  	[tilespmem:$0x2B78] =	vst v0  }
0x2b2: {  	[tilespmem:$0x2B88] =	vst v0  }
0x2b3: {  	[tilespmem:$0x2B98] =	vst v0  }
0x2b4: {  	[tilespmem:$0x2BA8] =	vst v0  }
0x2b5: {  	[tilespmem:$0x2BB8] =	vst v0  }
0x2b6: {  	[tilespmem:$0x2BC8] =	vst v0  }
0x2b7: {  	[tilespmem:$0x2BD8] =	vst v0  }
0x2b8: {  	[tilespmem:$0x2BE8] =	vst v0  }
0x2b9: {  	[tilespmem:$0x2BF8] =	vst v0  }
0x2ba: {  	[tilespmem:$0x2C08] =	vst v0  }
0x2bb: {  	[tilespmem:$0x2C18] =	vst v0  }
0x2bc: {  	[tilespmem:$0x2C28] =	vst v0  }
0x2bd: {  	[tilespmem:$0x2C38] =	vst v0  }
0x2be: {  	[tilespmem:$0x2C48] =	vst v0  }
0x2bf: {  	[tilespmem:$0x2C58] =	vst v0  }
0x2c0: {  	[tilespmem:$0x2C68] =	vst v0  }
0x2c1: {  	[tilespmem:$0x2C78] =	vst v0  }
0x2c2: {  	[tilespmem:$0x2C88] =	vst v0  }
0x2c3: {  	[tilespmem:$0x2C98] =	vst v0  }
0x2c4: {  	[tilespmem:$0x2CA8] =	vst v0  }
0x2c5: {  	[tilespmem:$0x2CB8] =	vst v0  }
0x2c6: {  	[tilespmem:$0x2CC8] =	vst v0  }
0x2c7: {  	[tilespmem:$0x2CD8] =	vst v0  }
0x2c8: {  	[tilespmem:$0x2CE8] =	vst v0  }
0x2c9: {  	[tilespmem:$0x2CF8] =	vst v0  }
0x2ca: {  	[tilespmem:$0x2D08] =	vst v0  }
0x2cb: {  	[tilespmem:$0x2D18] =	vst v0  }
0x2cc: {  	[tilespmem:$0x2D28] =	vst v0  }
0x2cd: {  	[tilespmem:$0x2D38] =	vst v0  }
0x2ce: {  	[tilespmem:$0x2D48] =	vst v0  }
0x2cf: {  	[tilespmem:$0x2D58] =	vst v0  }
0x2d0: {  	[tilespmem:$0x2D68] =	vst v0  }
0x2d1: {  	[tilespmem:$0x2D78] =	vst v0  }
0x2d2: {  	[tilespmem:$0x2D88] =	vst v0  }
0x2d3: {  	[tilespmem:$0x2D98] =	vst v0  }
0x2d4: {  	[tilespmem:$0x2DA8] =	vst v0  }
0x2d5: {  	[tilespmem:$0x2DB8] =	vst v0  }
0x2d6: {  	[tilespmem:$0x2DC8] =	vst v0  }
0x2d7: {  	[tilespmem:$0x2DD8] =	vst v0  }
0x2d8: {  	[tilespmem:$0x2DE8] =	vst v0  }
0x2d9: {  	[tilespmem:$0x2DF8] =	vst v0  }
0x2da: {  	[tilespmem:$0x2E08] =	vst v0  }
0x2db: {  	[tilespmem:$0x2E18] =	vst v0  }
0x2dc: {  	[tilespmem:$0x2E28] =	vst v0  }
0x2dd: {  	[tilespmem:$0x2E38] =	vst v0  }
0x2de: {  	[tilespmem:$0x2E48] =	vst v0  }
0x2df: {  	[tilespmem:$0x2E58] =	vst v0  }
0x2e0: {  	[tilespmem:$0x2E68] =	vst v0  }
0x2e1: {  	[tilespmem:$0x2E78] =	vst v0  }
0x2e2: {  	[tilespmem:$0x2E88] =	vst v0  }
0x2e3: {  	[tilespmem:$0x2E98] =	vst v0  }
0x2e4: {  	[tilespmem:$0x2EA8] =	vst v0  }
0x2e5: {  	[tilespmem:$0x2EB8] =	vst v0  }
0x2e6: {  	[tilespmem:$0x2EC8] =	vst v0  }
0x2e7: {  	[tilespmem:$0x2ED8] =	vst v0  }
0x2e8: {  	[tilespmem:$0x2EE8] =	vst v0  }
0x2e9: {  	[tilespmem:$0x2EF8] =	vst v0  }
0x2ea: {  	[tilespmem:$0x2F08] =	vst v0  }
0x2eb: {  	[tilespmem:$0x2F18] =	vst v0  }
0x2ec: {  	[tilespmem:$0x2F28] =	vst v0  }
0x2ed: {  	[tilespmem:$0x2F38] =	vst v0  }
0x2ee: {  	[tilespmem:$0x2F48] =	vst v0  }
0x2ef: {  	[tilespmem:$0x2F58] =	vst v0  }
0x2f0: {  	[tilespmem:$0x2F68] =	vst v0  }
0x2f1: {  	[tilespmem:$0x2F78] =	vst v0  }
0x2f2: {  	[tilespmem:$0x2F88] =	vst v0  }
0x2f3: {  	[tilespmem:$0x2F98] =	vst v0  }
0x2f4: {  	[tilespmem:$0x2FA8] =	vst v0  }
0x2f5: {  	[tilespmem:$0x2FB8] =	vst v0  }
0x2f6: {  	[tilespmem:$0x2FC8] =	vst v0  }
0x2f7: {  	[tilespmem:$0x2FD8] =	vst v0  }
0x2f8: {  	[tilespmem:$0x2FE8] =	vst v0  }
0x2f9: {  	[tilespmem:$0x2FF8] =	vst v0  }
0x2fa: {  	[tilespmem:$0x3008] =	vst v0  }
0x2fb: {  	[tilespmem:$0x3018] =	vst v0  }
0x2fc: {  	[tilespmem:$0x3028] =	vst v0  }
0x2fd: {  	[tilespmem:$0x3038] =	vst v0  }
0x2fe: {  	[tilespmem:$0x3048] =	vst v0  }
0x2ff: {  	[tilespmem:$0x3058] =	vst v0  }
0x300: {  	[tilespmem:$0x3068] =	vst v0  }
0x301: {  	[tilespmem:$0x3078] =	vst v0  }
0x302: {  	[tilespmem:$0x3088] =	vst v0  }
0x303: {  	[tilespmem:$0x3098] =	vst v0  }
0x304: {  	[tilespmem:$0x30A8] =	vst v0  }
0x305: {  	[tilespmem:$0x30B8] =	vst v0  }
0x306: {  	[tilespmem:$0x30C8] =	vst v0  }
0x307: {  	[tilespmem:$0x30D8] =	vst v0  }
0x308: {  	[tilespmem:$0x30E8] =	vst v0  }
0x309: {  	[tilespmem:$0x30F8] =	vst v0  }
0x30a: {  	[tilespmem:$0x3108] =	vst v0  }
0x30b: {  	[tilespmem:$0x3118] =	vst v0  }
0x30c: {  	[tilespmem:$0x3128] =	vst v0  }
0x30d: {  	[tilespmem:$0x3138] =	vst v0  }
0x30e: {  	[tilespmem:$0x3148] =	vst v0  }
0x30f: {  	[tilespmem:$0x3158] =	vst v0  }
0x310: {  	[tilespmem:$0x3168] =	vst v0  }
0x311: {  	[tilespmem:$0x3178] =	vst v0  }
0x312: {  	[tilespmem:$0x3188] =	vst v0  }
0x313: {  	[tilespmem:$0x3198] =	vst v0  }
0x314: {  	[tilespmem:$0x31A8] =	vst v0  }
0x315: {  	[tilespmem:$0x31B8] =	vst v0  }
0x316: {  	[tilespmem:$0x40E8] =	vst v0  }
0x317: {  	[tilespmem:$0x40F8] =	vst v0  }
0x318: {  	[tilespmem:$0x31C8] =	vst v0  }
0x319: {  	[tilespmem:$0x31D8] =	vst v0  }
0x31a: {  	[tilespmem:$0x31E8] =	vst v0  }
0x31b: {  	[tilespmem:$0x31F8] =	vst v0  }
0x31c: {  	[tilespmem:$0x3208] =	vst v0  }
0x31d: {  	[tilespmem:$0x3218] =	vst v0  }
0x31e: {  	[tilespmem:$0x3228] =	vst v0  }
0x31f: {  	[tilespmem:$0x3238] =	vst v0  }
0x320: {  	[tilespmem:$0x3248] =	vst v0  }
0x321: {  	[tilespmem:$0x3258] =	vst v0  }
0x322: {  	[tilespmem:$0x3268] =	vst v0  }
0x323: {  	[tilespmem:$0x3278] =	vst v0  }
0x324: {  	[tilespmem:$0x3288] =	vst v0  }
0x325: {  	[tilespmem:$0x3298] =	vst v0  }
0x326: {  	[tilespmem:$0x32A8] =	vst v0  }
0x327: {  	[tilespmem:$0x32B8] =	vst v0  }
0x328: {  	[tilespmem:$0x32C8] =	vst v0  }
0x329: {  	[tilespmem:$0x32D8] =	vst v0  }
0x32a: {  	[tilespmem:$0x32E8] =	vst v0  }
0x32b: {  	[tilespmem:$0x32F8] =	vst v0  }
0x32c: {  	[tilespmem:$0x3308] =	vst v0  }
0x32d: {  	[tilespmem:$0x3318] =	vst v0  }
0x32e: {  	[tilespmem:$0x3328] =	vst v0  }
0x32f: {  	[tilespmem:$0x3338] =	vst v0  }
0x330: {  	[tilespmem:$0x3348] =	vst v0  }
0x331: {  	[tilespmem:$0x3358] =	vst v0  }
0x332: {  	[tilespmem:$0x3368] =	vst v0  }
0x333: {  	[tilespmem:$0x3378] =	vst v0  }
0x334: {  	[tilespmem:$0x3388] =	vst v0  }
0x335: {  	[tilespmem:$0x3398] =	vst v0  }
0x336: {  	[tilespmem:$0x33A8] =	vst v0  }
0x337: {  	[tilespmem:$0x33B8] =	vst v0  }
0x338: {  	[tilespmem:$0x33C8] =	vst v0  }
0x339: {  	[tilespmem:$0x33D8] =	vst v0  }
0x33a: {  	[tilespmem:$0x33E8] =	vst v0  }
0x33b: {  	[tilespmem:$0x33F8] =	vst v0  }
0x33c: {  	[tilespmem:$0x3408] =	vst v0  }
0x33d: {  	[tilespmem:$0x3418] =	vst v0  }
0x33e: {  	[tilespmem:$0x3428] =	vst v0  }
0x33f: {  	[tilespmem:$0x3438] =	vst v0  }
0x340: {  	[tilespmem:$0x3448] =	vst v0  }
0x341: {  	[tilespmem:$0x3458] =	vst v0  }
0x342: {  	[tilespmem:$0x3468] =	vst v0  }
0x343: {  	[tilespmem:$0x3478] =	vst v0  }
0x344: {  	[tilespmem:$0x3488] =	vst v0  }
0x345: {  	[tilespmem:$0x3498] =	vst v0  }
0x346: {  	[tilespmem:$0x34A8] =	vst v0  }
0x347: {  	[tilespmem:$0x34B8] =	vst v0  }
0x348: {  	[tilespmem:$0x34C8] =	vst v0  }
0x349: {  	[tilespmem:$0x34D8] =	vst v0  }
0x34a: {  	[tilespmem:$0x34E8] =	vst v0  }
0x34b: {  	[tilespmem:$0x34F8] =	vst v0  }
0x34c: {  	[tilespmem:$0x3508] =	vst v0  }
0x34d: {  	[tilespmem:$0x3518] =	vst v0  }
0x34e: {  	[tilespmem:$0x3528] =	vst v0  }
0x34f: {  	[tilespmem:$0x3538] =	vst v0  }
0x350: {  	[tilespmem:$0x3548] =	vst v0  }
0x351: {  	[tilespmem:$0x3558] =	vst v0  }
0x352: {  	[tilespmem:$0x3568] =	vst v0  }
0x353: {  	[tilespmem:$0x3578] =	vst v0  }
0x354: {  	[tilespmem:$0x3588] =	vst v0  }
0x355: {  	[tilespmem:$0x3598] =	vst v0  }
0x356: {  	[tilespmem:$0x35A8] =	vst v0  }
0x357: {  	[tilespmem:$0x35B8] =	vst v0  }
0x358: {  	[tilespmem:$0x35C8] =	vst v0  }
0x359: {  	[tilespmem:$0x35D8] =	vst v0  }
0x35a: {  	[tilespmem:$0x35E8] =	vst v0  }
0x35b: {  	[tilespmem:$0x35F8] =	vst v0  }
0x35c: {  	[tilespmem:$0x3608] =	vst v0  }
0x35d: {  	[tilespmem:$0x3618] =	vst v0  }
0x35e: {  	[tilespmem:$0x3628] =	vst v0  }
0x35f: {  	[tilespmem:$0x3638] =	vst v0  }
0x360: {  	[tilespmem:$0x3648] =	vst v0  }
0x361: {  	[tilespmem:$0x3658] =	vst v0  }
0x362: {  	[tilespmem:$0x3668] =	vst v0  }
0x363: {  	[tilespmem:$0x3678] =	vst v0  }
0x364: {  	[tilespmem:$0x3688] =	vst v0  }
0x365: {  	[tilespmem:$0x3698] =	vst v0  }
0x366: {  	[tilespmem:$0x36A8] =	vst v0  }
0x367: {  	[tilespmem:$0x36B8] =	vst v0  }
0x368: {  	[tilespmem:$0x36C8] =	vst v0  }
0x369: {  	[tilespmem:$0x36D8] =	vst v0  }
0x36a: {  	[tilespmem:$0x36E8] =	vst v0  }
0x36b: {  	[tilespmem:$0x36F8] =	vst v0  }
0x36c: {  	[tilespmem:$0x3708] =	vst v0  }
0x36d: {  	[tilespmem:$0x3718] =	vst v0  }
0x36e: {  	[tilespmem:$0x3728] =	vst v0  }
0x36f: {  	[tilespmem:$0x3738] =	vst v0  }
0x370: {  	[tilespmem:$0x3748] =	vst v0  }
0x371: {  	[tilespmem:$0x3758] =	vst v0  }
0x372: {  	[tilespmem:$0x3768] =	vst v0  }
0x373: {  	[tilespmem:$0x3778] =	vst v0  }
0x374: {  	[tilespmem:$0x3788] =	vst v0  }
0x375: {  	[tilespmem:$0x3798] =	vst v0  }
0x376: {  	[tilespmem:$0x37A8] =	vst v0  }
0x377: {  	[tilespmem:$0x37B8] =	vst v0  }
0x378: {  	[tilespmem:$0x37C8] =	vst v0  }
0x379: {  	[tilespmem:$0x37D8] =	vst v0  }
0x37a: {  	[tilespmem:$0x37E8] =	vst v0  }
0x37b: {  	[tilespmem:$0x37F8] =	vst v0  }
0x37c: {  	[tilespmem:$0x3808] =	vst v0  }
0x37d: {  	[tilespmem:$0x3818] =	vst v0  }
0x37e: {  	[tilespmem:$0x3828] =	vst v0  }
0x37f: {  	[tilespmem:$0x3838] =	vst v0  }
0x380: {  	[tilespmem:$0x3848] =	vst v0  }
0x381: {  	[tilespmem:$0x3858] =	vst v0  }
0x382: {  	[tilespmem:$0x3868] =	vst v0  }
0x383: {  	[tilespmem:$0x3878] =	vst v0  }
0x384: {  	[tilespmem:$0x3888] =	vst v0  }
0x385: {  	[tilespmem:$0x3898] =	vst v0  }
0x386: {  	[tilespmem:$0x38A8] =	vst v0  }
0x387: {  	[tilespmem:$0x38B8] =	vst v0  }
0x388: {  	[tilespmem:$0x38C8] =	vst v0  }
0x389: {  	[tilespmem:$0x38D8] =	vst v0  }
0x38a: {  	[tilespmem:$0x38E8] =	vst v0  }
0x38b: {  	[tilespmem:$0x38F8] =	vst v0  }
0x38c: {  	[tilespmem:$0x3908] =	vst v0  }
0x38d: {  	[tilespmem:$0x3918] =	vst v0  }
0x38e: {  	[tilespmem:$0x3928] =	vst v0  }
0x38f: {  	[tilespmem:$0x3938] =	vst v0  }
0x390: {  	[tilespmem:$0x3948] =	vst v0  }
0x391: {  	[tilespmem:$0x3958] =	vst v0  }
0x392: {  	[tilespmem:$0x3968] =	vst v0  }
0x393: {  	[tilespmem:$0x3978] =	vst v0  }
0x394: {  	[tilespmem:$0x3988] =	vst v0  }
0x395: {  	[tilespmem:$0x3998] =	vst v0  }
0x396: {  	[tilespmem:$0x39A8] =	vst v0  }
0x397: {  	[tilespmem:$0x39B8] =	vst v0  }
0x398: {  	[tilespmem:$0x39C8] =	vst v0  }
0x399: {  	[tilespmem:$0x39D8] =	vst v0  }
0x39a: {  	[tilespmem:$0x39E8] =	vst v0  }
0x39b: {  	[tilespmem:$0x39F8] =	vst v0  }
0x39c: {  	[tilespmem:$0x3A08] =	vst v0  }
0x39d: {  	[tilespmem:$0x3A18] =	vst v0  }
0x39e: {  	[tilespmem:$0x3A28] =	vst v0  }
0x39f: {  	[tilespmem:$0x3A38] =	vst v0  }
0x3a0: {  	[tilespmem:$0x3A48] =	vst v0  }
0x3a1: {  	[tilespmem:$0x3A58] =	vst v0  }
0x3a2: {  	[tilespmem:$0x3A68] =	vst v0  }
0x3a3: {  	[tilespmem:$0x3A78] =	vst v0  }
0x3a4: {  	[tilespmem:$0x3A88] =	vst v0  }
0x3a5: {  	[tilespmem:$0x3A98] =	vst v0  }
0x3a6: {  	[tilespmem:$0x3AA8] =	vst v0  }
0x3a7: {  	[tilespmem:$0x3AB8] =	vst v0  }
0x3a8: {  	[tilespmem:$0x3AC8] =	vst v0  }
0x3a9: {  	[tilespmem:$0x3AD8] =	vst v0  }
0x3aa: {  	[tilespmem:$0x3AE8] =	vst v0  }
0x3ab: {  	[tilespmem:$0x3AF8] =	vst v0  }
0x3ac: {  	[tilespmem:$0x3B08] =	vst v0  }
0x3ad: {  	[tilespmem:$0x3B18] =	vst v0  }
0x3ae: {  	[tilespmem:$0x3B28] =	vst v0  }
0x3af: {  	[tilespmem:$0x3B38] =	vst v0  }
0x3b0: {  	[tilespmem:$0x3B48] =	vst v0  }
0x3b1: {  	[tilespmem:$0x3B58] =	vst v0  }
0x3b2: {  	[tilespmem:$0x3B68] =	vst v0  }
0x3b3: {  	[tilespmem:$0x3B78] =	vst v0  }
0x3b4: {  	[tilespmem:$0x3B88] =	vst v0  }
0x3b5: {  	[tilespmem:$0x3B98] =	vst v0  }
0x3b6: {  	[tilespmem:$0x3BA8] =	vst v0  }
0x3b7: {  	[tilespmem:$0x3BB8] =	vst v0  }
0x3b8: {  	[tilespmem:$0x3BC8] =	vst v0  }
0x3b9: {  	[tilespmem:$0x3BD8] =	vst v0  }
0x3ba: {  	[tilespmem:$0x3BE8] =	vst v0  }
0x3bb: {  	[tilespmem:$0x3BF8] =	vst v0  }
0x3bc: {  	[tilespmem:$0x3C08] =	vst v0  }
0x3bd: {  	[tilespmem:$0x3C18] =	vst v0  }
0x3be: {  	[tilespmem:$0x3C28] =	vst v0  }
0x3bf: {  	[tilespmem:$0x3C38] =	vst v0  }
0x3c0: {  	[tilespmem:$0x3C48] =	vst v0  }
0x3c1: {  	[tilespmem:$0x3C58] =	vst v0  }
0x3c2: {  	[tilespmem:$0x3C68] =	vst v0  }
0x3c3: {  	[tilespmem:$0x3C78] =	vst v0  }
0x3c4: {  	[tilespmem:$0x3C88] =	vst v0  }
0x3c5: {  	[tilespmem:$0x3C98] =	vst v0  }
0x3c6: {  	[tilespmem:$0x3CA8] =	vst v0  }
0x3c7: {  	[tilespmem:$0x3CB8] =	vst v0  }
0x3c8: {  	[tilespmem:$0x3CC8] =	vst v0  }
0x3c9: {  	[tilespmem:$0x3CD8] =	vst v0  }
0x3ca: {  	[tilespmem:$0x3CE8] =	vst v0  }
0x3cb: {  	[tilespmem:$0x3CF8] =	vst v0  }
0x3cc: {  	[tilespmem:$0x3D08] =	vst v0  }
0x3cd: {  	[tilespmem:$0x3D18] =	vst v0  }
0x3ce: {  	[tilespmem:$0x3D28] =	vst v0  }
0x3cf: {  	[tilespmem:$0x3D38] =	vst v0  }
0x3d0: {  	[tilespmem:$0x3D48] =	vst v0  }
0x3d1: {  	[tilespmem:$0x3D58] =	vst v0  }
0x3d2: {  	[tilespmem:$0x3D68] =	vst v0  }
0x3d3: {  	[tilespmem:$0x3D78] =	vst v0  }
0x3d4: {  	[tilespmem:$0x3D88] =	vst v0  }
0x3d5: {  	[tilespmem:$0x3D98] =	vst v0  }
0x3d6: {  	[tilespmem:$0x3DA8] =	vst v0  }
0x3d7: {  	[tilespmem:$0x3DB8] =	vst v0  }
0x3d8: {  	[tilespmem:$0x3DC8] =	vst v0  }
0x3d9: {  	[tilespmem:$0x3DD8] =	vst v0  }
0x3da: {  	[tilespmem:$0x3DE8] =	vst v0  }
0x3db: {  	[tilespmem:$0x3DF8] =	vst v0  }
0x3dc: {  	[tilespmem:$0x3E08] =	vst v0  }
0x3dd: {  	[tilespmem:$0x3E18] =	vst v0  }
0x3de: {  	[tilespmem:$0x3E28] =	vst v0  }
0x3df: {  	[tilespmem:$0x3E38] =	vst v0  }
0x3e0: {  	[tilespmem:$0x3E48] =	vst v0  }
0x3e1: {  	[tilespmem:$0x3E58] =	vst v0  }
0x3e2: {  	[tilespmem:$0x3E68] =	vst v0  }
0x3e3: {  	[tilespmem:$0x3E78] =	vst v0  }
0x3e4: {  	[tilespmem:$0x3E88] =	vst v0  }
0x3e5: {  	[tilespmem:$0x3E98] =	vst v0  }
0x3e6: {  	[tilespmem:$0x3EA8] =	vst v0  }
0x3e7: {  	[tilespmem:$0x3EB8] =	vst v0  }
0x3e8: {  	[tilespmem:$0x3EC8] =	vst v0  }
0x3e9: {  	[tilespmem:$0x3ED8] =	vst v0  }
0x3ea: {  	[tilespmem:$0x3EE8] =	vst v0  }
0x3eb: {  	[tilespmem:$0x3EF8] =	vst v0  }
0x3ec: {  	[tilespmem:$0x3F08] =	vst v0  }
0x3ed: {  	[tilespmem:$0x3F18] =	vst v0  }
0x3ee: {  	[tilespmem:$0x3F28] =	vst v0  }
0x3ef: {  	[tilespmem:$0x3F38] =	vst v0  }
0x3f0: {  	[tilespmem:$0x3F48] =	vst v0  }
0x3f1: {  	[tilespmem:$0x3F58] =	vst v0  }
0x3f2: {  	[tilespmem:$0x3F68] =	vst v0  }
0x3f3: {  	[tilespmem:$0x3F78] =	vst v0  }
0x3f4: {  	[tilespmem:$0x3F88] =	vst v0  }
0x3f5: {  	[tilespmem:$0x3F98] =	vst v0  }
0x3f6: {  	[tilespmem:$0x3FA8] =	vst v0  }
0x3f7: {  	[tilespmem:$0x3FB8] =	vst v0  }
0x3f8: {  	[tilespmem:$0x3FC8] =	vst v0  }
0x3f9: {  	[tilespmem:$0x3FD8] =	vst v0  }
0x3fa: {  	[tilespmem:$0x3FE8] =	vst v0  }
0x3fb: {  	[tilespmem:$0x3FF8] =	vst v0  }
0x3fc: {  	[tilespmem:$0x4008] =	vst v0  }
0x3fd: {  	[tilespmem:$0x4018] =	vst v0  }
0x3fe: {  	[tilespmem:$0x4028] =	vst v0  }
0x3ff: {  	[tilespmem:$0x4038] =	vst v0  }
0x400: {  	[tilespmem:$0x4048] =	vst v0  }
0x401: {  	[tilespmem:$0x4058] =	vst v0  }
0x402: {  	[tilespmem:$0x4068] =	vst v0  }
0x403: {  	[tilespmem:$0x4078] =	vst v0  }
0x404: {  	[tilespmem:$0x4088] =	vst v0  }
0x405: {  	[tilespmem:$0x4098] =	vst v0  }
0x406: {  	[tilespmem:$0x40A8] =	vst v0  }
0x407: {  	[tilespmem:$0x40B8] =	vst v0  }
0x408: {  	[tilespmem:$0x40C8] =	vst v0  }
0x409: {  	[tilespmem:$0x40D8] =	vst v0  }
0x40a: {  	[tilespmem:$0x4108] =	vst v0  }
0x40b: {  	[tilespmem:$0x4118] =	vst v0  }
0x40c: {  	[tilespmem:$0x4128] =	vst v0  }
0x40d: {  	[tilespmem:$0x4138] =	vst v0  }
0x40e: {  	[tilespmem:$0x4148] =	vst v0  }
0x40f: {  	[tilespmem:$0x4158] =	vst v0  }
0x410: {  	[tilespmem:$0x4168] =	vst v0  }
0x411: {  	[tilespmem:$0x4178] =	vst v0  }
0x412: {  	[tilespmem:$0x4188] =	vst v0  }
0x413: {  	[tilespmem:$0x4198] =	vst v0  }
0x414: {  	[tilespmem:$0x41A8] =	vst v0  }
0x415: {  	[tilespmem:$0x41B8] =	vst v0  }
0x416: {  	[tilespmem:$0x41C8] =	vst v0  }
0x417: {  	[tilespmem:$0x41D8] =	vst v0  }
0x418: {  	[tilespmem:$0x41E8] =	vst v0  }
0x419: {  	[tilespmem:$0x41F8] =	vst v0  }
0x41a: {  	[tilespmem:$0x4208] =	vst v0  }
0x41b: {  	[tilespmem:$0x4218] =	vst v0  }
0x41c: {  	[tilespmem:$0x4228] =	vst v0  }
0x41d: {  	[tilespmem:$0x4238] =	vst v0  }
0x41e: {  	[tilespmem:$0x4248] =	vst v0  }
0x41f: {  	[tilespmem:$0x4258] =	vst v0  }
0x420: {  	[tilespmem:$0x4268] =	vst v0  }
0x421: {  	[tilespmem:$0x4278] =	vst v0  }
0x422: {  	[tilespmem:$0x4288] =	vst v0  }
0x423: {  	[tilespmem:$0x4298] =	vst v0  }
0x424: {  	[tilespmem:$0x42A8] =	vst v0  }
0x425: {  	[tilespmem:$0x42B8] =	vst v0  }
0x426: {  	[tilespmem:$0x42C8] =	vst v0  }
0x427: {  	[tilespmem:$0x42D8] =	vst v0  }
0x428: {  	[tilespmem:$0x42E8] =	vst v0  }
0x429: {  	[tilespmem:$0x42F8] =	vst v0  }
0x42a: {  	[tilespmem:$0x4308] =	vst v0  }
0x42b: {  	[tilespmem:$0x4318] =	vst v0  }
0x42c: {  	[tilespmem:$0x4328] =	vst v0  }
0x42d: {  	[tilespmem:$0x4338] =	vst v0  }
0x42e: {  	[tilespmem:$0x4348] =	vst v0  }
0x42f: {  	[tilespmem:$0x4358] =	vst v0  }
0x430: {  	[tilespmem:$0x4368] =	vst v0  }
0x431: {  	[tilespmem:$0x4378] =	vst v0  }
0x432: {  	[tilespmem:$0x4388] =	vst v0  }
0x433: {  	[tilespmem:$0x4398] =	vst v0  }
0x434: {  	[tilespmem:$0x43A8] =	vst v0  }
0x435: {  	[tilespmem:$0x43B8] =	vst v0  }
0x436: {  	[tilespmem:$0x43C8] =	vst v0  }
0x437: {  	[tilespmem:$0x43D8] =	vst v0  }
0x438: {  	[tilespmem:$0x43E8] =	vst v0  }
0x439: {  	[tilespmem:$0x43F8] =	vst v0  }
0x43a: {  	[tilespmem:$0x4408] =	vst v0  }
0x43b: {  	[tilespmem:$0x4418] =	vst v0  }
0x43c: {  	[tilespmem:$0x4428] =	vst v0  }
0x43d: {  	[tilespmem:$0x4438] =	vst v0  }
0x43e: {  	[tilespmem:$0x4448] =	vst v0  }
0x43f: {  	[tilespmem:$0x4458] =	vst v0  }
0x440: {  	[tilespmem:$0x4468] =	vst v0  }
0x441: {  	[tilespmem:$0x4478] =	vst v0  }
0x442: {  	[tilespmem:$0x4488] =	vst v0  }
0x443: {  	[tilespmem:$0x4498] =	vst v0  }
0x444: {  	[tilespmem:$0x44A8] =	vst v0  }
0x445: {  	[tilespmem:$0x44B8] =	vst v0  }
0x446: {  	[tilespmem:$0x44C8] =	vst v0  }
0x447: {  	[tilespmem:$0x44D8] =	vst v0  }
0x448: {  	[tilespmem:$0x44E8] =	vst v0  }
0x449: {  	[tilespmem:$0x44F8] =	vst v0  }
0x44a: {  	[tilespmem:$0x4508] =	vst v0  }
0x44b: {  	[tilespmem:$0x4518] =	vst v0  }
0x44c: {  	[tilespmem:$0x4528] =	vst v0  }
0x44d: {  	[tilespmem:$0x4538] =	vst v0  }
0x44e: {  	[tilespmem:$0x4548] =	vst v0  }
0x44f: {  	[tilespmem:$0x4558] =	vst v0  }
0x450: {  	[tilespmem:$0x4568] =	vst v0  }
0x451: {  	[tilespmem:$0x4578] =	vst v0  }
0x452: {  	[tilespmem:$0x4588] =	vst v0  }
0x453: {  	[tilespmem:$0x4598] =	vst v0  }
0x454: {  	[tilespmem:$0x45A8] =	vst v0  }
0x455: {  	[tilespmem:$0x45B8] =	vst v0  }
0x456: {  	[tilespmem:$0x45C8] =	vst v0  }
0x457: {  	[tilespmem:$0x45D8] =	vst v0  }
0x458: {  	[tilespmem:$0x45E8] =	vst v0  }
0x459: {  	[tilespmem:$0x45F8] =	vst v0  }
0x45a: {  	[tilespmem:$0x4608] =	vst v0  }
0x45b: {  	[tilespmem:$0x4618] =	vst v0  }
0x45c: {  	[tilespmem:$0x4628] =	vst v0  }
0x45d: {  	[tilespmem:$0x4638] =	vst v0  }
0x45e: {  	[tilespmem:$0x4648] =	vst v0  }
0x45f: {  	[tilespmem:$0x4658] =	vst v0  }
0x460: {  	[tilespmem:$0x4668] =	vst v0  }
0x461: {  	[tilespmem:$0x4678] =	vst v0  }
0x462: {  	[tilespmem:$0x4688] =	vst v0  }
0x463: {  	[tilespmem:$0x4698] =	vst v0  }
0x464: {  	[tilespmem:$0x46A8] =	vst v0  }
0x465: {  	[tilespmem:$0x46B8] =	vst v0  }
0x466: {  	[tilespmem:$0x46C8] =	vst v0  }
0x467: {  	[tilespmem:$0x46D8] =	vst v0  }
0x468: {  	[tilespmem:$0x46E8] =	vst v0  }
0x469: {  	[tilespmem:$0x46F8] =	vst v0  }
0x46a: {  	[tilespmem:$0x4708] =	vst v0  }
0x46b: {  	[tilespmem:$0x4718] =	vst v0  }
0x46c: {  	[tilespmem:$0x4728] =	vst v0  }
0x46d: {  	[tilespmem:$0x4738] =	vst v0  }
0x46e: {  	[tilespmem:$0x4748] =	vst v0  }
0x46f: {  	[tilespmem:$0x4758] =	vst v0  }
0x470: {  	[tilespmem:$0x4768] =	vst v0  }
0x471: {  	[tilespmem:$0x4778] =	vst v0  }
0x472: {  	[tilespmem:$0x4788] =	vst v0  }
0x473: {  	[tilespmem:$0x4798] =	vst v0  }
0x474: {  	[tilespmem:$0x47A8] =	vst v0  }
0x475: {  	[tilespmem:$0x47B8] =	vst v0  }
0x476: {  	[tilespmem:$0x47C8] =	vst v0  }
0x477: {  	[tilespmem:$0x47D8] =	vst v0  }
0x478: {  	[tilespmem:$0x47E8] =	vst v0  }
0x479: {  	[tilespmem:$0x47F8] =	vst v0  }
0x47a: {  	[tilespmem:$0x4808] =	vst v0  }
0x47b: {  	[tilespmem:$0x4818] =	vst v0  }
0x47c: {  	[tilespmem:$0x4828] =	vst v0  }
0x47d: {  	[tilespmem:$0x4838] =	vst v0  }
0x47e: {  	[tilespmem:$0x4848] =	vst v0  }
0x47f: {  	[tilespmem:$0x4858] =	vst v0  }
0x480: {  	[tilespmem:$0x4868] =	vst v0  }
0x481: {  	[tilespmem:$0x4878] =	vst v0  }
0x482: {  	[tilespmem:$0x4888] =	vst v0  }
0x483: {  	[tilespmem:$0x4898] =	vst v0  }
0x484: {  	[tilespmem:$0x48A8] =	vst v0  }
0x485: {  	[tilespmem:$0x48B8] =	vst v0  }
0x486: {  	[tilespmem:$0x48C8] =	vst v0  }
0x487: {  	[tilespmem:$0x48D8] =	vst v0  }
0x488: {  	[tilespmem:$0x48E8] =	vst v0  }
0x489: {  	[tilespmem:$0x48F8] =	vst v0  }
0x48a: {  	[tilespmem:$0x4908] =	vst v0  }
0x48b: {  	[tilespmem:$0x4918] =	vst v0  }
0x48c: {  	[tilespmem:$0x4928] =	vst v0  }
0x48d: {  	[tilespmem:$0x4938] =	vst v0  }
0x48e: {  	[tilespmem:$0x4948] =	vst v0  }
0x48f: {  	[tilespmem:$0x4958] =	vst v0  }
0x490: {  	[tilespmem:$0x4968] =	vst v0  }
0x491: {  	[tilespmem:$0x4978] =	vst v0  }
0x492: {  	[tilespmem:$0x4988] =	vst v0  }
0x493: {  	[tilespmem:$0x4998] =	vst v0  }
0x494: {  	[tilespmem:$0x49A8] =	vst v0  }
0x495: {  	[tilespmem:$0x49B8] =	vst v0  }
0x496: {  	[tilespmem:$0x49C8] =	vst v0  }
0x497: {  	[tilespmem:$0x49D8] =	vst v0  }
0x498: {  	[tilespmem:$0x49E8] =	vst v0  }
0x499: {  	[tilespmem:$0x49F8] =	vst v0  }
0x49a: {  	[tilespmem:$0x4A08] =	vst v0  }
0x49b: {  	[tilespmem:$0x4A18] =	vst v0  }
0x49c: {  	[tilespmem:$0x4A28] =	vst v0  }
0x49d: {  	[tilespmem:$0x4A38] =	vst v0  }
0x49e: {  	[tilespmem:$0x4A48] =	vst v0  }
0x49f: {  	[tilespmem:$0x4A58] =	vst v0  }
0x4a0: {  	[tilespmem:$0x4A68] =	vst v0  }
0x4a1: {  	[tilespmem:$0x4A78] =	vst v0  }
0x4a2: {  	[tilespmem:$0x4A88] =	vst v0  }
0x4a3: {  	[tilespmem:$0x4A98] =	vst v0  }
0x4a4: {  	[tilespmem:$0x4AA8] =	vst v0  }
0x4a5: {  	[tilespmem:$0x4AB8] =	vst v0  }
0x4a6: {  	[tilespmem:$0x4AC8] =	vst v0  }
0x4a7: {  	[tilespmem:$0x4AD8] =	vst v0  }
0x4a8: {  	[tilespmem:$0x4AE8] =	vst v0  }
0x4a9: {  	[tilespmem:$0x4AF8] =	vst v0  }
0x4aa: {  	[tilespmem:$0x4B08] =	vst v0  }
0x4ab: {  	[tilespmem:$0x4B18] =	vst v0  }
0x4ac: {  	[tilespmem:$0x4B28] =	vst v0  }
0x4ad: {  	[tilespmem:$0x4B38] =	vst v0  }
0x4ae: {  	[tilespmem:$0x4B48] =	vst v0  }
0x4af: {  	[tilespmem:$0x4B58] =	vst v0  }
0x4b0: {  	[tilespmem:$0x4B68] =	vst v0  }
0x4b1: {  	[tilespmem:$0x4B78] =	vst v0  }
0x4b2: {  	[tilespmem:$0x4B88] =	vst v0  }
0x4b3: {  	[tilespmem:$0x4B98] =	vst v0  }
0x4b4: {  	[tilespmem:$0x4BA8] =	vst v0  }
0x4b5: {  	[tilespmem:$0x4BB8] =	vst v0  }
0x4b6: {  	[tilespmem:$0x4BC8] =	vst v0  }
0x4b7: {  	[tilespmem:$0x4BD8] =	vst v0  }
0x4b8: {  	[tilespmem:$0x4BE8] =	vst v0  }
0x4b9: {  	[tilespmem:$0x4BF8] =	vst v0  }
0x4ba: {  	[tilespmem:$0x4C08] =	vst v0  }
0x4bb: {  	[tilespmem:$0x4C18] =	vst v0  }
0x4bc: {  	[tilespmem:$0x4C28] =	vst v0  }
0x4bd: {  	[tilespmem:$0x4C38] =	vst v0  }
0x4be: {  	[tilespmem:$0x4C48] =	vst v0  }
0x4bf: {  	[tilespmem:$0x4C58] =	vst v0  }
0x4c0: {  	[tilespmem:$0x4C68] =	vst v0  }
0x4c1: {  	[tilespmem:$0x4C78] =	vst v0  }
0x4c2: {  	[tilespmem:$0x4C88] =	vst v0  }
0x4c3: {  	[tilespmem:$0x4C98] =	vst v0  }
0x4c4: {  	[tilespmem:$0x4CA8] =	vst v0  }
0x4c5: {  	[tilespmem:$0x4CB8] =	vst v0  }
0x4c6: {  	[tilespmem:$0x4CC8] =	vst v0  }
0x4c7: {  	[tilespmem:$0x4CD8] =	vst v0  }
0x4c8: {  	[tilespmem:$0x4CE8] =	vst v0  }
0x4c9: {  	[tilespmem:$0x4CF8] =	vst v0  }
0x4ca: {  	[tilespmem:$0x4D08] =	vst v0  }
0x4cb: {  	[tilespmem:$0x4D18] =	vst v0  }
0x4cc: {  	[tilespmem:$0x4D28] =	vst v0  }
0x4cd: {  	[tilespmem:$0x4D38] =	vst v0  }
0x4ce: {  	[tilespmem:$0x4D48] =	vst v0  }
0x4cf: {  	[tilespmem:$0x4D58] =	vst v0  }
0x4d0: {  	[tilespmem:$0x4D68] =	vst v0  }
0x4d1: {  	[tilespmem:$0x4D78] =	vst v0  }
0x4d2: {  	[tilespmem:$0x4D88] =	vst v0  }
0x4d3: {  	[tilespmem:$0x4D98] =	vst v0  }
0x4d4: {  	[tilespmem:$0x4DA8] =	vst v0  }
0x4d5: {  	[tilespmem:$0x4DB8] =	vst v0  }
0x4d6: {  	[tilespmem:$0x4DC8] =	vst v0  }
0x4d7: {  	[tilespmem:$0x4DD8] =	vst v0  }
0x4d8: {  	[tilespmem:$0x4DE8] =	vst v0  }
0x4d9: {  	[tilespmem:$0x4DF8] =	vst v0  }
0x4da: {  	[tilespmem:$0x4E08] =	vst v0  }
0x4db: {  	[tilespmem:$0x4E18] =	vst v0  }
0x4dc: {  	[tilespmem:$0x4E28] =	vst v0  }
0x4dd: {  	[tilespmem:$0x4E38] =	vst v0  }
0x4de: {  	[tilespmem:$0x4E48] =	vst v0  }
0x4df: {  	[tilespmem:$0x4E58] =	vst v0  }
0x4e0: {  	[tilespmem:$0x4E68] =	vst v0  }
0x4e1: {  	[tilespmem:$0x4E78] =	vst v0  }
0x4e2: {  	[tilespmem:$0x4E88] =	vst v0  }
0x4e3: {  	[tilespmem:$0x4E98] =	vst v0  }
0x4e4: {  	[tilespmem:$0x4EA8] =	vst v0  }
0x4e5: {  	[tilespmem:$0x4EB8] =	vst v0  }
0x4e6: {  	[tilespmem:$0x4EC8] =	vst v0  }
0x4e7: {  	[tilespmem:$0x4ED8] =	vst v0  }
0x4e8: {  	[tilespmem:$0x4EE8] =	vst v0  }
0x4e9: {  	[tilespmem:$0x4EF8] =	vst v0  }
0x4ea: {  	[tilespmem:$0x4F08] =	vst v0  }
0x4eb: {  	[tilespmem:$0x4F18] =	vst v0  }
0x4ec: {  	[tilespmem:$0x4F28] =	vst v0  }
0x4ed: {  	[tilespmem:$0x4F38] =	vst v0  }
0x4ee: {  	[tilespmem:$0x4F48] =	vst v0  }
0x4ef: {  	[tilespmem:$0x4F58] =	vst v0  }
0x4f0: {  	[tilespmem:$0x4F68] =	vst v0  }
0x4f1: {  	[tilespmem:$0x4F78] =	vst v0  }
0x4f2: {  	[tilespmem:$0x4F88] =	vst v0  }
0x4f3: {  	[tilespmem:$0x4F98] =	vst v0  }
0x4f4: {  	[tilespmem:$0x4FA8] =	vst v0  }
0x4f5: {  	[tilespmem:$0x4FB8] =	vst v0  }
0x4f6: {  	[tilespmem:$0x4FC8] =	vst v0  }
0x4f7: {  	[tilespmem:$0x4FD8] =	vst v0  }
0x4f8: {  	[tilespmem:$0x4FE8] =	vst v0  }
0x4f9: {  	[tilespmem:$0x4FF8] =	vst v0  }
0x4fa: {  	[tilespmem:$0x5008] =	vst v0  }
0x4fb: {  	[tilespmem:$0x5018] =	vst v0  }
0x4fc: {  	[tilespmem:$0x5028] =	vst v0  }
0x4fd: {  	[tilespmem:$0x5038] =	vst v0  }
0x4fe: {  	[tilespmem:$0x5048] =	vst v0  }
0x4ff: {  	[tilespmem:$0x5058] =	vst v0  }
0x500: {  	[tilespmem:$0x5068] =	vst v0  }
0x501: {  	[tilespmem:$0x5078] =	vst v0  }
0x502: {  	[tilespmem:$0x5088] =	vst v0  }
0x503: {  	[tilespmem:$0x5098] =	vst v0  }
0x504: {  	[tilespmem:$0x50A8] =	vst v0  }
0x505: {  	[tilespmem:$0x50B8] =	vst v0  }
0x506: {  	[tilespmem:$0x50C8] =	vst v0  }
0x507: {  	[tilespmem:$0x50D8] =	vst v0  }
0x508: {  	[tilespmem:$0x50E8] =	vst v0  }
0x509: {  	[tilespmem:$0x50F8] =	vst v0  }
0x50a: {  	[tilespmem:$0x51A8] =	vst v0  }
0x50b: {  	[tilespmem:$0x5FE8] =	vst v0  }
0x50c: {  	[tilespmem:$0x5FD8] =	vst v0  }
0x50d: {  	[tilespmem:$0x5FC8] =	vst v0  }
0x50e: {  	[tilespmem:$0x5FB8] =	vst v0  }
0x50f: {  	[tilespmem:$0x5FA8] =	vst v0  }
0x510: {  	[tilespmem:$0x5F98] =	vst v0  }
0x511: {  	[tilespmem:$0x5F88] =	vst v0  }
0x512: {  	[tilespmem:$0x5F78] =	vst v0  }
0x513: {  	[tilespmem:$0x5F68] =	vst v0  }
0x514: {  	[tilespmem:$0x5F58] =	vst v0  }
0x515: {  	[tilespmem:$0x5F48] =	vst v0  }
0x516: {  	[tilespmem:$0x5F38] =	vst v0  }
0x517: {  	[tilespmem:$0x5F28] =	vst v0  }
0x518: {  	[tilespmem:$0x5F18] =	vst v0  }
0x519: {  	[tilespmem:$0x5F08] =	vst v0  }
0x51a: {  	[tilespmem:$0x5EF8] =	vst v0  }
0x51b: {  	[tilespmem:$0x5EE8] =	vst v0  }
0x51c: {  	[tilespmem:$0x5ED8] =	vst v0  }
0x51d: {  	[tilespmem:$0x5EC8] =	vst v0  }
0x51e: {  	[tilespmem:$0x5EB8] =	vst v0  }
0x51f: {  	[tilespmem:$0x5EA8] =	vst v0  }
0x520: {  	[tilespmem:$0x5E98] =	vst v0  }
0x521: {  	[tilespmem:$0x5E88] =	vst v0  }
0x522: {  	[tilespmem:$0x5E78] =	vst v0  }
0x523: {  	[tilespmem:$0x5E68] =	vst v0  }
0x524: {  	[tilespmem:$0x5E58] =	vst v0  }
0x525: {  	[tilespmem:$0x5E48] =	vst v0  }
0x526: {  	[tilespmem:$0x5E38] =	vst v0  }
0x527: {  	[tilespmem:$0x5E28] =	vst v0  }
0x528: {  	[tilespmem:$0x5E18] =	vst v0  }
0x529: {  	[tilespmem:$0x5E08] =	vst v0  }
0x52a: {  	[tilespmem:$0x5DF8] =	vst v0  }
0x52b: {  	[tilespmem:$0x5DE8] =	vst v0  }
0x52c: {  	[tilespmem:$0x5DD8] =	vst v0  }
0x52d: {  	[tilespmem:$0x5DC8] =	vst v0  }
0x52e: {  	[tilespmem:$0x5DB8] =	vst v0  }
0x52f: {  	[tilespmem:$0x5DA8] =	vst v0  }
0x530: {  	[tilespmem:$0x5D98] =	vst v0  }
0x531: {  	[tilespmem:$0x5D88] =	vst v0  }
0x532: {  	[tilespmem:$0x5D78] =	vst v0  }
0x533: {  	[tilespmem:$0x5D68] =	vst v0  }
0x534: {  	[tilespmem:$0x5D58] =	vst v0  }
0x535: {  	[tilespmem:$0x5D48] =	vst v0  }
0x536: {  	[tilespmem:$0x5D38] =	vst v0  }
0x537: {  	[tilespmem:$0x5D28] =	vst v0  }
0x538: {  	[tilespmem:$0x5D18] =	vst v0  }
0x539: {  	[tilespmem:$0x5D08] =	vst v0  }
0x53a: {  	[tilespmem:$0x5CF8] =	vst v0  }
0x53b: {  	[tilespmem:$0x5CE8] =	vst v0  }
0x53c: {  	[tilespmem:$0x5CD8] =	vst v0  }
0x53d: {  	[tilespmem:$0x5CC8] =	vst v0  }
0x53e: {  	[tilespmem:$0x5CB8] =	vst v0  }
0x53f: {  	[tilespmem:$0x5CA8] =	vst v0  }
0x540: {  	[tilespmem:$0x5C98] =	vst v0  }
0x541: {  	[tilespmem:$0x5C88] =	vst v0  }
0x542: {  	[tilespmem:$0x5C78] =	vst v0  }
0x543: {  	[tilespmem:$0x5C68] =	vst v0  }
0x544: {  	[tilespmem:$0x5C58] =	vst v0  }
0x545: {  	[tilespmem:$0x5C48] =	vst v0  }
0x546: {  	[tilespmem:$0x5C38] =	vst v0  }
0x547: {  	[tilespmem:$0x5C28] =	vst v0  }
0x548: {  	[tilespmem:$0x5C18] =	vst v0  }
0x549: {  	[tilespmem:$0x5C08] =	vst v0  }
0x54a: {  	[tilespmem:$0x5BF8] =	vst v0  }
0x54b: {  	[tilespmem:$0x5BE8] =	vst v0  }
0x54c: {  	[tilespmem:$0x5BD8] =	vst v0  }
0x54d: {  	[tilespmem:$0x5BC8] =	vst v0  }
0x54e: {  	[tilespmem:$0x5BB8] =	vst v0  }
0x54f: {  	[tilespmem:$0x5BA8] =	vst v0  }
0x550: {  	[tilespmem:$0x5B98] =	vst v0  }
0x551: {  	[tilespmem:$0x5B88] =	vst v0  }
0x552: {  	[tilespmem:$0x5B78] =	vst v0  }
0x553: {  	[tilespmem:$0x5B68] =	vst v0  }
0x554: {  	[tilespmem:$0x5B58] =	vst v0  }
0x555: {  	[tilespmem:$0x5B48] =	vst v0  }
0x556: {  	[tilespmem:$0x5B38] =	vst v0  }
0x557: {  	[tilespmem:$0x5B28] =	vst v0  }
0x558: {  	[tilespmem:$0x5B18] =	vst v0  }
0x559: {  	[tilespmem:$0x5B08] =	vst v0  }
0x55a: {  	[tilespmem:$0x5AF8] =	vst v0  }
0x55b: {  	[tilespmem:$0x5AE8] =	vst v0  }
0x55c: {  	[tilespmem:$0x5AD8] =	vst v0  }
0x55d: {  	[tilespmem:$0x5AC8] =	vst v0  }
0x55e: {  	[tilespmem:$0x5AB8] =	vst v0  }
0x55f: {  	[tilespmem:$0x5AA8] =	vst v0  }
0x560: {  	[tilespmem:$0x5A98] =	vst v0  }
0x561: {  	[tilespmem:$0x5A88] =	vst v0  }
0x562: {  	[tilespmem:$0x5A78] =	vst v0  }
0x563: {  	[tilespmem:$0x5A68] =	vst v0  }
0x564: {  	[tilespmem:$0x5A58] =	vst v0  }
0x565: {  	[tilespmem:$0x5A48] =	vst v0  }
0x566: {  	[tilespmem:$0x5A38] =	vst v0  }
0x567: {  	[tilespmem:$0x5A28] =	vst v0  }
0x568: {  	[tilespmem:$0x5A18] =	vst v0  }
0x569: {  	[tilespmem:$0x5A08] =	vst v0  }
0x56a: {  	[tilespmem:$0x59F8] =	vst v0  }
0x56b: {  	[tilespmem:$0x59E8] =	vst v0  }
0x56c: {  	[tilespmem:$0x59D8] =	vst v0  }
0x56d: {  	[tilespmem:$0x59C8] =	vst v0  }
0x56e: {  	[tilespmem:$0x59B8] =	vst v0  }
0x56f: {  	[tilespmem:$0x59A8] =	vst v0  }
0x570: {  	[tilespmem:$0x5998] =	vst v0  }
0x571: {  	[tilespmem:$0x5988] =	vst v0  }
0x572: {  	[tilespmem:$0x5978] =	vst v0  }
0x573: {  	[tilespmem:$0x5968] =	vst v0  }
0x574: {  	[tilespmem:$0x5958] =	vst v0  }
0x575: {  	[tilespmem:$0x5948] =	vst v0  }
0x576: {  	[tilespmem:$0x5938] =	vst v0  }
0x577: {  	[tilespmem:$0x5928] =	vst v0  }
0x578: {  	[tilespmem:$0x5918] =	vst v0  }
0x579: {  	[tilespmem:$0x5908] =	vst v0  }
0x57a: {  	[tilespmem:$0x58F8] =	vst v0  }
0x57b: {  	[tilespmem:$0x58E8] =	vst v0  }
0x57c: {  	[tilespmem:$0x58D8] =	vst v0  }
0x57d: {  	[tilespmem:$0x58C8] =	vst v0  }
0x57e: {  	[tilespmem:$0x58B8] =	vst v0  }
0x57f: {  	[tilespmem:$0x58A8] =	vst v0  }
0x580: {  	[tilespmem:$0x5898] =	vst v0  }
0x581: {  	[tilespmem:$0x5888] =	vst v0  }
0x582: {  	[tilespmem:$0x5878] =	vst v0  }
0x583: {  	[tilespmem:$0x5868] =	vst v0  }
0x584: {  	[tilespmem:$0x5858] =	vst v0  }
0x585: {  	[tilespmem:$0x5848] =	vst v0  }
0x586: {  	[tilespmem:$0x5838] =	vst v0  }
0x587: {  	[tilespmem:$0x5828] =	vst v0  }
0x588: {  	[tilespmem:$0x5818] =	vst v0  }
0x589: {  	[tilespmem:$0x5808] =	vst v0  }
0x58a: {  	[tilespmem:$0x57F8] =	vst v0  }
0x58b: {  	[tilespmem:$0x57E8] =	vst v0  }
0x58c: {  	[tilespmem:$0x57D8] =	vst v0  }
0x58d: {  	[tilespmem:$0x57C8] =	vst v0  }
0x58e: {  	[tilespmem:$0x57B8] =	vst v0  }
0x58f: {  	[tilespmem:$0x57A8] =	vst v0  }
0x590: {  	[tilespmem:$0x5798] =	vst v0  }
0x591: {  	[tilespmem:$0x5788] =	vst v0  }
0x592: {  	[tilespmem:$0x5778] =	vst v0  }
0x593: {  	[tilespmem:$0x5768] =	vst v0  }
0x594: {  	[tilespmem:$0x5758] =	vst v0  }
0x595: {  	[tilespmem:$0x5748] =	vst v0  }
0x596: {  	[tilespmem:$0x5738] =	vst v0  }
0x597: {  	[tilespmem:$0x5728] =	vst v0  }
0x598: {  	[tilespmem:$0x5718] =	vst v0  }
0x599: {  	[tilespmem:$0x5708] =	vst v0  }
0x59a: {  	[tilespmem:$0x56F8] =	vst v0  }
0x59b: {  	[tilespmem:$0x56E8] =	vst v0  }
0x59c: {  	[tilespmem:$0x56D8] =	vst v0  }
0x59d: {  	[tilespmem:$0x56C8] =	vst v0  }
0x59e: {  	[tilespmem:$0x56B8] =	vst v0  }
0x59f: {  	[tilespmem:$0x56A8] =	vst v0  }
0x5a0: {  	[tilespmem:$0x5698] =	vst v0  }
0x5a1: {  	[tilespmem:$0x5688] =	vst v0  }
0x5a2: {  	[tilespmem:$0x5678] =	vst v0  }
0x5a3: {  	[tilespmem:$0x5668] =	vst v0  }
0x5a4: {  	[tilespmem:$0x5658] =	vst v0  }
0x5a5: {  	[tilespmem:$0x5648] =	vst v0  }
0x5a6: {  	[tilespmem:$0x5638] =	vst v0  }
0x5a7: {  	[tilespmem:$0x5628] =	vst v0  }
0x5a8: {  	[tilespmem:$0x5618] =	vst v0  }
0x5a9: {  	[tilespmem:$0x5608] =	vst v0  }
0x5aa: {  	[tilespmem:$0x55F8] =	vst v0  }
0x5ab: {  	[tilespmem:$0x55E8] =	vst v0  }
0x5ac: {  	[tilespmem:$0x55D8] =	vst v0  }
0x5ad: {  	[tilespmem:$0x55C8] =	vst v0  }
0x5ae: {  	[tilespmem:$0x55B8] =	vst v0  }
0x5af: {  	[tilespmem:$0x55A8] =	vst v0  }
0x5b0: {  	[tilespmem:$0x5598] =	vst v0  }
0x5b1: {  	[tilespmem:$0x5588] =	vst v0  }
0x5b2: {  	[tilespmem:$0x5578] =	vst v0  }
0x5b3: {  	[tilespmem:$0x5568] =	vst v0  }
0x5b4: {  	[tilespmem:$0x5558] =	vst v0  }
0x5b5: {  	[tilespmem:$0x5548] =	vst v0  }
0x5b6: {  	[tilespmem:$0x5538] =	vst v0  }
0x5b7: {  	[tilespmem:$0x5528] =	vst v0  }
0x5b8: {  	[tilespmem:$0x5518] =	vst v0  }
0x5b9: {  	[tilespmem:$0x5508] =	vst v0  }
0x5ba: {  	[tilespmem:$0x54F8] =	vst v0  }
0x5bb: {  	[tilespmem:$0x54E8] =	vst v0  }
0x5bc: {  	[tilespmem:$0x54D8] =	vst v0  }
0x5bd: {  	[tilespmem:$0x54C8] =	vst v0  }
0x5be: {  	[tilespmem:$0x54B8] =	vst v0  }
0x5bf: {  	[tilespmem:$0x54A8] =	vst v0  }
0x5c0: {  	[tilespmem:$0x5498] =	vst v0  }
0x5c1: {  	[tilespmem:$0x5488] =	vst v0  }
0x5c2: {  	[tilespmem:$0x5478] =	vst v0  }
0x5c3: {  	[tilespmem:$0x5468] =	vst v0  }
0x5c4: {  	[tilespmem:$0x5458] =	vst v0  }
0x5c5: {  	[tilespmem:$0x5448] =	vst v0  }
0x5c6: {  	[tilespmem:$0x5438] =	vst v0  }
0x5c7: {  	[tilespmem:$0x5428] =	vst v0  }
0x5c8: {  	[tilespmem:$0x5418] =	vst v0  }
0x5c9: {  	[tilespmem:$0x5408] =	vst v0  }
0x5ca: {  	[tilespmem:$0x53F8] =	vst v0  }
0x5cb: {  	[tilespmem:$0x53E8] =	vst v0  }
0x5cc: {  	[tilespmem:$0x53D8] =	vst v0  }
0x5cd: {  	[tilespmem:$0x53C8] =	vst v0  }
0x5ce: {  	[tilespmem:$0x53B8] =	vst v0  }
0x5cf: {  	[tilespmem:$0x53A8] =	vst v0  }
0x5d0: {  	[tilespmem:$0x5398] =	vst v0  }
0x5d1: {  	[tilespmem:$0x5388] =	vst v0  }
0x5d2: {  	[tilespmem:$0x5378] =	vst v0  }
0x5d3: {  	[tilespmem:$0x5368] =	vst v0  }
0x5d4: {  	[tilespmem:$0x5358] =	vst v0  }
0x5d5: {  	[tilespmem:$0x5348] =	vst v0  }
0x5d6: {  	[tilespmem:$0x5338] =	vst v0  }
0x5d7: {  	[tilespmem:$0x5328] =	vst v0  }
0x5d8: {  	[tilespmem:$0x5318] =	vst v0  }
0x5d9: {  	[tilespmem:$0x5308] =	vst v0  }
0x5da: {  	[tilespmem:$0x52F8] =	vst v0  }
0x5db: {  	[tilespmem:$0x52E8] =	vst v0  }
0x5dc: {  	[tilespmem:$0x52D8] =	vst v0  }
0x5dd: {  	[tilespmem:$0x52C8] =	vst v0  }
0x5de: {  	[tilespmem:$0x52B8] =	vst v0  }
0x5df: {  	[tilespmem:$0x52A8] =	vst v0  }
0x5e0: {  	[tilespmem:$0x5298] =	vst v0  }
0x5e1: {  	[tilespmem:$0x5288] =	vst v0  }
0x5e2: {  	[tilespmem:$0x5278] =	vst v0  }
0x5e3: {  	[tilespmem:$0x5268] =	vst v0  }
0x5e4: {  	[tilespmem:$0x5258] =	vst v0  }
0x5e5: {  	[tilespmem:$0x5248] =	vst v0  }
0x5e6: {  	[tilespmem:$0x5238] =	vst v0  }
0x5e7: {  	[tilespmem:$0x5228] =	vst v0  }
0x5e8: {  	[tilespmem:$0x5218] =	vst v0  }
0x5e9: {  	[tilespmem:$0x5208] =	vst v0  }
0x5ea: {  	[tilespmem:$0x51F8] =	vst v0  }
0x5eb: {  	s10 =	stileid.u32;
	[tilespmem:$0x51E8] =	vst v0  }
0x5ec: {  	s0 =	smul.u32 $0xD, s10;
	[tilespmem:$0x51D8] =	vst v0  }
0x5ed: {  	s1 =	smin.u32 s10, $0x8;
	[tilespmem:$0x51C8] =	vst v0  }
0x5ee: {  	[tilespmem:$0x51B8] =	vst v0;
	s0 =	sadd.s32 s1, s0  }
0x5ef: {  	p0 =	slt.u32 s10, $0x8;
	[tilespmem:$0x5188] =	vst v0;
	s1 =	simm.s32 $0x10A0;
	s8 =	smul.u32 $0x130, s0  }
0x5f0: {  	s1 =	simm.s32 @!p0 $0xF70;
	[tilespmem:$0x5198] =	vst v0  }
0x5f1: {  	[tilespmem:$0x5178] =	vst v0;
	s0 =	sadd.s32 s1, s8  }
0x5f2: {  	s6 =	simm.s32 $0x2;
	s29 =	simm.s32 $0x9;
	[tilespmem:$0x5118] =	vst v0;
	s9 =	smin.u32 s0, $0x10000  }
0x5f3: {  	s30 =	simm.s32 $0xA;
	s12 =	simm.s32 $0xB;
	[tilespmem:$0x5168] =	vst v0;
	s0 =	ssub.s32 s9, s8  }
0x5f4: {  	s18 =	simm.s32 $0x0;
	p1 =	por $0x0, $0x0;
	[tilespmem:$0x5158] =	vst v0;
	p0 =	sgt.s32 s0, $0x0  }
0x5f5: {  	s19 =	simm.s32 $0xC;
	s23 =	simm.s32 $0x0;
	[tilespmem:$0x5148] =	vst v0;
	s0 =	simm.s32 @!p0 $0x0  }
0x5f6: {  	s20 =	simm.s32 $0x0;
	s22 =	simm.s32 $0x0;
	[tilespmem:$0x5138] =	vst v0;
	s28 =	smulhi.u32 $0x6BCA1AF3, s0  }
0x5f7: {  	s5 =	sadd.s32 $0x36800, s4;
	s2 =	sand.u32 $0x1, s2;
	s31 =	smul.u32 $0x280, s10;
	[tilespmem:$0x5128] =	vst v0  }
0x5f8: {  	[tilespmem:$0x5108] =	vst v0;
	[sflag:s6] =	ssyncpa.u1 $0x0;
	v0 =	vimm.s32 $0xFFFFFFFF;
	[dreg:$0x4] =	wrdreg s2;
	s1 =	sshrl.u32 s28, $0x7  }
0x5f9: {  	s2 =	sshll.u32 s2, $0xD;
	[tilespmem:$0xBF48] =	vst v0;
	[sflag:s29] =	ssyncpa.u1 $0x0;
	s7 =	smul.u32 $0x130, s1  }
.Ltmp0:
0x5fa: {  	s2 =	sadd.s32 s2, s4;
	s4 =	sadd.s32 $0x25A800, s4;
	(pc) =	sbr.rel .LBB2_1-.Ltmp0, $4  }
0x5fb: {  	s16 =	sshrl.u32 s31, $0x2;
	p0 =	sne.s32 s0, s7;
	s0 =	simm.s32 $0x1  }
0x5fc: {  	[sflag:s30] =	ssyncpa.u1 $0x0;
	s14 =	sadd.s32 $0x45C000, s2;
	s0 =	simm.s32 @!p0 $0x0  }
0x5fd: {  	s15 =	sadd.s32 $0x256800, s2;
	[sflag:s12] =	ssyncpa.u1 $0x0;
	s13 =	sadd.s32 s0, s1  }
0x5fe: {  	v0 =	vlaneseq.u32;
	s21 =	smov.u32 s8;
	p0 =	por $0x1, $0x1;
	s17 =	sadd.s32 $0x1, s13  }
.LBB2_22:
0x5ff: {  	s0 =	sshrl.u32 s0, $0x2  }
.LBB2_24:
0x600: {  	_ =	swait.ge [sflag:s19], s0  }
0x601: {  	s30 =	ssub.s32 $0x0, s0;
	v1 =	vmov s25;
	vm0 =	veq.s32 v0, $0x0;
	[sflag:s19] =	ssyncset.done $0x0  }
0x602: {  	vm15 =	veq.s32 v0, $0x2;
	v1 =	vsel vm0, s31, v1;
	[sflag:s19] =	ssyncadd.s32 s30  }
0x603: {  	v1 =	vsel vm15, s23, v1;
	[sflag:s19] =	ssyncpa.u1 $0x1  }
0x604: {  	[tilespmem:$0xBF48] =	vst v1  }
.LBB2_25:
0x605: {  	s0 =	sadd.s32 $0x130, s21  }
0x606: {  	s1 =	smov.u32 s8;
	p2 =	slt.s32 s0, s9  }
0x607: {  	s1 =	smov.u32 @p2 s0;
	p2 =	sne.s32 s22, s17  }
.Ltmp1:
0x608: {  	_ = 	snop;
	(pc) =	sbr.rel @!p2 .LBB2_26-.Ltmp1, $4  }
0x609: {  	_ = 	snop  }
0x60a: {  	s23 =	smov.u32 s20  }
0x60b: {  	s31 =	sadd.s32 $0x1, s22;
	s20 =	smov.u32 s21;
	p0 =	por !p0, !p0  }
0x60c: {  	p1 =	por !p1, !p1;
	s22 =	smov.u32 s31;
	s21 =	smov.u32 s1  }
.LBB2_1:
0x60d: {  	p2 =	sge.u32 s22, s13  }
0x60e: {  	s0 =	smulhi.u32 @!p2 $0xAAAAAAAB, s22  }
0x60f: {  	s1 =	smov.u32 s21;
	p3 =	sgt.s32 @!p2 s21, $0xFED0  }
0x610: {  	s2 =	sshra.s32 @!p2 s21, $0x1F;
	p3 =	por !p3, p2;
	s0 =	sshrl.u32 @!p2 s0, $0x1  }
0x611: {  	s2 =	sand.u32 @!p2 s2, s21;
	s1 =	simm.s32 @p3 $0xFED0;
	s0 =	smul.u32 @!p2 $0x3, s0  }
0x612: {  	s1 =	ssub.s32 @!p2 s1, s2  }
0x613: {  	s1 =	sadd.s32 @!p2 $0xFFFF0130, s1;
	s0 =	ssub.s32 @!p2 s22, s0  }
0x614: {  	s2 =	sshll.u32 @!p2 s1, $0x2;
	p3 =	sgt.s32 @!p2 s1, $0x12F;
	s0 =	smul.u32 @!p2 $0x4C0, s0  }
0x615: {  	s6 =	sand.u32 @!p2 $0x7, s21;
	s1 =	ssub.s32 @!p2 $0x4C0, s2;
	p3 =	por !p3, p2  }
0x616: {  	s2 =	sshrl.u32 @!p2 s21, $0x3;
	s1 =	sshrl.u32 @!p2 s1, $0x2;
	s0 =	sshrl.u32 @!p2 s0, $0x2  }
0x617: {  	s2 =	sadd.s32 @!p2 s2, s14;
	s1 =	simm.s32 @!p3 $0x0;
	s0 =	sadd.s32 @!p2 $0xC988, s0  }
0x618: {  	[tilespmem:s0], [sflag:$0xA] =	stream.linear.gather @!p2 [hbm4b:s2+s6], s1, $0x38;
	[tilespmem:$0x1FF78] =	vst v63  }
0x619: {  	s1 =	sadd.s32 $0xFFFFFFFF, s22  }
0x61a: {  	p2 =	sge.u32 s1, s13  }
0x61b: {  	p3 =	sgt.s32 @!p2 s20, $0xFED0  }
0x61c: {  	s0 =	smov.u32 s20;
	s2 =	sshra.s32 @!p2 s20, $0x1F;
	p3 =	por !p3, p2  }
0x61d: {  	s2 =	sand.u32 @!p2 s2, s20;
	s0 =	simm.s32 @p3 $0xFED0  }
0x61e: {  	s0 =	ssub.s32 @!p2 s0, s2  }
0x61f: {  	s0 =	sadd.s32 @!p2 $0xFFFF0130, s0  }
0x620: {  	s2 =	sshll.u32 @!p2 s0, $0x2  }
0x621: {  	p3 =	sgt.s32 @!p2 s0, $0x12F;
	s0 =	ssub.s32 @!p2 $0x4C0, s2  }
0x622: {  	p3 =	por !p3, p2;
	s0 =	sshrl.u32 @!p2 s0, $0x2  }
0x623: {  	s6 =	simm.s32 @!p2 $0xA;
	s2 =	sand.u32 @!p2 $0x1, s1;
	s0 =	simm.s32 @!p3 $0x0  }
0x624: {  	s2 =	smul.u32 @!p2 $0x4C0, s2;
	_ =	swait.ge @!p2 [sflag:s6], s0  }
0x625: {  	s7 =	ssub.s32 @!p2 $0x0, s0;
	[sflag:s6] =	ssyncset.done @!p2 $0x0  }
0x626: {  	s2 =	sshrl.u32 @!p2 s2, $0x2;
	[sflag:s6] =	ssyncadd.s32 @!p2 s7;
	s6 =	sshrl.u32 @!p2 s20, $0x3  }
0x627: {  	s2 =	sadd.s32 @!p2 $0xCD18, s2;
	s7 =	sand.u32 @!p2 $0x7, s20;
	s6 =	sadd.s32 @!p2 s6, s15  }
0x628: {  	[tilespmem:s2], [sflag:$0xB] =	stream.linear.gather @!p2 [hbm4b:s6+s7], s0, $0x38;
	[tilespmem:$0x1FF78] =	vst v63  }
0x629: {  	s0 =	ssub.s32 @!p2 $0x10000, s20  }
0x62a: {  	p3 =	slt.s32 @!p2 s0, $0x1  }
0x62b: {  	p3 =	por p2, p3  }
.Ltmp2:
0x62c: {  	_ = 	snop;
	(pc) =	sbr.rel @p3 .LBB2_7-.Ltmp2, $1  }
0x62d: {  	_ =	sdelay $0x3  }
0x62e: {  	s2 =	smulhi.u32 $0xAAAAAAAB, s1;
	_ =	sdelay $0x1  }
0x62f: {  	s2 =	sshrl.u32 s2, $0x1  }
0x630: {  	s2 =	smul.u32 $0x3, s2;
	_ =	sdelay $0x1  }
0x631: {  	s29 =	ssub.s32 s1, s2  }
0x632: {  	s6 =	simm.s32 $0x1;
	s1 =	smul.u32 $0x4C0, s29  }
.Ltmp3:
0x633: {  	s6 =	simm.s32 @!p0 $0x0;
	(pc) =	sbr.rel .LBB2_4-.Ltmp3, $4  }
0x634: {  	s30 =	smul.u32 $0x26000, s6  }
0x635: {  	p3 =	slt.s32 @!p2 s0, $0x130;
	s1 =	sshrl.u32 s1, $0x2  }
0x636: {  	p2 =	por !p3, p2;
	s2 =	sshrl.u32 s30, $0x2;
	s31 =	sadd.s32 $0xC988, s1  }
0x637: {  	s24 =	simm.s32 $0x0;
	s0 =	simm.s32 @p2 $0x130;
	s1 =	sadd.s32 $0xCF78, s2;
	v1 =	vmov s31  }
.LBB2_3:
0x638: {  	p2 =	sge.s32 s24, s0  }
.Ltmp4:
0x639: {  	_ = 	snop;
	(pc) =	sbr.rel @p2 .LBB2_7-.Ltmp4, $2  }
0x63a: {  	_ =	sdelay $0x2  }
0x63b: {  	s1 =	sadd.s32 $0x800, s1  }
.LBB2_4:
0x63c: {  	p2 =	sle.s32 s0, s24  }
.Ltmp5:
0x63d: {  	_ = 	snop;
	(pc) =	sbr.rel @p2 .LBB2_3-.Ltmp5, $2  }
0x63e: {  	_ =	sdelay $0x2  }
0x63f: {  	s2 =	smov.u32 s24;
	s24 =	sadd.s32 $0x10, s24  }
0x640: {  	s6 =	ssub.s32 s0, s2  }
0x641: {  	p2 =	slt.s32 s6, $0x10  }
0x642: {  	s6 =	simm.s32 @!p2 $0x10  }
0x643: {  	v2 =	vmov s6  }
0x644: {  	vm0 =	vgt.s32 v2, v0;
	_ =	sdelay $0x5  }
0x645: {  	v2 =	vld.idx.msk [tilespmem:v1+s2+$0x0 ss:$0x1], vm0;
	_ =	sdelay $0x2  }
0x646: {  	s7 =	smov.u32 s0;
	p2 =	slt.s32 s24, s0  }
0x647: {  	s25 =	simm.s32 $0x0;
	s7 =	smov.u32 @p2 s24;
	s6 =	smov.u32 s1  }
.LBB2_6:
0x648: {  	(v2sf) =	vpush v2, s25;
	_ =	sdelay $0xc  }
0x649: {  	s25 =	sadd.s32 $0x1, s25  }
0x64a: {  	s31 =	sadd.s32 s25, s2  }
0x64b: {  	p2 =	slt.s32 s31, s7;
	s10 =	spop (v2sf)  }
.Ltmp6:
0x64c: {  	s10 =	sshll.u32 s10, $0x4;
	(pc) =	sbr.rel @p2 .LBB2_6-.Ltmp6, $4  }
0x64d: {  	s10 =	sand.u32 $0x1FFFFFF0, s10  }
0x64e: {  	s10 =	sadd.s32 s4, s10  }
0x64f: {  	[tilespmem:s6], [sflag:$0x9] =	stream.linear.gather [hbm4b:s10+s18], $0x42, $0x38;
	[tilespmem:$0x1FF78] =	vst v63  }
0x650: {  	s6 =	sadd.s32 $0x80, s6  }
.Ltmp7:
0x651: {  	_ = 	snop;
	(pc) =	sbr.rel .LBB2_3-.Ltmp7, $1  }
0x652: {  	_ =	sdelay $0x3  }
.LBB2_7:
0x653: {  	p2 =	slt.u32 s22, $0x2  }
.Ltmp8:
0x654: {  	_ = 	snop;
	(pc) =	sbr.rel @p2 .LBB2_25-.Ltmp8, $1  }
0x655: {  	_ =	sdelay $0x3  }
0x656: {  	s0 =	ssub.s32 $0x10000, s23;
	p2 =	sgt.s32 s23, $0xFED0  }
0x657: {  	s1 =	smov.u32 s23;
	s2 =	sshra.s32 s23, $0x1F;
	p3 =	slt.s32 s0, $0x130  }
0x658: {  	s1 =	simm.s32 @!p2 $0xFED0;
	s2 =	sand.u32 s2, s23;
	s0 =	simm.s32 @!p3 $0x130  }
0x659: {  	s1 =	ssub.s32 s1, s2;
	s0 =	smul.u32 $0x108, s0  }
0x65a: {  	s1 =	sadd.s32 $0xFFFF0130, s1  }
0x65b: {  	s29 =	simm.s32 $0x9;
	s25 =	sshll.u32 s1, $0x2;
	s0 =	sshrl.u32 s0, $0x2  }
0x65c: {  	p2 =	sgt.s32 s1, $0x12F;
	s26 =	ssub.s32 $0x4C0, s25;
	_ =	swait.ge [sflag:s29], s0  }
0x65d: {  	s0 =	ssub.s32 $0x0, s0;
	s1 =	sshrl.u32 s26, $0x2;
	[sflag:s29] =	ssyncset.done $0x0  }
0x65e: {  	s1 =	simm.s32 @p2 $0x0;
	[sflag:s29] =	ssyncadd.s32 s0  }
0x65f: {  	_ =	swait.ge [sflag:s12], s1  }
0x660: {  	s30 =	ssub.s32 $0x0, s1;
	[sflag:s12] =	ssyncset.done $0x0  }
0x661: {  	[sflag:s12] =	ssyncadd.s32 s30  }
0x662: {  	v1 =	vld [tilespmem:$0xBF48];
	_ =	sdelay $0x4  }
0x663: {  	(v2sf) =	vpush v1, $0x0  }
0x664: {  	(v2sf) =	vpush v1, $0x1  }
0x665: {  	(v2sf) =	vpush v1, $0x2;
	_ =	sdelay $0x3  }
0x666: {  	s0 =	sadd.s32 $0x130, s23  }
0x667: {  	p2 =	slt.s32 s9, s0;
	s1 =	ssub.s32 $0x20000, s23  }
0x668: {  	s0 =	smov.u32 @p2 s9;
	p2 =	sgt.s32 s1, $0x0  }
0x669: {  	s0 =	ssub.s32 s0, s23;
	s1 =	simm.s32 @!p2 $0x0  }
0x66a: {  	p2 =	slt.s32 s1, s0  }
0x66b: {  	s0 =	smov.u32 @p2 s1  }
0x66c: {  	s26 =	simm.s32 $0x1;
	p2 =	slt.s32 s0, $0x1  }
.Ltmp9:
0x66d: {  	s26 =	simm.s32 @!p1 $0x0;
	(pc) =	sbr.rel @p2 .LBB2_12-.Ltmp9, $4  }
0x66e: {  	s31 =	smul.u32 $0x4C0, s26  }
0x66f: {  	s28 =	spop (v2sf)  }
0x670: {  	s2 =	sshrl.u32 s31, $0x2;
	s1 =	spop (v2sf)  }
0x671: {  	s24 =	sadd.s32 $0xCD18, s2;
	s23 =	spop (v2sf)  }
0x672: {  	s2 =	smin.u32 s0, $0x10  }
0x673: {  	v1 =	vmov s2  }
0x674: {  	p3 =	sgt.s32 s0, $0x10;
	vm1 =	vgt.u32 v1, v0  }
.Ltmp10:
0x675: {  	_ = 	snop;
	(pc) =	sbr.rel @!p3 .LBB2_11-.Ltmp10, $2  }
0x676: {  	_ =	sdelay $0x2  }
0x677: {  	s25 =	simm.s32 $0x10;
	s29 =	sadd.s32 $0xFFFFFFF0, s0;
	s2 =	smov.u32 s24;
	vm0 =	vmmov vm1  }
.LBB2_10:
0x678: {  	s6 =	smin.u32 s29, $0x10;
	s25 =	sadd.s32 $0x10, s25;
	v1 =	vld.msk [tilespmem:s2+$0x0 ss:$0x1], vm1  }
0x679: {  	v2 =	vmov s6;
	p3 =	slt.s32 s25, s0  }
0x67a: {  	vm1 =	vgt.u32 v2, v0  }
.Ltmp11:
0x67b: {  	(pc) =	sbr.rel @p3 .LBB2_10-.Ltmp11, $3  }
0x67c: {  	_ =	sdelay $0x1  }
0x67d: {  	v1 =	vshll.u32 v1, $0x4  }
0x67e: {  	s29 =	sadd.s32 $0xFFFFFFF0, s29;
	[tilespmem:s2+$0x0] =	vst.msk vm0, v1;
	s2 =	sadd.s32 $0x10, s2;
	vm0 =	vmmov vm1  }
.LBB2_11:
0x67f: {  	_ =	sdelay $0x4  }
0x680: {  	v1 =	vld.msk [tilespmem:s2+$0x0 ss:$0x1], vm1;
	_ =	sdelay $0x4  }
0x681: {  	v1 =	vshll.u32 v1, $0x4  }
0x682: {  	[tilespmem:s2+$0x0] =	vst.msk vm0, v1  }
.LBB2_12:
0x683: {  	s2 =	sand.u32 $0x1, s22  }
0x684: {  	s2 =	smul.u32 $0x130, s2  }
0x685: {  	p3 =	sne.s32 s1, $0xFFFFFFFF  }
0x686: {  	v1 =	vld.msk @!p3 [tilespmem:s2+$0xCD18], $0x1;
	_ =	sdelay $0x4  }
0x687: {  	(v2sf) =	vpush @!p3 v1, $0x0;
	_ =	sdelay $0xc  }
.Ltmp12:
0x688: {  	_ = 	snop;
	(pc) =	sbr.rel @p2 .LBB2_23-.Ltmp12, $4  }
0x689: {  	_ = 	snop  }
0x68a: {  	s30 =	spop @!p3 (v2sf)  }
0x68b: {  	s23 =	simm.s32 @!p3 $0x0;
	s25 =	smov.u32 s30  }
0x68c: {  	[sflag:s19] =	ssyncpa.u1 $0x0;
	s30 =	smov.u32 @p3 s28;
	s25 =	smov.u32 @p3 s1  }
0x68d: {  	v1 =	vld.msk [tilespmem:s24+$0x0], $0x1;
	_ =	sdelay $0x4  }
0x68e: {  	(v2sf) =	vpush v1, $0x0;
	_ =	sdelay $0xd  }
0x68f: {  	s2 =	smul.u32 $0x26000, s26  }
0x690: {  	s26 =	ssub.s32 $0x0, s0;
	s28 =	simm.s32 $0x0;
	s1 =	spop (v2sf)  }
0x691: {  	s7 =	smov.u32 s30;
	s0 =	sadd.s32 $0x1, s26;
	p2 =	seq.s32 s30, s1  }
0x692: {  	p4 =	seq.s32 s0, $0x0;
	p3 =	sgt.s32 @!p2 s30, $0x0;
	s6 =	smul.u32 @!p2 $0x140, s28  }
.Ltmp13:
0x693: {  	s2 =	sshrl.u32 s2, $0x2;
	p3 =	por !p3, p2;
	(pc) =	sbr.rel @p4 .LBB2_15-.Ltmp13, $4  }
0x694: {  	s29 =	sadd.s32 $0xCF98, s2;
	s7 =	simm.s32 @p3 $0x0  }
0x695: {  	s2 =	simm.s32 @!p2 $0x1;
	s6 =	sshra.s32 @!p2 s6, $0x2;
	s10 =	smin.u32 @!p2 s7, $0x1FFF7  }
0x696: {  	s2 =	smov.u32 @p2 s28;
	s7 =	sadd.s32 @!p2 $0x5FF8, s6;
	s31 =	sand.u32 @!p2 $0x1FFF8, s10  }
0x697: {  	s6 =	sand.u32 @!p2 $0x7, s10;
	s10 =	sadd.s32 @!p2 s5, s31;
	s31 =	sadd.s32 $0x1, s24  }
.LBB2_14:
0x698: {  	s11 =	smov.u32 s2  }
0x699: {  	[tilespmem:s7], [sflag:$0x2] =	stream.linear.gather @!p2 [hbm4b:s10+s6], $0x42, $0x38;
	[tilespmem:$0x1FF78] =	vst v63  }
0x69a: {  	s0 =	sadd.s32 $0x1, s0;
	s6 =	smov.u32 s1;
	v1 =	vld.msk [tilespmem:s31+$0x0], $0x1  }
0x69b: {  	p3 =	seq.s32 s0, $0x0;
	_ =	sdelay $0x3  }
0x69c: {  	(v2sf) =	vpush v1, $0x0;
	_ =	sdelay $0xe  }
0x69d: {  	s1 =	spop (v2sf)  }
0x69e: {  	p2 =	seq.s32 s6, s1  }
0x69f: {  	p4 =	sgt.s32 @!p2 s6, $0x0;
	s7 =	smul.u32 @!p2 $0x140, s2;
	s2 =	sadd.s32 @!p2 $0x1, s2  }
.Ltmp14:
0x6a0: {  	p4 =	por !p4, p2;
	s2 =	smov.u32 @p2 s11;
	(pc) =	sbr.rel @!p3 .LBB2_14-.Ltmp14, $4  }
0x6a1: {  	s6 =	simm.s32 @p4 $0x0;
	s7 =	sshra.s32 @!p2 s7, $0x2  }
0x6a2: {  	s6 =	smin.u32 @!p2 s6, $0x1FFF7;
	s7 =	sadd.s32 @!p2 $0x5FF8, s7  }
0x6a3: {  	s10 =	sand.u32 @!p2 $0x1FFF8, s6;
	s6 =	sand.u32 @!p2 $0x7, s6  }
0x6a4: {  	s31 =	sadd.s32 $0x1, s31;
	s10 =	sadd.s32 @!p2 s5, s10  }
.LBB2_15:
0x6a5: {  	s0 =	smul.u32 $0x108, s2  }
0x6a6: {  	[tilespmem:s7], [sflag:$0x2] =	stream.linear.gather @!p2 [hbm4b:s10+s6], $0x42, $0x38;
	[tilespmem:$0x1FF78] =	vst v63  }
.Ltmp15:
0x6a7: {  	_ = 	snop;
	(pc) =	sbr.rel .LBB2_16-.Ltmp15, $4  }
0x6a8: {  	s1 =	simm.s32 $0x2;
	s0 =	sshrl.u32 s0, $0x2  }
0x6a9: {  	_ =	swait.ge [sflag:s1], s0  }
0x6aa: {  	s0 =	ssub.s32 $0x0, s0;
	[sflag:s1] =	ssyncset.done $0x0  }
0x6ab: {  	[sflag:s1] =	ssyncadd.s32 s0;
	s0 =	simm.s32 $0x0  }
.LBB2_17:
0x6ac: {  	v1 =	vld [tilespmem:s29+$0xFFFFFFE0];
	_ =	sdelay $0x4  }
0x6ad: {  	[tilespmem:s1+$0xA8] =	vst.add.f32.msk $0xffff, v1  }
0x6ae: {  	v1 =	vld [tilespmem:s29+$0xFFFFFFF0];
	_ =	sdelay $0x4  }
0x6af: {  	[tilespmem:s1+$0xB8] =	vst.add.f32.msk $0xffff, v1  }
0x6b0: {  	v1 =	vld [tilespmem:s29+$0x0];
	_ =	sdelay $0x4  }
0x6b1: {  	[tilespmem:s1+$0xC8] =	vst.add.f32.msk $0xffff, v1  }
0x6b2: {  	v1 =	vld [tilespmem:s29+$0x10];
	_ =	sdelay $0x4  }
0x6b3: {  	[tilespmem:s1+$0xD8] =	vst.add.f32.msk $0xffff, v1  }
0x6b4: {  	v1 =	vld.msk [tilespmem:s29+$0x20], $0x3;
	_ =	sdelay $0x4  }
0x6b5: {  	[tilespmem:s1+$0xE8] =	vst.add.f32.msk $0x3, v1  }
.LBB2_21:
0x6b6: {  	s26 =	sadd.s32 $0x1, s26  }
0x6b7: {  	p2 =	seq.s32 s26, $0x0  }
.Ltmp16:
0x6b8: {  	_ = 	snop;
	(pc) =	sbr.rel @p2 .LBB2_22-.Ltmp16, $2  }
0x6b9: {  	_ =	sdelay $0x2  }
0x6ba: {  	s24 =	sadd.s32 $0x1, s24;
	s29 =	sadd.s32 $0x80, s29;
	s30 =	smov.u32 s31  }
.LBB2_16:
0x6bb: {  	v1 =	vld.msk [tilespmem:s24+$0x0], $0x1;
	_ =	sdelay $0x4  }
0x6bc: {  	(v2sf) =	vpush v1, $0x0;
	_ =	sdelay $0xe  }
0x6bd: {  	s31 =	spop (v2sf)  }
0x6be: {  	p2 =	sne.s32 s30, s31  }
.Ltmp17:
0x6bf: {  	_ = 	snop;
	(pc) =	sbr.rel @!p2 .LBB2_17-.Ltmp17, $3  }
0x6c0: {  	_ = 	snop  }
0x6c1: {  	s1 =	smul.u32 $0x140, s23;
	_ =	sdelay $0x1  }
0x6c2: {  	s1 =	sshra.s32 s1, $0x2  }
0x6c3: {  	p2 =	seq.s32 s30, s25  }
.Ltmp18:
0x6c4: {  	_ = 	snop;
	(pc) =	sbr.rel @!p2 .LBB2_19-.Ltmp18, $1  }
0x6c5: {  	_ =	sdelay $0x3  }
.Ltmp19:
0x6c6: {  	s1 =	sadd.s32 $0xA8, s1;
	(pc) =	sbr.rel .LBB2_20-.Ltmp19, $4  }
0x6c7: {  	[spmem:s16] =	stream.linear.scatter [tilespmem:s1], [sflag:$0x1], $0x42, $0x38;
	[tilespmem:$0x1FF78] =	vst v63  }
0x6c8: {  	_ =	swait.ge [sflag:s3], $0x42  }
0x6c9: {  	[sflag:s3] =	ssyncset.done $0x0  }
0x6ca: {  	[sflag:s3] =	ssyncadd.s32 $0xFFFFFFBE  }
.LBB2_19:
0x6cb: {  	s2 =	smul.u32 $0x140, s28;
	_ =	sdelay $0x1  }
0x6cc: {  	s2 =	sshra.s32 s2, $0x2  }
0x6cd: {  	v1 =	vld [tilespmem:s2+$0x5FF8];
	_ =	sdelay $0x4  }
0x6ce: {  	[tilespmem:s1+$0xA8] =	vst.add.f32.msk $0xffff, v1  }
0x6cf: {  	v1 =	vld [tilespmem:s2+$0x6008];
	_ =	sdelay $0x4  }
0x6d0: {  	[tilespmem:s1+$0xB8] =	vst.add.f32.msk $0xffff, v1  }
0x6d1: {  	v1 =	vld [tilespmem:s2+$0x6018];
	_ =	sdelay $0x4  }
0x6d2: {  	[tilespmem:s1+$0xC8] =	vst.add.f32.msk $0xffff, v1  }
0x6d3: {  	v1 =	vld [tilespmem:s2+$0x6028];
	_ =	sdelay $0x4  }
0x6d4: {  	[tilespmem:s1+$0xD8] =	vst.add.f32.msk $0xffff, v1  }
0x6d5: {  	v1 =	vld.msk [tilespmem:s2+$0x6038], $0x3;
	_ =	sdelay $0x2  }
0x6d6: {  	p2 =	sgt.u32 s30, $0x1FFF7  }
0x6d7: {  	s2 =	sand.u32 @!p2 $0x1FFF8, s30  }
0x6d8: {  	s6 =	sadd.s32 $0xA8, s1;
	[tilespmem:s1+$0xE8] =	vst.add.f32.msk $0x3, v1;
	s1 =	sadd.s32 @!p2 s5, s2;
	s2 =	sand.u32 @!p2 $0x7, s30  }
0x6d9: {  	[hbm4b:s1+s2] =	stream.linear.scatter @!p2 [tilespmem:s6], [sflag:$0xC], $0x42, $0x38;
	[tilespmem:$0x1FF78] =	vst v63  }
0x6da: {  	s1 =	simm.s32 $0x0  }
0x6db: {  	s1 =	simm.s32 @!p2 $0x108  }
0x6dc: {  	s0 =	sadd.s32 s1, s0  }
.LBB2_20:
0x6dd: {  	s1 =	sadd.s32 $0x1, s23  }
0x6de: {  	s2 =	sshrl.u32 s1, $0x4  }
0x6df: {  	s2 =	smulhi.u32 $0xD79435F, s2;
	_ =	sdelay $0x1  }
0x6e0: {  	s2 =	smul.u32 $0x130, s2  }
0x6e1: {  	v1 =	vld [tilespmem:s29+$0xFFFFFFE0]  }
0x6e2: {  	s23 =	ssub.s32 s1, s2  }
0x6e3: {  	s1 =	smul.u32 $0x140, s23;
	_ =	sdelay $0x1  }
0x6e4: {  	s1 =	sshrl.u32 s1, $0x2  }
0x6e5: {  	[tilespmem:s1+$0xA8] =	vst v1  }
0x6e6: {  	v1 =	vld [tilespmem:s29+$0xFFFFFFF0];
	_ =	sdelay $0x4  }
0x6e7: {  	[tilespmem:s1+$0xB8] =	vst v1  }
0x6e8: {  	v1 =	vld [tilespmem:s29+$0x0];
	_ =	sdelay $0x4  }
0x6e9: {  	[tilespmem:s1+$0xC8] =	vst v1  }
0x6ea: {  	v1 =	vld [tilespmem:s29+$0x10];
	_ =	sdelay $0x4  }
0x6eb: {  	[tilespmem:s1+$0xD8] =	vst v1  }
0x6ec: {  	v1 =	vld.msk [tilespmem:s29+$0x20], $0x3  }
.Ltmp20:
0x6ed: {  	_ = 	snop;
	(pc) =	sbr.rel .LBB2_21-.Ltmp20, $2  }
0x6ee: {  	_ =	sdelay $0x2  }
0x6ef: {  	s28 =	sadd.s32 $0x1, s28;
	[tilespmem:s1+$0xE8] =	vst.msk $0x3, v1  }
.LBB2_23:
.Ltmp21:
0x6f0: {  	(pc) =	sbr.rel .LBB2_24-.Ltmp21, $4  }
0x6f1: {  	_ = 	snop  }
0x6f2: {  	s0 =	simm.s32 $0x2  }
0x6f3: {  	_ =	swait.ge [sflag:s0], $0x0  }
0x6f4: {  	s31 =	smov.u32 s30;
	[sflag:s0] =	ssyncset.done $0x0;
	s0 =	simm.s32 $0x0  }
.LBB2_26:
0x6f5: {  	_ =	sfence.sel $0x180000  }
0x6f6: {  	s0 =	simm.s32 $0x9;
	[bflag:$0x0] =	sbarrier.arrive $0xFFFF  }
0x6f7: {  	s24 =	simm.s32 $0xA;
	[sflag:s0] =	ssyncpa.u1 $0x1  }
0x6f8: {  	s25 =	simm.s32 $0xB;
	[sflag:s24] =	ssyncpa.u1 $0x1  }
0x6f9: {  	s26 =	simm.s32 $0x2;
	[sflag:s25] =	ssyncpa.u1 $0x1  }
0x6fa: {  	[sflag:s26] =	ssyncpa.u1 $0x1  }
0x6fb: {  	v0 =	vld [tilespmem:$0xBF48];
	_ =	sdelay $0x4  }
0x6fc: {  	(v2sf) =	vpush v0, $0x0  }
0x6fd: {  	(v2sf) =	vpush v0, $0x1  }
0x6fe: {  	(v2sf) =	vpush v0, $0x2;
	_ =	sdelay $0xc  }
0x6ff: {  	s0 =	spop (v2sf)  }
0x700: {  	s1 =	spop (v2sf)  }
0x701: {  	s2 =	smov.u32 s0;
	p0 =	sne.s32 s0, s1;
	s3 =	spop (v2sf)  }
0x702: {  	s2 =	simm.s32 @!p0 $0xFFFFFFFF;
	p0 =	seq.s32 s3, $0xFFFFFFFF  }
0x703: {  	v2 =	vimm.s32 $0x1;
	v3 =	vlaneseq.u32;
	v1 =	vmov s2;
	p1 =	sne.s32 @!p0 s0, s1  }
0x704: {  	s14 =	stileid.u32;
	v0 =	vperm.xlane v0, v2;
	s0 =	simm.s32 @!p0 $0x1;
	v1 =	vperm.xlane v1, v3;
	p1 =	por !p1, p0  }
0x705: {  	vm0 =	vcmask $0x3F04;
	s2 =	sshll.u32 s14, $0x1;
	s1 =	smul.u32 @!p0 $0x140, s3;
	s0 =	simm.s32 @p1 $0x0  }
0x706: {  	s6 =	simm.s32 $0xBF48;
	v0 =	vsel vm0, v1, v0;
	s0 =	sor.u32 @!p0 s0, s2  }
0x707: {  	s4 =	sor.u32 $0xA00, s2;
	s1 =	sshra.s32 @!p0 s1, $0x2;
	[tilespmem:$0xBF48] =	vst v0;
	s0 =	smul.u32 @!p0 $0x140, s0  }
0x708: {  	[spmem:s4] =	stream.linear.scatter [tilespmem:s6], [sflag:$0x1], $0x2, $0x38;
	[tilespmem:$0x1FF78] =	vst v63  }
0x709: {  	s1 =	sadd.s32 @!p0 $0xA8, s1;
	s0 =	sshrl.u32 @!p0 s0, $0x2  }
0x70a: {  	[spmem:s0] =	stream.linear.scatter @!p0 [tilespmem:s1], [sflag:$0x1], $0x50, $0x38;
	[tilespmem:$0x1FF78] =	vst v63  }
0x70b: {  	s0 =	simm.s32 @!p0 $0x52  }
0x70c: {  	s28 =	simm.s32 $0x1;
	s0 =	simm.s32 @p0 $0x2  }
0x70d: {  	_ =	swait.ge [sflag:s28], s0  }
0x70e: {  	s0 =	ssub.s32 $0x0, s0;
	[sflag:s28] =	ssyncset.done $0x0  }
0x70f: {  	p0 =	sne.s32 s14, $0x0;
	[sflag:s28] =	ssyncadd.s32 s0  }
.Ltmp22:
0x710: {  	_ =	sfence.stream.spmem;
	(pc) =	sbr.rel @p0 .LBB2_43-.Ltmp22, $4  }
0x711: {  	s29 =	simm.s32 $0x3;
	[bflag:$0x0] =	sbarrier.arrive $0xFFFF  }
0x712: {  	s30 =	simm.s32 $0x4;
	[sflag:s29] =	ssyncpa.u1 $0x1  }
0x713: {  	s31 =	simm.s32 $0x3C;
	[sflag:s30] =	ssyncpa.u1 $0x1  }
0x714: {  	s15 =	rddreg [dreg:$0x4];
	[sflag:s31] =	ssyncpa.u1 $0x1  }
0x715: {  	_ =	sfence.stream.spmem;
	s0 =	simm.s32 $0x5  }
0x716: {  	s1 =	simm.s32 $0xA00;
	s2 =	simm.s32 $0xBF58;
	[sflag:s0] =	ssyncpa.u1 $0x0  }
0x717: {  	[tilespmem:s2], [sflag:$0x5] =	stream.linear.gather [spmem:s1], $0x20, $0x38;
	[tilespmem:$0x1FF78] =	vst v63  }
0x718: {  	s26 =	simm.s32 $0x0;
	s28 =	simm.s32 $0xBF78  }
0x719: {  	[tilespmem:s28], [sflag:$0x5] =	stream.linear.gather [spmem:s26], $0xA00, $0x38;
	[tilespmem:$0x1FF78] =	vst v63  }
0x71a: {  	_ =	swait.ge [sflag:s0], $0xA20  }
0x71b: {  	[sflag:s0] =	ssyncset.done $0x0  }
0x71c: {  	s29 =	simm.s32 $0x0;
	[sflag:s0] =	ssyncadd.s32 $0xFFFFF5E0  }
0x71d: {  	v0 =	vld.msk [tilespmem:s29+$0xBF58], $0x1;
	_ =	sdelay $0x1  }
0x71e: {  	s30 =	simm.s32 $0x1  }
0x71f: {  	v1 =	vld.msk [tilespmem:s30+$0xBF58], $0x1;
	_ =	sdelay $0x1  }
0x720: {  	(v2sf) =	vpush v0, $0x0;
	_ =	sdelay $0x2  }
0x721: {  	(v2sf) =	vpush v1, $0x0;
	_ =	sdelay $0x2  }
0x722: {  	s31 =	simm.s32 $0x2  }
0x723: {  	v0 =	vld.msk [tilespmem:s31+$0xBF58], $0x1;
	_ =	sdelay $0x2  }
0x724: {  	s1 =	simm.s32 $0xFFFFFFFF;
	s2 =	simm.s32 $0xFFFFFFFF;
	s0 =	simm.s32 $0xC  }
.LBB2_28:
0x725: {  	s3 =	smov.u32 s2;
	s4 =	smov.u32 s1  }
0x726: {  	s1 =	sshra.s32 s0, $0x2;
	p1 =	sne.s32 s0, $0x7C;
	s0 =	sadd.s32 $0x4, s0;
	(v2sf) =	vpush v0, $0x0  }
0x727: {  	v0 =	vld.msk [tilespmem:s1+$0xBF58], $0x1  }
.Ltmp23:
0x728: {  	(pc) =	sbr.rel @p1 .LBB2_28-.Ltmp23, $4  }
0x729: {  	s2 =	spop (v2sf)  }
0x72a: {  	p2 =	sne.s32 s4, $0xFFFFFFFF;
	s1 =	smov.u32 s2  }
0x72b: {  	p3 =	seq.s32 s2, $0xFFFFFFFF;
	s1 =	smov.u32 @p2 s4  }
0x72c: {  	s2 =	smov.u32 @p3 s3;
	s1 =	smov.u32 @p3 s4  }
0x72d: {  	(v2sf) =	vpush v0, $0x0;
	_ =	sdelay $0x8  }
0x72e: {  	s0 =	spop (v2sf)  }
0x72f: {  	p1 =	sne.s32 s1, $0xFFFFFFFF;
	s3 =	smov.u32 s0  }
0x730: {  	s9 =	simm.s32 $0x6;
	p2 =	seq.s32 s0, $0xFFFFFFFF;
	s3 =	smov.u32 @p1 s1  }
0x731: {  	s10 =	simm.s32 $0xBEF8;
	s3 =	smov.u32 @p2 s1;
	s1 =	spop (v2sf)  }
0x732: {  	s0 =	smov.u32 @p2 s2;
	p1 =	sne.s32 s3, $0xFFFFFFFF;
	s6 =	smov.u32 s1  }
.Ltmp24:
0x733: {  	p2 =	seq.s32 s1, $0xFFFFFFFF;
	s6 =	smov.u32 @p1 s3;
	(pc) =	sbr.rel .LBB2_30-.Ltmp24, $4  }
0x734: {  	s11 =	simm.s32 $0x0;
	s6 =	smov.u32 @p2 s3;
	s4 =	spop (v2sf)  }
0x735: {  	[sflag:s9] =	ssyncpa.u1 $0x0;
	p1 =	sne.s32 s6, $0xFFFFFFFF;
	s8 =	smov.u32 s4  }
0x736: {  	s1 =	smov.u32 @p2 s0;
	p2 =	seq.s32 s4, $0xFFFFFFFF;
	s8 =	smov.u32 @p1 s6  }
0x737: {  	s3 =	simm.s32 $0x0;
	s4 =	smov.u32 @p2 s1;
	s8 =	smov.u32 @p2 s6  }
.LBB2_36:
0x738: {  	p1 =	sgt.u32 s0, $0x1FFF7  }
0x739: {  	p2 =	seq.s32 @!p1 s0, s8  }
0x73a: {  	p1 =	por p1, p2  }
0x73b: {  	p2 =	sne.s32 @!p1 s0, s4  }
0x73c: {  	p1 =	por p1, !p2  }
0x73d: {  	s0 =	smul.u32 @p1 $0x140, s11;
	_ =	sdelay $0x1  }
0x73e: {  	s1 =	sand.u32 @!p1 $0x1FFF8, s0  }
0x73f: {  	s0 =	sand.u32 @!p1 $0x7, s0;
	s1 =	sadd.s32 @!p1 s5, s1  }
0x740: {  	[tilespmem:s10], [sflag:$0x6] =	stream.linear.gather @!p1 [hbm4b:s1+s0], $0x42, $0x38;
	[tilespmem:$0x1FF78] =	vst v63  }
0x741: {  	_ =	swait.ge @!p1 [sflag:s9], $0x42  }
0x742: {  	[sflag:s9] =	ssyncset.done @!p1 $0x0  }
0x743: {  	[sflag:s9] =	ssyncadd.s32 @!p1 $0xFFFFFFBE  }
0x744: {  	v1 =	vld @!p1 [tilespmem:$0xBEF8];
	_ =	sdelay $0x1  }
0x745: {  	s0 =	smul.u32 @!p1 $0x140, s11;
	_ =	sdelay $0x1  }
0x746: {  	s1 =	sshra.s32 @!p1 s0, $0x2  }
0x747: {  	[tilespmem:s1+$0xBF78] =	vst.add.f32.msk @!p1 $0xffff, v1  }
0x748: {  	v1 =	vld @!p1 [tilespmem:$0xBF08];
	_ =	sdelay $0x4  }
0x749: {  	[tilespmem:s1+$0xBF88] =	vst.add.f32.msk @!p1 $0xffff, v1  }
0x74a: {  	v1 =	vld @!p1 [tilespmem:$0xBF18];
	_ =	sdelay $0x4  }
0x74b: {  	[tilespmem:s1+$0xBF98] =	vst.add.f32.msk @!p1 $0xffff, v1  }
0x74c: {  	v1 =	vld @!p1 [tilespmem:$0xBF28];
	_ =	sdelay $0x4  }
0x74d: {  	[tilespmem:s1+$0xBFA8] =	vst.add.f32.msk @!p1 $0xffff, v1  }
0x74e: {  	v1 =	vld @!p1 [tilespmem:$0xBF38];
	_ =	sdelay $0x4  }
0x74f: {  	[tilespmem:s1+$0xBFB8] =	vst.add.f32.msk @!p1 $0xffff, v1  }
0x750: {  	s0 =	sshra.s32 s0, $0x2;
	[tilespmem:s3+$0xBF58] =	vst.msk $0x1, v0  }
0x751: {  	v0 =	vld [tilespmem:s0+$0xBF78];
	_ =	sdelay $0x1  }
0x752: {  	s31 =	smul.u32 $0x140, s3;
	_ =	sdelay $0x1  }
0x753: {  	s1 =	sshra.s32 s31, $0x2  }
0x754: {  	[tilespmem:s1+$0xBF78] =	vst v0  }
0x755: {  	v0 =	vld [tilespmem:s0+$0xBF88];
	_ =	sdelay $0x4  }
0x756: {  	[tilespmem:s1+$0xBF88] =	vst v0  }
0x757: {  	v0 =	vld [tilespmem:s0+$0xBF98];
	_ =	sdelay $0x4  }
0x758: {  	[tilespmem:s1+$0xBF98] =	vst v0  }
0x759: {  	v0 =	vld [tilespmem:s0+$0xBFA8];
	_ =	sdelay $0x4  }
0x75a: {  	[tilespmem:s1+$0xBFA8] =	vst v0  }
0x75b: {  	v0 =	vld [tilespmem:s0+$0xBFB8];
	_ =	sdelay $0x4  }
0x75c: {  	s3 =	sadd.s32 $0x1, s3;
	[tilespmem:s1+$0xBFB8] =	vst v0  }
.LBB2_37:
0x75d: {  	s11 =	sadd.s32 $0x1, s11  }
0x75e: {  	p1 =	sne.s32 s11, $0x20  }
.Ltmp25:
0x75f: {  	_ = 	snop;
	(pc) =	sbr.rel @!p1 .LBB2_38-.Ltmp25, $1  }
0x760: {  	_ =	sdelay $0x3  }
.LBB2_30:
0x761: {  	v0 =	vld.msk [tilespmem:s11+$0xBF58], $0x1;
	_ =	sdelay $0x4  }
0x762: {  	(v2sf) =	vpush v0, $0x0;
	_ =	sdelay $0xe  }
0x763: {  	s0 =	spop (v2sf)  }
0x764: {  	p1 =	seq.s32 s0, $0xFFFFFFFF  }
.Ltmp26:
0x765: {  	_ = 	snop;
	(pc) =	sbr.rel @p1 .LBB2_37-.Ltmp26, $1  }
0x766: {  	_ =	sdelay $0x3  }
0x767: {  	p1 =	slt.s32 s3, $0x1  }
.Ltmp27:
0x768: {  	_ = 	snop;
	(pc) =	sbr.rel @p1 .LBB2_36-.Ltmp27, $1  }
0x769: {  	_ =	sdelay $0x3  }
0x76a: {  	s12 =	simm.s32 $0xBF58;
	p1 =	por $0x0, $0x0  }
0x76b: {  	v1 =	vld.msk @!p1 [tilespmem:s12+$0x0], $0x1;
	_ =	sdelay $0x4  }
0x76c: {  	(v2sf) =	vpush @!p1 v1, $0x0;
	_ =	sdelay $0xd  }
0x76d: {  	p3 =	sne.s32 s3, $0x1  }
.Ltmp28:
0x76e: {  	s1 =	spop @!p1 (v2sf);
	(pc) =	sbr.rel @!p3 .LBB2_34-.Ltmp28, $4  }
0x76f: {  	p2 =	seq.s32 @!p1 s0, s1  }
0x770: {  	s13 =	simm.s32 $0x0;
	p2 =	por !p2, p1  }
0x771: {  	s2 =	simm.s32 $0xFFFFFFFF;
	s13 =	simm.s32 @p2 $0xFFFFFFFF  }
0x772: {  	s1 =	simm.s32 $0x1;
	s13 =	smov.u32 @p1 s2  }
.LBB2_33:
0x773: {  	s2 =	smov.u32 s13;
	p1 =	sne.s32 s13, $0xFFFFFFFF  }
0x774: {  	s12 =	sadd.s32 $0x1, s12;
	s13 =	smov.u32 s1;
	s1 =	sadd.s32 $0x1, s1  }
0x775: {  	p2 =	sne.s32 s3, s1;
	v1 =	vld.msk @!p1 [tilespmem:s12+$0x0], $0x1;
	_ =	sdelay $0x4  }
0x776: {  	(v2sf) =	vpush @!p1 v1, $0x0;
	_ =	sdelay $0xe  }
.Ltmp29:
0x777: {  	s6 =	spop @!p1 (v2sf);
	(pc) =	sbr.rel @p2 .LBB2_33-.Ltmp29, $4  }
0x778: {  	p3 =	seq.s32 @!p1 s0, s6  }
0x779: {  	p3 =	por !p3, p1  }
0x77a: {  	s13 =	simm.s32 @p3 $0xFFFFFFFF  }
0x77b: {  	s13 =	smov.u32 @p1 s2  }
.LBB2_34:
0x77c: {  	p1 =	seq.s32 s13, $0xFFFFFFFF  }
.Ltmp30:
0x77d: {  	_ = 	snop;
	(pc) =	sbr.rel @p1 .LBB2_36-.Ltmp30, $1  }
0x77e: {  	_ =	sdelay $0x3  }
0x77f: {  	s0 =	smul.u32 $0x140, s11;
	_ =	sdelay $0x1  }
0x780: {  	s0 =	sshra.s32 s0, $0x2  }
0x781: {  	v0 =	vld [tilespmem:s0+$0xBF78];
	_ =	sdelay $0x1  }
0x782: {  	s1 =	smul.u32 $0x140, s13;
	_ =	sdelay $0x1  }
0x783: {  	s1 =	sshra.s32 s1, $0x2  }
0x784: {  	[tilespmem:s1+$0xBF78] =	vst.add.f32.msk $0xffff, v0  }
0x785: {  	v0 =	vld [tilespmem:s0+$0xBF88];
	_ =	sdelay $0x4  }
0x786: {  	[tilespmem:s1+$0xBF88] =	vst.add.f32.msk $0xffff, v0  }
0x787: {  	v0 =	vld [tilespmem:s0+$0xBF98];
	_ =	sdelay $0x4  }
0x788: {  	[tilespmem:s1+$0xBF98] =	vst.add.f32.msk $0xffff, v0  }
0x789: {  	v0 =	vld [tilespmem:s0+$0xBFA8];
	_ =	sdelay $0x4  }
0x78a: {  	[tilespmem:s1+$0xBFA8] =	vst.add.f32.msk $0xffff, v0  }
0x78b: {  	v0 =	vld [tilespmem:s0+$0xBFB8]  }
.Ltmp31:
0x78c: {  	_ = 	snop;
	(pc) =	sbr.rel .LBB2_37-.Ltmp31, $2  }
0x78d: {  	_ =	sdelay $0x2  }
0x78e: {  	[tilespmem:s1+$0xBFB8] =	vst.add.f32.msk $0xffff, v0  }
.LBB2_38:
0x78f: {  	s0 =	simm.s32 $0x6;
	p1 =	seq.s32 s3, $0x0  }
0x790: {  	[sflag:s0] =	ssyncpa.u1 $0x1;
	v0 =	vimm.s32 @p1 $0xFFFFFFFF  }
0x791: {  	s0 =	sadd.s32 $0xFFFFFFFF, s3;
	[tilespmem:$0xC978] =	vst @p1 v0  }
0x792: {  	v0 =	vld.msk @!p1 [tilespmem:s0+$0xBF58], $0x1;
	_ =	sdelay $0x1  }
0x793: {  	v1 =	vld.msk @!p1 [tilespmem:$0xBF58], $0x1;
	_ =	sdelay $0x2  }
0x794: {  	p2 =	seq.s32 @!p1 s0, $0x0;
	v0 =	vbroadcast @!p1 v0, $0x0  }
0x795: {  	vm0 =	vmmov @!p1 $0x1;
	p3 =	por !p2, p1  }
0x796: {  	p2 =	sne.s32 @!p1 s8, s4;
	v1 =	vnsel @!p1 vm0, $0xFFFFFFFF, v1;
	vm0 =	vcmask @!p1 $0x308;
	v0 =	vpsel !p3, $0xFFFFFFFF, v0  }
0x797: {  	p3 =	por !p2, p1;
	v0 =	vsel @!p1 vm0, v1, v0  }
0x798: {  	s1 =	simm.s32 @!p1 $0xBF78;
	s2 =	simm.s32 @!p1 $0x0;
	s4 =	smul.u32 @!p3 $0x140, s0;
	[tilespmem:$0xC978] =	vst @!p1 v0  }
0x799: {  	[spmem:s2] =	stream.linear.scatter @!p1 [tilespmem:s1], [sflag:$0x1], $0x50, $0x38;
	[tilespmem:$0x1FF78] =	vst v63  }
0x79a: {  	s1 =	sshra.s32 @!p3 s4, $0x2  }
0x79b: {  	s2 =	simm.s32 @!p3 $0x50;
	s1 =	sadd.s32 @!p3 $0xBF78, s1  }
0x79c: {  	[spmem:s2] =	stream.linear.scatter @!p3 [tilespmem:s1], [sflag:$0x1], $0x50, $0x38;
	[tilespmem:$0x1FF78] =	vst v63  }
0x79d: {  	s1 =	simm.s32 @!p3 $0x1  }
0x79e: {  	_ =	swait.ge @!p3 [sflag:s1], $0xA0  }
0x79f: {  	p1 =	por p2, p1;
	[sflag:s1] =	ssyncset.done @!p3 $0x0  }
0x7a0: {  	[sflag:s1] =	ssyncadd.s32 @!p3 $0xFFFFFF60;
	s1 =	simm.s32 @!p1 $0x1  }
0x7a1: {  	_ =	swait.ge @!p1 [sflag:s1], $0x50  }
0x7a2: {  	s29 =	simm.s32 $0xC978;
	[sflag:s1] =	ssyncset.done @!p1 $0x0  }
0x7a3: {  	s30 =	simm.s32 $0xA00;
	s31 =	simm.s32 $0x1;
	[sflag:s1] =	ssyncadd.s32 @!p1 $0xFFFFFFB0  }
0x7a4: {  	[spmem:s30] =	stream.linear.scatter [tilespmem:s29], [sflag:$0x1], $0x10, $0x38;
	[tilespmem:$0x1FF78] =	vst v63  }
0x7a5: {  	_ =	swait.ge [sflag:s31], $0x10  }
0x7a6: {  	[sflag:s31] =	ssyncset.done $0x0  }
0x7a7: {  	p1 =	seq.s32 s15, $0x0;
	s9 =	rddreg [dreg:$0x1];
	[sflag:s31] =	ssyncadd.s32 $0xFFFFFFF0  }
0x7a8: {  	s2 =	sshll.u32 @p1 s9, $0xE;
	s8 =	rddreg [dreg:$0x2]  }
0x7a9: {  	s1 =	sadd.s32 @p1 $0x15C3C, s2;
	s2 =	sshll.u32 @p1 s8, $0x11  }
0x7aa: {  	_ =	sfence.stream.spmem;
	s1 =	sor.u32 @p1 s2, s1  }
0x7ab: {  	[sflag:s1] =	ssyncadd.remote.s32 @p1 $0x1;
	s1 =	simm.s32 @p1 $0x4  }
0x7ac: {  	s4 =	simm.s32 @!p1 $0x3C;
	s2 =	sand.u32 $0xFFFFFFFE, s9;
	_ =	swait.ge @p1 [sflag:s1], $0x16  }
0x7ad: {  	s6 =	simm.s32 @!p1 $0x0;
	s2 =	sadd.s32 @!p1 $0x4, s2;
	[sflag:s1] =	ssyncset.done @p1 $0x0  }
0x7ae: {  	s7 =	simm.s32 @!p1 $0xA0;
	[sflag:s1] =	ssyncadd.s32 @p1 $0xFFFFFFEA;
	s1 =	sshll.u32 @!p1 s2, $0x1A  }
0x7af: {  	s2 =	sshll.u32 @!p1 s2, $0xD;
	s1 =	sor.u32 @!p1 s1, s8;
	_ =	swait.eq @!p1 [sflag:s4], $0x1  }
0x7b0: {  	s2 =	sor.u32 @!p1 $0x1C04, s2;
	s4 =	simm.s32 @!p1 $0x1C03;
	s1 =	sor.u32 @!p1 $0x80004000, s1  }
0x7b1: {  	[spmem:s7], [sflag:s2] =	dma.general @!p1 [spmem:s6], [sflag:s4], length:$0x14, [dreg:$0x0], stride_count:$0x0, ici_dest:s1, dma_misc:DstOpCode:WRITE  }
0x7b2: {  	p2 =	slt.s32 s0, $0x2;
	s6 =	simm.s32 @!p1 $0x140;
	s7 =	simm.s32 @!p1 $0x142  }
0x7b3: {  	[spmem:s7], [sflag:s2] =	dma.general @!p1 [spmem:s6], [sflag:s4], length:$0x2, [dreg:$0x0], stride_count:$0x0, ici_dest:s1, dma_misc:DstOpCode:WRITE  }
.Ltmp32:
0x7b4: {  	s1 =	simm.s32 @!p1 $0x3;
	(pc) =	sbr.rel @p2 .LBB2_42-.Ltmp32, $4  }
0x7b5: {  	s2 =	sshll.u32 @!p1 s9, $0xE;
	_ =	swait.ge @!p1 [sflag:s1], $0x16  }
0x7b6: {  	s4 =	sshll.u32 @!p1 s8, $0x11;
	s2 =	sadd.s32 @!p1 $0x11C3C, s2;
	[sflag:s1] =	ssyncset.done @!p1 $0x0  }
0x7b7: {  	[sflag:s1] =	ssyncadd.s32 @!p1 $0xFFFFFFEA;
	s1 =	sor.u32 @!p1 s4, s2  }
0x7b8: {  	s0 =	simm.s32 $0x0;
	[sflag:s1] =	ssyncadd.remote.s32 @!p1 $0xFFFFFFFF  }
0x7b9: {  	s0 =	simm.s32 $0xBF59  }
0x7ba: {  	v0 =	vld.msk [tilespmem:s0+$0x0], $0x1;
	_ =	sdelay $0x4  }
0x7bb: {  	(v2sf) =	vpush v0, $0x0;
	_ =	sdelay $0xc  }
0x7bc: {  	s1 =	sadd.s32 $0xFFFFFFFE, s3  }
0x7bd: {  	s1 =	sadd.s32 $0xFFFFFFFF, s1  }
0x7be: {  	p2 =	sne.s32 s1, $0x0;
	s2 =	spop (v2sf)  }
.Ltmp33:
0x7bf: {  	p1 =	sgt.u32 s2, $0x1FFF7;
	(pc) =	sbr.rel @!p2 .LBB2_41-.Ltmp33, $4  }
0x7c0: {  	s4 =	simm.s32 $0x0;
	s3 =	sand.u32 @!p1 $0x1FFF8, s2  }
0x7c1: {  	s0 =	simm.s32 $0xBFC8;
	s2 =	sand.u32 @!p1 $0x7, s2;
	s3 =	sadd.s32 @!p1 s5, s3  }
0x7c2: {  	[hbm4b:s3+s2] =	stream.linear.scatter @!p1 [tilespmem:s0], [sflag:$0x5], $0x42, $0x38;
	[tilespmem:$0x1FF78] =	vst v63  }
0x7c3: {  	s4 =	simm.s32 @!p1 $0x108;
	s2 =	simm.s32 $0x0;
	s3 =	simm.s32 $0xBF5A  }
.LBB2_40:
0x7c4: {  	v0 =	vld.msk [tilespmem:s3+$0x0], $0x1;
	s1 =	sadd.s32 $0xFFFFFFFF, s1;
	s2 =	sadd.s32 s2, s4  }
0x7c5: {  	p1 =	sne.s32 s1, $0x0;
	_ =	sdelay $0x3  }
0x7c6: {  	(v2sf) =	vpush v0, $0x0;
	_ =	sdelay $0xe  }
.Ltmp34:
0x7c7: {  	s6 =	spop (v2sf);
	(pc) =	sbr.rel @p1 .LBB2_40-.Ltmp34, $4  }
0x7c8: {  	s4 =	simm.s32 $0x0;
	p2 =	sgt.u32 s6, $0x1FFF7  }
0x7c9: {  	s0 =	sadd.s32 $0x50, s0;
	s4 =	simm.s32 @!p2 $0x108;
	s7 =	sand.u32 @!p2 $0x1FFF8, s6  }
0x7ca: {  	s3 =	sadd.s32 $0x1, s3;
	s6 =	sand.u32 @!p2 $0x7, s6;
	s7 =	sadd.s32 @!p2 s5, s7  }
0x7cb: {  	[hbm4b:s7+s6] =	stream.linear.scatter @!p2 [tilespmem:s0], [sflag:$0x5], $0x42, $0x38;
	[tilespmem:$0x1FF78] =	vst v63  }
.LBB2_41:
0x7cc: {  	s0 =	sadd.s32 s2, s4  }
0x7cd: {  	s0 =	sshrl.u32 s0, $0x2  }
.LBB2_42:
0x7ce: {  	s1 =	simm.s32 $0x5  }
0x7cf: {  	_ =	swait.ge [sflag:s1], s0  }
0x7d0: {  	s31 =	ssub.s32 $0x0, s0;
	[sflag:s1] =	ssyncset.done $0x0  }
0x7d1: {  	[sflag:s1] =	ssyncadd.s32 s31  }
0x7d2: {  	[sflag:s1] =	ssyncpa.u1 $0x1  }
.LBB2_43:
0x7d3: {  	s0 =	sor.u32 s15, s14  }
0x7d4: {  	p1 =	sne.s32 s0, $0x0  }
.Ltmp35:
0x7d5: {  	_ = 	snop;
	(pc) =	sbr.rel @p1 .LBB2_58-.Ltmp35, $3  }
0x7d6: {  	_ =	sdelay $0x1  }
0x7d7: {  	[bflag:$0x0] =	sbarrier.arrive $0xFFFF  }
0x7d8: {  	_ =	sfence  }
0x7d9: {  	s0 =	simm.s32 $0x7  }
0x7da: {  	s1 =	simm.s32 $0xA00;
	s2 =	simm.s32 $0xBF58;
	[sflag:s0] =	ssyncpa.u1 $0x0  }
0x7db: {  	[tilespmem:s2], [sflag:$0x7] =	stream.linear.gather [spmem:s1], $0x20, $0x38;
	[tilespmem:$0x1FF78] =	vst v63  }
0x7dc: {  	s30 =	simm.s32 $0xBF78;
	s1 =	simm.s32 $0x0  }
0x7dd: {  	[tilespmem:s30], [sflag:$0x7] =	stream.linear.gather [spmem:s1], $0xA00, $0x38;
	[tilespmem:$0x1FF78] =	vst v63  }
.Ltmp36:
0x7de: {  	_ = 	snop;
	(pc) =	sbr.rel .LBB2_45-.Ltmp36, $4  }
0x7df: {  	_ =	swait.ge [sflag:s0], $0xA20  }
0x7e0: {  	[sflag:s0] =	ssyncset.done $0x0  }
0x7e1: {  	s31 =	simm.s32 $0x8;
	[sflag:s0] =	ssyncadd.s32 $0xFFFFF5E0  }
0x7e2: {  	s2 =	simm.s32 $0x0;
	[sflag:s31] =	ssyncpa.u1 $0x0  }
.LBB2_51:
0x7e3: {  	p1 =	slt.u32 s0, $0x1FFF8  }
0x7e4: {  	s3 =	sand.u32 @p1 $0x1FFF8, s0  }
0x7e5: {  	s0 =	sand.u32 @p1 $0x7, s0;
	s4 =	simm.s32 @p1 $0xBEF8;
	s3 =	sadd.s32 @p1 s5, s3  }
0x7e6: {  	[tilespmem:s4], [sflag:$0x8] =	stream.linear.gather @p1 [hbm4b:s3+s0], $0x42, $0x38;
	[tilespmem:$0x1FF78] =	vst v63  }
0x7e7: {  	s0 =	simm.s32 @p1 $0x8  }
0x7e8: {  	_ =	swait.ge @p1 [sflag:s0], $0x42  }
0x7e9: {  	[sflag:s0] =	ssyncset.done @p1 $0x0  }
0x7ea: {  	[sflag:s0] =	ssyncadd.s32 @p1 $0xFFFFFFBE  }
0x7eb: {  	v1 =	vld @p1 [tilespmem:$0xBEF8];
	_ =	sdelay $0x1  }
0x7ec: {  	s0 =	smul.u32 @p1 $0x140, s2;
	_ =	sdelay $0x1  }
0x7ed: {  	s3 =	sshra.s32 @p1 s0, $0x2  }
0x7ee: {  	[tilespmem:s3+$0xBF78] =	vst.add.f32.msk @p1 $0xffff, v1  }
0x7ef: {  	v1 =	vld @p1 [tilespmem:$0xBF08];
	_ =	sdelay $0x4  }
0x7f0: {  	[tilespmem:s3+$0xBF88] =	vst.add.f32.msk @p1 $0xffff, v1  }
0x7f1: {  	v1 =	vld @p1 [tilespmem:$0xBF18];
	_ =	sdelay $0x4  }
0x7f2: {  	[tilespmem:s3+$0xBF98] =	vst.add.f32.msk @p1 $0xffff, v1  }
0x7f3: {  	v1 =	vld @p1 [tilespmem:$0xBF28];
	_ =	sdelay $0x4  }
0x7f4: {  	[tilespmem:s3+$0xBFA8] =	vst.add.f32.msk @p1 $0xffff, v1  }
0x7f5: {  	v1 =	vld @p1 [tilespmem:$0xBF38];
	_ =	sdelay $0x2  }
0x7f6: {  	s4 =	smul.u32 @!p1 $0x140, s2;
	_ =	sdelay $0x1  }
0x7f7: {  	s4 =	smov.u32 @p1 s0;
	[tilespmem:s3+$0xBFB8] =	vst.add.f32.msk @p1 $0xffff, v1  }
0x7f8: {  	s0 =	sshra.s32 s4, $0x2;
	[tilespmem:s1+$0xBF58] =	vst.msk $0x1, v0  }
0x7f9: {  	v0 =	vld [tilespmem:s0+$0xBF78];
	_ =	sdelay $0x1  }
0x7fa: {  	s31 =	smul.u32 $0x140, s1;
	_ =	sdelay $0x1  }
0x7fb: {  	s3 =	sshra.s32 s31, $0x2  }
0x7fc: {  	[tilespmem:s3+$0xBF78] =	vst v0  }
0x7fd: {  	v0 =	vld [tilespmem:s0+$0xBF88];
	_ =	sdelay $0x4  }
0x7fe: {  	[tilespmem:s3+$0xBF88] =	vst v0  }
0x7ff: {  	v0 =	vld [tilespmem:s0+$0xBF98];
	_ =	sdelay $0x4  }
0x800: {  	[tilespmem:s3+$0xBF98] =	vst v0  }
0x801: {  	v0 =	vld [tilespmem:s0+$0xBFA8];
	_ =	sdelay $0x4  }
0x802: {  	[tilespmem:s3+$0xBFA8] =	vst v0  }
0x803: {  	v0 =	vld [tilespmem:s0+$0xBFB8];
	_ =	sdelay $0x4  }
0x804: {  	s1 =	sadd.s32 $0x1, s1;
	[tilespmem:s3+$0xBFB8] =	vst v0  }
.LBB2_52:
0x805: {  	s2 =	sadd.s32 $0x1, s2  }
0x806: {  	p1 =	sne.s32 s2, $0x20  }
.Ltmp37:
0x807: {  	_ = 	snop;
	(pc) =	sbr.rel @!p1 .LBB2_53-.Ltmp37, $1  }
0x808: {  	_ =	sdelay $0x3  }
.LBB2_45:
0x809: {  	v0 =	vld.msk [tilespmem:s2+$0xBF58], $0x1;
	_ =	sdelay $0x4  }
0x80a: {  	(v2sf) =	vpush v0, $0x0;
	_ =	sdelay $0xe  }
0x80b: {  	s0 =	spop (v2sf)  }
0x80c: {  	p1 =	seq.s32 s0, $0xFFFFFFFF  }
.Ltmp38:
0x80d: {  	_ = 	snop;
	(pc) =	sbr.rel @p1 .LBB2_52-.Ltmp38, $1  }
0x80e: {  	_ =	sdelay $0x3  }
0x80f: {  	p1 =	slt.s32 s1, $0x1  }
.Ltmp39:
0x810: {  	_ = 	snop;
	(pc) =	sbr.rel @p1 .LBB2_51-.Ltmp39, $1  }
0x811: {  	_ =	sdelay $0x3  }
0x812: {  	s3 =	simm.s32 $0xBF58;
	p1 =	por $0x0, $0x0  }
0x813: {  	v1 =	vld.msk @!p1 [tilespmem:s3+$0x0], $0x1;
	_ =	sdelay $0x4  }
0x814: {  	(v2sf) =	vpush @!p1 v1, $0x0;
	_ =	sdelay $0xd  }
0x815: {  	p3 =	sne.s32 s1, $0x1  }
.Ltmp40:
0x816: {  	s4 =	spop @!p1 (v2sf);
	(pc) =	sbr.rel @!p3 .LBB2_49-.Ltmp40, $4  }
0x817: {  	p2 =	seq.s32 @!p1 s0, s4  }
0x818: {  	s4 =	simm.s32 $0x0;
	p2 =	por !p2, p1  }
0x819: {  	s7 =	simm.s32 $0xFFFFFFFF;
	s4 =	simm.s32 @p2 $0xFFFFFFFF  }
0x81a: {  	s6 =	simm.s32 $0x1;
	s4 =	smov.u32 @p1 s7  }
.LBB2_48:
0x81b: {  	s7 =	smov.u32 s4;
	p1 =	sne.s32 s4, $0xFFFFFFFF  }
0x81c: {  	s3 =	sadd.s32 $0x1, s3;
	s4 =	smov.u32 s6;
	s6 =	sadd.s32 $0x1, s6  }
0x81d: {  	p2 =	sne.s32 s1, s6;
	v1 =	vld.msk @!p1 [tilespmem:s3+$0x0], $0x1;
	_ =	sdelay $0x4  }
0x81e: {  	(v2sf) =	vpush @!p1 v1, $0x0;
	_ =	sdelay $0xe  }
.Ltmp41:
0x81f: {  	s8 =	spop @!p1 (v2sf);
	(pc) =	sbr.rel @p2 .LBB2_48-.Ltmp41, $4  }
0x820: {  	p3 =	seq.s32 @!p1 s0, s8  }
0x821: {  	p3 =	por !p3, p1  }
0x822: {  	s4 =	simm.s32 @p3 $0xFFFFFFFF  }
0x823: {  	s4 =	smov.u32 @p1 s7  }
.LBB2_49:
0x824: {  	p1 =	seq.s32 s4, $0xFFFFFFFF  }
.Ltmp42:
0x825: {  	_ = 	snop;
	(pc) =	sbr.rel @p1 .LBB2_51-.Ltmp42, $1  }
0x826: {  	_ =	sdelay $0x3  }
0x827: {  	s0 =	smul.u32 $0x140, s2;
	_ =	sdelay $0x1  }
0x828: {  	s0 =	sshra.s32 s0, $0x2  }
0x829: {  	v0 =	vld [tilespmem:s0+$0xBF78];
	_ =	sdelay $0x1  }
0x82a: {  	s3 =	smul.u32 $0x140, s4;
	_ =	sdelay $0x1  }
0x82b: {  	s3 =	sshra.s32 s3, $0x2  }
0x82c: {  	[tilespmem:s3+$0xBF78] =	vst.add.f32.msk $0xffff, v0  }
0x82d: {  	v0 =	vld [tilespmem:s0+$0xBF88];
	_ =	sdelay $0x4  }
0x82e: {  	[tilespmem:s3+$0xBF88] =	vst.add.f32.msk $0xffff, v0  }
0x82f: {  	v0 =	vld [tilespmem:s0+$0xBF98];
	_ =	sdelay $0x4  }
0x830: {  	[tilespmem:s3+$0xBF98] =	vst.add.f32.msk $0xffff, v0  }
0x831: {  	v0 =	vld [tilespmem:s0+$0xBFA8];
	_ =	sdelay $0x4  }
0x832: {  	[tilespmem:s3+$0xBFA8] =	vst.add.f32.msk $0xffff, v0  }
0x833: {  	v0 =	vld [tilespmem:s0+$0xBFB8]  }
.Ltmp43:
0x834: {  	_ = 	snop;
	(pc) =	sbr.rel .LBB2_52-.Ltmp43, $2  }
0x835: {  	_ =	sdelay $0x2  }
0x836: {  	[tilespmem:s3+$0xBFB8] =	vst.add.f32.msk $0xffff, v0  }
.LBB2_53:
0x837: {  	p1 =	slt.s32 s1, $0x1  }
.Ltmp44:
0x838: {  	_ = 	snop;
	(pc) =	sbr.rel @p1 .LBB2_57-.Ltmp44, $3  }
0x839: {  	_ =	sdelay $0x1  }
0x83a: {  	s0 =	simm.s32 $0x8  }
0x83b: {  	[sflag:s0] =	ssyncpa.u1 $0x1;
	s0 =	simm.s32 $0x0  }
0x83c: {  	s2 =	simm.s32 $0xBF58  }
0x83d: {  	v0 =	vld.msk [tilespmem:s2+$0x0], $0x1;
	_ =	sdelay $0x4  }
0x83e: {  	(v2sf) =	vpush v0, $0x0;
	_ =	sdelay $0xe  }
0x83f: {  	s1 =	sadd.s32 $0xFFFFFFFF, s1;
	s3 =	spop (v2sf)  }
0x840: {  	p2 =	sne.s32 s1, $0x0;
	p1 =	sgt.u32 s3, $0x1FFF7  }
.Ltmp45:
0x841: {  	s4 =	sand.u32 @!p1 $0x1FFF8, s3;
	(pc) =	sbr.rel @!p2 .LBB2_56-.Ltmp45, $4  }
0x842: {  	s2 =	simm.s32 $0xBF78;
	s3 =	sand.u32 @!p1 $0x7, s3;
	s4 =	sadd.s32 @!p1 s5, s4  }
0x843: {  	[hbm4b:s4+s3] =	stream.linear.scatter @!p1 [tilespmem:s2], [sflag:$0x7], $0x42, $0x38;
	[tilespmem:$0x1FF78] =	vst v63  }
0x844: {  	s4 =	simm.s32 $0x0  }
0x845: {  	s3 =	simm.s32 $0xBF59;
	s4 =	simm.s32 @!p1 $0x108  }
.LBB2_55:
0x846: {  	v0 =	vld.msk [tilespmem:s3+$0x0], $0x1;
	s1 =	sadd.s32 $0xFFFFFFFF, s1;
	s0 =	sadd.s32 s0, s4  }
0x847: {  	p1 =	sne.s32 s1, $0x0;
	_ =	sdelay $0x3  }
0x848: {  	(v2sf) =	vpush v0, $0x0;
	_ =	sdelay $0xe  }
.Ltmp46:
0x849: {  	s6 =	spop (v2sf);
	(pc) =	sbr.rel @p1 .LBB2_55-.Ltmp46, $4  }
0x84a: {  	s4 =	simm.s32 $0x0;
	p2 =	sgt.u32 s6, $0x1FFF7  }
0x84b: {  	s2 =	sadd.s32 $0x50, s2;
	s4 =	simm.s32 @!p2 $0x108;
	s7 =	sand.u32 @!p2 $0x1FFF8, s6  }
0x84c: {  	s3 =	sadd.s32 $0x1, s3;
	s6 =	sand.u32 @!p2 $0x7, s6;
	s7 =	sadd.s32 @!p2 s5, s7  }
0x84d: {  	[hbm4b:s7+s6] =	stream.linear.scatter @!p2 [tilespmem:s2], [sflag:$0x7], $0x42, $0x38;
	[tilespmem:$0x1FF78] =	vst v63  }
.LBB2_56:
0x84e: {  	s0 =	sadd.s32 s0, s4  }
0x84f: {  	s0 =	sshrl.u32 s0, $0x2  }
.LBB2_57:
0x850: {  	s1 =	simm.s32 $0x7  }
0x851: {  	_ =	swait.ge [sflag:s1], s0  }
0x852: {  	s31 =	ssub.s32 $0x0, s0;
	[sflag:s1] =	ssyncset.done $0x0  }
0x853: {  	[sflag:s1] =	ssyncadd.s32 s31  }
0x854: {  	[sflag:s1] =	ssyncpa.u1 $0x1  }
.LBB2_58:
0x855: {  	_ =	sfence;
	s0 =	simm.s32 $0x1  }
0x856: {  	[sflag:s0] =	ssyncpa.u1 $0x1  }
0x857: {  	_ =	strace $0x9000004A  }
0x858: {  	[bflag:$0x2] =	sbarrier.arrive $0xFFFF  }
0x859: {  	s0 =	rddreg [dreg:$0x3]  }
0x85a: {  	s0 =	sadd.s32 @!p0 $0x100000, s0  }
0x85b: {  	[sflag:s0] =	ssyncadd.tile.s32 @!p0 $0x1;
	_ =	shalt  }
.Lfunc_end2:
_tile_overlayer_lowered:
.L_overlay_start_2:
0x85c: {  	(tag) =	ssettag $0x2  }
0x85d: {  	s0 =	rddreg [dreg:$0x0];
	s2 =	stileid.u32  }
0x85e: {  	s1 =	rddreg [dreg:$0x1];
	p0 =	sne.s32 s2, $0x0  }
0x85f: {  	s3 =	rddreg [dreg:$0x2];
	[bflag:$0x3] =	sbarrier.arrive $0xFFFF;
	s2 =	simm.s32 @!p0 $0x1C01  }
0x860: {  	[timem:s3], [sflag:s2] =	dma.local @!p0 [hbm:s0], s1  }
0x861: {  	s0 =	simm.s32 @!p0 $0x1  }
0x862: {  	_ =	swait.ge @!p0 [sflag:s0], s1  }
0x863: {  	s1 =	ssub.s32 @!p0 $0x0, s1;
	[sflag:s0] =	ssyncset.done @!p0 $0x0  }
0x864: {  	[sflag:s0] =	ssyncadd.s32 @!p0 s1  }
0x865: {  	[bflag:$0x3] =	sbarrier.arrive $0xFFFF  }
0x866: {  	_ =	shalt  }

</sc_bundles>
